<compile_context>
chip_gen: v7x
topology: tpu7x:2x2x1
jax: 0.10.2.dev20260603
libtpu: 0.0.44.dev20260713+nightly
codegen_flags: <defaults>
</compile_context>

<pallas_src>
import functools

import jax
import jax.numpy as jnp
from jax import lax
from jax.experimental import pallas as pl
from jax.experimental.pallas import tpu as pltpu
from jax.experimental.pallas import tpu_sc as plsc

N = 10000
E = 320000
F = 128
FH = F // 2
NCORES = 2
NSUB = 16
NW = NCORES * NSUB
EPW = E // NW
AEC = 125
ACHUNKS = EPW // AEC
NPAD = 10240
ROWS_PER_SUB = NPAD // NSUB
ZROWS = 128
NBUF = 4

_SC_MESH = dict(core_axis_name="c", subcore_axis_name="s")


DW = 8


@functools.partial(
    pl.kernel,
    out_type=jax.ShapeDtypeStruct((NCORES, NPAD, DW), jnp.float32),
    mesh=plsc.VectorSubcoreMesh(**_SC_MESH),
    scratch_types=[
        pltpu.VMEM((ACHUNKS, AEC), jnp.int32),
        pltpu.VMEM((AEC, DW), jnp.float32),
        pltpu.VMEM((ZROWS, DW), jnp.float32),
        pltpu.VMEM_SHARED((NPAD, DW), jnp.float32),
    ],
    compiler_params=pltpu.CompilerParams(use_tc_tiling_on_sc=False),
)
def _deg_kernel(dst_hbm, ones_hbm, zero_hbm, out_hbm, idx_v, ones_v, zero_v, shared):
    c = lax.axis_index("c")
    s = lax.axis_index("s")

    pltpu.sync_copy(ones_hbm, ones_v)
    pltpu.sync_copy(zero_hbm, zero_v)

    for t in range(ROWS_PER_SUB // ZROWS):
        pltpu.sync_copy(zero_v, shared.at[pl.ds(s * ROWS_PER_SUB + t * ZROWS, ZROWS)])
    plsc.subcore_barrier()

    pltpu.sync_copy(dst_hbm.at[c * NSUB + s], idx_v)

    def body(j, _):
        pltpu.sync_copy(ones_v, shared.at[idx_v.at[j]], add=True)
        return 0

    lax.fori_loop(0, ACHUNKS, body, 0)
    plsc.subcore_barrier()

    for t in range(ROWS_PER_SUB // ZROWS):
        r0 = s * ROWS_PER_SUB + t * ZROWS
        pltpu.sync_copy(shared.at[pl.ds(r0, ZROWS)], out_hbm.at[c, pl.ds(r0, ZROWS)])


@functools.partial(
    pl.kernel,
    out_type=jax.ShapeDtypeStruct((NCORES, 2, NPAD, FH), jnp.float32),
    mesh=plsc.VectorSubcoreMesh(**_SC_MESH),
    scratch_types=[
        pltpu.VMEM((ACHUNKS, AEC), jnp.int32),
        pltpu.VMEM((ACHUNKS, AEC), jnp.int32),
        [pltpu.VMEM((AEC, FH), jnp.float32) for _ in range(NBUF)],
        pltpu.VMEM((ZROWS, FH), jnp.float32),
        [pltpu.SemaphoreType.DMA for _ in range(NBUF)],
        pltpu.VMEM_SHARED((NPAD, FH), jnp.float32),
    ],
    compiler_params=pltpu.CompilerParams(use_tc_tiling_on_sc=False),
)
def _agg_kernel(ha_hbm, hb_hbm, src_hbm, dst_hbm, out_hbm,
                idxs_v, idxd_v, rows_bufs, zero_v, sems, shared):
    c = lax.axis_index("c")
    s = lax.axis_index("s")

    def zfill(i, _):
        zero_v[i // (FH // 16), pl.ds((i % (FH // 16)) * 16, 16)] = jnp.zeros(
            (16,), jnp.float32
        )
        return 0

    lax.fori_loop(0, ZROWS * (FH // 16), zfill, 0)

    wid = c * NSUB + s
    pltpu.sync_copy(src_hbm.at[wid], idxs_v)
    pltpu.sync_copy(dst_hbm.at[wid], idxd_v)

    for h, h_hbm in enumerate((ha_hbm, hb_hbm)):
        for t in range(ROWS_PER_SUB // ZROWS):
            pltpu.sync_copy(zero_v, shared.at[pl.ds(s * ROWS_PER_SUB + t * ZROWS, ZROWS)])
        plsc.subcore_barrier()

        def gidx(k):
            return idxs_v.at[k]

        for b in range(NBUF - 1):
            pltpu.async_copy(h_hbm.at[gidx(b)], rows_bufs[b], sems[b])

        def step(k, b):
            pltpu.make_async_copy(h_hbm.at[gidx(k)], rows_bufs[b], sems[b]).wait()
            nb = (b + NBUF - 1) % NBUF

            @pl.when(k + NBUF - 1 < ACHUNKS)
            def _():
                pltpu.async_copy(
                    h_hbm.at[gidx(k + NBUF - 1)], rows_bufs[nb], sems[nb]
                )

            pltpu.sync_copy(rows_bufs[b], shared.at[idxd_v.at[k]], add=True)

        def body(j, _):
            for b in range(NBUF):
                step(NBUF * j + b, b)
            return 0

        lax.fori_loop(0, ACHUNKS // NBUF, body, 0)
        plsc.subcore_barrier()

        for t in range(ROWS_PER_SUB // ZROWS):
            r0 = s * ROWS_PER_SUB + t * ZROWS
            pltpu.sync_copy(shared.at[pl.ds(r0, ZROWS)], out_hbm.at[c, h, pl.ds(r0, ZROWS)])


_R = 2000


def _stage_a_body(degp_ref, x_ref, w1_ref, ha_ref, hb_ref, dinv_ref):
    deg = 1.0 + degp_ref[0] + degp_ref[1]
    dinv = lax.rsqrt(deg)
    dinv_ref[...] = dinv
    h = jnp.dot(x_ref[...], w1_ref[...], preferred_element_type=jnp.float32)
    hs = h * dinv[:, :1]
    ha_ref[...] = hs[:, :FH]
    hb_ref[...] = hs[:, FH:]


def _stage_b_body(p_ref, ha_ref, hb_ref, dinv_ref, w2_ref, b1_ref,
                  ha2_ref, hb2_ref):
    dinv = dinv_ref[...][:, :1]
    sa = (p_ref[0, 0] + p_ref[1, 0] + ha_ref[...]) * dinv + b1_ref[..., :FH]
    sb = (p_ref[0, 1] + p_ref[1, 1] + hb_ref[...]) * dinv + b1_ref[..., FH:]
    h1a = jnp.maximum(sa, 0.0)
    h1b = jnp.maximum(sb, 0.0)
    hs2 = (
        jnp.dot(h1a, w2_ref[:FH, :], preferred_element_type=jnp.float32)
        + jnp.dot(h1b, w2_ref[FH:, :], preferred_element_type=jnp.float32)
    ) * dinv
    ha2_ref[...] = hs2[:, :FH]
    hb2_ref[...] = hs2[:, FH:]


def _stage_c_body(p_ref, ha_ref, hb_ref, dinv_ref, wfc_ref, b2_ref, bfc_ref,
                  out_ref):
    dinv = dinv_ref[...][:, :1]
    oa = (p_ref[0, 0] + p_ref[1, 0] + ha_ref[...]) * dinv + b2_ref[..., :FH]
    ob = (p_ref[0, 1] + p_ref[1, 1] + hb_ref[...]) * dinv + b2_ref[..., FH:]
    logits = (
        jnp.dot(oa, wfc_ref[:FH, :], preferred_element_type=jnp.float32)
        + jnp.dot(ob, wfc_ref[FH:, :], preferred_element_type=jnp.float32)
        + bfc_ref[...]
    )
    m = jnp.max(logits, axis=1, keepdims=True)
    lse = m + jnp.log(jnp.sum(jnp.exp(logits - m), axis=1, keepdims=True))
    out_ref[...] = logits - lse


def _full(block_shape):
    return pl.BlockSpec(block_shape, lambda i: tuple(0 for _ in block_shape))


def _rows(block_shape, dim=0):
    def imap(i):
        return tuple(i if d == dim else 0 for d in range(len(block_shape)))

    return pl.BlockSpec(block_shape, imap)


_stage_a = pl.pallas_call(
    _stage_a_body,
    grid=(N // _R,),
    in_specs=[_rows((NCORES, _R, DW), dim=1), _rows((_R, F)), _full((F, F))],
    out_specs=[_rows((_R, FH)), _rows((_R, FH)), _rows((_R, DW))],
    out_shape=[
        jax.ShapeDtypeStruct((N, FH), jnp.float32),
        jax.ShapeDtypeStruct((N, FH), jnp.float32),
        jax.ShapeDtypeStruct((N, DW), jnp.float32),
    ],
)

_stage_b = pl.pallas_call(
    _stage_b_body,
    grid=(N // _R,),
    in_specs=[
        _rows((NCORES, 2, _R, FH), dim=2),
        _rows((_R, FH)),
        _rows((_R, FH)),
        _rows((_R, DW)),
        _full((F, F)),
        _full((1, F)),
    ],
    out_specs=[_rows((_R, FH)), _rows((_R, FH))],
    out_shape=[
        jax.ShapeDtypeStruct((N, FH), jnp.float32),
        jax.ShapeDtypeStruct((N, FH), jnp.float32),
    ],
)


def _make_stage_c(ncls):
    return pl.pallas_call(
        _stage_c_body,
        grid=(N // _R,),
        in_specs=[
            _rows((NCORES, 2, _R, FH), dim=2),
            _rows((_R, FH)),
            _rows((_R, FH)),
            _rows((_R, DW)),
            _full((F, ncls)),
            _full((1, F)),
            _full((1, ncls)),
        ],
        out_specs=_rows((_R, ncls)),
        out_shape=jax.ShapeDtypeStruct((N, ncls), jnp.float32),
    )


def kernel(x, edge_index, W1, b1, W2, b2, Wfc, bfc):
    assert x.shape == (N, F) and edge_index.shape == (2, E)
    ei = edge_index.astype(jnp.int32)
    src = ei[0].reshape(NW, ACHUNKS, AEC)
    dst = ei[1].reshape(NW, ACHUNKS, AEC)

    degp = _deg_kernel(
        dst, jnp.ones((AEC, DW), jnp.float32), jnp.zeros((ZROWS, DW), jnp.float32)
    )
    ha1, hb1, dinv16 = _stage_a(degp, x, W1)
    p1 = _agg_kernel(ha1, hb1, src, dst)
    ha2, hb2 = _stage_b(p1, ha1, hb1, dinv16, W2, b1.reshape(1, F))
    p2 = _agg_kernel(ha2, hb2, src, dst)
    return _make_stage_c(Wfc.shape[1])(
        p2, ha2, hb2, dinv16, Wfc, b2.reshape(1, F), bfc.reshape(1, -1)
    )

# --- scband reference (transcript-rebuilt; emitter-appended) ---
"""Pipeline reference for scband-gcn-61177514164633 (READ-ONLY COPY).

The authoritative reference and input builder live on the scoring server;
editing this copy changes nothing except your own understanding.
"""

import jax, jax.numpy as jnp
import numpy as np

N_NODES = 10000
NFEAT = 128
NHID = 128
NCLASS = 40
N_EDGES = 320000


def glorot(key, shape):
    fan_in, fan_out = shape[0], shape[1]
    limit = jnp.sqrt(6.0 / (fan_in + fan_out))
    return jax.random.uniform(key, shape, jnp.float32, -limit, limit)


def setup_inputs(seed: int = 0) -> dict:
    key = jax.random.key(seed)
    ks = jax.random.split(key, 8)
    x = jax.random.normal(ks[0], (N_NODES, NFEAT), dtype=jnp.float32)
    edge_index = jax.random.randint(ks[1], (2, N_EDGES), 0, N_NODES, dtype=jnp.int64)
    W1 = glorot(ks[2], (NFEAT, NHID))
    b1 = jnp.zeros((NHID,), dtype=jnp.float32)
    W2 = glorot(ks[3], (NHID, NHID))
    b2 = jnp.zeros((NHID,), dtype=jnp.float32)
    Wfc = glorot(ks[4], (NHID, NCLASS))
    bfc = jnp.zeros((NCLASS,), dtype=jnp.float32)
    return {"x": x, "edge_index": edge_index, "W1": W1, "b1": b1, "W2": W2, "b2": b2, "Wfc": Wfc, "bfc": bfc}


def gcn_conv(x, edge_index, W, b):
    # PyG GCNConv: linear transform, add self-loops, symmetric normalization, scatter-add
    n = x.shape[0]
    h = x @ W
    loop = jnp.arange(n, dtype=edge_index.dtype)
    src = jnp.concatenate([edge_index[0], loop])
    dst = jnp.concatenate([edge_index[1], loop])
    deg = jnp.zeros((n,), dtype=h.dtype).at[dst].add(1.0)
    dinv = jnp.where(deg > 0, deg ** -0.5, 0.0)
    norm = dinv[src] * dinv[dst]
    msg = h[src] * norm[:, None]
    out = jnp.zeros_like(h).at[dst].add(msg)
    return out + b


def reference(x, edge_index, W1, b1, W2, b2, Wfc, bfc):
    # eval mode: dropout is identity
    h = jax.nn.relu(gcn_conv(x, edge_index, W1, b1))
    h = gcn_conv(h, edge_index, W2, b2)
    # pooling_type=None, readout_type=None -> no pooling, per-node classifier
    logits = h @ Wfc + bfc
    return jax.nn.log_softmax(logits, axis=1)

if __name__ == "__main__":
    import jax
    _d = setup_inputs()
    print(jax.jit(kernel)(*tuple(_d.values())))

</pallas_src>

<mosaic_0001>
#map = affine_map<(d0, d1) -> (0, 0)>
#map1 = affine_map<(d0, d1) -> (0, 0, 0)>
#map2 = affine_map<(d0, d1) -> (0, 0, 0, 0)>
module attributes {stable_mosaic.version = 14 : i64} {
  func.func @_agg_kernel(%arg0: i32, %arg1: i32, %arg2: memref<10000x64xf32, #tpu.memory_space<hbm>>, %arg3: memref<10000x64xf32, #tpu.memory_space<hbm>>, %arg4: memref<32x80x125xi32, #tpu.memory_space<hbm>>, %arg5: memref<32x80x125xi32, #tpu.memory_space<hbm>>, %arg6: memref<2x2x10240x64xf32, #tpu.memory_space<hbm>>, %arg7: memref<80x125xi32, #tpu.memory_space<vmem>>, %arg8: memref<80x125xi32, #tpu.memory_space<vmem>>, %arg9: memref<125x64xf32, #tpu.memory_space<vmem>>, %arg10: memref<125x64xf32, #tpu.memory_space<vmem>>, %arg11: memref<125x64xf32, #tpu.memory_space<vmem>>, %arg12: memref<125x64xf32, #tpu.memory_space<vmem>>, %arg13: memref<128x64xf32, #tpu.memory_space<vmem>>, %arg14: memref<!tpu.dma_semaphore, #tpu.memory_space<semaphore_mem>>, %arg15: memref<!tpu.dma_semaphore, #tpu.memory_space<semaphore_mem>>, %arg16: memref<!tpu.dma_semaphore, #tpu.memory_space<semaphore_mem>>, %arg17: memref<!tpu.dma_semaphore, #tpu.memory_space<semaphore_mem>>, %arg18: memref<10240x64xf32, #tpu.memory_space<vmem_shared>>) attributes {dimension_semantics = [#tpu.dimension_semantics<core_parallel>, #tpu.dimension_semantics<subcore_parallel>], iteration_bounds = array<i64: 2, 16>, scalar_prefetch = 0 : i64, scratch_operands = 12 : i64, tpu.core_type = #tpu.core_type<sc_vector_subcore>, window_params = [{transform_indices = #map}, {transform_indices = #map}, {transform_indices = #map1}, {transform_indices = #map1}, {transform_indices = #map2}]} {
    %scan3A = arith.constant 0 : i32
    %scan3A_0 = arith.constant 0 : i32
    %scan3A_1 = arith.constant 512 : i32
    %scan3A_2 = arith.addi %scan3A_0, %scan3A_1 : i32
    %scan3A_3 = arith.constant 1 : i32
    %scan3A_4 = scf.for %scan3A_154 = %scan3A_0 to %scan3A_2 step %scan3A_3 iter_args(%scan3A_155 = %scan3A) -> (i32)  : i32 {
      %broadcast_in_dim3A = arith.constant 0.000000e+00 : f32
      %broadcast_in_dim3A_156 = vector.broadcast %broadcast_in_dim3A : f32 to vector<16xf32>
      %jit3A = arith.constant 4 : i32
      %div3A = arith.divsi %scan3A_154, %jit3A : i32
      %sign3A = arith.constant 0 : i32
      %sign3A_157 = arith.cmpi sgt, %scan3A_154, %sign3A : i32
      %sign3A_158 = arith.extui %sign3A_157 : i1 to i32
      %sign3A_159 = arith.constant 0 : i32
      %sign3A_160 = arith.cmpi slt, %scan3A_154, %sign3A_159 : i32
      %sign3A_161 = arith.extui %sign3A_160 : i1 to i32
      %sign3A_162 = arith.subi %sign3A_158, %sign3A_161 : i32
      %sign3A_163 = arith.constant 0 : i32
      %sign3A_164 = arith.cmpi sgt, %jit3A, %sign3A_163 : i32
      %sign3A_165 = arith.extui %sign3A_164 : i1 to i32
      %sign3A_166 = arith.constant 0 : i32
      %sign3A_167 = arith.cmpi slt, %jit3A, %sign3A_166 : i32
      %sign3A_168 = arith.extui %sign3A_167 : i1 to i32
      %sign3A_169 = arith.subi %sign3A_165, %sign3A_168 : i32
      %ne3A = arith.cmpi ne, %sign3A_162, %sign3A_169 : i32
      %rem3A = arith.remsi %scan3A_154, %jit3A : i32
      %ne3A_170 = arith.constant 0 : i32
      %ne3A_171 = arith.cmpi ne, %rem3A, %ne3A_170 : i32
      %and3A = arith.andi %ne3A, %ne3A_171 : i1
      %sub3A = arith.constant 1 : i32
      %sub3A_172 = arith.subi %div3A, %sub3A : i32
      %select_n3A = arith.select %and3A, %sub3A_172, %div3A : i32
      %jit3A_173 = arith.constant 4 : i32
      %eq3A = arith.constant 0 : i32
      %eq3A_174 = arith.cmpi eq, %jit3A_173, %eq3A : i32
      %jit3A_175 = arith.constant 1 : i32
      %select_n3A_176 = arith.select %eq3A_174, %jit3A_175, %jit3A_173 : i32
      %rem3A_177 = arith.remsi %scan3A_154, %select_n3A_176 : i32
      %ne3A_178 = arith.constant 0 : i32
      %ne3A_179 = arith.cmpi ne, %rem3A_177, %ne3A_178 : i32
      %lt3A = arith.constant 0 : i32
      %lt3A_180 = arith.cmpi slt, %rem3A_177, %lt3A : i32
      %lt3A_181 = arith.constant 0 : i32
      %lt3A_182 = arith.cmpi slt, %select_n3A_176, %lt3A_181 : i32
      %ne3A_183 = arith.xori %lt3A_180, %lt3A_182 : i1
      %and3A_184 = arith.andi %ne3A_183, %ne3A_179 : i1
      %add3A_185 = arith.addi %rem3A_177, %select_n3A_176 : i32
      %select_n3A_186 = arith.select %and3A_184, %add3A_185, %rem3A_177 : i32
      %mul3A_187 = arith.constant 16 : i32
      %mul3A_188 = arith.muli %select_n3A_186, %mul3A_187 : i32
      %swap3A = arith.index_cast %select_n3A : i32 to index
      %swap3A_189 = arith.index_cast %mul3A_188 : i32 to index
      %swap3A_190 = tpu.vector_load %arg13[%swap3A, %swap3A_189] {strides = array<i32>} : memref<128x64xf32, #tpu.memory_space<vmem>>, vector<1x16xf32>,
      %swap3A_191 = vector.shape_cast %swap3A_190 : vector<1x16xf32> to vector<16xf32>
      %swap3A_192 = vector.shape_cast %broadcast_in_dim3A_156 : vector<16xf32> to vector<1x16xf32>
      tpu.vector_store %arg13[%swap3A, %swap3A_189], %swap3A_192 {strides = array<i32>} : memref<128x64xf32, #tpu.memory_space<vmem>>, vector<1x16xf32>,
      %scan3A_193 = arith.constant 0 : i32
      scf.yield %scan3A_193 : i32
    }
    %scan3A_5 = arith.constant 512 : i32
    %mul3A = arith.constant 16 : i32
    %mul3A_6 = arith.muli %arg0, %mul3A : i32
    %add3A = arith.addi %mul3A_6, %arg1 : i32
    "tpu.region"() ({
      %run_scoped3A_154 = tpu.sem_alloc : memref<!tpu.dma_semaphore, #tpu.memory_space<semaphore_mem>>
      %dma_start3A_155 = arith.constant 0 : i32
      %dma_start3A_156 = arith.constant 0 : i32
      %dma_start3A_157 = tpu.memref_slice %arg4[%add3A, %dma_start3A_155, %dma_start3A_156] : memref<32x80x125xi32, #tpu.memory_space<hbm>> -> memref<1x80x125xi32, #tpu.memory_space<hbm>>
      %dma_start3A_158 = tpu.memref_squeeze %dma_start3A_157 : memref<1x80x125xi32, #tpu.memory_space<hbm>> -> memref<80x125xi32, #tpu.memory_space<hbm>>
      %dma_start3A_159 = arith.constant 0 : i32
      %dma_start3A_160 = arith.constant 0 : i32
      %dma_start3A_161 = tpu.memref_slice %arg4[%add3A, %dma_start3A_159, %dma_start3A_160] : memref<32x80x125xi32, #tpu.memory_space<hbm>> -> memref<1x80x125xi32, #tpu.memory_space<hbm>>
      %dma_start3A_162 = tpu.memref_squeeze %dma_start3A_161 : memref<1x80x125xi32, #tpu.memory_space<hbm>> -> memref<80x125xi32, #tpu.memory_space<hbm>>
      tpu.enqueue_dma source(%dma_start3A_162 : memref<80x125xi32, #tpu.memory_space<hbm>>) target(%arg7 : memref<80x125xi32, #tpu.memory_space<vmem>>) target_semaphore(%run_scoped3A_154 : memref<!tpu.dma_semaphore, #tpu.memory_space<semaphore_mem>>)
      %dma_wait3A = arith.constant 0 : i32
      %dma_wait3A_163 = arith.constant 0 : i32
      %dma_wait3A_164 = tpu.memref_slice %arg4[%add3A, %dma_wait3A, %dma_wait3A_163] : memref<32x80x125xi32, #tpu.memory_space<hbm>> -> memref<1x80x125xi32, #tpu.memory_space<hbm>>
      %dma_wait3A_165 = tpu.memref_squeeze %dma_wait3A_164 : memref<1x80x125xi32, #tpu.memory_space<hbm>> -> memref<80x125xi32, #tpu.memory_space<hbm>>
      %dma_wait3A_166 = arith.constant 0 : i32
      %dma_wait3A_167 = arith.constant 0 : i32
      %dma_wait3A_168 = tpu.memref_slice %arg4[%add3A, %dma_wait3A_166, %dma_wait3A_167] : memref<32x80x125xi32, #tpu.memory_space<hbm>> -> memref<1x80x125xi32, #tpu.memory_space<hbm>>
      %dma_wait3A_169 = tpu.memref_squeeze %dma_wait3A_168 : memref<1x80x125xi32, #tpu.memory_space<hbm>> -> memref<80x125xi32, #tpu.memory_space<hbm>>
      tpu.wait_dma2 semaphore(%run_scoped3A_154 : memref<!tpu.dma_semaphore, #tpu.memory_space<semaphore_mem>>) src(%dma_wait3A_169 : memref<80x125xi32, #tpu.memory_space<hbm>>) dst(%arg7 : memref<80x125xi32, #tpu.memory_space<vmem>>)
      tpu.yield
    }) : () -> ()
    "tpu.region"() ({
      %run_scoped3A_154 = tpu.sem_alloc : memref<!tpu.dma_semaphore, #tpu.memory_space<semaphore_mem>>
      %dma_start3A_155 = arith.constant 0 : i32
      %dma_start3A_156 = arith.constant 0 : i32
      %dma_start3A_157 = tpu.memref_slice %arg5[%add3A, %dma_start3A_155, %dma_start3A_156] : memref<32x80x125xi32, #tpu.memory_space<hbm>> -> memref<1x80x125xi32, #tpu.memory_space<hbm>>
      %dma_start3A_158 = tpu.memref_squeeze %dma_start3A_157 : memref<1x80x125xi32, #tpu.memory_space<hbm>> -> memref<80x125xi32, #tpu.memory_space<hbm>>
      %dma_start3A_159 = arith.constant 0 : i32
      %dma_start3A_160 = arith.constant 0 : i32
      %dma_start3A_161 = tpu.memref_slice %arg5[%add3A, %dma_start3A_159, %dma_start3A_160] : memref<32x80x125xi32, #tpu.memory_space<hbm>> -> memref<1x80x125xi32, #tpu.memory_space<hbm>>
      %dma_start3A_162 = tpu.memref_squeeze %dma_start3A_161 : memref<1x80x125xi32, #tpu.memory_space<hbm>> -> memref<80x125xi32, #tpu.memory_space<hbm>>
      tpu.enqueue_dma source(%dma_start3A_162 : memref<80x125xi32, #tpu.memory_space<hbm>>) target(%arg8 : memref<80x125xi32, #tpu.memory_space<vmem>>) target_semaphore(%run_scoped3A_154 : memref<!tpu.dma_semaphore, #tpu.memory_space<semaphore_mem>>)
      %dma_wait3A = arith.constant 0 : i32
      %dma_wait3A_163 = arith.constant 0 : i32
      %dma_wait3A_164 = tpu.memref_slice %arg5[%add3A, %dma_wait3A, %dma_wait3A_163] : memref<32x80x125xi32, #tpu.memory_space<hbm>> -> memref<1x80x125xi32, #tpu.memory_space<hbm>>
      %dma_wait3A_165 = tpu.memref_squeeze %dma_wait3A_164 : memref<1x80x125xi32, #tpu.memory_space<hbm>> -> memref<80x125xi32, #tpu.memory_space<hbm>>
      %dma_wait3A_166 = arith.constant 0 : i32
      %dma_wait3A_167 = arith.constant 0 : i32
      %dma_wait3A_168 = tpu.memref_slice %arg5[%add3A, %dma_wait3A_166, %dma_wait3A_167] : memref<32x80x125xi32, #tpu.memory_space<hbm>> -> memref<1x80x125xi32, #tpu.memory_space<hbm>>
      %dma_wait3A_169 = tpu.memref_squeeze %dma_wait3A_168 : memref<1x80x125xi32, #tpu.memory_space<hbm>> -> memref<80x125xi32, #tpu.memory_space<hbm>>
      tpu.wait_dma2 semaphore(%run_scoped3A_154 : memref<!tpu.dma_semaphore, #tpu.memory_space<semaphore_mem>>) src(%dma_wait3A_169 : memref<80x125xi32, #tpu.memory_space<hbm>>) dst(%arg8 : memref<80x125xi32, #tpu.memory_space<vmem>>)
      tpu.yield
    }) : () -> ()
    %mul3A_7 = arith.constant 640 : i32
    %mul3A_8 = arith.muli %arg1, %mul3A_7 : i32
    %add3A_9 = arith.constant 0 : i32
    %add3A_10 = arith.addi %mul3A_8, %add3A_9 : i32
    "tpu.region"() ({
      %run_scoped3A_154 = tpu.sem_alloc : memref<!tpu.dma_semaphore, #tpu.memory_space<semaphore_mem>>
      %dma_start3A_155 = arith.constant 0 : i32
      %dma_start3A_156 = tpu.memref_slice %arg18[%add3A_10, %dma_start3A_155] : memref<10240x64xf32, #tpu.memory_space<vmem_shared>> -> memref<128x64xf32, #tpu.memory_space<vmem_shared>>
      %dma_start3A_157 = arith.constant 0 : i32
      %dma_start3A_158 = tpu.memref_slice %arg18[%add3A_10, %dma_start3A_157] : memref<10240x64xf32, #tpu.memory_space<vmem_shared>> -> memref<128x64xf32, #tpu.memory_space<vmem_shared>>
      tpu.enqueue_dma source(%arg13 : memref<128x64xf32, #tpu.memory_space<vmem>>) target(%dma_start3A_158 : memref<128x64xf32, #tpu.memory_space<vmem_shared>>) target_semaphore(%run_scoped3A_154 : memref<!tpu.dma_semaphore, #tpu.memory_space<semaphore_mem>>)
      %dma_wait3A = arith.constant 0 : i32
      %dma_wait3A_159 = tpu.memref_slice %arg18[%add3A_10, %dma_wait3A] : memref<10240x64xf32, #tpu.memory_space<vmem_shared>> -> memref<128x64xf32, #tpu.memory_space<vmem_shared>>
      %dma_wait3A_160 = arith.constant 0 : i32
      %dma_wait3A_161 = tpu.memref_slice %arg18[%add3A_10, %dma_wait3A_160] : memref<10240x64xf32, #tpu.memory_space<vmem_shared>> -> memref<128x64xf32, #tpu.memory_space<vmem_shared>>
      tpu.wait_dma2 semaphore(%run_scoped3A_154 : memref<!tpu.dma_semaphore, #tpu.memory_space<semaphore_mem>>) src(%arg13 : memref<128x64xf32, #tpu.memory_space<vmem>>) dst(%dma_wait3A_161 : memref<128x64xf32, #tpu.memory_space<vmem_shared>>)
      tpu.yield
    }) : () -> ()
    %mul3A_11 = arith.constant 640 : i32
    %mul3A_12 = arith.muli %arg1, %mul3A_11 : i32
    %add3A_13 = arith.constant 128 : i32
    %add3A_14 = arith.addi %mul3A_12, %add3A_13 : i32
    "tpu.region"() ({
      %run_scoped3A_154 = tpu.sem_alloc : memref<!tpu.dma_semaphore, #tpu.memory_space<semaphore_mem>>
      %dma_start3A_155 = arith.constant 0 : i32
      %dma_start3A_156 = tpu.memref_slice %arg18[%add3A_14, %dma_start3A_155] : memref<10240x64xf32, #tpu.memory_space<vmem_shared>> -> memref<128x64xf32, #tpu.memory_space<vmem_shared>>
      %dma_start3A_157 = arith.constant 0 : i32
      %dma_start3A_158 = tpu.memref_slice %arg18[%add3A_14, %dma_start3A_157] : memref<10240x64xf32, #tpu.memory_space<vmem_shared>> -> memref<128x64xf32, #tpu.memory_space<vmem_shared>>
      tpu.enqueue_dma source(%arg13 : memref<128x64xf32, #tpu.memory_space<vmem>>) target(%dma_start3A_158 : memref<128x64xf32, #tpu.memory_space<vmem_shared>>) target_semaphore(%run_scoped3A_154 : memref<!tpu.dma_semaphore, #tpu.memory_space<semaphore_mem>>)
      %dma_wait3A = arith.constant 0 : i32
      %dma_wait3A_159 = tpu.memref_slice %arg18[%add3A_14, %dma_wait3A] : memref<10240x64xf32, #tpu.memory_space<vmem_shared>> -> memref<128x64xf32, #tpu.memory_space<vmem_shared>>
      %dma_wait3A_160 = arith.constant 0 : i32
      %dma_wait3A_161 = tpu.memref_slice %arg18[%add3A_14, %dma_wait3A_160] : memref<10240x64xf32, #tpu.memory_space<vmem_shared>> -> memref<128x64xf32, #tpu.memory_space<vmem_shared>>
      tpu.wait_dma2 semaphore(%run_scoped3A_154 : memref<!tpu.dma_semaphore, #tpu.memory_space<semaphore_mem>>) src(%arg13 : memref<128x64xf32, #tpu.memory_space<vmem>>) dst(%dma_wait3A_161 : memref<128x64xf32, #tpu.memory_space<vmem_shared>>)
      tpu.yield
    }) : () -> ()
    %mul3A_15 = arith.constant 640 : i32
    %mul3A_16 = arith.muli %arg1, %mul3A_15 : i32
    %add3A_17 = arith.constant 256 : i32
    %add3A_18 = arith.addi %mul3A_16, %add3A_17 : i32
    "tpu.region"() ({
      %run_scoped3A_154 = tpu.sem_alloc : memref<!tpu.dma_semaphore, #tpu.memory_space<semaphore_mem>>
      %dma_start3A_155 = arith.constant 0 : i32
      %dma_start3A_156 = tpu.memref_slice %arg18[%add3A_18, %dma_start3A_155] : memref<10240x64xf32, #tpu.memory_space<vmem_shared>> -> memref<128x64xf32, #tpu.memory_space<vmem_shared>>
      %dma_start3A_157 = arith.constant 0 : i32
      %dma_start3A_158 = tpu.memref_slice %arg18[%add3A_18, %dma_start3A_157] : memref<10240x64xf32, #tpu.memory_space<vmem_shared>> -> memref<128x64xf32, #tpu.memory_space<vmem_shared>>
      tpu.enqueue_dma source(%arg13 : memref<128x64xf32, #tpu.memory_space<vmem>>) target(%dma_start3A_158 : memref<128x64xf32, #tpu.memory_space<vmem_shared>>) target_semaphore(%run_scoped3A_154 : memref<!tpu.dma_semaphore, #tpu.memory_space<semaphore_mem>>)
      %dma_wait3A = arith.constant 0 : i32
      %dma_wait3A_159 = tpu.memref_slice %arg18[%add3A_18, %dma_wait3A] : memref<10240x64xf32, #tpu.memory_space<vmem_shared>> -> memref<128x64xf32, #tpu.memory_space<vmem_shared>>
      %dma_wait3A_160 = arith.constant 0 : i32
      %dma_wait3A_161 = tpu.memref_slice %arg18[%add3A_18, %dma_wait3A_160] : memref<10240x64xf32, #tpu.memory_space<vmem_shared>> -> memref<128x64xf32, #tpu.memory_space<vmem_shared>>
      tpu.wait_dma2 semaphore(%run_scoped3A_154 : memref<!tpu.dma_semaphore, #tpu.memory_space<semaphore_mem>>) src(%arg13 : memref<128x64xf32, #tpu.memory_space<vmem>>) dst(%dma_wait3A_161 : memref<128x64xf32, #tpu.memory_space<vmem_shared>>)
      tpu.yield
    }) : () -> ()
    %mul3A_19 = arith.constant 640 : i32
    %mul3A_20 = arith.muli %arg1, %mul3A_19 : i32
    %add3A_21 = arith.constant 384 : i32
    %add3A_22 = arith.addi %mul3A_20, %add3A_21 : i32
    "tpu.region"() ({
      %run_scoped3A_154 = tpu.sem_alloc : memref<!tpu.dma_semaphore, #tpu.memory_space<semaphore_mem>>
      %dma_start3A_155 = arith.constant 0 : i32
      %dma_start3A_156 = tpu.memref_slice %arg18[%add3A_22, %dma_start3A_155] : memref<10240x64xf32, #tpu.memory_space<vmem_shared>> -> memref<128x64xf32, #tpu.memory_space<vmem_shared>>
      %dma_start3A_157 = arith.constant 0 : i32
      %dma_start3A_158 = tpu.memref_slice %arg18[%add3A_22, %dma_start3A_157] : memref<10240x64xf32, #tpu.memory_space<vmem_shared>> -> memref<128x64xf32, #tpu.memory_space<vmem_shared>>
      tpu.enqueue_dma source(%arg13 : memref<128x64xf32, #tpu.memory_space<vmem>>) target(%dma_start3A_158 : memref<128x64xf32, #tpu.memory_space<vmem_shared>>) target_semaphore(%run_scoped3A_154 : memref<!tpu.dma_semaphore, #tpu.memory_space<semaphore_mem>>)
      %dma_wait3A = arith.constant 0 : i32
      %dma_wait3A_159 = tpu.memref_slice %arg18[%add3A_22, %dma_wait3A] : memref<10240x64xf32, #tpu.memory_space<vmem_shared>> -> memref<128x64xf32, #tpu.memory_space<vmem_shared>>
      %dma_wait3A_160 = arith.constant 0 : i32
      %dma_wait3A_161 = tpu.memref_slice %arg18[%add3A_22, %dma_wait3A_160] : memref<10240x64xf32, #tpu.memory_space<vmem_shared>> -> memref<128x64xf32, #tpu.memory_space<vmem_shared>>
      tpu.wait_dma2 semaphore(%run_scoped3A_154 : memref<!tpu.dma_semaphore, #tpu.memory_space<semaphore_mem>>) src(%arg13 : memref<128x64xf32, #tpu.memory_space<vmem>>) dst(%dma_wait3A_161 : memref<128x64xf32, #tpu.memory_space<vmem_shared>>)
      tpu.yield
    }) : () -> ()
    %mul3A_23 = arith.constant 640 : i32
    %mul3A_24 = arith.muli %arg1, %mul3A_23 : i32
    %add3A_25 = arith.constant 512 : i32
    %add3A_26 = arith.addi %mul3A_24, %add3A_25 : i32
    "tpu.region"() ({
      %run_scoped3A_154 = tpu.sem_alloc : memref<!tpu.dma_semaphore, #tpu.memory_space<semaphore_mem>>
      %dma_start3A_155 = arith.constant 0 : i32
      %dma_start3A_156 = tpu.memref_slice %arg18[%add3A_26, %dma_start3A_155] : memref<10240x64xf32, #tpu.memory_space<vmem_shared>> -> memref<128x64xf32, #tpu.memory_space<vmem_shared>>
      %dma_start3A_157 = arith.constant 0 : i32
      %dma_start3A_158 = tpu.memref_slice %arg18[%add3A_26, %dma_start3A_157] : memref<10240x64xf32, #tpu.memory_space<vmem_shared>> -> memref<128x64xf32, #tpu.memory_space<vmem_shared>>
      tpu.enqueue_dma source(%arg13 : memref<128x64xf32, #tpu.memory_space<vmem>>) target(%dma_start3A_158 : memref<128x64xf32, #tpu.memory_space<vmem_shared>>) target_semaphore(%run_scoped3A_154 : memref<!tpu.dma_semaphore, #tpu.memory_space<semaphore_mem>>)
      %dma_wait3A = arith.constant 0 : i32
      %dma_wait3A_159 = tpu.memref_slice %arg18[%add3A_26, %dma_wait3A] : memref<10240x64xf32, #tpu.memory_space<vmem_shared>> -> memref<128x64xf32, #tpu.memory_space<vmem_shared>>
      %dma_wait3A_160 = arith.constant 0 : i32
      %dma_wait3A_161 = tpu.memref_slice %arg18[%add3A_26, %dma_wait3A_160] : memref<10240x64xf32, #tpu.memory_space<vmem_shared>> -> memref<128x64xf32, #tpu.memory_space<vmem_shared>>
      tpu.wait_dma2 semaphore(%run_scoped3A_154 : memref<!tpu.dma_semaphore, #tpu.memory_space<semaphore_mem>>) src(%arg13 : memref<128x64xf32, #tpu.memory_space<vmem>>) dst(%dma_wait3A_161 : memref<128x64xf32, #tpu.memory_space<vmem_shared>>)
      tpu.yield
    }) : () -> ()
    %barrier3A = arith.constant 0 : index
    tpu.barrier barrier_id(%barrier3A)
    %dma_start3A = arith.constant 0 : i32
    %dma_start3A_27 = arith.constant 0 : i32
    %dma_start3A_28 = tpu.memref_slice %arg7[%dma_start3A, %dma_start3A_27] : memref<80x125xi32, #tpu.memory_space<vmem>> -> memref<1x125xi32, #tpu.memory_space<vmem>>
    %dma_start3A_29 = tpu.memref_squeeze %dma_start3A_28 : memref<1x125xi32, #tpu.memory_space<vmem>> -> memref<125xi32, #tpu.memory_space<vmem>>
    %dma_start3A_30 = arith.constant 0 : i32
    %dma_start3A_31 = arith.constant 0 : i32
    %dma_start3A_32 = tpu.memref_slice %arg2[%dma_start3A_30, %dma_start3A_31] : memref<10000x64xf32, #tpu.memory_space<hbm>> -> memref<10000x64xf32, #tpu.memory_space<hbm>>
    tpu.enqueue_indirect_dma source(%dma_start3A_32 : memref<10000x64xf32, #tpu.memory_space<hbm>>) target(%arg9 : memref<125x64xf32, #tpu.memory_space<vmem>>) offsets(%dma_start3A_29 : memref<125xi32, #tpu.memory_space<vmem>>) semaphore(%arg14 : memref<!tpu.dma_semaphore, #tpu.memory_space<semaphore_mem>>)
    %dma_start3A_33 = arith.constant 1 : i32
    %dma_start3A_34 = arith.constant 0 : i32
    %dma_start3A_35 = tpu.memref_slice %arg7[%dma_start3A_33, %dma_start3A_34] : memref<80x125xi32, #tpu.memory_space<vmem>> -> memref<1x125xi32, #tpu.memory_space<vmem>>
    %dma_start3A_36 = tpu.memref_squeeze %dma_start3A_35 : memref<1x125xi32, #tpu.memory_space<vmem>> -> memref<125xi32, #tpu.memory_space<vmem>>
    %dma_start3A_37 = arith.constant 0 : i32
    %dma_start3A_38 = arith.constant 0 : i32
    %dma_start3A_39 = tpu.memref_slice %arg2[%dma_start3A_37, %dma_start3A_38] : memref<10000x64xf32, #tpu.memory_space<hbm>> -> memref<10000x64xf32, #tpu.memory_space<hbm>>
    tpu.enqueue_indirect_dma source(%dma_start3A_39 : memref<10000x64xf32, #tpu.memory_space<hbm>>) target(%arg10 : memref<125x64xf32, #tpu.memory_space<vmem>>) offsets(%dma_start3A_36 : memref<125xi32, #tpu.memory_space<vmem>>) semaphore(%arg15 : memref<!tpu.dma_semaphore, #tpu.memory_space<semaphore_mem>>)
    %dma_start3A_40 = arith.constant 2 : i32
    %dma_start3A_41 = arith.constant 0 : i32
    %dma_start3A_42 = tpu.memref_slice %arg7[%dma_start3A_40, %dma_start3A_41] : memref<80x125xi32, #tpu.memory_space<vmem>> -> memref<1x125xi32, #tpu.memory_space<vmem>>
    %dma_start3A_43 = tpu.memref_squeeze %dma_start3A_42 : memref<1x125xi32, #tpu.memory_space<vmem>> -> memref<125xi32, #tpu.memory_space<vmem>>
    %dma_start3A_44 = arith.constant 0 : i32
    %dma_start3A_45 = arith.constant 0 : i32
    %dma_start3A_46 = tpu.memref_slice %arg2[%dma_start3A_44, %dma_start3A_45] : memref<10000x64xf32, #tpu.memory_space<hbm>> -> memref<10000x64xf32, #tpu.memory_space<hbm>>
    tpu.enqueue_indirect_dma source(%dma_start3A_46 : memref<10000x64xf32, #tpu.memory_space<hbm>>) target(%arg11 : memref<125x64xf32, #tpu.memory_space<vmem>>) offsets(%dma_start3A_43 : memref<125xi32, #tpu.memory_space<vmem>>) semaphore(%arg16 : memref<!tpu.dma_semaphore, #tpu.memory_space<semaphore_mem>>)
    %scan3A_47 = arith.constant 0 : i32
    %scan3A_48 = arith.constant 0 : i32
    %scan3A_49 = arith.constant 20 : i32
    %scan3A_50 = arith.addi %scan3A_48, %scan3A_49 : i32
    %scan3A_51 = arith.constant 1 : i32
    %scan3A_52 = scf.for %scan3A_154 = %scan3A_48 to %scan3A_50 step %scan3A_51 iter_args(%scan3A_155 = %scan3A_47) -> (i32)  : i32 {
      %mul3A_156 = arith.constant 4 : i32
      %mul3A_157 = arith.muli %mul3A_156, %scan3A_154 : i32
      %add3A_158 = arith.constant 0 : i32
      %add3A_159 = arith.addi %mul3A_157, %add3A_158 : i32
      %dma_wait3A = arith.constant 0 : i32
      %dma_wait3A_160 = tpu.memref_slice %arg7[%add3A_159, %dma_wait3A] : memref<80x125xi32, #tpu.memory_space<vmem>> -> memref<1x125xi32, #tpu.memory_space<vmem>>
      %dma_wait3A_161 = tpu.memref_squeeze %dma_wait3A_160 : memref<1x125xi32, #tpu.memory_space<vmem>> -> memref<125xi32, #tpu.memory_space<vmem>>
      %dma_wait3A_162 = arith.constant 0 : i32
      %dma_wait3A_163 = arith.constant 0 : i32
      %dma_wait3A_164 = tpu.memref_slice %arg2[%dma_wait3A_162, %dma_wait3A_163] : memref<10000x64xf32, #tpu.memory_space<hbm>> -> memref<10000x64xf32, #tpu.memory_space<hbm>>
      tpu.wait_indirect_dma semaphore(%arg14 : memref<!tpu.dma_semaphore, #tpu.memory_space<semaphore_mem>>) src(%dma_wait3A_164 : memref<10000x64xf32, #tpu.memory_space<hbm>>) dst(%arg9 : memref<125x64xf32, #tpu.memory_space<vmem>>)
      %add3A_165 = arith.constant 4 : i32
      %add3A_166 = arith.addi %add3A_159, %add3A_165 : i32
      %sub3A = arith.constant 1 : i32
      %sub3A_167 = arith.subi %add3A_166, %sub3A : i32
      %lt3A = arith.constant 80 : i32
      %lt3A_168 = arith.cmpi slt, %sub3A_167, %lt3A : i32
      %convert_element_type3A = arith.extui %lt3A_168 : i1 to i32
      %cond3A = arith.constant 0 : i32
      %cond3A_169 = arith.cmpi ne, %convert_element_type3A, %cond3A : i32
      scf.if %cond3A_169 {
        %add3A_228 = arith.constant 4 : i32
        %add3A_229 = arith.addi %add3A_159, %add3A_228 : i32
        %sub3A_230 = arith.constant 1 : i32
        %sub3A_231 = arith.subi %add3A_229, %sub3A_230 : i32
        %dma_start3A_232 = arith.constant 0 : i32
        %dma_start3A_233 = tpu.memref_slice %arg7[%sub3A_231, %dma_start3A_232] : memref<80x125xi32, #tpu.memory_space<vmem>> -> memref<1x125xi32, #tpu.memory_space<vmem>>
        %dma_start3A_234 = tpu.memref_squeeze %dma_start3A_233 : memref<1x125xi32, #tpu.memory_space<vmem>> -> memref<125xi32, #tpu.memory_space<vmem>>
        %dma_start3A_235 = arith.constant 0 : i32
        %dma_start3A_236 = arith.constant 0 : i32
        %dma_start3A_237 = tpu.memref_slice %arg2[%dma_start3A_235, %dma_start3A_236] : memref<10000x64xf32, #tpu.memory_space<hbm>> -> memref<10000x64xf32, #tpu.memory_space<hbm>>
        tpu.enqueue_indirect_dma source(%dma_start3A_237 : memref<10000x64xf32, #tpu.memory_space<hbm>>) target(%arg12 : memref<125x64xf32, #tpu.memory_space<vmem>>) offsets(%dma_start3A_234 : memref<125xi32, #tpu.memory_space<vmem>>) semaphore(%arg17 : memref<!tpu.dma_semaphore, #tpu.memory_space<semaphore_mem>>)
      } else {
      }
      "tpu.region"() ({
        %run_scoped3A_228 = tpu.sem_alloc : memref<!tpu.dma_semaphore, #tpu.memory_space<semaphore_mem>>
        %dma_start3A_229 = arith.constant 0 : i32
        %dma_start3A_230 = tpu.memref_slice %arg8[%add3A_159, %dma_start3A_229] : memref<80x125xi32, #tpu.memory_space<vmem>> -> memref<1x125xi32, #tpu.memory_space<vmem>>
        %dma_start3A_231 = tpu.memref_squeeze %dma_start3A_230 : memref<1x125xi32, #tpu.memory_space<vmem>> -> memref<125xi32, #tpu.memory_space<vmem>>
        %dma_start3A_232 = arith.constant 0 : i32
        %dma_start3A_233 = arith.constant 0 : i32
        %dma_start3A_234 = tpu.memref_slice %arg18[%dma_start3A_232, %dma_start3A_233] : memref<10240x64xf32, #tpu.memory_space<vmem_shared>> -> memref<10240x64xf32, #tpu.memory_space<vmem_shared>>
        tpu.enqueue_indirect_dma source(%arg9 : memref<125x64xf32, #tpu.memory_space<vmem>>) target(%dma_start3A_234 : memref<10240x64xf32, #tpu.memory_space<vmem_shared>>) offsets(%dma_start3A_231 : memref<125xi32, #tpu.memory_space<vmem>>) semaphore(%run_scoped3A_228 : memref<!tpu.dma_semaphore, #tpu.memory_space<semaphore_mem>>) {add = true}
        %dma_wait3A_235 = arith.constant 0 : i32
        %dma_wait3A_236 = tpu.memref_slice %arg8[%add3A_159, %dma_wait3A_235] : memref<80x125xi32, #tpu.memory_space<vmem>> -> memref<1x125xi32, #tpu.memory_space<vmem>>
        %dma_wait3A_237 = tpu.memref_squeeze %dma_wait3A_236 : memref<1x125xi32, #tpu.memory_space<vmem>> -> memref<125xi32, #tpu.memory_space<vmem>>
        %dma_wait3A_238 = arith.constant 0 : i32
        %dma_wait3A_239 = arith.constant 0 : i32
        %dma_wait3A_240 = tpu.memref_slice %arg18[%dma_wait3A_238, %dma_wait3A_239] : memref<10240x64xf32, #tpu.memory_space<vmem_shared>> -> memref<10240x64xf32, #tpu.memory_space<vmem_shared>>
        tpu.wait_indirect_dma semaphore(%run_scoped3A_228 : memref<!tpu.dma_semaphore, #tpu.memory_space<semaphore_mem>>) src(%arg9 : memref<125x64xf32, #tpu.memory_space<vmem>>) dst(%dma_wait3A_240 : memref<10240x64xf32, #tpu.memory_space<vmem_shared>>)
        tpu.yield
      }) : () -> ()
      %mul3A_170 = arith.constant 4 : i32
      %mul3A_171 = arith.muli %mul3A_170, %scan3A_154 : i32
      %add3A_172 = arith.constant 1 : i32
      %add3A_173 = arith.addi %mul3A_171, %add3A_172 : i32
      %dma_wait3A_174 = arith.constant 0 : i32
      %dma_wait3A_175 = tpu.memref_slice %arg7[%add3A_173, %dma_wait3A_174] : memref<80x125xi32, #tpu.memory_space<vmem>> -> memref<1x125xi32, #tpu.memory_space<vmem>>
      %dma_wait3A_176 = tpu.memref_squeeze %dma_wait3A_175 : memref<1x125xi32, #tpu.memory_space<vmem>> -> memref<125xi32, #tpu.memory_space<vmem>>
      %dma_wait3A_177 = arith.constant 0 : i32
      %dma_wait3A_178 = arith.constant 0 : i32
      %dma_wait3A_179 = tpu.memref_slice %arg2[%dma_wait3A_177, %dma_wait3A_178] : memref<10000x64xf32, #tpu.memory_space<hbm>> -> memref<10000x64xf32, #tpu.memory_space<hbm>>
      tpu.wait_indirect_dma semaphore(%arg15 : memref<!tpu.dma_semaphore, #tpu.memory_space<semaphore_mem>>) src(%dma_wait3A_179 : memref<10000x64xf32, #tpu.memory_space<hbm>>) dst(%arg10 : memref<125x64xf32, #tpu.memory_space<vmem>>)
      %add3A_180 = arith.constant 4 : i32
      %add3A_181 = arith.addi %add3A_173, %add3A_180 : i32
      %sub3A_182 = arith.constant 1 : i32
      %sub3A_183 = arith.subi %add3A_181, %sub3A_182 : i32
      %lt3A_184 = arith.constant 80 : i32
      %lt3A_185 = arith.cmpi slt, %sub3A_183, %lt3A_184 : i32
      %convert_element_type3A_186 = arith.extui %lt3A_185 : i1 to i32
      %cond3A_187 = arith.constant 0 : i32
      %cond3A_188 = arith.cmpi ne, %convert_element_type3A_186, %cond3A_187 : i32
      scf.if %cond3A_188 {
        %add3A_228 = arith.constant 4 : i32
        %add3A_229 = arith.addi %add3A_173, %add3A_228 : i32
        %sub3A_230 = arith.constant 1 : i32
        %sub3A_231 = arith.subi %add3A_229, %sub3A_230 : i32
        %dma_start3A_232 = arith.constant 0 : i32
        %dma_start3A_233 = tpu.memref_slice %arg7[%sub3A_231, %dma_start3A_232] : memref<80x125xi32, #tpu.memory_space<vmem>> -> memref<1x125xi32, #tpu.memory_space<vmem>>
        %dma_start3A_234 = tpu.memref_squeeze %dma_start3A_233 : memref<1x125xi32, #tpu.memory_space<vmem>> -> memref<125xi32, #tpu.memory_space<vmem>>
        %dma_start3A_235 = arith.constant 0 : i32
        %dma_start3A_236 = arith.constant 0 : i32
        %dma_start3A_237 = tpu.memref_slice %arg2[%dma_start3A_235, %dma_start3A_236] : memref<10000x64xf32, #tpu.memory_space<hbm>> -> memref<10000x64xf32, #tpu.memory_space<hbm>>
        tpu.enqueue_indirect_dma source(%dma_start3A_237 : memref<10000x64xf32, #tpu.memory_space<hbm>>) target(%arg9 : memref<125x64xf32, #tpu.memory_space<vmem>>) offsets(%dma_start3A_234 : memref<125xi32, #tpu.memory_space<vmem>>) semaphore(%arg14 : memref<!tpu.dma_semaphore, #tpu.memory_space<semaphore_mem>>)
      } else {
      }
      "tpu.region"() ({
        %run_scoped3A_228 = tpu.sem_alloc : memref<!tpu.dma_semaphore, #tpu.memory_space<semaphore_mem>>
        %dma_start3A_229 = arith.constant 0 : i32
        %dma_start3A_230 = tpu.memref_slice %arg8[%add3A_173, %dma_start3A_229] : memref<80x125xi32, #tpu.memory_space<vmem>> -> memref<1x125xi32, #tpu.memory_space<vmem>>
        %dma_start3A_231 = tpu.memref_squeeze %dma_start3A_230 : memref<1x125xi32, #tpu.memory_space<vmem>> -> memref<125xi32, #tpu.memory_space<vmem>>
        %dma_start3A_232 = arith.constant 0 : i32
        %dma_start3A_233 = arith.constant 0 : i32
        %dma_start3A_234 = tpu.memref_slice %arg18[%dma_start3A_232, %dma_start3A_233] : memref<10240x64xf32, #tpu.memory_space<vmem_shared>> -> memref<10240x64xf32, #tpu.memory_space<vmem_shared>>
        tpu.enqueue_indirect_dma source(%arg10 : memref<125x64xf32, #tpu.memory_space<vmem>>) target(%dma_start3A_234 : memref<10240x64xf32, #tpu.memory_space<vmem_shared>>) offsets(%dma_start3A_231 : memref<125xi32, #tpu.memory_space<vmem>>) semaphore(%run_scoped3A_228 : memref<!tpu.dma_semaphore, #tpu.memory_space<semaphore_mem>>) {add = true}
        %dma_wait3A_235 = arith.constant 0 : i32
        %dma_wait3A_236 = tpu.memref_slice %arg8[%add3A_173, %dma_wait3A_235] : memref<80x125xi32, #tpu.memory_space<vmem>> -> memref<1x125xi32, #tpu.memory_space<vmem>>
        %dma_wait3A_237 = tpu.memref_squeeze %dma_wait3A_236 : memref<1x125xi32, #tpu.memory_space<vmem>> -> memref<125xi32, #tpu.memory_space<vmem>>
        %dma_wait3A_238 = arith.constant 0 : i32
        %dma_wait3A_239 = arith.constant 0 : i32
        %dma_wait3A_240 = tpu.memref_slice %arg18[%dma_wait3A_238, %dma_wait3A_239] : memref<10240x64xf32, #tpu.memory_space<vmem_shared>> -> memref<10240x64xf32, #tpu.memory_space<vmem_shared>>
        tpu.wait_indirect_dma semaphore(%run_scoped3A_228 : memref<!tpu.dma_semaphore, #tpu.memory_space<semaphore_mem>>) src(%arg10 : memref<125x64xf32, #tpu.memory_space<vmem>>) dst(%dma_wait3A_240 : memref<10240x64xf32, #tpu.memory_space<vmem_shared>>)
        tpu.yield
      }) : () -> ()
      %mul3A_189 = arith.constant 4 : i32
      %mul3A_190 = arith.muli %mul3A_189, %scan3A_154 : i32
      %add3A_191 = arith.constant 2 : i32
      %add3A_192 = arith.addi %mul3A_190, %add3A_191 : i32
      %dma_wait3A_193 = arith.constant 0 : i32
      %dma_wait3A_194 = tpu.memref_slice %arg7[%add3A_192, %dma_wait3A_193] : memref<80x125xi32, #tpu.memory_space<vmem>> -> memref<1x125xi32, #tpu.memory_space<vmem>>
      %dma_wait3A_195 = tpu.memref_squeeze %dma_wait3A_194 : memref<1x125xi32, #tpu.memory_space<vmem>> -> memref<125xi32, #tpu.memory_space<vmem>>
      %dma_wait3A_196 = arith.constant 0 : i32
      %dma_wait3A_197 = arith.constant 0 : i32
      %dma_wait3A_198 = tpu.memref_slice %arg2[%dma_wait3A_196, %dma_wait3A_197] : memref<10000x64xf32, #tpu.memory_space<hbm>> -> memref<10000x64xf32, #tpu.memory_space<hbm>>
      tpu.wait_indirect_dma semaphore(%arg16 : memref<!tpu.dma_semaphore, #tpu.memory_space<semaphore_mem>>) src(%dma_wait3A_198 : memref<10000x64xf32, #tpu.memory_space<hbm>>) dst(%arg11 : memref<125x64xf32, #tpu.memory_space<vmem>>)
      %add3A_199 = arith.constant 4 : i32
      %add3A_200 = arith.addi %add3A_192, %add3A_199 : i32
      %sub3A_201 = arith.constant 1 : i32
      %sub3A_202 = arith.subi %add3A_200, %sub3A_201 : i32
      %lt3A_203 = arith.constant 80 : i32
      %lt3A_204 = arith.cmpi slt, %sub3A_202, %lt3A_203 : i32
      %convert_element_type3A_205 = arith.extui %lt3A_204 : i1 to i32
      %cond3A_206 = arith.constant 0 : i32
      %cond3A_207 = arith.cmpi ne, %convert_element_type3A_205, %cond3A_206 : i32
      scf.if %cond3A_207 {
        %add3A_228 = arith.constant 4 : i32
        %add3A_229 = arith.addi %add3A_192, %add3A_228 : i32
        %sub3A_230 = arith.constant 1 : i32
        %sub3A_231 = arith.subi %add3A_229, %sub3A_230 : i32
        %dma_start3A_232 = arith.constant 0 : i32
        %dma_start3A_233 = tpu.memref_slice %arg7[%sub3A_231, %dma_start3A_232] : memref<80x125xi32, #tpu.memory_space<vmem>> -> memref<1x125xi32, #tpu.memory_space<vmem>>
        %dma_start3A_234 = tpu.memref_squeeze %dma_start3A_233 : memref<1x125xi32, #tpu.memory_space<vmem>> -> memref<125xi32, #tpu.memory_space<vmem>>
        %dma_start3A_235 = arith.constant 0 : i32
        %dma_start3A_236 = arith.constant 0 : i32
        %dma_start3A_237 = tpu.memref_slice %arg2[%dma_start3A_235, %dma_start3A_236] : memref<10000x64xf32, #tpu.memory_space<hbm>> -> memref<10000x64xf32, #tpu.memory_space<hbm>>
        tpu.enqueue_indirect_dma source(%dma_start3A_237 : memref<10000x64xf32, #tpu.memory_space<hbm>>) target(%arg10 : memref<125x64xf32, #tpu.memory_space<vmem>>) offsets(%dma_start3A_234 : memref<125xi32, #tpu.memory_space<vmem>>) semaphore(%arg15 : memref<!tpu.dma_semaphore, #tpu.memory_space<semaphore_mem>>)
      } else {
      }
      "tpu.region"() ({
        %run_scoped3A_228 = tpu.sem_alloc : memref<!tpu.dma_semaphore, #tpu.memory_space<semaphore_mem>>
        %dma_start3A_229 = arith.constant 0 : i32
        %dma_start3A_230 = tpu.memref_slice %arg8[%add3A_192, %dma_start3A_229] : memref<80x125xi32, #tpu.memory_space<vmem>> -> memref<1x125xi32, #tpu.memory_space<vmem>>
        %dma_start3A_231 = tpu.memref_squeeze %dma_start3A_230 : memref<1x125xi32, #tpu.memory_space<vmem>> -> memref<125xi32, #tpu.memory_space<vmem>>
        %dma_start3A_232 = arith.constant 0 : i32
        %dma_start3A_233 = arith.constant 0 : i32
        %dma_start3A_234 = tpu.memref_slice %arg18[%dma_start3A_232, %dma_start3A_233] : memref<10240x64xf32, #tpu.memory_space<vmem_shared>> -> memref<10240x64xf32, #tpu.memory_space<vmem_shared>>
        tpu.enqueue_indirect_dma source(%arg11 : memref<125x64xf32, #tpu.memory_space<vmem>>) target(%dma_start3A_234 : memref<10240x64xf32, #tpu.memory_space<vmem_shared>>) offsets(%dma_start3A_231 : memref<125xi32, #tpu.memory_space<vmem>>) semaphore(%run_scoped3A_228 : memref<!tpu.dma_semaphore, #tpu.memory_space<semaphore_mem>>) {add = true}
        %dma_wait3A_235 = arith.constant 0 : i32
        %dma_wait3A_236 = tpu.memref_slice %arg8[%add3A_192, %dma_wait3A_235] : memref<80x125xi32, #tpu.memory_space<vmem>> -> memref<1x125xi32, #tpu.memory_space<vmem>>
        %dma_wait3A_237 = tpu.memref_squeeze %dma_wait3A_236 : memref<1x125xi32, #tpu.memory_space<vmem>> -> memref<125xi32, #tpu.memory_space<vmem>>
        %dma_wait3A_238 = arith.constant 0 : i32
        %dma_wait3A_239 = arith.constant 0 : i32
        %dma_wait3A_240 = tpu.memref_slice %arg18[%dma_wait3A_238, %dma_wait3A_239] : memref<10240x64xf32, #tpu.memory_space<vmem_shared>> -> memref<10240x64xf32, #tpu.memory_space<vmem_shared>>
        tpu.wait_indirect_dma semaphore(%run_scoped3A_228 : memref<!tpu.dma_semaphore, #tpu.memory_space<semaphore_mem>>) src(%arg11 : memref<125x64xf32, #tpu.memory_space<vmem>>) dst(%dma_wait3A_240 : memref<10240x64xf32, #tpu.memory_space<vmem_shared>>)
        tpu.yield
      }) : () -> ()
      %mul3A_208 = arith.constant 4 : i32
      %mul3A_209 = arith.muli %mul3A_208, %scan3A_154 : i32
      %add3A_210 = arith.constant 3 : i32
      %add3A_211 = arith.addi %mul3A_209, %add3A_210 : i32
      %dma_wait3A_212 = arith.constant 0 : i32
      %dma_wait3A_213 = tpu.memref_slice %arg7[%add3A_211, %dma_wait3A_212] : memref<80x125xi32, #tpu.memory_space<vmem>> -> memref<1x125xi32, #tpu.memory_space<vmem>>
      %dma_wait3A_214 = tpu.memref_squeeze %dma_wait3A_213 : memref<1x125xi32, #tpu.memory_space<vmem>> -> memref<125xi32, #tpu.memory_space<vmem>>
      %dma_wait3A_215 = arith.constant 0 : i32
      %dma_wait3A_216 = arith.constant 0 : i32
      %dma_wait3A_217 = tpu.memref_slice %arg2[%dma_wait3A_215, %dma_wait3A_216] : memref<10000x64xf32, #tpu.memory_space<hbm>> -> memref<10000x64xf32, #tpu.memory_space<hbm>>
      tpu.wait_indirect_dma semaphore(%arg17 : memref<!tpu.dma_semaphore, #tpu.memory_space<semaphore_mem>>) src(%dma_wait3A_217 : memref<10000x64xf32, #tpu.memory_space<hbm>>) dst(%arg12 : memref<125x64xf32, #tpu.memory_space<vmem>>)
      %add3A_218 = arith.constant 4 : i32
      %add3A_219 = arith.addi %add3A_211, %add3A_218 : i32
      %sub3A_220 = arith.constant 1 : i32
      %sub3A_221 = arith.subi %add3A_219, %sub3A_220 : i32
      %lt3A_222 = arith.constant 80 : i32
      %lt3A_223 = arith.cmpi slt, %sub3A_221, %lt3A_222 : i32
      %convert_element_type3A_224 = arith.extui %lt3A_223 : i1 to i32
      %cond3A_225 = arith.constant 0 : i32
      %cond3A_226 = arith.cmpi ne, %convert_element_type3A_224, %cond3A_225 : i32
      scf.if %cond3A_226 {
        %add3A_228 = arith.constant 4 : i32
        %add3A_229 = arith.addi %add3A_211, %add3A_228 : i32
        %sub3A_230 = arith.constant 1 : i32
        %sub3A_231 = arith.subi %add3A_229, %sub3A_230 : i32
        %dma_start3A_232 = arith.constant 0 : i32
        %dma_start3A_233 = tpu.memref_slice %arg7[%sub3A_231, %dma_start3A_232] : memref<80x125xi32, #tpu.memory_space<vmem>> -> memref<1x125xi32, #tpu.memory_space<vmem>>
        %dma_start3A_234 = tpu.memref_squeeze %dma_start3A_233 : memref<1x125xi32, #tpu.memory_space<vmem>> -> memref<125xi32, #tpu.memory_space<vmem>>
        %dma_start3A_235 = arith.constant 0 : i32
        %dma_start3A_236 = arith.constant 0 : i32
        %dma_start3A_237 = tpu.memref_slice %arg2[%dma_start3A_235, %dma_start3A_236] : memref<10000x64xf32, #tpu.memory_space<hbm>> -> memref<10000x64xf32, #tpu.memory_space<hbm>>
        tpu.enqueue_indirect_dma source(%dma_start3A_237 : memref<10000x64xf32, #tpu.memory_space<hbm>>) target(%arg11 : memref<125x64xf32, #tpu.memory_space<vmem>>) offsets(%dma_start3A_234 : memref<125xi32, #tpu.memory_space<vmem>>) semaphore(%arg16 : memref<!tpu.dma_semaphore, #tpu.memory_space<semaphore_mem>>)
      } else {
      }
      "tpu.region"() ({
        %run_scoped3A_228 = tpu.sem_alloc : memref<!tpu.dma_semaphore, #tpu.memory_space<semaphore_mem>>
        %dma_start3A_229 = arith.constant 0 : i32
        %dma_start3A_230 = tpu.memref_slice %arg8[%add3A_211, %dma_start3A_229] : memref<80x125xi32, #tpu.memory_space<vmem>> -> memref<1x125xi32, #tpu.memory_space<vmem>>
        %dma_start3A_231 = tpu.memref_squeeze %dma_start3A_230 : memref<1x125xi32, #tpu.memory_space<vmem>> -> memref<125xi32, #tpu.memory_space<vmem>>
        %dma_start3A_232 = arith.constant 0 : i32
        %dma_start3A_233 = arith.constant 0 : i32
        %dma_start3A_234 = tpu.memref_slice %arg18[%dma_start3A_232, %dma_start3A_233] : memref<10240x64xf32, #tpu.memory_space<vmem_shared>> -> memref<10240x64xf32, #tpu.memory_space<vmem_shared>>
        tpu.enqueue_indirect_dma source(%arg12 : memref<125x64xf32, #tpu.memory_space<vmem>>) target(%dma_start3A_234 : memref<10240x64xf32, #tpu.memory_space<vmem_shared>>) offsets(%dma_start3A_231 : memref<125xi32, #tpu.memory_space<vmem>>) semaphore(%run_scoped3A_228 : memref<!tpu.dma_semaphore, #tpu.memory_space<semaphore_mem>>) {add = true}
        %dma_wait3A_235 = arith.constant 0 : i32
        %dma_wait3A_236 = tpu.memref_slice %arg8[%add3A_211, %dma_wait3A_235] : memref<80x125xi32, #tpu.memory_space<vmem>> -> memref<1x125xi32, #tpu.memory_space<vmem>>
        %dma_wait3A_237 = tpu.memref_squeeze %dma_wait3A_236 : memref<1x125xi32, #tpu.memory_space<vmem>> -> memref<125xi32, #tpu.memory_space<vmem>>
        %dma_wait3A_238 = arith.constant 0 : i32
        %dma_wait3A_239 = arith.constant 0 : i32
        %dma_wait3A_240 = tpu.memref_slice %arg18[%dma_wait3A_238, %dma_wait3A_239] : memref<10240x64xf32, #tpu.memory_space<vmem_shared>> -> memref<10240x64xf32, #tpu.memory_space<vmem_shared>>
        tpu.wait_indirect_dma semaphore(%run_scoped3A_228 : memref<!tpu.dma_semaphore, #tpu.memory_space<semaphore_mem>>) src(%arg12 : memref<125x64xf32, #tpu.memory_space<vmem>>) dst(%dma_wait3A_240 : memref<10240x64xf32, #tpu.memory_space<vmem_shared>>)
        tpu.yield
      }) : () -> ()
      %scan3A_227 = arith.constant 0 : i32
      scf.yield %scan3A_227 : i32
    }
    %scan3A_53 = arith.constant 20 : i32
    %barrier3A_54 = arith.constant 0 : index
    tpu.barrier barrier_id(%barrier3A_54)
    %mul3A_55 = arith.constant 640 : i32
    %mul3A_56 = arith.muli %arg1, %mul3A_55 : i32
    %add3A_57 = arith.constant 0 : i32
    %add3A_58 = arith.addi %mul3A_56, %add3A_57 : i32
    %run_scoped3A = arith.constant 0 : i32
    "tpu.region"() ({
      %run_scoped3A_154 = tpu.sem_alloc : memref<!tpu.dma_semaphore, #tpu.memory_space<semaphore_mem>>
      %dma_start3A_155 = arith.constant 0 : i32
      %dma_start3A_156 = tpu.memref_slice %arg6[%arg0, %run_scoped3A, %add3A_58, %dma_start3A_155] : memref<2x2x10240x64xf32, #tpu.memory_space<hbm>> -> memref<1x1x128x64xf32, #tpu.memory_space<hbm>>
      %dma_start3A_157 = tpu.memref_squeeze %dma_start3A_156 : memref<1x1x128x64xf32, #tpu.memory_space<hbm>> -> memref<128x64xf32, #tpu.memory_space<hbm>>
      %dma_start3A_158 = arith.constant 0 : i32
      %dma_start3A_159 = tpu.memref_slice %arg18[%add3A_58, %dma_start3A_158] : memref<10240x64xf32, #tpu.memory_space<vmem_shared>> -> memref<128x64xf32, #tpu.memory_space<vmem_shared>>
      tpu.enqueue_dma source(%dma_start3A_159 : memref<128x64xf32, #tpu.memory_space<vmem_shared>>) target(%dma_start3A_157 : memref<128x64xf32, #tpu.memory_space<hbm>>) target_semaphore(%run_scoped3A_154 : memref<!tpu.dma_semaphore, #tpu.memory_space<semaphore_mem>>)
      %dma_wait3A = arith.constant 0 : i32
      %dma_wait3A_160 = tpu.memref_slice %arg6[%arg0, %run_scoped3A, %add3A_58, %dma_wait3A] : memref<2x2x10240x64xf32, #tpu.memory_space<hbm>> -> memref<1x1x128x64xf32, #tpu.memory_space<hbm>>
      %dma_wait3A_161 = tpu.memref_squeeze %dma_wait3A_160 : memref<1x1x128x64xf32, #tpu.memory_space<hbm>> -> memref<128x64xf32, #tpu.memory_space<hbm>>
      %dma_wait3A_162 = arith.constant 0 : i32
      %dma_wait3A_163 = tpu.memref_slice %arg18[%add3A_58, %dma_wait3A_162] : memref<10240x64xf32, #tpu.memory_space<vmem_shared>> -> memref<128x64xf32, #tpu.memory_space<vmem_shared>>
      tpu.wait_dma2 semaphore(%run_scoped3A_154 : memref<!tpu.dma_semaphore, #tpu.memory_space<semaphore_mem>>) src(%dma_wait3A_163 : memref<128x64xf32, #tpu.memory_space<vmem_shared>>) dst(%dma_wait3A_161 : memref<128x64xf32, #tpu.memory_space<hbm>>)
      tpu.yield
    }) : () -> ()
    %mul3A_59 = arith.constant 640 : i32
    %mul3A_60 = arith.muli %arg1, %mul3A_59 : i32
    %add3A_61 = arith.constant 128 : i32
    %add3A_62 = arith.addi %mul3A_60, %add3A_61 : i32
    %run_scoped3A_63 = arith.constant 0 : i32
    "tpu.region"() ({
      %run_scoped3A_154 = tpu.sem_alloc : memref<!tpu.dma_semaphore, #tpu.memory_space<semaphore_mem>>
      %dma_start3A_155 = arith.constant 0 : i32
      %dma_start3A_156 = tpu.memref_slice %arg6[%arg0, %run_scoped3A_63, %add3A_62, %dma_start3A_155] : memref<2x2x10240x64xf32, #tpu.memory_space<hbm>> -> memref<1x1x128x64xf32, #tpu.memory_space<hbm>>
      %dma_start3A_157 = tpu.memref_squeeze %dma_start3A_156 : memref<1x1x128x64xf32, #tpu.memory_space<hbm>> -> memref<128x64xf32, #tpu.memory_space<hbm>>
      %dma_start3A_158 = arith.constant 0 : i32
      %dma_start3A_159 = tpu.memref_slice %arg18[%add3A_62, %dma_start3A_158] : memref<10240x64xf32, #tpu.memory_space<vmem_shared>> -> memref<128x64xf32, #tpu.memory_space<vmem_shared>>
      tpu.enqueue_dma source(%dma_start3A_159 : memref<128x64xf32, #tpu.memory_space<vmem_shared>>) target(%dma_start3A_157 : memref<128x64xf32, #tpu.memory_space<hbm>>) target_semaphore(%run_scoped3A_154 : memref<!tpu.dma_semaphore, #tpu.memory_space<semaphore_mem>>)
      %dma_wait3A = arith.constant 0 : i32
      %dma_wait3A_160 = tpu.memref_slice %arg6[%arg0, %run_scoped3A_63, %add3A_62, %dma_wait3A] : memref<2x2x10240x64xf32, #tpu.memory_space<hbm>> -> memref<1x1x128x64xf32, #tpu.memory_space<hbm>>
      %dma_wait3A_161 = tpu.memref_squeeze %dma_wait3A_160 : memref<1x1x128x64xf32, #tpu.memory_space<hbm>> -> memref<128x64xf32, #tpu.memory_space<hbm>>
      %dma_wait3A_162 = arith.constant 0 : i32
      %dma_wait3A_163 = tpu.memref_slice %arg18[%add3A_62, %dma_wait3A_162] : memref<10240x64xf32, #tpu.memory_space<vmem_shared>> -> memref<128x64xf32, #tpu.memory_space<vmem_shared>>
      tpu.wait_dma2 semaphore(%run_scoped3A_154 : memref<!tpu.dma_semaphore, #tpu.memory_space<semaphore_mem>>) src(%dma_wait3A_163 : memref<128x64xf32, #tpu.memory_space<vmem_shared>>) dst(%dma_wait3A_161 : memref<128x64xf32, #tpu.memory_space<hbm>>)
      tpu.yield
    }) : () -> ()
    %mul3A_64 = arith.constant 640 : i32
    %mul3A_65 = arith.muli %arg1, %mul3A_64 : i32
    %add3A_66 = arith.constant 256 : i32
    %add3A_67 = arith.addi %mul3A_65, %add3A_66 : i32
    %run_scoped3A_68 = arith.constant 0 : i32
    "tpu.region"() ({
      %run_scoped3A_154 = tpu.sem_alloc : memref<!tpu.dma_semaphore, #tpu.memory_space<semaphore_mem>>
      %dma_start3A_155 = arith.constant 0 : i32
      %dma_start3A_156 = tpu.memref_slice %arg6[%arg0, %run_scoped3A_68, %add3A_67, %dma_start3A_155] : memref<2x2x10240x64xf32, #tpu.memory_space<hbm>> -> memref<1x1x128x64xf32, #tpu.memory_space<hbm>>
      %dma_start3A_157 = tpu.memref_squeeze %dma_start3A_156 : memref<1x1x128x64xf32, #tpu.memory_space<hbm>> -> memref<128x64xf32, #tpu.memory_space<hbm>>
      %dma_start3A_158 = arith.constant 0 : i32
      %dma_start3A_159 = tpu.memref_slice %arg18[%add3A_67, %dma_start3A_158] : memref<10240x64xf32, #tpu.memory_space<vmem_shared>> -> memref<128x64xf32, #tpu.memory_space<vmem_shared>>
      tpu.enqueue_dma source(%dma_start3A_159 : memref<128x64xf32, #tpu.memory_space<vmem_shared>>) target(%dma_start3A_157 : memref<128x64xf32, #tpu.memory_space<hbm>>) target_semaphore(%run_scoped3A_154 : memref<!tpu.dma_semaphore, #tpu.memory_space<semaphore_mem>>)
      %dma_wait3A = arith.constant 0 : i32
      %dma_wait3A_160 = tpu.memref_slice %arg6[%arg0, %run_scoped3A_68, %add3A_67, %dma_wait3A] : memref<2x2x10240x64xf32, #tpu.memory_space<hbm>> -> memref<1x1x128x64xf32, #tpu.memory_space<hbm>>
      %dma_wait3A_161 = tpu.memref_squeeze %dma_wait3A_160 : memref<1x1x128x64xf32, #tpu.memory_space<hbm>> -> memref<128x64xf32, #tpu.memory_space<hbm>>
      %dma_wait3A_162 = arith.constant 0 : i32
      %dma_wait3A_163 = tpu.memref_slice %arg18[%add3A_67, %dma_wait3A_162] : memref<10240x64xf32, #tpu.memory_space<vmem_shared>> -> memref<128x64xf32, #tpu.memory_space<vmem_shared>>
      tpu.wait_dma2 semaphore(%run_scoped3A_154 : memref<!tpu.dma_semaphore, #tpu.memory_space<semaphore_mem>>) src(%dma_wait3A_163 : memref<128x64xf32, #tpu.memory_space<vmem_shared>>) dst(%dma_wait3A_161 : memref<128x64xf32, #tpu.memory_space<hbm>>)
      tpu.yield
    }) : () -> ()
    %mul3A_69 = arith.constant 640 : i32
    %mul3A_70 = arith.muli %arg1, %mul3A_69 : i32
    %add3A_71 = arith.constant 384 : i32
    %add3A_72 = arith.addi %mul3A_70, %add3A_71 : i32
    %run_scoped3A_73 = arith.constant 0 : i32
    "tpu.region"() ({
      %run_scoped3A_154 = tpu.sem_alloc : memref<!tpu.dma_semaphore, #tpu.memory_space<semaphore_mem>>
      %dma_start3A_155 = arith.constant 0 : i32
      %dma_start3A_156 = tpu.memref_slice %arg6[%arg0, %run_scoped3A_73, %add3A_72, %dma_start3A_155] : memref<2x2x10240x64xf32, #tpu.memory_space<hbm>> -> memref<1x1x128x64xf32, #tpu.memory_space<hbm>>
      %dma_start3A_157 = tpu.memref_squeeze %dma_start3A_156 : memref<1x1x128x64xf32, #tpu.memory_space<hbm>> -> memref<128x64xf32, #tpu.memory_space<hbm>>
      %dma_start3A_158 = arith.constant 0 : i32
      %dma_start3A_159 = tpu.memref_slice %arg18[%add3A_72, %dma_start3A_158] : memref<10240x64xf32, #tpu.memory_space<vmem_shared>> -> memref<128x64xf32, #tpu.memory_space<vmem_shared>>
      tpu.enqueue_dma source(%dma_start3A_159 : memref<128x64xf32, #tpu.memory_space<vmem_shared>>) target(%dma_start3A_157 : memref<128x64xf32, #tpu.memory_space<hbm>>) target_semaphore(%run_scoped3A_154 : memref<!tpu.dma_semaphore, #tpu.memory_space<semaphore_mem>>)
      %dma_wait3A = arith.constant 0 : i32
      %dma_wait3A_160 = tpu.memref_slice %arg6[%arg0, %run_scoped3A_73, %add3A_72, %dma_wait3A] : memref<2x2x10240x64xf32, #tpu.memory_space<hbm>> -> memref<1x1x128x64xf32, #tpu.memory_space<hbm>>
      %dma_wait3A_161 = tpu.memref_squeeze %dma_wait3A_160 : memref<1x1x128x64xf32, #tpu.memory_space<hbm>> -> memref<128x64xf32, #tpu.memory_space<hbm>>
      %dma_wait3A_162 = arith.constant 0 : i32
      %dma_wait3A_163 = tpu.memref_slice %arg18[%add3A_72, %dma_wait3A_162] : memref<10240x64xf32, #tpu.memory_space<vmem_shared>> -> memref<128x64xf32, #tpu.memory_space<vmem_shared>>
      tpu.wait_dma2 semaphore(%run_scoped3A_154 : memref<!tpu.dma_semaphore, #tpu.memory_space<semaphore_mem>>) src(%dma_wait3A_163 : memref<128x64xf32, #tpu.memory_space<vmem_shared>>) dst(%dma_wait3A_161 : memref<128x64xf32, #tpu.memory_space<hbm>>)
      tpu.yield
    }) : () -> ()
    %mul3A_74 = arith.constant 640 : i32
    %mul3A_75 = arith.muli %arg1, %mul3A_74 : i32
    %add3A_76 = arith.constant 512 : i32
    %add3A_77 = arith.addi %mul3A_75, %add3A_76 : i32
    %run_scoped3A_78 = arith.constant 0 : i32
    "tpu.region"() ({
      %run_scoped3A_154 = tpu.sem_alloc : memref<!tpu.dma_semaphore, #tpu.memory_space<semaphore_mem>>
      %dma_start3A_155 = arith.constant 0 : i32
      %dma_start3A_156 = tpu.memref_slice %arg6[%arg0, %run_scoped3A_78, %add3A_77, %dma_start3A_155] : memref<2x2x10240x64xf32, #tpu.memory_space<hbm>> -> memref<1x1x128x64xf32, #tpu.memory_space<hbm>>
      %dma_start3A_157 = tpu.memref_squeeze %dma_start3A_156 : memref<1x1x128x64xf32, #tpu.memory_space<hbm>> -> memref<128x64xf32, #tpu.memory_space<hbm>>
      %dma_start3A_158 = arith.constant 0 : i32
      %dma_start3A_159 = tpu.memref_slice %arg18[%add3A_77, %dma_start3A_158] : memref<10240x64xf32, #tpu.memory_space<vmem_shared>> -> memref<128x64xf32, #tpu.memory_space<vmem_shared>>
      tpu.enqueue_dma source(%dma_start3A_159 : memref<128x64xf32, #tpu.memory_space<vmem_shared>>) target(%dma_start3A_157 : memref<128x64xf32, #tpu.memory_space<hbm>>) target_semaphore(%run_scoped3A_154 : memref<!tpu.dma_semaphore, #tpu.memory_space<semaphore_mem>>)
      %dma_wait3A = arith.constant 0 : i32
      %dma_wait3A_160 = tpu.memref_slice %arg6[%arg0, %run_scoped3A_78, %add3A_77, %dma_wait3A] : memref<2x2x10240x64xf32, #tpu.memory_space<hbm>> -> memref<1x1x128x64xf32, #tpu.memory_space<hbm>>
      %dma_wait3A_161 = tpu.memref_squeeze %dma_wait3A_160 : memref<1x1x128x64xf32, #tpu.memory_space<hbm>> -> memref<128x64xf32, #tpu.memory_space<hbm>>
      %dma_wait3A_162 = arith.constant 0 : i32
      %dma_wait3A_163 = tpu.memref_slice %arg18[%add3A_77, %dma_wait3A_162] : memref<10240x64xf32, #tpu.memory_space<vmem_shared>> -> memref<128x64xf32, #tpu.memory_space<vmem_shared>>
      tpu.wait_dma2 semaphore(%run_scoped3A_154 : memref<!tpu.dma_semaphore, #tpu.memory_space<semaphore_mem>>) src(%dma_wait3A_163 : memref<128x64xf32, #tpu.memory_space<vmem_shared>>) dst(%dma_wait3A_161 : memref<128x64xf32, #tpu.memory_space<hbm>>)
      tpu.yield
    }) : () -> ()
    %mul3A_79 = arith.constant 640 : i32
    %mul3A_80 = arith.muli %arg1, %mul3A_79 : i32
    %add3A_81 = arith.constant 0 : i32
    %add3A_82 = arith.addi %mul3A_80, %add3A_81 : i32
    "tpu.region"() ({
      %run_scoped3A_154 = tpu.sem_alloc : memref<!tpu.dma_semaphore, #tpu.memory_space<semaphore_mem>>
      %dma_start3A_155 = arith.constant 0 : i32
      %dma_start3A_156 = tpu.memref_slice %arg18[%add3A_82, %dma_start3A_155] : memref<10240x64xf32, #tpu.memory_space<vmem_shared>> -> memref<128x64xf32, #tpu.memory_space<vmem_shared>>
      %dma_start3A_157 = arith.constant 0 : i32
      %dma_start3A_158 = tpu.memref_slice %arg18[%add3A_82, %dma_start3A_157] : memref<10240x64xf32, #tpu.memory_space<vmem_shared>> -> memref<128x64xf32, #tpu.memory_space<vmem_shared>>
      tpu.enqueue_dma source(%arg13 : memref<128x64xf32, #tpu.memory_space<vmem>>) target(%dma_start3A_158 : memref<128x64xf32, #tpu.memory_space<vmem_shared>>) target_semaphore(%run_scoped3A_154 : memref<!tpu.dma_semaphore, #tpu.memory_space<semaphore_mem>>)
      %dma_wait3A = arith.constant 0 : i32
      %dma_wait3A_159 = tpu.memref_slice %arg18[%add3A_82, %dma_wait3A] : memref<10240x64xf32, #tpu.memory_space<vmem_shared>> -> memref<128x64xf32, #tpu.memory_space<vmem_shared>>
      %dma_wait3A_160 = arith.constant 0 : i32
      %dma_wait3A_161 = tpu.memref_slice %arg18[%add3A_82, %dma_wait3A_160] : memref<10240x64xf32, #tpu.memory_space<vmem_shared>> -> memref<128x64xf32, #tpu.memory_space<vmem_shared>>
      tpu.wait_dma2 semaphore(%run_scoped3A_154 : memref<!tpu.dma_semaphore, #tpu.memory_space<semaphore_mem>>) src(%arg13 : memref<128x64xf32, #tpu.memory_space<vmem>>) dst(%dma_wait3A_161 : memref<128x64xf32, #tpu.memory_space<vmem_shared>>)
      tpu.yield
    }) : () -> ()
    %mul3A_83 = arith.constant 640 : i32
    %mul3A_84 = arith.muli %arg1, %mul3A_83 : i32
    %add3A_85 = arith.constant 128 : i32
    %add3A_86 = arith.addi %mul3A_84, %add3A_85 : i32
    "tpu.region"() ({
      %run_scoped3A_154 = tpu.sem_alloc : memref<!tpu.dma_semaphore, #tpu.memory_space<semaphore_mem>>
      %dma_start3A_155 = arith.constant 0 : i32
      %dma_start3A_156 = tpu.memref_slice %arg18[%add3A_86, %dma_start3A_155] : memref<10240x64xf32, #tpu.memory_space<vmem_shared>> -> memref<128x64xf32, #tpu.memory_space<vmem_shared>>
      %dma_start3A_157 = arith.constant 0 : i32
      %dma_start3A_158 = tpu.memref_slice %arg18[%add3A_86, %dma_start3A_157] : memref<10240x64xf32, #tpu.memory_space<vmem_shared>> -> memref<128x64xf32, #tpu.memory_space<vmem_shared>>
      tpu.enqueue_dma source(%arg13 : memref<128x64xf32, #tpu.memory_space<vmem>>) target(%dma_start3A_158 : memref<128x64xf32, #tpu.memory_space<vmem_shared>>) target_semaphore(%run_scoped3A_154 : memref<!tpu.dma_semaphore, #tpu.memory_space<semaphore_mem>>)
      %dma_wait3A = arith.constant 0 : i32
      %dma_wait3A_159 = tpu.memref_slice %arg18[%add3A_86, %dma_wait3A] : memref<10240x64xf32, #tpu.memory_space<vmem_shared>> -> memref<128x64xf32, #tpu.memory_space<vmem_shared>>
      %dma_wait3A_160 = arith.constant 0 : i32
      %dma_wait3A_161 = tpu.memref_slice %arg18[%add3A_86, %dma_wait3A_160] : memref<10240x64xf32, #tpu.memory_space<vmem_shared>> -> memref<128x64xf32, #tpu.memory_space<vmem_shared>>
      tpu.wait_dma2 semaphore(%run_scoped3A_154 : memref<!tpu.dma_semaphore, #tpu.memory_space<semaphore_mem>>) src(%arg13 : memref<128x64xf32, #tpu.memory_space<vmem>>) dst(%dma_wait3A_161 : memref<128x64xf32, #tpu.memory_space<vmem_shared>>)
      tpu.yield
    }) : () -> ()
    %mul3A_87 = arith.constant 640 : i32
    %mul3A_88 = arith.muli %arg1, %mul3A_87 : i32
    %add3A_89 = arith.constant 256 : i32
    %add3A_90 = arith.addi %mul3A_88, %add3A_89 : i32
    "tpu.region"() ({
      %run_scoped3A_154 = tpu.sem_alloc : memref<!tpu.dma_semaphore, #tpu.memory_space<semaphore_mem>>
      %dma_start3A_155 = arith.constant 0 : i32
      %dma_start3A_156 = tpu.memref_slice %arg18[%add3A_90, %dma_start3A_155] : memref<10240x64xf32, #tpu.memory_space<vmem_shared>> -> memref<128x64xf32, #tpu.memory_space<vmem_shared>>
      %dma_start3A_157 = arith.constant 0 : i32
      %dma_start3A_158 = tpu.memref_slice %arg18[%add3A_90, %dma_start3A_157] : memref<10240x64xf32, #tpu.memory_space<vmem_shared>> -> memref<128x64xf32, #tpu.memory_space<vmem_shared>>
      tpu.enqueue_dma source(%arg13 : memref<128x64xf32, #tpu.memory_space<vmem>>) target(%dma_start3A_158 : memref<128x64xf32, #tpu.memory_space<vmem_shared>>) target_semaphore(%run_scoped3A_154 : memref<!tpu.dma_semaphore, #tpu.memory_space<semaphore_mem>>)
      %dma_wait3A = arith.constant 0 : i32
      %dma_wait3A_159 = tpu.memref_slice %arg18[%add3A_90, %dma_wait3A] : memref<10240x64xf32, #tpu.memory_space<vmem_shared>> -> memref<128x64xf32, #tpu.memory_space<vmem_shared>>
      %dma_wait3A_160 = arith.constant 0 : i32
      %dma_wait3A_161 = tpu.memref_slice %arg18[%add3A_90, %dma_wait3A_160] : memref<10240x64xf32, #tpu.memory_space<vmem_shared>> -> memref<128x64xf32, #tpu.memory_space<vmem_shared>>
      tpu.wait_dma2 semaphore(%run_scoped3A_154 : memref<!tpu.dma_semaphore, #tpu.memory_space<semaphore_mem>>) src(%arg13 : memref<128x64xf32, #tpu.memory_space<vmem>>) dst(%dma_wait3A_161 : memref<128x64xf32, #tpu.memory_space<vmem_shared>>)
      tpu.yield
    }) : () -> ()
    %mul3A_91 = arith.constant 640 : i32
    %mul3A_92 = arith.muli %arg1, %mul3A_91 : i32
    %add3A_93 = arith.constant 384 : i32
    %add3A_94 = arith.addi %mul3A_92, %add3A_93 : i32
    "tpu.region"() ({
      %run_scoped3A_154 = tpu.sem_alloc : memref<!tpu.dma_semaphore, #tpu.memory_space<semaphore_mem>>
      %dma_start3A_155 = arith.constant 0 : i32
      %dma_start3A_156 = tpu.memref_slice %arg18[%add3A_94, %dma_start3A_155] : memref<10240x64xf32, #tpu.memory_space<vmem_shared>> -> memref<128x64xf32, #tpu.memory_space<vmem_shared>>
      %dma_start3A_157 = arith.constant 0 : i32
      %dma_start3A_158 = tpu.memref_slice %arg18[%add3A_94, %dma_start3A_157] : memref<10240x64xf32, #tpu.memory_space<vmem_shared>> -> memref<128x64xf32, #tpu.memory_space<vmem_shared>>
      tpu.enqueue_dma source(%arg13 : memref<128x64xf32, #tpu.memory_space<vmem>>) target(%dma_start3A_158 : memref<128x64xf32, #tpu.memory_space<vmem_shared>>) target_semaphore(%run_scoped3A_154 : memref<!tpu.dma_semaphore, #tpu.memory_space<semaphore_mem>>)
      %dma_wait3A = arith.constant 0 : i32
      %dma_wait3A_159 = tpu.memref_slice %arg18[%add3A_94, %dma_wait3A] : memref<10240x64xf32, #tpu.memory_space<vmem_shared>> -> memref<128x64xf32, #tpu.memory_space<vmem_shared>>
      %dma_wait3A_160 = arith.constant 0 : i32
      %dma_wait3A_161 = tpu.memref_slice %arg18[%add3A_94, %dma_wait3A_160] : memref<10240x64xf32, #tpu.memory_space<vmem_shared>> -> memref<128x64xf32, #tpu.memory_space<vmem_shared>>
      tpu.wait_dma2 semaphore(%run_scoped3A_154 : memref<!tpu.dma_semaphore, #tpu.memory_space<semaphore_mem>>) src(%arg13 : memref<128x64xf32, #tpu.memory_space<vmem>>) dst(%dma_wait3A_161 : memref<128x64xf32, #tpu.memory_space<vmem_shared>>)
      tpu.yield
    }) : () -> ()
    %mul3A_95 = arith.constant 640 : i32
    %mul3A_96 = arith.muli %arg1, %mul3A_95 : i32
    %add3A_97 = arith.constant 512 : i32
    %add3A_98 = arith.addi %mul3A_96, %add3A_97 : i32
    "tpu.region"() ({
      %run_scoped3A_154 = tpu.sem_alloc : memref<!tpu.dma_semaphore, #tpu.memory_space<semaphore_mem>>
      %dma_start3A_155 = arith.constant 0 : i32
      %dma_start3A_156 = tpu.memref_slice %arg18[%add3A_98, %dma_start3A_155] : memref<10240x64xf32, #tpu.memory_space<vmem_shared>> -> memref<128x64xf32, #tpu.memory_space<vmem_shared>>
      %dma_start3A_157 = arith.constant 0 : i32
      %dma_start3A_158 = tpu.memref_slice %arg18[%add3A_98, %dma_start3A_157] : memref<10240x64xf32, #tpu.memory_space<vmem_shared>> -> memref<128x64xf32, #tpu.memory_space<vmem_shared>>
      tpu.enqueue_dma source(%arg13 : memref<128x64xf32, #tpu.memory_space<vmem>>) target(%dma_start3A_158 : memref<128x64xf32, #tpu.memory_space<vmem_shared>>) target_semaphore(%run_scoped3A_154 : memref<!tpu.dma_semaphore, #tpu.memory_space<semaphore_mem>>)
      %dma_wait3A = arith.constant 0 : i32
      %dma_wait3A_159 = tpu.memref_slice %arg18[%add3A_98, %dma_wait3A] : memref<10240x64xf32, #tpu.memory_space<vmem_shared>> -> memref<128x64xf32, #tpu.memory_space<vmem_shared>>
      %dma_wait3A_160 = arith.constant 0 : i32
      %dma_wait3A_161 = tpu.memref_slice %arg18[%add3A_98, %dma_wait3A_160] : memref<10240x64xf32, #tpu.memory_space<vmem_shared>> -> memref<128x64xf32, #tpu.memory_space<vmem_shared>>
      tpu.wait_dma2 semaphore(%run_scoped3A_154 : memref<!tpu.dma_semaphore, #tpu.memory_space<semaphore_mem>>) src(%arg13 : memref<128x64xf32, #tpu.memory_space<vmem>>) dst(%dma_wait3A_161 : memref<128x64xf32, #tpu.memory_space<vmem_shared>>)
      tpu.yield
    }) : () -> ()
    %barrier3A_99 = arith.constant 0 : index
    tpu.barrier barrier_id(%barrier3A_99)
    %dma_start3A_100 = arith.constant 0 : i32
    %dma_start3A_101 = arith.constant 0 : i32
    %dma_start3A_102 = tpu.memref_slice %arg7[%dma_start3A_100, %dma_start3A_101] : memref<80x125xi32, #tpu.memory_space<vmem>> -> memref<1x125xi32, #tpu.memory_space<vmem>>
    %dma_start3A_103 = tpu.memref_squeeze %dma_start3A_102 : memref<1x125xi32, #tpu.memory_space<vmem>> -> memref<125xi32, #tpu.memory_space<vmem>>
    %dma_start3A_104 = arith.constant 0 : i32
    %dma_start3A_105 = arith.constant 0 : i32
    %dma_start3A_106 = tpu.memref_slice %arg3[%dma_start3A_104, %dma_start3A_105] : memref<10000x64xf32, #tpu.memory_space<hbm>> -> memref<10000x64xf32, #tpu.memory_space<hbm>>
    tpu.enqueue_indirect_dma source(%dma_start3A_106 : memref<10000x64xf32, #tpu.memory_space<hbm>>) target(%arg9 : memref<125x64xf32, #tpu.memory_space<vmem>>) offsets(%dma_start3A_103 : memref<125xi32, #tpu.memory_space<vmem>>) semaphore(%arg14 : memref<!tpu.dma_semaphore, #tpu.memory_space<semaphore_mem>>)
    %dma_start3A_107 = arith.constant 1 : i32
    %dma_start3A_108 = arith.constant 0 : i32
    %dma_start3A_109 = tpu.memref_slice %arg7[%dma_start3A_107, %dma_start3A_108] : memref<80x125xi32, #tpu.memory_space<vmem>> -> memref<1x125xi32, #tpu.memory_space<vmem>>
    %dma_start3A_110 = tpu.memref_squeeze %dma_start3A_109 : memref<1x125xi32, #tpu.memory_space<vmem>> -> memref<125xi32, #tpu.memory_space<vmem>>
    %dma_start3A_111 = arith.constant 0 : i32
    %dma_start3A_112 = arith.constant 0 : i32
    %dma_start3A_113 = tpu.memref_slice %arg3[%dma_start3A_111, %dma_start3A_112] : memref<10000x64xf32, #tpu.memory_space<hbm>> -> memref<10000x64xf32, #tpu.memory_space<hbm>>
    tpu.enqueue_indirect_dma source(%dma_start3A_113 : memref<10000x64xf32, #tpu.memory_space<hbm>>) target(%arg10 : memref<125x64xf32, #tpu.memory_space<vmem>>) offsets(%dma_start3A_110 : memref<125xi32, #tpu.memory_space<vmem>>) semaphore(%arg15 : memref<!tpu.dma_semaphore, #tpu.memory_space<semaphore_mem>>)
    %dma_start3A_114 = arith.constant 2 : i32
    %dma_start3A_115 = arith.constant 0 : i32
    %dma_start3A_116 = tpu.memref_slice %arg7[%dma_start3A_114, %dma_start3A_115] : memref<80x125xi32, #tpu.memory_space<vmem>> -> memref<1x125xi32, #tpu.memory_space<vmem>>
    %dma_start3A_117 = tpu.memref_squeeze %dma_start3A_116 : memref<1x125xi32, #tpu.memory_space<vmem>> -> memref<125xi32, #tpu.memory_space<vmem>>
    %dma_start3A_118 = arith.constant 0 : i32
    %dma_start3A_119 = arith.constant 0 : i32
    %dma_start3A_120 = tpu.memref_slice %arg3[%dma_start3A_118, %dma_start3A_119] : memref<10000x64xf32, #tpu.memory_space<hbm>> -> memref<10000x64xf32, #tpu.memory_space<hbm>>
    tpu.enqueue_indirect_dma source(%dma_start3A_120 : memref<10000x64xf32, #tpu.memory_space<hbm>>) target(%arg11 : memref<125x64xf32, #tpu.memory_space<vmem>>) offsets(%dma_start3A_117 : memref<125xi32, #tpu.memory_space<vmem>>) semaphore(%arg16 : memref<!tpu.dma_semaphore, #tpu.memory_space<semaphore_mem>>)
    %scan3A_121 = arith.constant 0 : i32
    %scan3A_122 = arith.constant 0 : i32
    %scan3A_123 = arith.constant 20 : i32
    %scan3A_124 = arith.addi %scan3A_122, %scan3A_123 : i32
    %scan3A_125 = arith.constant 1 : i32
    %scan3A_126 = scf.for %scan3A_154 = %scan3A_122 to %scan3A_124 step %scan3A_125 iter_args(%scan3A_155 = %scan3A_121) -> (i32)  : i32 {
      %mul3A_156 = arith.constant 4 : i32
      %mul3A_157 = arith.muli %mul3A_156, %scan3A_154 : i32
      %add3A_158 = arith.constant 0 : i32
      %add3A_159 = arith.addi %mul3A_157, %add3A_158 : i32
      %dma_wait3A = arith.constant 0 : i32
      %dma_wait3A_160 = tpu.memref_slice %arg7[%add3A_159, %dma_wait3A] : memref<80x125xi32, #tpu.memory_space<vmem>> -> memref<1x125xi32, #tpu.memory_space<vmem>>
      %dma_wait3A_161 = tpu.memref_squeeze %dma_wait3A_160 : memref<1x125xi32, #tpu.memory_space<vmem>> -> memref<125xi32, #tpu.memory_space<vmem>>
      %dma_wait3A_162 = arith.constant 0 : i32
      %dma_wait3A_163 = arith.constant 0 : i32
      %dma_wait3A_164 = tpu.memref_slice %arg3[%dma_wait3A_162, %dma_wait3A_163] : memref<10000x64xf32, #tpu.memory_space<hbm>> -> memref<10000x64xf32, #tpu.memory_space<hbm>>
      tpu.wait_indirect_dma semaphore(%arg14 : memref<!tpu.dma_semaphore, #tpu.memory_space<semaphore_mem>>) src(%dma_wait3A_164 : memref<10000x64xf32, #tpu.memory_space<hbm>>) dst(%arg9 : memref<125x64xf32, #tpu.memory_space<vmem>>)
      %add3A_165 = arith.constant 4 : i32
      %add3A_166 = arith.addi %add3A_159, %add3A_165 : i32
      %sub3A = arith.constant 1 : i32
      %sub3A_167 = arith.subi %add3A_166, %sub3A : i32
      %lt3A = arith.constant 80 : i32
      %lt3A_168 = arith.cmpi slt, %sub3A_167, %lt3A : i32
      %convert_element_type3A = arith.extui %lt3A_168 : i1 to i32
      %cond3A = arith.constant 0 : i32
      %cond3A_169 = arith.cmpi ne, %convert_element_type3A, %cond3A : i32
      scf.if %cond3A_169 {
        %add3A_228 = arith.constant 4 : i32
        %add3A_229 = arith.addi %add3A_159, %add3A_228 : i32
        %sub3A_230 = arith.constant 1 : i32
        %sub3A_231 = arith.subi %add3A_229, %sub3A_230 : i32
        %dma_start3A_232 = arith.constant 0 : i32
        %dma_start3A_233 = tpu.memref_slice %arg7[%sub3A_231, %dma_start3A_232] : memref<80x125xi32, #tpu.memory_space<vmem>> -> memref<1x125xi32, #tpu.memory_space<vmem>>
        %dma_start3A_234 = tpu.memref_squeeze %dma_start3A_233 : memref<1x125xi32, #tpu.memory_space<vmem>> -> memref<125xi32, #tpu.memory_space<vmem>>
        %dma_start3A_235 = arith.constant 0 : i32
        %dma_start3A_236 = arith.constant 0 : i32
        %dma_start3A_237 = tpu.memref_slice %arg3[%dma_start3A_235, %dma_start3A_236] : memref<10000x64xf32, #tpu.memory_space<hbm>> -> memref<10000x64xf32, #tpu.memory_space<hbm>>
        tpu.enqueue_indirect_dma source(%dma_start3A_237 : memref<10000x64xf32, #tpu.memory_space<hbm>>) target(%arg12 : memref<125x64xf32, #tpu.memory_space<vmem>>) offsets(%dma_start3A_234 : memref<125xi32, #tpu.memory_space<vmem>>) semaphore(%arg17 : memref<!tpu.dma_semaphore, #tpu.memory_space<semaphore_mem>>)
      } else {
      }
      "tpu.region"() ({
        %run_scoped3A_228 = tpu.sem_alloc : memref<!tpu.dma_semaphore, #tpu.memory_space<semaphore_mem>>
        %dma_start3A_229 = arith.constant 0 : i32
        %dma_start3A_230 = tpu.memref_slice %arg8[%add3A_159, %dma_start3A_229] : memref<80x125xi32, #tpu.memory_space<vmem>> -> memref<1x125xi32, #tpu.memory_space<vmem>>
        %dma_start3A_231 = tpu.memref_squeeze %dma_start3A_230 : memref<1x125xi32, #tpu.memory_space<vmem>> -> memref<125xi32, #tpu.memory_space<vmem>>
        %dma_start3A_232 = arith.constant 0 : i32
        %dma_start3A_233 = arith.constant 0 : i32
        %dma_start3A_234 = tpu.memref_slice %arg18[%dma_start3A_232, %dma_start3A_233] : memref<10240x64xf32, #tpu.memory_space<vmem_shared>> -> memref<10240x64xf32, #tpu.memory_space<vmem_shared>>
        tpu.enqueue_indirect_dma source(%arg9 : memref<125x64xf32, #tpu.memory_space<vmem>>) target(%dma_start3A_234 : memref<10240x64xf32, #tpu.memory_space<vmem_shared>>) offsets(%dma_start3A_231 : memref<125xi32, #tpu.memory_space<vmem>>) semaphore(%run_scoped3A_228 : memref<!tpu.dma_semaphore, #tpu.memory_space<semaphore_mem>>) {add = true}
        %dma_wait3A_235 = arith.constant 0 : i32
        %dma_wait3A_236 = tpu.memref_slice %arg8[%add3A_159, %dma_wait3A_235] : memref<80x125xi32, #tpu.memory_space<vmem>> -> memref<1x125xi32, #tpu.memory_space<vmem>>
        %dma_wait3A_237 = tpu.memref_squeeze %dma_wait3A_236 : memref<1x125xi32, #tpu.memory_space<vmem>> -> memref<125xi32, #tpu.memory_space<vmem>>
        %dma_wait3A_238 = arith.constant 0 : i32
        %dma_wait3A_239 = arith.constant 0 : i32
        %dma_wait3A_240 = tpu.memref_slice %arg18[%dma_wait3A_238, %dma_wait3A_239] : memref<10240x64xf32, #tpu.memory_space<vmem_shared>> -> memref<10240x64xf32, #tpu.memory_space<vmem_shared>>
        tpu.wait_indirect_dma semaphore(%run_scoped3A_228 : memref<!tpu.dma_semaphore, #tpu.memory_space<semaphore_mem>>) src(%arg9 : memref<125x64xf32, #tpu.memory_space<vmem>>) dst(%dma_wait3A_240 : memref<10240x64xf32, #tpu.memory_space<vmem_shared>>)
        tpu.yield
      }) : () -> ()
      %mul3A_170 = arith.constant 4 : i32
      %mul3A_171 = arith.muli %mul3A_170, %scan3A_154 : i32
      %add3A_172 = arith.constant 1 : i32
      %add3A_173 = arith.addi %mul3A_171, %add3A_172 : i32
      %dma_wait3A_174 = arith.constant 0 : i32
      %dma_wait3A_175 = tpu.memref_slice %arg7[%add3A_173, %dma_wait3A_174] : memref<80x125xi32, #tpu.memory_space<vmem>> -> memref<1x125xi32, #tpu.memory_space<vmem>>
      %dma_wait3A_176 = tpu.memref_squeeze %dma_wait3A_175 : memref<1x125xi32, #tpu.memory_space<vmem>> -> memref<125xi32, #tpu.memory_space<vmem>>
      %dma_wait3A_177 = arith.constant 0 : i32
      %dma_wait3A_178 = arith.constant 0 : i32
      %dma_wait3A_179 = tpu.memref_slice %arg3[%dma_wait3A_177, %dma_wait3A_178] : memref<10000x64xf32, #tpu.memory_space<hbm>> -> memref<10000x64xf32, #tpu.memory_space<hbm>>
      tpu.wait_indirect_dma semaphore(%arg15 : memref<!tpu.dma_semaphore, #tpu.memory_space<semaphore_mem>>) src(%dma_wait3A_179 : memref<10000x64xf32, #tpu.memory_space<hbm>>) dst(%arg10 : memref<125x64xf32, #tpu.memory_space<vmem>>)
      %add3A_180 = arith.constant 4 : i32
      %add3A_181 = arith.addi %add3A_173, %add3A_180 : i32
      %sub3A_182 = arith.constant 1 : i32
      %sub3A_183 = arith.subi %add3A_181, %sub3A_182 : i32
      %lt3A_184 = arith.constant 80 : i32
      %lt3A_185 = arith.cmpi slt, %sub3A_183, %lt3A_184 : i32
      %convert_element_type3A_186 = arith.extui %lt3A_185 : i1 to i32
      %cond3A_187 = arith.constant 0 : i32
      %cond3A_188 = arith.cmpi ne, %convert_element_type3A_186, %cond3A_187 : i32
      scf.if %cond3A_188 {
        %add3A_228 = arith.constant 4 : i32
        %add3A_229 = arith.addi %add3A_173, %add3A_228 : i32
        %sub3A_230 = arith.constant 1 : i32
        %sub3A_231 = arith.subi %add3A_229, %sub3A_230 : i32
        %dma_start3A_232 = arith.constant 0 : i32
        %dma_start3A_233 = tpu.memref_slice %arg7[%sub3A_231, %dma_start3A_232] : memref<80x125xi32, #tpu.memory_space<vmem>> -> memref<1x125xi32, #tpu.memory_space<vmem>>
        %dma_start3A_234 = tpu.memref_squeeze %dma_start3A_233 : memref<1x125xi32, #tpu.memory_space<vmem>> -> memref<125xi32, #tpu.memory_space<vmem>>
        %dma_start3A_235 = arith.constant 0 : i32
        %dma_start3A_236 = arith.constant 0 : i32
        %dma_start3A_237 = tpu.memref_slice %arg3[%dma_start3A_235, %dma_start3A_236] : memref<10000x64xf32, #tpu.memory_space<hbm>> -> memref<10000x64xf32, #tpu.memory_space<hbm>>
        tpu.enqueue_indirect_dma source(%dma_start3A_237 : memref<10000x64xf32, #tpu.memory_space<hbm>>) target(%arg9 : memref<125x64xf32, #tpu.memory_space<vmem>>) offsets(%dma_start3A_234 : memref<125xi32, #tpu.memory_space<vmem>>) semaphore(%arg14 : memref<!tpu.dma_semaphore, #tpu.memory_space<semaphore_mem>>)
      } else {
      }
      "tpu.region"() ({
        %run_scoped3A_228 = tpu.sem_alloc : memref<!tpu.dma_semaphore, #tpu.memory_space<semaphore_mem>>
        %dma_start3A_229 = arith.constant 0 : i32
        %dma_start3A_230 = tpu.memref_slice %arg8[%add3A_173, %dma_start3A_229] : memref<80x125xi32, #tpu.memory_space<vmem>> -> memref<1x125xi32, #tpu.memory_space<vmem>>
        %dma_start3A_231 = tpu.memref_squeeze %dma_start3A_230 : memref<1x125xi32, #tpu.memory_space<vmem>> -> memref<125xi32, #tpu.memory_space<vmem>>
        %dma_start3A_232 = arith.constant 0 : i32
        %dma_start3A_233 = arith.constant 0 : i32
        %dma_start3A_234 = tpu.memref_slice %arg18[%dma_start3A_232, %dma_start3A_233] : memref<10240x64xf32, #tpu.memory_space<vmem_shared>> -> memref<10240x64xf32, #tpu.memory_space<vmem_shared>>
        tpu.enqueue_indirect_dma source(%arg10 : memref<125x64xf32, #tpu.memory_space<vmem>>) target(%dma_start3A_234 : memref<10240x64xf32, #tpu.memory_space<vmem_shared>>) offsets(%dma_start3A_231 : memref<125xi32, #tpu.memory_space<vmem>>) semaphore(%run_scoped3A_228 : memref<!tpu.dma_semaphore, #tpu.memory_space<semaphore_mem>>) {add = true}
        %dma_wait3A_235 = arith.constant 0 : i32
        %dma_wait3A_236 = tpu.memref_slice %arg8[%add3A_173, %dma_wait3A_235] : memref<80x125xi32, #tpu.memory_space<vmem>> -> memref<1x125xi32, #tpu.memory_space<vmem>>
        %dma_wait3A_237 = tpu.memref_squeeze %dma_wait3A_236 : memref<1x125xi32, #tpu.memory_space<vmem>> -> memref<125xi32, #tpu.memory_space<vmem>>
        %dma_wait3A_238 = arith.constant 0 : i32
        %dma_wait3A_239 = arith.constant 0 : i32
        %dma_wait3A_240 = tpu.memref_slice %arg18[%dma_wait3A_238, %dma_wait3A_239] : memref<10240x64xf32, #tpu.memory_space<vmem_shared>> -> memref<10240x64xf32, #tpu.memory_space<vmem_shared>>
        tpu.wait_indirect_dma semaphore(%run_scoped3A_228 : memref<!tpu.dma_semaphore, #tpu.memory_space<semaphore_mem>>) src(%arg10 : memref<125x64xf32, #tpu.memory_space<vmem>>) dst(%dma_wait3A_240 : memref<10240x64xf32, #tpu.memory_space<vmem_shared>>)
        tpu.yield
      }) : () -> ()
      %mul3A_189 = arith.constant 4 : i32
      %mul3A_190 = arith.muli %mul3A_189, %scan3A_154 : i32
      %add3A_191 = arith.constant 2 : i32
      %add3A_192 = arith.addi %mul3A_190, %add3A_191 : i32
      %dma_wait3A_193 = arith.constant 0 : i32
      %dma_wait3A_194 = tpu.memref_slice %arg7[%add3A_192, %dma_wait3A_193] : memref<80x125xi32, #tpu.memory_space<vmem>> -> memref<1x125xi32, #tpu.memory_space<vmem>>
      %dma_wait3A_195 = tpu.memref_squeeze %dma_wait3A_194 : memref<1x125xi32, #tpu.memory_space<vmem>> -> memref<125xi32, #tpu.memory_space<vmem>>
      %dma_wait3A_196 = arith.constant 0 : i32
      %dma_wait3A_197 = arith.constant 0 : i32
      %dma_wait3A_198 = tpu.memref_slice %arg3[%dma_wait3A_196, %dma_wait3A_197] : memref<10000x64xf32, #tpu.memory_space<hbm>> -> memref<10000x64xf32, #tpu.memory_space<hbm>>
      tpu.wait_indirect_dma semaphore(%arg16 : memref<!tpu.dma_semaphore, #tpu.memory_space<semaphore_mem>>) src(%dma_wait3A_198 : memref<10000x64xf32, #tpu.memory_space<hbm>>) dst(%arg11 : memref<125x64xf32, #tpu.memory_space<vmem>>)
      %add3A_199 = arith.constant 4 : i32
      %add3A_200 = arith.addi %add3A_192, %add3A_199 : i32
      %sub3A_201 = arith.constant 1 : i32
      %sub3A_202 = arith.subi %add3A_200, %sub3A_201 : i32
      %lt3A_203 = arith.constant 80 : i32
      %lt3A_204 = arith.cmpi slt, %sub3A_202, %lt3A_203 : i32
      %convert_element_type3A_205 = arith.extui %lt3A_204 : i1 to i32
      %cond3A_206 = arith.constant 0 : i32
      %cond3A_207 = arith.cmpi ne, %convert_element_type3A_205, %cond3A_206 : i32
      scf.if %cond3A_207 {
        %add3A_228 = arith.constant 4 : i32
        %add3A_229 = arith.addi %add3A_192, %add3A_228 : i32
        %sub3A_230 = arith.constant 1 : i32
        %sub3A_231 = arith.subi %add3A_229, %sub3A_230 : i32
        %dma_start3A_232 = arith.constant 0 : i32
        %dma_start3A_233 = tpu.memref_slice %arg7[%sub3A_231, %dma_start3A_232] : memref<80x125xi32, #tpu.memory_space<vmem>> -> memref<1x125xi32, #tpu.memory_space<vmem>>
        %dma_start3A_234 = tpu.memref_squeeze %dma_start3A_233 : memref<1x125xi32, #tpu.memory_space<vmem>> -> memref<125xi32, #tpu.memory_space<vmem>>
        %dma_start3A_235 = arith.constant 0 : i32
        %dma_start3A_236 = arith.constant 0 : i32
        %dma_start3A_237 = tpu.memref_slice %arg3[%dma_start3A_235, %dma_start3A_236] : memref<10000x64xf32, #tpu.memory_space<hbm>> -> memref<10000x64xf32, #tpu.memory_space<hbm>>
        tpu.enqueue_indirect_dma source(%dma_start3A_237 : memref<10000x64xf32, #tpu.memory_space<hbm>>) target(%arg10 : memref<125x64xf32, #tpu.memory_space<vmem>>) offsets(%dma_start3A_234 : memref<125xi32, #tpu.memory_space<vmem>>) semaphore(%arg15 : memref<!tpu.dma_semaphore, #tpu.memory_space<semaphore_mem>>)
      } else {
      }
      "tpu.region"() ({
        %run_scoped3A_228 = tpu.sem_alloc : memref<!tpu.dma_semaphore, #tpu.memory_space<semaphore_mem>>
        %dma_start3A_229 = arith.constant 0 : i32
        %dma_start3A_230 = tpu.memref_slice %arg8[%add3A_192, %dma_start3A_229] : memref<80x125xi32, #tpu.memory_space<vmem>> -> memref<1x125xi32, #tpu.memory_space<vmem>>
        %dma_start3A_231 = tpu.memref_squeeze %dma_start3A_230 : memref<1x125xi32, #tpu.memory_space<vmem>> -> memref<125xi32, #tpu.memory_space<vmem>>
        %dma_start3A_232 = arith.constant 0 : i32
        %dma_start3A_233 = arith.constant 0 : i32
        %dma_start3A_234 = tpu.memref_slice %arg18[%dma_start3A_232, %dma_start3A_233] : memref<10240x64xf32, #tpu.memory_space<vmem_shared>> -> memref<10240x64xf32, #tpu.memory_space<vmem_shared>>
        tpu.enqueue_indirect_dma source(%arg11 : memref<125x64xf32, #tpu.memory_space<vmem>>) target(%dma_start3A_234 : memref<10240x64xf32, #tpu.memory_space<vmem_shared>>) offsets(%dma_start3A_231 : memref<125xi32, #tpu.memory_space<vmem>>) semaphore(%run_scoped3A_228 : memref<!tpu.dma_semaphore, #tpu.memory_space<semaphore_mem>>) {add = true}
        %dma_wait3A_235 = arith.constant 0 : i32
        %dma_wait3A_236 = tpu.memref_slice %arg8[%add3A_192, %dma_wait3A_235] : memref<80x125xi32, #tpu.memory_space<vmem>> -> memref<1x125xi32, #tpu.memory_space<vmem>>
        %dma_wait3A_237 = tpu.memref_squeeze %dma_wait3A_236 : memref<1x125xi32, #tpu.memory_space<vmem>> -> memref<125xi32, #tpu.memory_space<vmem>>
        %dma_wait3A_238 = arith.constant 0 : i32
        %dma_wait3A_239 = arith.constant 0 : i32
        %dma_wait3A_240 = tpu.memref_slice %arg18[%dma_wait3A_238, %dma_wait3A_239] : memref<10240x64xf32, #tpu.memory_space<vmem_shared>> -> memref<10240x64xf32, #tpu.memory_space<vmem_shared>>
        tpu.wait_indirect_dma semaphore(%run_scoped3A_228 : memref<!tpu.dma_semaphore, #tpu.memory_space<semaphore_mem>>) src(%arg11 : memref<125x64xf32, #tpu.memory_space<vmem>>) dst(%dma_wait3A_240 : memref<10240x64xf32, #tpu.memory_space<vmem_shared>>)
        tpu.yield
      }) : () -> ()
      %mul3A_208 = arith.constant 4 : i32
      %mul3A_209 = arith.muli %mul3A_208, %scan3A_154 : i32
      %add3A_210 = arith.constant 3 : i32
      %add3A_211 = arith.addi %mul3A_209, %add3A_210 : i32
      %dma_wait3A_212 = arith.constant 0 : i32
      %dma_wait3A_213 = tpu.memref_slice %arg7[%add3A_211, %dma_wait3A_212] : memref<80x125xi32, #tpu.memory_space<vmem>> -> memref<1x125xi32, #tpu.memory_space<vmem>>
      %dma_wait3A_214 = tpu.memref_squeeze %dma_wait3A_213 : memref<1x125xi32, #tpu.memory_space<vmem>> -> memref<125xi32, #tpu.memory_space<vmem>>
      %dma_wait3A_215 = arith.constant 0 : i32
      %dma_wait3A_216 = arith.constant 0 : i32
      %dma_wait3A_217 = tpu.memref_slice %arg3[%dma_wait3A_215, %dma_wait3A_216] : memref<10000x64xf32, #tpu.memory_space<hbm>> -> memref<10000x64xf32, #tpu.memory_space<hbm>>
      tpu.wait_indirect_dma semaphore(%arg17 : memref<!tpu.dma_semaphore, #tpu.memory_space<semaphore_mem>>) src(%dma_wait3A_217 : memref<10000x64xf32, #tpu.memory_space<hbm>>) dst(%arg12 : memref<125x64xf32, #tpu.memory_space<vmem>>)
      %add3A_218 = arith.constant 4 : i32
      %add3A_219 = arith.addi %add3A_211, %add3A_218 : i32
      %sub3A_220 = arith.constant 1 : i32
      %sub3A_221 = arith.subi %add3A_219, %sub3A_220 : i32
      %lt3A_222 = arith.constant 80 : i32
      %lt3A_223 = arith.cmpi slt, %sub3A_221, %lt3A_222 : i32
      %convert_element_type3A_224 = arith.extui %lt3A_223 : i1 to i32
      %cond3A_225 = arith.constant 0 : i32
      %cond3A_226 = arith.cmpi ne, %convert_element_type3A_224, %cond3A_225 : i32
      scf.if %cond3A_226 {
        %add3A_228 = arith.constant 4 : i32
        %add3A_229 = arith.addi %add3A_211, %add3A_228 : i32
        %sub3A_230 = arith.constant 1 : i32
        %sub3A_231 = arith.subi %add3A_229, %sub3A_230 : i32
        %dma_start3A_232 = arith.constant 0 : i32
        %dma_start3A_233 = tpu.memref_slice %arg7[%sub3A_231, %dma_start3A_232] : memref<80x125xi32, #tpu.memory_space<vmem>> -> memref<1x125xi32, #tpu.memory_space<vmem>>
        %dma_start3A_234 = tpu.memref_squeeze %dma_start3A_233 : memref<1x125xi32, #tpu.memory_space<vmem>> -> memref<125xi32, #tpu.memory_space<vmem>>
        %dma_start3A_235 = arith.constant 0 : i32
        %dma_start3A_236 = arith.constant 0 : i32
        %dma_start3A_237 = tpu.memref_slice %arg3[%dma_start3A_235, %dma_start3A_236] : memref<10000x64xf32, #tpu.memory_space<hbm>> -> memref<10000x64xf32, #tpu.memory_space<hbm>>
        tpu.enqueue_indirect_dma source(%dma_start3A_237 : memref<10000x64xf32, #tpu.memory_space<hbm>>) target(%arg11 : memref<125x64xf32, #tpu.memory_space<vmem>>) offsets(%dma_start3A_234 : memref<125xi32, #tpu.memory_space<vmem>>) semaphore(%arg16 : memref<!tpu.dma_semaphore, #tpu.memory_space<semaphore_mem>>)
      } else {
      }
      "tpu.region"() ({
        %run_scoped3A_228 = tpu.sem_alloc : memref<!tpu.dma_semaphore, #tpu.memory_space<semaphore_mem>>
        %dma_start3A_229 = arith.constant 0 : i32
        %dma_start3A_230 = tpu.memref_slice %arg8[%add3A_211, %dma_start3A_229] : memref<80x125xi32, #tpu.memory_space<vmem>> -> memref<1x125xi32, #tpu.memory_space<vmem>>
        %dma_start3A_231 = tpu.memref_squeeze %dma_start3A_230 : memref<1x125xi32, #tpu.memory_space<vmem>> -> memref<125xi32, #tpu.memory_space<vmem>>
        %dma_start3A_232 = arith.constant 0 : i32
        %dma_start3A_233 = arith.constant 0 : i32
        %dma_start3A_234 = tpu.memref_slice %arg18[%dma_start3A_232, %dma_start3A_233] : memref<10240x64xf32, #tpu.memory_space<vmem_shared>> -> memref<10240x64xf32, #tpu.memory_space<vmem_shared>>
        tpu.enqueue_indirect_dma source(%arg12 : memref<125x64xf32, #tpu.memory_space<vmem>>) target(%dma_start3A_234 : memref<10240x64xf32, #tpu.memory_space<vmem_shared>>) offsets(%dma_start3A_231 : memref<125xi32, #tpu.memory_space<vmem>>) semaphore(%run_scoped3A_228 : memref<!tpu.dma_semaphore, #tpu.memory_space<semaphore_mem>>) {add = true}
        %dma_wait3A_235 = arith.constant 0 : i32
        %dma_wait3A_236 = tpu.memref_slice %arg8[%add3A_211, %dma_wait3A_235] : memref<80x125xi32, #tpu.memory_space<vmem>> -> memref<1x125xi32, #tpu.memory_space<vmem>>
        %dma_wait3A_237 = tpu.memref_squeeze %dma_wait3A_236 : memref<1x125xi32, #tpu.memory_space<vmem>> -> memref<125xi32, #tpu.memory_space<vmem>>
        %dma_wait3A_238 = arith.constant 0 : i32
        %dma_wait3A_239 = arith.constant 0 : i32
        %dma_wait3A_240 = tpu.memref_slice %arg18[%dma_wait3A_238, %dma_wait3A_239] : memref<10240x64xf32, #tpu.memory_space<vmem_shared>> -> memref<10240x64xf32, #tpu.memory_space<vmem_shared>>
        tpu.wait_indirect_dma semaphore(%run_scoped3A_228 : memref<!tpu.dma_semaphore, #tpu.memory_space<semaphore_mem>>) src(%arg12 : memref<125x64xf32, #tpu.memory_space<vmem>>) dst(%dma_wait3A_240 : memref<10240x64xf32, #tpu.memory_space<vmem_shared>>)
        tpu.yield
      }) : () -> ()
      %scan3A_227 = arith.constant 0 : i32
      scf.yield %scan3A_227 : i32
    }
    %scan3A_127 = arith.constant 20 : i32
    %barrier3A_128 = arith.constant 0 : index
    tpu.barrier barrier_id(%barrier3A_128)
    %mul3A_129 = arith.constant 640 : i32
    %mul3A_130 = arith.muli %arg1, %mul3A_129 : i32
    %add3A_131 = arith.constant 0 : i32
    %add3A_132 = arith.addi %mul3A_130, %add3A_131 : i32
    %run_scoped3A_133 = arith.constant 1 : i32
    "tpu.region"() ({
      %run_scoped3A_154 = tpu.sem_alloc : memref<!tpu.dma_semaphore, #tpu.memory_space<semaphore_mem>>
      %dma_start3A_155 = arith.constant 0 : i32
      %dma_start3A_156 = tpu.memref_slice %arg6[%arg0, %run_scoped3A_133, %add3A_132, %dma_start3A_155] : memref<2x2x10240x64xf32, #tpu.memory_space<hbm>> -> memref<1x1x128x64xf32, #tpu.memory_space<hbm>>
      %dma_start3A_157 = tpu.memref_squeeze %dma_start3A_156 : memref<1x1x128x64xf32, #tpu.memory_space<hbm>> -> memref<128x64xf32, #tpu.memory_space<hbm>>
      %dma_start3A_158 = arith.constant 0 : i32
      %dma_start3A_159 = tpu.memref_slice %arg18[%add3A_132, %dma_start3A_158] : memref<10240x64xf32, #tpu.memory_space<vmem_shared>> -> memref<128x64xf32, #tpu.memory_space<vmem_shared>>
      tpu.enqueue_dma source(%dma_start3A_159 : memref<128x64xf32, #tpu.memory_space<vmem_shared>>) target(%dma_start3A_157 : memref<128x64xf32, #tpu.memory_space<hbm>>) target_semaphore(%run_scoped3A_154 : memref<!tpu.dma_semaphore, #tpu.memory_space<semaphore_mem>>)
      %dma_wait3A = arith.constant 0 : i32
      %dma_wait3A_160 = tpu.memref_slice %arg6[%arg0, %run_scoped3A_133, %add3A_132, %dma_wait3A] : memref<2x2x10240x64xf32, #tpu.memory_space<hbm>> -> memref<1x1x128x64xf32, #tpu.memory_space<hbm>>
      %dma_wait3A_161 = tpu.memref_squeeze %dma_wait3A_160 : memref<1x1x128x64xf32, #tpu.memory_space<hbm>> -> memref<128x64xf32, #tpu.memory_space<hbm>>
      %dma_wait3A_162 = arith.constant 0 : i32
      %dma_wait3A_163 = tpu.memref_slice %arg18[%add3A_132, %dma_wait3A_162] : memref<10240x64xf32, #tpu.memory_space<vmem_shared>> -> memref<128x64xf32, #tpu.memory_space<vmem_shared>>
      tpu.wait_dma2 semaphore(%run_scoped3A_154 : memref<!tpu.dma_semaphore, #tpu.memory_space<semaphore_mem>>) src(%dma_wait3A_163 : memref<128x64xf32, #tpu.memory_space<vmem_shared>>) dst(%dma_wait3A_161 : memref<128x64xf32, #tpu.memory_space<hbm>>)
      tpu.yield
    }) : () -> ()
    %mul3A_134 = arith.constant 640 : i32
    %mul3A_135 = arith.muli %arg1, %mul3A_134 : i32
    %add3A_136 = arith.constant 128 : i32
    %add3A_137 = arith.addi %mul3A_135, %add3A_136 : i32
    %run_scoped3A_138 = arith.constant 1 : i32
    "tpu.region"() ({
      %run_scoped3A_154 = tpu.sem_alloc : memref<!tpu.dma_semaphore, #tpu.memory_space<semaphore_mem>>
      %dma_start3A_155 = arith.constant 0 : i32
      %dma_start3A_156 = tpu.memref_slice %arg6[%arg0, %run_scoped3A_138, %add3A_137, %dma_start3A_155] : memref<2x2x10240x64xf32, #tpu.memory_space<hbm>> -> memref<1x1x128x64xf32, #tpu.memory_space<hbm>>
      %dma_start3A_157 = tpu.memref_squeeze %dma_start3A_156 : memref<1x1x128x64xf32, #tpu.memory_space<hbm>> -> memref<128x64xf32, #tpu.memory_space<hbm>>
      %dma_start3A_158 = arith.constant 0 : i32
      %dma_start3A_159 = tpu.memref_slice %arg18[%add3A_137, %dma_start3A_158] : memref<10240x64xf32, #tpu.memory_space<vmem_shared>> -> memref<128x64xf32, #tpu.memory_space<vmem_shared>>
      tpu.enqueue_dma source(%dma_start3A_159 : memref<128x64xf32, #tpu.memory_space<vmem_shared>>) target(%dma_start3A_157 : memref<128x64xf32, #tpu.memory_space<hbm>>) target_semaphore(%run_scoped3A_154 : memref<!tpu.dma_semaphore, #tpu.memory_space<semaphore_mem>>)
      %dma_wait3A = arith.constant 0 : i32
      %dma_wait3A_160 = tpu.memref_slice %arg6[%arg0, %run_scoped3A_138, %add3A_137, %dma_wait3A] : memref<2x2x10240x64xf32, #tpu.memory_space<hbm>> -> memref<1x1x128x64xf32, #tpu.memory_space<hbm>>
      %dma_wait3A_161 = tpu.memref_squeeze %dma_wait3A_160 : memref<1x1x128x64xf32, #tpu.memory_space<hbm>> -> memref<128x64xf32, #tpu.memory_space<hbm>>
      %dma_wait3A_162 = arith.constant 0 : i32
      %dma_wait3A_163 = tpu.memref_slice %arg18[%add3A_137, %dma_wait3A_162] : memref<10240x64xf32, #tpu.memory_space<vmem_shared>> -> memref<128x64xf32, #tpu.memory_space<vmem_shared>>
      tpu.wait_dma2 semaphore(%run_scoped3A_154 : memref<!tpu.dma_semaphore, #tpu.memory_space<semaphore_mem>>) src(%dma_wait3A_163 : memref<128x64xf32, #tpu.memory_space<vmem_shared>>) dst(%dma_wait3A_161 : memref<128x64xf32, #tpu.memory_space<hbm>>)
      tpu.yield
    }) : () -> ()
    %mul3A_139 = arith.constant 640 : i32
    %mul3A_140 = arith.muli %arg1, %mul3A_139 : i32
    %add3A_141 = arith.constant 256 : i32
    %add3A_142 = arith.addi %mul3A_140, %add3A_141 : i32
    %run_scoped3A_143 = arith.constant 1 : i32
    "tpu.region"() ({
      %run_scoped3A_154 = tpu.sem_alloc : memref<!tpu.dma_semaphore, #tpu.memory_space<semaphore_mem>>
      %dma_start3A_155 = arith.constant 0 : i32
      %dma_start3A_156 = tpu.memref_slice %arg6[%arg0, %run_scoped3A_143, %add3A_142, %dma_start3A_155] : memref<2x2x10240x64xf32, #tpu.memory_space<hbm>> -> memref<1x1x128x64xf32, #tpu.memory_space<hbm>>
      %dma_start3A_157 = tpu.memref_squeeze %dma_start3A_156 : memref<1x1x128x64xf32, #tpu.memory_space<hbm>> -> memref<128x64xf32, #tpu.memory_space<hbm>>
      %dma_start3A_158 = arith.constant 0 : i32
      %dma_start3A_159 = tpu.memref_slice %arg18[%add3A_142, %dma_start3A_158] : memref<10240x64xf32, #tpu.memory_space<vmem_shared>> -> memref<128x64xf32, #tpu.memory_space<vmem_shared>>
      tpu.enqueue_dma source(%dma_start3A_159 : memref<128x64xf32, #tpu.memory_space<vmem_shared>>) target(%dma_start3A_157 : memref<128x64xf32, #tpu.memory_space<hbm>>) target_semaphore(%run_scoped3A_154 : memref<!tpu.dma_semaphore, #tpu.memory_space<semaphore_mem>>)
      %dma_wait3A = arith.constant 0 : i32
      %dma_wait3A_160 = tpu.memref_slice %arg6[%arg0, %run_scoped3A_143, %add3A_142, %dma_wait3A] : memref<2x2x10240x64xf32, #tpu.memory_space<hbm>> -> memref<1x1x128x64xf32, #tpu.memory_space<hbm>>
      %dma_wait3A_161 = tpu.memref_squeeze %dma_wait3A_160 : memref<1x1x128x64xf32, #tpu.memory_space<hbm>> -> memref<128x64xf32, #tpu.memory_space<hbm>>
      %dma_wait3A_162 = arith.constant 0 : i32
      %dma_wait3A_163 = tpu.memref_slice %arg18[%add3A_142, %dma_wait3A_162] : memref<10240x64xf32, #tpu.memory_space<vmem_shared>> -> memref<128x64xf32, #tpu.memory_space<vmem_shared>>
      tpu.wait_dma2 semaphore(%run_scoped3A_154 : memref<!tpu.dma_semaphore, #tpu.memory_space<semaphore_mem>>) src(%dma_wait3A_163 : memref<128x64xf32, #tpu.memory_space<vmem_shared>>) dst(%dma_wait3A_161 : memref<128x64xf32, #tpu.memory_space<hbm>>)
      tpu.yield
    }) : () -> ()
    %mul3A_144 = arith.constant 640 : i32
    %mul3A_145 = arith.muli %arg1, %mul3A_144 : i32
    %add3A_146 = arith.constant 384 : i32
    %add3A_147 = arith.addi %mul3A_145, %add3A_146 : i32
    %run_scoped3A_148 = arith.constant 1 : i32
    "tpu.region"() ({
      %run_scoped3A_154 = tpu.sem_alloc : memref<!tpu.dma_semaphore, #tpu.memory_space<semaphore_mem>>
      %dma_start3A_155 = arith.constant 0 : i32
      %dma_start3A_156 = tpu.memref_slice %arg6[%arg0, %run_scoped3A_148, %add3A_147, %dma_start3A_155] : memref<2x2x10240x64xf32, #tpu.memory_space<hbm>> -> memref<1x1x128x64xf32, #tpu.memory_space<hbm>>
      %dma_start3A_157 = tpu.memref_squeeze %dma_start3A_156 : memref<1x1x128x64xf32, #tpu.memory_space<hbm>> -> memref<128x64xf32, #tpu.memory_space<hbm>>
      %dma_start3A_158 = arith.constant 0 : i32
      %dma_start3A_159 = tpu.memref_slice %arg18[%add3A_147, %dma_start3A_158] : memref<10240x64xf32, #tpu.memory_space<vmem_shared>> -> memref<128x64xf32, #tpu.memory_space<vmem_shared>>
      tpu.enqueue_dma source(%dma_start3A_159 : memref<128x64xf32, #tpu.memory_space<vmem_shared>>) target(%dma_start3A_157 : memref<128x64xf32, #tpu.memory_space<hbm>>) target_semaphore(%run_scoped3A_154 : memref<!tpu.dma_semaphore, #tpu.memory_space<semaphore_mem>>)
      %dma_wait3A = arith.constant 0 : i32
      %dma_wait3A_160 = tpu.memref_slice %arg6[%arg0, %run_scoped3A_148, %add3A_147, %dma_wait3A] : memref<2x2x10240x64xf32, #tpu.memory_space<hbm>> -> memref<1x1x128x64xf32, #tpu.memory_space<hbm>>
      %dma_wait3A_161 = tpu.memref_squeeze %dma_wait3A_160 : memref<1x1x128x64xf32, #tpu.memory_space<hbm>> -> memref<128x64xf32, #tpu.memory_space<hbm>>
      %dma_wait3A_162 = arith.constant 0 : i32
      %dma_wait3A_163 = tpu.memref_slice %arg18[%add3A_147, %dma_wait3A_162] : memref<10240x64xf32, #tpu.memory_space<vmem_shared>> -> memref<128x64xf32, #tpu.memory_space<vmem_shared>>
      tpu.wait_dma2 semaphore(%run_scoped3A_154 : memref<!tpu.dma_semaphore, #tpu.memory_space<semaphore_mem>>) src(%dma_wait3A_163 : memref<128x64xf32, #tpu.memory_space<vmem_shared>>) dst(%dma_wait3A_161 : memref<128x64xf32, #tpu.memory_space<hbm>>)
      tpu.yield
    }) : () -> ()
    %mul3A_149 = arith.constant 640 : i32
    %mul3A_150 = arith.muli %arg1, %mul3A_149 : i32
    %add3A_151 = arith.constant 512 : i32
    %add3A_152 = arith.addi %mul3A_150, %add3A_151 : i32
    %run_scoped3A_153 = arith.constant 1 : i32
    "tpu.region"() ({
      %run_scoped3A_154 = tpu.sem_alloc : memref<!tpu.dma_semaphore, #tpu.memory_space<semaphore_mem>>
      %dma_start3A_155 = arith.constant 0 : i32
      %dma_start3A_156 = tpu.memref_slice %arg6[%arg0, %run_scoped3A_153, %add3A_152, %dma_start3A_155] : memref<2x2x10240x64xf32, #tpu.memory_space<hbm>> -> memref<1x1x128x64xf32, #tpu.memory_space<hbm>>
      %dma_start3A_157 = tpu.memref_squeeze %dma_start3A_156 : memref<1x1x128x64xf32, #tpu.memory_space<hbm>> -> memref<128x64xf32, #tpu.memory_space<hbm>>
      %dma_start3A_158 = arith.constant 0 : i32
      %dma_start3A_159 = tpu.memref_slice %arg18[%add3A_152, %dma_start3A_158] : memref<10240x64xf32, #tpu.memory_space<vmem_shared>> -> memref<128x64xf32, #tpu.memory_space<vmem_shared>>
      tpu.enqueue_dma source(%dma_start3A_159 : memref<128x64xf32, #tpu.memory_space<vmem_shared>>) target(%dma_start3A_157 : memref<128x64xf32, #tpu.memory_space<hbm>>) target_semaphore(%run_scoped3A_154 : memref<!tpu.dma_semaphore, #tpu.memory_space<semaphore_mem>>)
      %dma_wait3A = arith.constant 0 : i32
      %dma_wait3A_160 = tpu.memref_slice %arg6[%arg0, %run_scoped3A_153, %add3A_152, %dma_wait3A] : memref<2x2x10240x64xf32, #tpu.memory_space<hbm>> -> memref<1x1x128x64xf32, #tpu.memory_space<hbm>>
      %dma_wait3A_161 = tpu.memref_squeeze %dma_wait3A_160 : memref<1x1x128x64xf32, #tpu.memory_space<hbm>> -> memref<128x64xf32, #tpu.memory_space<hbm>>
      %dma_wait3A_162 = arith.constant 0 : i32
      %dma_wait3A_163 = tpu.memref_slice %arg18[%add3A_152, %dma_wait3A_162] : memref<10240x64xf32, #tpu.memory_space<vmem_shared>> -> memref<128x64xf32, #tpu.memory_space<vmem_shared>>
      tpu.wait_dma2 semaphore(%run_scoped3A_154 : memref<!tpu.dma_semaphore, #tpu.memory_space<semaphore_mem>>) src(%dma_wait3A_163 : memref<128x64xf32, #tpu.memory_space<vmem_shared>>) dst(%dma_wait3A_161 : memref<128x64xf32, #tpu.memory_space<hbm>>)
      tpu.yield
    }) : () -> ()
    return
  }
}

#map = affine_map<(d0, d1) -> (0, 0, 0)>
#map1 = affine_map<(d0, d1) -> (0, 0)>
module attributes {stable_mosaic.version = 14 : i64} {
  func.func @_deg_kernel(%arg0: i32, %arg1: i32, %arg2: memref<32x80x125xi32, #tpu.memory_space<hbm>>, %arg3: memref<125x8xf32, #tpu.memory_space<hbm>>, %arg4: memref<128x8xf32, #tpu.memory_space<hbm>>, %arg5: memref<2x10240x8xf32, #tpu.memory_space<hbm>>, %arg6: memref<80x125xi32, #tpu.memory_space<vmem>>, %arg7: memref<125x8xf32, #tpu.memory_space<vmem>>, %arg8: memref<128x8xf32, #tpu.memory_space<vmem>>, %arg9: memref<10240x8xf32, #tpu.memory_space<vmem_shared>>) attributes {dimension_semantics = [#tpu.dimension_semantics<core_parallel>, #tpu.dimension_semantics<subcore_parallel>], iteration_bounds = array<i64: 2, 16>, scalar_prefetch = 0 : i64, scratch_operands = 4 : i64, tpu.core_type = #tpu.core_type<sc_vector_subcore>, window_params = [{transform_indices = #map}, {transform_indices = #map1}, {transform_indices = #map1}, {transform_indices = #map}]} {
    "tpu.region"() ({
      %run_scoped3A = tpu.sem_alloc : memref<!tpu.dma_semaphore, #tpu.memory_space<semaphore_mem>>
      tpu.enqueue_dma source(%arg3 : memref<125x8xf32, #tpu.memory_space<hbm>>) target(%arg7 : memref<125x8xf32, #tpu.memory_space<vmem>>) target_semaphore(%run_scoped3A : memref<!tpu.dma_semaphore, #tpu.memory_space<semaphore_mem>>)
      tpu.wait_dma2 semaphore(%run_scoped3A : memref<!tpu.dma_semaphore, #tpu.memory_space<semaphore_mem>>) src(%arg3 : memref<125x8xf32, #tpu.memory_space<hbm>>) dst(%arg7 : memref<125x8xf32, #tpu.memory_space<vmem>>)
      tpu.yield
    }) : () -> ()
    "tpu.region"() ({
      %run_scoped3A = tpu.sem_alloc : memref<!tpu.dma_semaphore, #tpu.memory_space<semaphore_mem>>
      tpu.enqueue_dma source(%arg4 : memref<128x8xf32, #tpu.memory_space<hbm>>) target(%arg8 : memref<128x8xf32, #tpu.memory_space<vmem>>) target_semaphore(%run_scoped3A : memref<!tpu.dma_semaphore, #tpu.memory_space<semaphore_mem>>)
      tpu.wait_dma2 semaphore(%run_scoped3A : memref<!tpu.dma_semaphore, #tpu.memory_space<semaphore_mem>>) src(%arg4 : memref<128x8xf32, #tpu.memory_space<hbm>>) dst(%arg8 : memref<128x8xf32, #tpu.memory_space<vmem>>)
      tpu.yield
    }) : () -> ()
    %mul3A = arith.constant 640 : i32
    %mul3A_0 = arith.muli %arg1, %mul3A : i32
    %add3A = arith.constant 0 : i32
    %add3A_1 = arith.addi %mul3A_0, %add3A : i32
    "tpu.region"() ({
      %run_scoped3A = tpu.sem_alloc : memref<!tpu.dma_semaphore, #tpu.memory_space<semaphore_mem>>
      %dma_start3A = arith.constant 0 : i32
      %dma_start3A_48 = tpu.memref_slice %arg9[%add3A_1, %dma_start3A] : memref<10240x8xf32, #tpu.memory_space<vmem_shared>> -> memref<128x8xf32, #tpu.memory_space<vmem_shared>>
      %dma_start3A_49 = arith.constant 0 : i32
      %dma_start3A_50 = tpu.memref_slice %arg9[%add3A_1, %dma_start3A_49] : memref<10240x8xf32, #tpu.memory_space<vmem_shared>> -> memref<128x8xf32, #tpu.memory_space<vmem_shared>>
      tpu.enqueue_dma source(%arg8 : memref<128x8xf32, #tpu.memory_space<vmem>>) target(%dma_start3A_50 : memref<128x8xf32, #tpu.memory_space<vmem_shared>>) target_semaphore(%run_scoped3A : memref<!tpu.dma_semaphore, #tpu.memory_space<semaphore_mem>>)
      %dma_wait3A = arith.constant 0 : i32
      %dma_wait3A_51 = tpu.memref_slice %arg9[%add3A_1, %dma_wait3A] : memref<10240x8xf32, #tpu.memory_space<vmem_shared>> -> memref<128x8xf32, #tpu.memory_space<vmem_shared>>
      %dma_wait3A_52 = arith.constant 0 : i32
      %dma_wait3A_53 = tpu.memref_slice %arg9[%add3A_1, %dma_wait3A_52] : memref<10240x8xf32, #tpu.memory_space<vmem_shared>> -> memref<128x8xf32, #tpu.memory_space<vmem_shared>>
      tpu.wait_dma2 semaphore(%run_scoped3A : memref<!tpu.dma_semaphore, #tpu.memory_space<semaphore_mem>>) src(%arg8 : memref<128x8xf32, #tpu.memory_space<vmem>>) dst(%dma_wait3A_53 : memref<128x8xf32, #tpu.memory_space<vmem_shared>>)
      tpu.yield
    }) : () -> ()
    %mul3A_2 = arith.constant 640 : i32
    %mul3A_3 = arith.muli %arg1, %mul3A_2 : i32
    %add3A_4 = arith.constant 128 : i32
    %add3A_5 = arith.addi %mul3A_3, %add3A_4 : i32
    "tpu.region"() ({
      %run_scoped3A = tpu.sem_alloc : memref<!tpu.dma_semaphore, #tpu.memory_space<semaphore_mem>>
      %dma_start3A = arith.constant 0 : i32
      %dma_start3A_48 = tpu.memref_slice %arg9[%add3A_5, %dma_start3A] : memref<10240x8xf32, #tpu.memory_space<vmem_shared>> -> memref<128x8xf32, #tpu.memory_space<vmem_shared>>
      %dma_start3A_49 = arith.constant 0 : i32
      %dma_start3A_50 = tpu.memref_slice %arg9[%add3A_5, %dma_start3A_49] : memref<10240x8xf32, #tpu.memory_space<vmem_shared>> -> memref<128x8xf32, #tpu.memory_space<vmem_shared>>
      tpu.enqueue_dma source(%arg8 : memref<128x8xf32, #tpu.memory_space<vmem>>) target(%dma_start3A_50 : memref<128x8xf32, #tpu.memory_space<vmem_shared>>) target_semaphore(%run_scoped3A : memref<!tpu.dma_semaphore, #tpu.memory_space<semaphore_mem>>)
      %dma_wait3A = arith.constant 0 : i32
      %dma_wait3A_51 = tpu.memref_slice %arg9[%add3A_5, %dma_wait3A] : memref<10240x8xf32, #tpu.memory_space<vmem_shared>> -> memref<128x8xf32, #tpu.memory_space<vmem_shared>>
      %dma_wait3A_52 = arith.constant 0 : i32
      %dma_wait3A_53 = tpu.memref_slice %arg9[%add3A_5, %dma_wait3A_52] : memref<10240x8xf32, #tpu.memory_space<vmem_shared>> -> memref<128x8xf32, #tpu.memory_space<vmem_shared>>
      tpu.wait_dma2 semaphore(%run_scoped3A : memref<!tpu.dma_semaphore, #tpu.memory_space<semaphore_mem>>) src(%arg8 : memref<128x8xf32, #tpu.memory_space<vmem>>) dst(%dma_wait3A_53 : memref<128x8xf32, #tpu.memory_space<vmem_shared>>)
      tpu.yield
    }) : () -> ()
    %mul3A_6 = arith.constant 640 : i32
    %mul3A_7 = arith.muli %arg1, %mul3A_6 : i32
    %add3A_8 = arith.constant 256 : i32
    %add3A_9 = arith.addi %mul3A_7, %add3A_8 : i32
    "tpu.region"() ({
      %run_scoped3A = tpu.sem_alloc : memref<!tpu.dma_semaphore, #tpu.memory_space<semaphore_mem>>
      %dma_start3A = arith.constant 0 : i32
      %dma_start3A_48 = tpu.memref_slice %arg9[%add3A_9, %dma_start3A] : memref<10240x8xf32, #tpu.memory_space<vmem_shared>> -> memref<128x8xf32, #tpu.memory_space<vmem_shared>>
      %dma_start3A_49 = arith.constant 0 : i32
      %dma_start3A_50 = tpu.memref_slice %arg9[%add3A_9, %dma_start3A_49] : memref<10240x8xf32, #tpu.memory_space<vmem_shared>> -> memref<128x8xf32, #tpu.memory_space<vmem_shared>>
      tpu.enqueue_dma source(%arg8 : memref<128x8xf32, #tpu.memory_space<vmem>>) target(%dma_start3A_50 : memref<128x8xf32, #tpu.memory_space<vmem_shared>>) target_semaphore(%run_scoped3A : memref<!tpu.dma_semaphore, #tpu.memory_space<semaphore_mem>>)
      %dma_wait3A = arith.constant 0 : i32
      %dma_wait3A_51 = tpu.memref_slice %arg9[%add3A_9, %dma_wait3A] : memref<10240x8xf32, #tpu.memory_space<vmem_shared>> -> memref<128x8xf32, #tpu.memory_space<vmem_shared>>
      %dma_wait3A_52 = arith.constant 0 : i32
      %dma_wait3A_53 = tpu.memref_slice %arg9[%add3A_9, %dma_wait3A_52] : memref<10240x8xf32, #tpu.memory_space<vmem_shared>> -> memref<128x8xf32, #tpu.memory_space<vmem_shared>>
      tpu.wait_dma2 semaphore(%run_scoped3A : memref<!tpu.dma_semaphore, #tpu.memory_space<semaphore_mem>>) src(%arg8 : memref<128x8xf32, #tpu.memory_space<vmem>>) dst(%dma_wait3A_53 : memref<128x8xf32, #tpu.memory_space<vmem_shared>>)
      tpu.yield
    }) : () -> ()
    %mul3A_10 = arith.constant 640 : i32
    %mul3A_11 = arith.muli %arg1, %mul3A_10 : i32
    %add3A_12 = arith.constant 384 : i32
    %add3A_13 = arith.addi %mul3A_11, %add3A_12 : i32
    "tpu.region"() ({
      %run_scoped3A = tpu.sem_alloc : memref<!tpu.dma_semaphore, #tpu.memory_space<semaphore_mem>>
      %dma_start3A = arith.constant 0 : i32
      %dma_start3A_48 = tpu.memref_slice %arg9[%add3A_13, %dma_start3A] : memref<10240x8xf32, #tpu.memory_space<vmem_shared>> -> memref<128x8xf32, #tpu.memory_space<vmem_shared>>
      %dma_start3A_49 = arith.constant 0 : i32
      %dma_start3A_50 = tpu.memref_slice %arg9[%add3A_13, %dma_start3A_49] : memref<10240x8xf32, #tpu.memory_space<vmem_shared>> -> memref<128x8xf32, #tpu.memory_space<vmem_shared>>
      tpu.enqueue_dma source(%arg8 : memref<128x8xf32, #tpu.memory_space<vmem>>) target(%dma_start3A_50 : memref<128x8xf32, #tpu.memory_space<vmem_shared>>) target_semaphore(%run_scoped3A : memref<!tpu.dma_semaphore, #tpu.memory_space<semaphore_mem>>)
      %dma_wait3A = arith.constant 0 : i32
      %dma_wait3A_51 = tpu.memref_slice %arg9[%add3A_13, %dma_wait3A] : memref<10240x8xf32, #tpu.memory_space<vmem_shared>> -> memref<128x8xf32, #tpu.memory_space<vmem_shared>>
      %dma_wait3A_52 = arith.constant 0 : i32
      %dma_wait3A_53 = tpu.memref_slice %arg9[%add3A_13, %dma_wait3A_52] : memref<10240x8xf32, #tpu.memory_space<vmem_shared>> -> memref<128x8xf32, #tpu.memory_space<vmem_shared>>
      tpu.wait_dma2 semaphore(%run_scoped3A : memref<!tpu.dma_semaphore, #tpu.memory_space<semaphore_mem>>) src(%arg8 : memref<128x8xf32, #tpu.memory_space<vmem>>) dst(%dma_wait3A_53 : memref<128x8xf32, #tpu.memory_space<vmem_shared>>)
      tpu.yield
    }) : () -> ()
    %mul3A_14 = arith.constant 640 : i32
    %mul3A_15 = arith.muli %arg1, %mul3A_14 : i32
    %add3A_16 = arith.constant 512 : i32
    %add3A_17 = arith.addi %mul3A_15, %add3A_16 : i32
    "tpu.region"() ({
      %run_scoped3A = tpu.sem_alloc : memref<!tpu.dma_semaphore, #tpu.memory_space<semaphore_mem>>
      %dma_start3A = arith.constant 0 : i32
      %dma_start3A_48 = tpu.memref_slice %arg9[%add3A_17, %dma_start3A] : memref<10240x8xf32, #tpu.memory_space<vmem_shared>> -> memref<128x8xf32, #tpu.memory_space<vmem_shared>>
      %dma_start3A_49 = arith.constant 0 : i32
      %dma_start3A_50 = tpu.memref_slice %arg9[%add3A_17, %dma_start3A_49] : memref<10240x8xf32, #tpu.memory_space<vmem_shared>> -> memref<128x8xf32, #tpu.memory_space<vmem_shared>>
      tpu.enqueue_dma source(%arg8 : memref<128x8xf32, #tpu.memory_space<vmem>>) target(%dma_start3A_50 : memref<128x8xf32, #tpu.memory_space<vmem_shared>>) target_semaphore(%run_scoped3A : memref<!tpu.dma_semaphore, #tpu.memory_space<semaphore_mem>>)
      %dma_wait3A = arith.constant 0 : i32
      %dma_wait3A_51 = tpu.memref_slice %arg9[%add3A_17, %dma_wait3A] : memref<10240x8xf32, #tpu.memory_space<vmem_shared>> -> memref<128x8xf32, #tpu.memory_space<vmem_shared>>
      %dma_wait3A_52 = arith.constant 0 : i32
      %dma_wait3A_53 = tpu.memref_slice %arg9[%add3A_17, %dma_wait3A_52] : memref<10240x8xf32, #tpu.memory_space<vmem_shared>> -> memref<128x8xf32, #tpu.memory_space<vmem_shared>>
      tpu.wait_dma2 semaphore(%run_scoped3A : memref<!tpu.dma_semaphore, #tpu.memory_space<semaphore_mem>>) src(%arg8 : memref<128x8xf32, #tpu.memory_space<vmem>>) dst(%dma_wait3A_53 : memref<128x8xf32, #tpu.memory_space<vmem_shared>>)
      tpu.yield
    }) : () -> ()
    %barrier3A = arith.constant 0 : index
    tpu.barrier barrier_id(%barrier3A)
    %mul3A_18 = arith.constant 16 : i32
    %mul3A_19 = arith.muli %arg0, %mul3A_18 : i32
    %add3A_20 = arith.addi %mul3A_19, %arg1 : i32
    "tpu.region"() ({
      %run_scoped3A = tpu.sem_alloc : memref<!tpu.dma_semaphore, #tpu.memory_space<semaphore_mem>>
      %dma_start3A = arith.constant 0 : i32
      %dma_start3A_48 = arith.constant 0 : i32
      %dma_start3A_49 = tpu.memref_slice %arg2[%add3A_20, %dma_start3A, %dma_start3A_48] : memref<32x80x125xi32, #tpu.memory_space<hbm>> -> memref<1x80x125xi32, #tpu.memory_space<hbm>>
      %dma_start3A_50 = tpu.memref_squeeze %dma_start3A_49 : memref<1x80x125xi32, #tpu.memory_space<hbm>> -> memref<80x125xi32, #tpu.memory_space<hbm>>
      %dma_start3A_51 = arith.constant 0 : i32
      %dma_start3A_52 = arith.constant 0 : i32
      %dma_start3A_53 = tpu.memref_slice %arg2[%add3A_20, %dma_start3A_51, %dma_start3A_52] : memref<32x80x125xi32, #tpu.memory_space<hbm>> -> memref<1x80x125xi32, #tpu.memory_space<hbm>>
      %dma_start3A_54 = tpu.memref_squeeze %dma_start3A_53 : memref<1x80x125xi32, #tpu.memory_space<hbm>> -> memref<80x125xi32, #tpu.memory_space<hbm>>
      tpu.enqueue_dma source(%dma_start3A_54 : memref<80x125xi32, #tpu.memory_space<hbm>>) target(%arg6 : memref<80x125xi32, #tpu.memory_space<vmem>>) target_semaphore(%run_scoped3A : memref<!tpu.dma_semaphore, #tpu.memory_space<semaphore_mem>>)
      %dma_wait3A = arith.constant 0 : i32
      %dma_wait3A_55 = arith.constant 0 : i32
      %dma_wait3A_56 = tpu.memref_slice %arg2[%add3A_20, %dma_wait3A, %dma_wait3A_55] : memref<32x80x125xi32, #tpu.memory_space<hbm>> -> memref<1x80x125xi32, #tpu.memory_space<hbm>>
      %dma_wait3A_57 = tpu.memref_squeeze %dma_wait3A_56 : memref<1x80x125xi32, #tpu.memory_space<hbm>> -> memref<80x125xi32, #tpu.memory_space<hbm>>
      %dma_wait3A_58 = arith.constant 0 : i32
      %dma_wait3A_59 = arith.constant 0 : i32
      %dma_wait3A_60 = tpu.memref_slice %arg2[%add3A_20, %dma_wait3A_58, %dma_wait3A_59] : memref<32x80x125xi32, #tpu.memory_space<hbm>> -> memref<1x80x125xi32, #tpu.memory_space<hbm>>
      %dma_wait3A_61 = tpu.memref_squeeze %dma_wait3A_60 : memref<1x80x125xi32, #tpu.memory_space<hbm>> -> memref<80x125xi32, #tpu.memory_space<hbm>>
      tpu.wait_dma2 semaphore(%run_scoped3A : memref<!tpu.dma_semaphore, #tpu.memory_space<semaphore_mem>>) src(%dma_wait3A_61 : memref<80x125xi32, #tpu.memory_space<hbm>>) dst(%arg6 : memref<80x125xi32, #tpu.memory_space<vmem>>)
      tpu.yield
    }) : () -> ()
    %scan3A = arith.constant 0 : i32
    %scan3A_21 = arith.constant 0 : i32
    %scan3A_22 = arith.constant 80 : i32
    %scan3A_23 = arith.addi %scan3A_21, %scan3A_22 : i32
    %scan3A_24 = arith.constant 1 : i32
    %scan3A_25 = scf.for %scan3A_48 = %scan3A_21 to %scan3A_23 step %scan3A_24 iter_args(%scan3A_49 = %scan3A) -> (i32)  : i32 {
      "tpu.region"() ({
        %run_scoped3A = tpu.sem_alloc : memref<!tpu.dma_semaphore, #tpu.memory_space<semaphore_mem>>
        %dma_start3A = arith.constant 0 : i32
        %dma_start3A_51 = tpu.memref_slice %arg6[%scan3A_48, %dma_start3A] : memref<80x125xi32, #tpu.memory_space<vmem>> -> memref<1x125xi32, #tpu.memory_space<vmem>>
        %dma_start3A_52 = tpu.memref_squeeze %dma_start3A_51 : memref<1x125xi32, #tpu.memory_space<vmem>> -> memref<125xi32, #tpu.memory_space<vmem>>
        %dma_start3A_53 = arith.constant 0 : i32
        %dma_start3A_54 = arith.constant 0 : i32
        %dma_start3A_55 = tpu.memref_slice %arg9[%dma_start3A_53, %dma_start3A_54] : memref<10240x8xf32, #tpu.memory_space<vmem_shared>> -> memref<10240x8xf32, #tpu.memory_space<vmem_shared>>
        tpu.enqueue_indirect_dma source(%arg7 : memref<125x8xf32, #tpu.memory_space<vmem>>) target(%dma_start3A_55 : memref<10240x8xf32, #tpu.memory_space<vmem_shared>>) offsets(%dma_start3A_52 : memref<125xi32, #tpu.memory_space<vmem>>) semaphore(%run_scoped3A : memref<!tpu.dma_semaphore, #tpu.memory_space<semaphore_mem>>) {add = true}
        %dma_wait3A = arith.constant 0 : i32
        %dma_wait3A_56 = tpu.memref_slice %arg6[%scan3A_48, %dma_wait3A] : memref<80x125xi32, #tpu.memory_space<vmem>> -> memref<1x125xi32, #tpu.memory_space<vmem>>
        %dma_wait3A_57 = tpu.memref_squeeze %dma_wait3A_56 : memref<1x125xi32, #tpu.memory_space<vmem>> -> memref<125xi32, #tpu.memory_space<vmem>>
        %dma_wait3A_58 = arith.constant 0 : i32
        %dma_wait3A_59 = arith.constant 0 : i32
        %dma_wait3A_60 = tpu.memref_slice %arg9[%dma_wait3A_58, %dma_wait3A_59] : memref<10240x8xf32, #tpu.memory_space<vmem_shared>> -> memref<10240x8xf32, #tpu.memory_space<vmem_shared>>
        tpu.wait_indirect_dma semaphore(%run_scoped3A : memref<!tpu.dma_semaphore, #tpu.memory_space<semaphore_mem>>) src(%arg7 : memref<125x8xf32, #tpu.memory_space<vmem>>) dst(%dma_wait3A_60 : memref<10240x8xf32, #tpu.memory_space<vmem_shared>>)
        tpu.yield
      }) : () -> ()
      %scan3A_50 = arith.constant 0 : i32
      scf.yield %scan3A_50 : i32
    }
    %scan3A_26 = arith.constant 80 : i32
    %barrier3A_27 = arith.constant 0 : index
    tpu.barrier barrier_id(%barrier3A_27)
    %mul3A_28 = arith.constant 640 : i32
    %mul3A_29 = arith.muli %arg1, %mul3A_28 : i32
    %add3A_30 = arith.constant 0 : i32
    %add3A_31 = arith.addi %mul3A_29, %add3A_30 : i32
    "tpu.region"() ({
      %run_scoped3A = tpu.sem_alloc : memref<!tpu.dma_semaphore, #tpu.memory_space<semaphore_mem>>
      %dma_start3A = arith.constant 0 : i32
      %dma_start3A_48 = tpu.memref_slice %arg5[%arg0, %add3A_31, %dma_start3A] : memref<2x10240x8xf32, #tpu.memory_space<hbm>> -> memref<1x128x8xf32, #tpu.memory_space<hbm>>
      %dma_start3A_49 = tpu.memref_squeeze %dma_start3A_48 : memref<1x128x8xf32, #tpu.memory_space<hbm>> -> memref<128x8xf32, #tpu.memory_space<hbm>>
      %dma_start3A_50 = arith.constant 0 : i32
      %dma_start3A_51 = tpu.memref_slice %arg9[%add3A_31, %dma_start3A_50] : memref<10240x8xf32, #tpu.memory_space<vmem_shared>> -> memref<128x8xf32, #tpu.memory_space<vmem_shared>>
      tpu.enqueue_dma source(%dma_start3A_51 : memref<128x8xf32, #tpu.memory_space<vmem_shared>>) target(%dma_start3A_49 : memref<128x8xf32, #tpu.memory_space<hbm>>) target_semaphore(%run_scoped3A : memref<!tpu.dma_semaphore, #tpu.memory_space<semaphore_mem>>)
      %dma_wait3A = arith.constant 0 : i32
      %dma_wait3A_52 = tpu.memref_slice %arg5[%arg0, %add3A_31, %dma_wait3A] : memref<2x10240x8xf32, #tpu.memory_space<hbm>> -> memref<1x128x8xf32, #tpu.memory_space<hbm>>
      %dma_wait3A_53 = tpu.memref_squeeze %dma_wait3A_52 : memref<1x128x8xf32, #tpu.memory_space<hbm>> -> memref<128x8xf32, #tpu.memory_space<hbm>>
      %dma_wait3A_54 = arith.constant 0 : i32
      %dma_wait3A_55 = tpu.memref_slice %arg9[%add3A_31, %dma_wait3A_54] : memref<10240x8xf32, #tpu.memory_space<vmem_shared>> -> memref<128x8xf32, #tpu.memory_space<vmem_shared>>
      tpu.wait_dma2 semaphore(%run_scoped3A : memref<!tpu.dma_semaphore, #tpu.memory_space<semaphore_mem>>) src(%dma_wait3A_55 : memref<128x8xf32, #tpu.memory_space<vmem_shared>>) dst(%dma_wait3A_53 : memref<128x8xf32, #tpu.memory_space<hbm>>)
      tpu.yield
    }) : () -> ()
    %mul3A_32 = arith.constant 640 : i32
    %mul3A_33 = arith.muli %arg1, %mul3A_32 : i32
    %add3A_34 = arith.constant 128 : i32
    %add3A_35 = arith.addi %mul3A_33, %add3A_34 : i32
    "tpu.region"() ({
      %run_scoped3A = tpu.sem_alloc : memref<!tpu.dma_semaphore, #tpu.memory_space<semaphore_mem>>
      %dma_start3A = arith.constant 0 : i32
      %dma_start3A_48 = tpu.memref_slice %arg5[%arg0, %add3A_35, %dma_start3A] : memref<2x10240x8xf32, #tpu.memory_space<hbm>> -> memref<1x128x8xf32, #tpu.memory_space<hbm>>
      %dma_start3A_49 = tpu.memref_squeeze %dma_start3A_48 : memref<1x128x8xf32, #tpu.memory_space<hbm>> -> memref<128x8xf32, #tpu.memory_space<hbm>>
      %dma_start3A_50 = arith.constant 0 : i32
      %dma_start3A_51 = tpu.memref_slice %arg9[%add3A_35, %dma_start3A_50] : memref<10240x8xf32, #tpu.memory_space<vmem_shared>> -> memref<128x8xf32, #tpu.memory_space<vmem_shared>>
      tpu.enqueue_dma source(%dma_start3A_51 : memref<128x8xf32, #tpu.memory_space<vmem_shared>>) target(%dma_start3A_49 : memref<128x8xf32, #tpu.memory_space<hbm>>) target_semaphore(%run_scoped3A : memref<!tpu.dma_semaphore, #tpu.memory_space<semaphore_mem>>)
      %dma_wait3A = arith.constant 0 : i32
      %dma_wait3A_52 = tpu.memref_slice %arg5[%arg0, %add3A_35, %dma_wait3A] : memref<2x10240x8xf32, #tpu.memory_space<hbm>> -> memref<1x128x8xf32, #tpu.memory_space<hbm>>
      %dma_wait3A_53 = tpu.memref_squeeze %dma_wait3A_52 : memref<1x128x8xf32, #tpu.memory_space<hbm>> -> memref<128x8xf32, #tpu.memory_space<hbm>>
      %dma_wait3A_54 = arith.constant 0 : i32
      %dma_wait3A_55 = tpu.memref_slice %arg9[%add3A_35, %dma_wait3A_54] : memref<10240x8xf32, #tpu.memory_space<vmem_shared>> -> memref<128x8xf32, #tpu.memory_space<vmem_shared>>
      tpu.wait_dma2 semaphore(%run_scoped3A : memref<!tpu.dma_semaphore, #tpu.memory_space<semaphore_mem>>) src(%dma_wait3A_55 : memref<128x8xf32, #tpu.memory_space<vmem_shared>>) dst(%dma_wait3A_53 : memref<128x8xf32, #tpu.memory_space<hbm>>)
      tpu.yield
    }) : () -> ()
    %mul3A_36 = arith.constant 640 : i32
    %mul3A_37 = arith.muli %arg1, %mul3A_36 : i32
    %add3A_38 = arith.constant 256 : i32
    %add3A_39 = arith.addi %mul3A_37, %add3A_38 : i32
    "tpu.region"() ({
      %run_scoped3A = tpu.sem_alloc : memref<!tpu.dma_semaphore, #tpu.memory_space<semaphore_mem>>
      %dma_start3A = arith.constant 0 : i32
      %dma_start3A_48 = tpu.memref_slice %arg5[%arg0, %add3A_39, %dma_start3A] : memref<2x10240x8xf32, #tpu.memory_space<hbm>> -> memref<1x128x8xf32, #tpu.memory_space<hbm>>
      %dma_start3A_49 = tpu.memref_squeeze %dma_start3A_48 : memref<1x128x8xf32, #tpu.memory_space<hbm>> -> memref<128x8xf32, #tpu.memory_space<hbm>>
      %dma_start3A_50 = arith.constant 0 : i32
      %dma_start3A_51 = tpu.memref_slice %arg9[%add3A_39, %dma_start3A_50] : memref<10240x8xf32, #tpu.memory_space<vmem_shared>> -> memref<128x8xf32, #tpu.memory_space<vmem_shared>>
      tpu.enqueue_dma source(%dma_start3A_51 : memref<128x8xf32, #tpu.memory_space<vmem_shared>>) target(%dma_start3A_49 : memref<128x8xf32, #tpu.memory_space<hbm>>) target_semaphore(%run_scoped3A : memref<!tpu.dma_semaphore, #tpu.memory_space<semaphore_mem>>)
      %dma_wait3A = arith.constant 0 : i32
      %dma_wait3A_52 = tpu.memref_slice %arg5[%arg0, %add3A_39, %dma_wait3A] : memref<2x10240x8xf32, #tpu.memory_space<hbm>> -> memref<1x128x8xf32, #tpu.memory_space<hbm>>
      %dma_wait3A_53 = tpu.memref_squeeze %dma_wait3A_52 : memref<1x128x8xf32, #tpu.memory_space<hbm>> -> memref<128x8xf32, #tpu.memory_space<hbm>>
      %dma_wait3A_54 = arith.constant 0 : i32
      %dma_wait3A_55 = tpu.memref_slice %arg9[%add3A_39, %dma_wait3A_54] : memref<10240x8xf32, #tpu.memory_space<vmem_shared>> -> memref<128x8xf32, #tpu.memory_space<vmem_shared>>
      tpu.wait_dma2 semaphore(%run_scoped3A : memref<!tpu.dma_semaphore, #tpu.memory_space<semaphore_mem>>) src(%dma_wait3A_55 : memref<128x8xf32, #tpu.memory_space<vmem_shared>>) dst(%dma_wait3A_53 : memref<128x8xf32, #tpu.memory_space<hbm>>)
      tpu.yield
    }) : () -> ()
    %mul3A_40 = arith.constant 640 : i32
    %mul3A_41 = arith.muli %arg1, %mul3A_40 : i32
    %add3A_42 = arith.constant 384 : i32
    %add3A_43 = arith.addi %mul3A_41, %add3A_42 : i32
    "tpu.region"() ({
      %run_scoped3A = tpu.sem_alloc : memref<!tpu.dma_semaphore, #tpu.memory_space<semaphore_mem>>
      %dma_start3A = arith.constant 0 : i32
      %dma_start3A_48 = tpu.memref_slice %arg5[%arg0, %add3A_43, %dma_start3A] : memref<2x10240x8xf32, #tpu.memory_space<hbm>> -> memref<1x128x8xf32, #tpu.memory_space<hbm>>
      %dma_start3A_49 = tpu.memref_squeeze %dma_start3A_48 : memref<1x128x8xf32, #tpu.memory_space<hbm>> -> memref<128x8xf32, #tpu.memory_space<hbm>>
      %dma_start3A_50 = arith.constant 0 : i32
      %dma_start3A_51 = tpu.memref_slice %arg9[%add3A_43, %dma_start3A_50] : memref<10240x8xf32, #tpu.memory_space<vmem_shared>> -> memref<128x8xf32, #tpu.memory_space<vmem_shared>>
      tpu.enqueue_dma source(%dma_start3A_51 : memref<128x8xf32, #tpu.memory_space<vmem_shared>>) target(%dma_start3A_49 : memref<128x8xf32, #tpu.memory_space<hbm>>) target_semaphore(%run_scoped3A : memref<!tpu.dma_semaphore, #tpu.memory_space<semaphore_mem>>)
      %dma_wait3A = arith.constant 0 : i32
      %dma_wait3A_52 = tpu.memref_slice %arg5[%arg0, %add3A_43, %dma_wait3A] : memref<2x10240x8xf32, #tpu.memory_space<hbm>> -> memref<1x128x8xf32, #tpu.memory_space<hbm>>
      %dma_wait3A_53 = tpu.memref_squeeze %dma_wait3A_52 : memref<1x128x8xf32, #tpu.memory_space<hbm>> -> memref<128x8xf32, #tpu.memory_space<hbm>>
      %dma_wait3A_54 = arith.constant 0 : i32
      %dma_wait3A_55 = tpu.memref_slice %arg9[%add3A_43, %dma_wait3A_54] : memref<10240x8xf32, #tpu.memory_space<vmem_shared>> -> memref<128x8xf32, #tpu.memory_space<vmem_shared>>
      tpu.wait_dma2 semaphore(%run_scoped3A : memref<!tpu.dma_semaphore, #tpu.memory_space<semaphore_mem>>) src(%dma_wait3A_55 : memref<128x8xf32, #tpu.memory_space<vmem_shared>>) dst(%dma_wait3A_53 : memref<128x8xf32, #tpu.memory_space<hbm>>)
      tpu.yield
    }) : () -> ()
    %mul3A_44 = arith.constant 640 : i32
    %mul3A_45 = arith.muli %arg1, %mul3A_44 : i32
    %add3A_46 = arith.constant 512 : i32
    %add3A_47 = arith.addi %mul3A_45, %add3A_46 : i32
    "tpu.region"() ({
      %run_scoped3A = tpu.sem_alloc : memref<!tpu.dma_semaphore, #tpu.memory_space<semaphore_mem>>
      %dma_start3A = arith.constant 0 : i32
      %dma_start3A_48 = tpu.memref_slice %arg5[%arg0, %add3A_47, %dma_start3A] : memref<2x10240x8xf32, #tpu.memory_space<hbm>> -> memref<1x128x8xf32, #tpu.memory_space<hbm>>
      %dma_start3A_49 = tpu.memref_squeeze %dma_start3A_48 : memref<1x128x8xf32, #tpu.memory_space<hbm>> -> memref<128x8xf32, #tpu.memory_space<hbm>>
      %dma_start3A_50 = arith.constant 0 : i32
      %dma_start3A_51 = tpu.memref_slice %arg9[%add3A_47, %dma_start3A_50] : memref<10240x8xf32, #tpu.memory_space<vmem_shared>> -> memref<128x8xf32, #tpu.memory_space<vmem_shared>>
      tpu.enqueue_dma source(%dma_start3A_51 : memref<128x8xf32, #tpu.memory_space<vmem_shared>>) target(%dma_start3A_49 : memref<128x8xf32, #tpu.memory_space<hbm>>) target_semaphore(%run_scoped3A : memref<!tpu.dma_semaphore, #tpu.memory_space<semaphore_mem>>)
      %dma_wait3A = arith.constant 0 : i32
      %dma_wait3A_52 = tpu.memref_slice %arg5[%arg0, %add3A_47, %dma_wait3A] : memref<2x10240x8xf32, #tpu.memory_space<hbm>> -> memref<1x128x8xf32, #tpu.memory_space<hbm>>
      %dma_wait3A_53 = tpu.memref_squeeze %dma_wait3A_52 : memref<1x128x8xf32, #tpu.memory_space<hbm>> -> memref<128x8xf32, #tpu.memory_space<hbm>>
      %dma_wait3A_54 = arith.constant 0 : i32
      %dma_wait3A_55 = tpu.memref_slice %arg9[%add3A_47, %dma_wait3A_54] : memref<10240x8xf32, #tpu.memory_space<vmem_shared>> -> memref<128x8xf32, #tpu.memory_space<vmem_shared>>
      tpu.wait_dma2 semaphore(%run_scoped3A : memref<!tpu.dma_semaphore, #tpu.memory_space<semaphore_mem>>) src(%dma_wait3A_55 : memref<128x8xf32, #tpu.memory_space<vmem_shared>>) dst(%dma_wait3A_53 : memref<128x8xf32, #tpu.memory_space<hbm>>)
      tpu.yield
    }) : () -> ()
    return
  }
}

#map = affine_map<(d0, d1) -> (0, 0)>
#map1 = affine_map<(d0, d1) -> (0, 0, 0)>
#map2 = affine_map<(d0, d1) -> (0, 0, 0, 0)>
module attributes {stable_mosaic.version = 14 : i64} {
  func.func @_agg_kernel(%arg0: i32, %arg1: i32, %arg2: memref<10000x64xf32, #tpu.memory_space<hbm>>, %arg3: memref<10000x64xf32, #tpu.memory_space<hbm>>, %arg4: memref<32x80x125xi32, #tpu.memory_space<hbm>>, %arg5: memref<32x80x125xi32, #tpu.memory_space<hbm>>, %arg6: memref<2x2x10240x64xf32, #tpu.memory_space<hbm>>, %arg7: memref<80x125xi32, #tpu.memory_space<vmem>>, %arg8: memref<80x125xi32, #tpu.memory_space<vmem>>, %arg9: memref<125x64xf32, #tpu.memory_space<vmem>>, %arg10: memref<125x64xf32, #tpu.memory_space<vmem>>, %arg11: memref<125x64xf32, #tpu.memory_space<vmem>>, %arg12: memref<125x64xf32, #tpu.memory_space<vmem>>, %arg13: memref<128x64xf32, #tpu.memory_space<vmem>>, %arg14: memref<!tpu.dma_semaphore, #tpu.memory_space<semaphore_mem>>, %arg15: memref<!tpu.dma_semaphore, #tpu.memory_space<semaphore_mem>>, %arg16: memref<!tpu.dma_semaphore, #tpu.memory_space<semaphore_mem>>, %arg17: memref<!tpu.dma_semaphore, #tpu.memory_space<semaphore_mem>>, %arg18: memref<10240x64xf32, #tpu.memory_space<vmem_shared>>) attributes {dimension_semantics = [#tpu.dimension_semantics<core_parallel>, #tpu.dimension_semantics<subcore_parallel>], iteration_bounds = array<i64: 2, 16>, scalar_prefetch = 0 : i64, scratch_operands = 12 : i64, tpu.core_type = #tpu.core_type<sc_vector_subcore>, window_params = [{transform_indices = #map}, {transform_indices = #map}, {transform_indices = #map1}, {transform_indices = #map1}, {transform_indices = #map2}]} {
    %scan3A = arith.constant 0 : i32
    %scan3A_0 = arith.constant 0 : i32
    %scan3A_1 = arith.constant 512 : i32
    %scan3A_2 = arith.addi %scan3A_0, %scan3A_1 : i32
    %scan3A_3 = arith.constant 1 : i32
    %scan3A_4 = scf.for %scan3A_154 = %scan3A_0 to %scan3A_2 step %scan3A_3 iter_args(%scan3A_155 = %scan3A) -> (i32)  : i32 {
      %broadcast_in_dim3A = arith.constant 0.000000e+00 : f32
      %broadcast_in_dim3A_156 = vector.broadcast %broadcast_in_dim3A : f32 to vector<16xf32>
      %jit3A = arith.constant 4 : i32
      %div3A = arith.divsi %scan3A_154, %jit3A : i32
      %sign3A = arith.constant 0 : i32
      %sign3A_157 = arith.cmpi sgt, %scan3A_154, %sign3A : i32
      %sign3A_158 = arith.extui %sign3A_157 : i1 to i32
      %sign3A_159 = arith.constant 0 : i32
      %sign3A_160 = arith.cmpi slt, %scan3A_154, %sign3A_159 : i32
      %sign3A_161 = arith.extui %sign3A_160 : i1 to i32
      %sign3A_162 = arith.subi %sign3A_158, %sign3A_161 : i32
      %sign3A_163 = arith.constant 0 : i32
      %sign3A_164 = arith.cmpi sgt, %jit3A, %sign3A_163 : i32
      %sign3A_165 = arith.extui %sign3A_164 : i1 to i32
      %sign3A_166 = arith.constant 0 : i32
      %sign3A_167 = arith.cmpi slt, %jit3A, %sign3A_166 : i32
      %sign3A_168 = arith.extui %sign3A_167 : i1 to i32
      %sign3A_169 = arith.subi %sign3A_165, %sign3A_168 : i32
      %ne3A = arith.cmpi ne, %sign3A_162, %sign3A_169 : i32
      %rem3A = arith.remsi %scan3A_154, %jit3A : i32
      %ne3A_170 = arith.constant 0 : i32
      %ne3A_171 = arith.cmpi ne, %rem3A, %ne3A_170 : i32
      %and3A = arith.andi %ne3A, %ne3A_171 : i1
      %sub3A = arith.constant 1 : i32
      %sub3A_172 = arith.subi %div3A, %sub3A : i32
      %select_n3A = arith.select %and3A, %sub3A_172, %div3A : i32
      %jit3A_173 = arith.constant 4 : i32
      %eq3A = arith.constant 0 : i32
      %eq3A_174 = arith.cmpi eq, %jit3A_173, %eq3A : i32
      %jit3A_175 = arith.constant 1 : i32
      %select_n3A_176 = arith.select %eq3A_174, %jit3A_175, %jit3A_173 : i32
      %rem3A_177 = arith.remsi %scan3A_154, %select_n3A_176 : i32
      %ne3A_178 = arith.constant 0 : i32
      %ne3A_179 = arith.cmpi ne, %rem3A_177, %ne3A_178 : i32
      %lt3A = arith.constant 0 : i32
      %lt3A_180 = arith.cmpi slt, %rem3A_177, %lt3A : i32
      %lt3A_181 = arith.constant 0 : i32
      %lt3A_182 = arith.cmpi slt, %select_n3A_176, %lt3A_181 : i32
      %ne3A_183 = arith.xori %lt3A_180, %lt3A_182 : i1
      %and3A_184 = arith.andi %ne3A_183, %ne3A_179 : i1
      %add3A_185 = arith.addi %rem3A_177, %select_n3A_176 : i32
      %select_n3A_186 = arith.select %and3A_184, %add3A_185, %rem3A_177 : i32
      %mul3A_187 = arith.constant 16 : i32
      %mul3A_188 = arith.muli %select_n3A_186, %mul3A_187 : i32
      %swap3A = arith.index_cast %select_n3A : i32 to index
      %swap3A_189 = arith.index_cast %mul3A_188 : i32 to index
      %swap3A_190 = tpu.vector_load %arg13[%swap3A, %swap3A_189] {strides = array<i32>} : memref<128x64xf32, #tpu.memory_space<vmem>>, vector<1x16xf32>,
      %swap3A_191 = vector.shape_cast %swap3A_190 : vector<1x16xf32> to vector<16xf32>
      %swap3A_192 = vector.shape_cast %broadcast_in_dim3A_156 : vector<16xf32> to vector<1x16xf32>
      tpu.vector_store %arg13[%swap3A, %swap3A_189], %swap3A_192 {strides = array<i32>} : memref<128x64xf32, #tpu.memory_space<vmem>>, vector<1x16xf32>,
      %scan3A_193 = arith.constant 0 : i32
      scf.yield %scan3A_193 : i32
    }
    %scan3A_5 = arith.constant 512 : i32
    %mul3A = arith.constant 16 : i32
    %mul3A_6 = arith.muli %arg0, %mul3A : i32
    %add3A = arith.addi %mul3A_6, %arg1 : i32
    "tpu.region"() ({
      %run_scoped3A_154 = tpu.sem_alloc : memref<!tpu.dma_semaphore, #tpu.memory_space<semaphore_mem>>
      %dma_start3A_155 = arith.constant 0 : i32
      %dma_start3A_156 = arith.constant 0 : i32
      %dma_start3A_157 = tpu.memref_slice %arg4[%add3A, %dma_start3A_155, %dma_start3A_156] : memref<32x80x125xi32, #tpu.memory_space<hbm>> -> memref<1x80x125xi32, #tpu.memory_space<hbm>>
      %dma_start3A_158 = tpu.memref_squeeze %dma_start3A_157 : memref<1x80x125xi32, #tpu.memory_space<hbm>> -> memref<80x125xi32, #tpu.memory_space<hbm>>
      %dma_start3A_159 = arith.constant 0 : i32
      %dma_start3A_160 = arith.constant 0 : i32
      %dma_start3A_161 = tpu.memref_slice %arg4[%add3A, %dma_start3A_159, %dma_start3A_160] : memref<32x80x125xi32, #tpu.memory_space<hbm>> -> memref<1x80x125xi32, #tpu.memory_space<hbm>>
      %dma_start3A_162 = tpu.memref_squeeze %dma_start3A_161 : memref<1x80x125xi32, #tpu.memory_space<hbm>> -> memref<80x125xi32, #tpu.memory_space<hbm>>
      tpu.enqueue_dma source(%dma_start3A_162 : memref<80x125xi32, #tpu.memory_space<hbm>>) target(%arg7 : memref<80x125xi32, #tpu.memory_space<vmem>>) target_semaphore(%run_scoped3A_154 : memref<!tpu.dma_semaphore, #tpu.memory_space<semaphore_mem>>)
      %dma_wait3A = arith.constant 0 : i32
      %dma_wait3A_163 = arith.constant 0 : i32
      %dma_wait3A_164 = tpu.memref_slice %arg4[%add3A, %dma_wait3A, %dma_wait3A_163] : memref<32x80x125xi32, #tpu.memory_space<hbm>> -> memref<1x80x125xi32, #tpu.memory_space<hbm>>
      %dma_wait3A_165 = tpu.memref_squeeze %dma_wait3A_164 : memref<1x80x125xi32, #tpu.memory_space<hbm>> -> memref<80x125xi32, #tpu.memory_space<hbm>>
      %dma_wait3A_166 = arith.constant 0 : i32
      %dma_wait3A_167 = arith.constant 0 : i32
      %dma_wait3A_168 = tpu.memref_slice %arg4[%add3A, %dma_wait3A_166, %dma_wait3A_167] : memref<32x80x125xi32, #tpu.memory_space<hbm>> -> memref<1x80x125xi32, #tpu.memory_space<hbm>>
      %dma_wait3A_169 = tpu.memref_squeeze %dma_wait3A_168 : memref<1x80x125xi32, #tpu.memory_space<hbm>> -> memref<80x125xi32, #tpu.memory_space<hbm>>
      tpu.wait_dma2 semaphore(%run_scoped3A_154 : memref<!tpu.dma_semaphore, #tpu.memory_space<semaphore_mem>>) src(%dma_wait3A_169 : memref<80x125xi32, #tpu.memory_space<hbm>>) dst(%arg7 : memref<80x125xi32, #tpu.memory_space<vmem>>)
      tpu.yield
    }) : () -> ()
    "tpu.region"() ({
      %run_scoped3A_154 = tpu.sem_alloc : memref<!tpu.dma_semaphore, #tpu.memory_space<semaphore_mem>>
      %dma_start3A_155 = arith.constant 0 : i32
      %dma_start3A_156 = arith.constant 0 : i32
      %dma_start3A_157 = tpu.memref_slice %arg5[%add3A, %dma_start3A_155, %dma_start3A_156] : memref<32x80x125xi32, #tpu.memory_space<hbm>> -> memref<1x80x125xi32, #tpu.memory_space<hbm>>
      %dma_start3A_158 = tpu.memref_squeeze %dma_start3A_157 : memref<1x80x125xi32, #tpu.memory_space<hbm>> -> memref<80x125xi32, #tpu.memory_space<hbm>>
      %dma_start3A_159 = arith.constant 0 : i32
      %dma_start3A_160 = arith.constant 0 : i32
      %dma_start3A_161 = tpu.memref_slice %arg5[%add3A, %dma_start3A_159, %dma_start3A_160] : memref<32x80x125xi32, #tpu.memory_space<hbm>> -> memref<1x80x125xi32, #tpu.memory_space<hbm>>
      %dma_start3A_162 = tpu.memref_squeeze %dma_start3A_161 : memref<1x80x125xi32, #tpu.memory_space<hbm>> -> memref<80x125xi32, #tpu.memory_space<hbm>>
      tpu.enqueue_dma source(%dma_start3A_162 : memref<80x125xi32, #tpu.memory_space<hbm>>) target(%arg8 : memref<80x125xi32, #tpu.memory_space<vmem>>) target_semaphore(%run_scoped3A_154 : memref<!tpu.dma_semaphore, #tpu.memory_space<semaphore_mem>>)
      %dma_wait3A = arith.constant 0 : i32
      %dma_wait3A_163 = arith.constant 0 : i32
      %dma_wait3A_164 = tpu.memref_slice %arg5[%add3A, %dma_wait3A, %dma_wait3A_163] : memref<32x80x125xi32, #tpu.memory_space<hbm>> -> memref<1x80x125xi32, #tpu.memory_space<hbm>>
      %dma_wait3A_165 = tpu.memref_squeeze %dma_wait3A_164 : memref<1x80x125xi32, #tpu.memory_space<hbm>> -> memref<80x125xi32, #tpu.memory_space<hbm>>
      %dma_wait3A_166 = arith.constant 0 : i32
      %dma_wait3A_167 = arith.constant 0 : i32
      %dma_wait3A_168 = tpu.memref_slice %arg5[%add3A, %dma_wait3A_166, %dma_wait3A_167] : memref<32x80x125xi32, #tpu.memory_space<hbm>> -> memref<1x80x125xi32, #tpu.memory_space<hbm>>
      %dma_wait3A_169 = tpu.memref_squeeze %dma_wait3A_168 : memref<1x80x125xi32, #tpu.memory_space<hbm>> -> memref<80x125xi32, #tpu.memory_space<hbm>>
      tpu.wait_dma2 semaphore(%run_scoped3A_154 : memref<!tpu.dma_semaphore, #tpu.memory_space<semaphore_mem>>) src(%dma_wait3A_169 : memref<80x125xi32, #tpu.memory_space<hbm>>) dst(%arg8 : memref<80x125xi32, #tpu.memory_space<vmem>>)
      tpu.yield
    }) : () -> ()
    %mul3A_7 = arith.constant 640 : i32
    %mul3A_8 = arith.muli %arg1, %mul3A_7 : i32
    %add3A_9 = arith.constant 0 : i32
    %add3A_10 = arith.addi %mul3A_8, %add3A_9 : i32
    "tpu.region"() ({
      %run_scoped3A_154 = tpu.sem_alloc : memref<!tpu.dma_semaphore, #tpu.memory_space<semaphore_mem>>
      %dma_start3A_155 = arith.constant 0 : i32
      %dma_start3A_156 = tpu.memref_slice %arg18[%add3A_10, %dma_start3A_155] : memref<10240x64xf32, #tpu.memory_space<vmem_shared>> -> memref<128x64xf32, #tpu.memory_space<vmem_shared>>
      %dma_start3A_157 = arith.constant 0 : i32
      %dma_start3A_158 = tpu.memref_slice %arg18[%add3A_10, %dma_start3A_157] : memref<10240x64xf32, #tpu.memory_space<vmem_shared>> -> memref<128x64xf32, #tpu.memory_space<vmem_shared>>
      tpu.enqueue_dma source(%arg13 : memref<128x64xf32, #tpu.memory_space<vmem>>) target(%dma_start3A_158 : memref<128x64xf32, #tpu.memory_space<vmem_shared>>) target_semaphore(%run_scoped3A_154 : memref<!tpu.dma_semaphore, #tpu.memory_space<semaphore_mem>>)
      %dma_wait3A = arith.constant 0 : i32
      %dma_wait3A_159 = tpu.memref_slice %arg18[%add3A_10, %dma_wait3A] : memref<10240x64xf32, #tpu.memory_space<vmem_shared>> -> memref<128x64xf32, #tpu.memory_space<vmem_shared>>
      %dma_wait3A_160 = arith.constant 0 : i32
      %dma_wait3A_161 = tpu.memref_slice %arg18[%add3A_10, %dma_wait3A_160] : memref<10240x64xf32, #tpu.memory_space<vmem_shared>> -> memref<128x64xf32, #tpu.memory_space<vmem_shared>>
      tpu.wait_dma2 semaphore(%run_scoped3A_154 : memref<!tpu.dma_semaphore, #tpu.memory_space<semaphore_mem>>) src(%arg13 : memref<128x64xf32, #tpu.memory_space<vmem>>) dst(%dma_wait3A_161 : memref<128x64xf32, #tpu.memory_space<vmem_shared>>)
      tpu.yield
    }) : () -> ()
    %mul3A_11 = arith.constant 640 : i32
    %mul3A_12 = arith.muli %arg1, %mul3A_11 : i32
    %add3A_13 = arith.constant 128 : i32
    %add3A_14 = arith.addi %mul3A_12, %add3A_13 : i32
    "tpu.region"() ({
      %run_scoped3A_154 = tpu.sem_alloc : memref<!tpu.dma_semaphore, #tpu.memory_space<semaphore_mem>>
      %dma_start3A_155 = arith.constant 0 : i32
      %dma_start3A_156 = tpu.memref_slice %arg18[%add3A_14, %dma_start3A_155] : memref<10240x64xf32, #tpu.memory_space<vmem_shared>> -> memref<128x64xf32, #tpu.memory_space<vmem_shared>>
      %dma_start3A_157 = arith.constant 0 : i32
      %dma_start3A_158 = tpu.memref_slice %arg18[%add3A_14, %dma_start3A_157] : memref<10240x64xf32, #tpu.memory_space<vmem_shared>> -> memref<128x64xf32, #tpu.memory_space<vmem_shared>>
      tpu.enqueue_dma source(%arg13 : memref<128x64xf32, #tpu.memory_space<vmem>>) target(%dma_start3A_158 : memref<128x64xf32, #tpu.memory_space<vmem_shared>>) target_semaphore(%run_scoped3A_154 : memref<!tpu.dma_semaphore, #tpu.memory_space<semaphore_mem>>)
      %dma_wait3A = arith.constant 0 : i32
      %dma_wait3A_159 = tpu.memref_slice %arg18[%add3A_14, %dma_wait3A] : memref<10240x64xf32, #tpu.memory_space<vmem_shared>> -> memref<128x64xf32, #tpu.memory_space<vmem_shared>>
      %dma_wait3A_160 = arith.constant 0 : i32
      %dma_wait3A_161 = tpu.memref_slice %arg18[%add3A_14, %dma_wait3A_160] : memref<10240x64xf32, #tpu.memory_space<vmem_shared>> -> memref<128x64xf32, #tpu.memory_space<vmem_shared>>
      tpu.wait_dma2 semaphore(%run_scoped3A_154 : memref<!tpu.dma_semaphore, #tpu.memory_space<semaphore_mem>>) src(%arg13 : memref<128x64xf32, #tpu.memory_space<vmem>>) dst(%dma_wait3A_161 : memref<128x64xf32, #tpu.memory_space<vmem_shared>>)
      tpu.yield
    }) : () -> ()
    %mul3A_15 = arith.constant 640 : i32
    %mul3A_16 = arith.muli %arg1, %mul3A_15 : i32
    %add3A_17 = arith.constant 256 : i32
    %add3A_18 = arith.addi %mul3A_16, %add3A_17 : i32
    "tpu.region"() ({
      %run_scoped3A_154 = tpu.sem_alloc : memref<!tpu.dma_semaphore, #tpu.memory_space<semaphore_mem>>
      %dma_start3A_155 = arith.constant 0 : i32
      %dma_start3A_156 = tpu.memref_slice %arg18[%add3A_18, %dma_start3A_155] : memref<10240x64xf32, #tpu.memory_space<vmem_shared>> -> memref<128x64xf32, #tpu.memory_space<vmem_shared>>
      %dma_start3A_157 = arith.constant 0 : i32
      %dma_start3A_158 = tpu.memref_slice %arg18[%add3A_18, %dma_start3A_157] : memref<10240x64xf32, #tpu.memory_space<vmem_shared>> -> memref<128x64xf32, #tpu.memory_space<vmem_shared>>
      tpu.enqueue_dma source(%arg13 : memref<128x64xf32, #tpu.memory_space<vmem>>) target(%dma_start3A_158 : memref<128x64xf32, #tpu.memory_space<vmem_shared>>) target_semaphore(%run_scoped3A_154 : memref<!tpu.dma_semaphore, #tpu.memory_space<semaphore_mem>>)
      %dma_wait3A = arith.constant 0 : i32
      %dma_wait3A_159 = tpu.memref_slice %arg18[%add3A_18, %dma_wait3A] : memref<10240x64xf32, #tpu.memory_space<vmem_shared>> -> memref<128x64xf32, #tpu.memory_space<vmem_shared>>
      %dma_wait3A_160 = arith.constant 0 : i32
      %dma_wait3A_161 = tpu.memref_slice %arg18[%add3A_18, %dma_wait3A_160] : memref<10240x64xf32, #tpu.memory_space<vmem_shared>> -> memref<128x64xf32, #tpu.memory_space<vmem_shared>>
      tpu.wait_dma2 semaphore(%run_scoped3A_154 : memref<!tpu.dma_semaphore, #tpu.memory_space<semaphore_mem>>) src(%arg13 : memref<128x64xf32, #tpu.memory_space<vmem>>) dst(%dma_wait3A_161 : memref<128x64xf32, #tpu.memory_space<vmem_shared>>)
      tpu.yield
    }) : () -> ()
    %mul3A_19 = arith.constant 640 : i32
    %mul3A_20 = arith.muli %arg1, %mul3A_19 : i32
    %add3A_21 = arith.constant 384 : i32
    %add3A_22 = arith.addi %mul3A_20, %add3A_21 : i32
    "tpu.region"() ({
      %run_scoped3A_154 = tpu.sem_alloc : memref<!tpu.dma_semaphore, #tpu.memory_space<semaphore_mem>>
      %dma_start3A_155 = arith.constant 0 : i32
      %dma_start3A_156 = tpu.memref_slice %arg18[%add3A_22, %dma_start3A_155] : memref<10240x64xf32, #tpu.memory_space<vmem_shared>> -> memref<128x64xf32, #tpu.memory_space<vmem_shared>>
      %dma_start3A_157 = arith.constant 0 : i32
      %dma_start3A_158 = tpu.memref_slice %arg18[%add3A_22, %dma_start3A_157] : memref<10240x64xf32, #tpu.memory_space<vmem_shared>> -> memref<128x64xf32, #tpu.memory_space<vmem_shared>>
      tpu.enqueue_dma source(%arg13 : memref<128x64xf32, #tpu.memory_space<vmem>>) target(%dma_start3A_158 : memref<128x64xf32, #tpu.memory_space<vmem_shared>>) target_semaphore(%run_scoped3A_154 : memref<!tpu.dma_semaphore, #tpu.memory_space<semaphore_mem>>)
      %dma_wait3A = arith.constant 0 : i32
      %dma_wait3A_159 = tpu.memref_slice %arg18[%add3A_22, %dma_wait3A] : memref<10240x64xf32, #tpu.memory_space<vmem_shared>> -> memref<128x64xf32, #tpu.memory_space<vmem_shared>>
      %dma_wait3A_160 = arith.constant 0 : i32
      %dma_wait3A_161 = tpu.memref_slice %arg18[%add3A_22, %dma_wait3A_160] : memref<10240x64xf32, #tpu.memory_space<vmem_shared>> -> memref<128x64xf32, #tpu.memory_space<vmem_shared>>
      tpu.wait_dma2 semaphore(%run_scoped3A_154 : memref<!tpu.dma_semaphore, #tpu.memory_space<semaphore_mem>>) src(%arg13 : memref<128x64xf32, #tpu.memory_space<vmem>>) dst(%dma_wait3A_161 : memref<128x64xf32, #tpu.memory_space<vmem_shared>>)
      tpu.yield
    }) : () -> ()
    %mul3A_23 = arith.constant 640 : i32
    %mul3A_24 = arith.muli %arg1, %mul3A_23 : i32
    %add3A_25 = arith.constant 512 : i32
    %add3A_26 = arith.addi %mul3A_24, %add3A_25 : i32
    "tpu.region"() ({
      %run_scoped3A_154 = tpu.sem_alloc : memref<!tpu.dma_semaphore, #tpu.memory_space<semaphore_mem>>
      %dma_start3A_155 = arith.constant 0 : i32
      %dma_start3A_156 = tpu.memref_slice %arg18[%add3A_26, %dma_start3A_155] : memref<10240x64xf32, #tpu.memory_space<vmem_shared>> -> memref<128x64xf32, #tpu.memory_space<vmem_shared>>
      %dma_start3A_157 = arith.constant 0 : i32
      %dma_start3A_158 = tpu.memref_slice %arg18[%add3A_26, %dma_start3A_157] : memref<10240x64xf32, #tpu.memory_space<vmem_shared>> -> memref<128x64xf32, #tpu.memory_space<vmem_shared>>
      tpu.enqueue_dma source(%arg13 : memref<128x64xf32, #tpu.memory_space<vmem>>) target(%dma_start3A_158 : memref<128x64xf32, #tpu.memory_space<vmem_shared>>) target_semaphore(%run_scoped3A_154 : memref<!tpu.dma_semaphore, #tpu.memory_space<semaphore_mem>>)
      %dma_wait3A = arith.constant 0 : i32
      %dma_wait3A_159 = tpu.memref_slice %arg18[%add3A_26, %dma_wait3A] : memref<10240x64xf32, #tpu.memory_space<vmem_shared>> -> memref<128x64xf32, #tpu.memory_space<vmem_shared>>
      %dma_wait3A_160 = arith.constant 0 : i32
      %dma_wait3A_161 = tpu.memref_slice %arg18[%add3A_26, %dma_wait3A_160] : memref<10240x64xf32, #tpu.memory_space<vmem_shared>> -> memref<128x64xf32, #tpu.memory_space<vmem_shared>>
      tpu.wait_dma2 semaphore(%run_scoped3A_154 : memref<!tpu.dma_semaphore, #tpu.memory_space<semaphore_mem>>) src(%arg13 : memref<128x64xf32, #tpu.memory_space<vmem>>) dst(%dma_wait3A_161 : memref<128x64xf32, #tpu.memory_space<vmem_shared>>)
      tpu.yield
    }) : () -> ()
    %barrier3A = arith.constant 0 : index
    tpu.barrier barrier_id(%barrier3A)
    %dma_start3A = arith.constant 0 : i32
    %dma_start3A_27 = arith.constant 0 : i32
    %dma_start3A_28 = tpu.memref_slice %arg7[%dma_start3A, %dma_start3A_27] : memref<80x125xi32, #tpu.memory_space<vmem>> -> memref<1x125xi32, #tpu.memory_space<vmem>>
    %dma_start3A_29 = tpu.memref_squeeze %dma_start3A_28 : memref<1x125xi32, #tpu.memory_space<vmem>> -> memref<125xi32, #tpu.memory_space<vmem>>
    %dma_start3A_30 = arith.constant 0 : i32
    %dma_start3A_31 = arith.constant 0 : i32
    %dma_start3A_32 = tpu.memref_slice %arg2[%dma_start3A_30, %dma_start3A_31] : memref<10000x64xf32, #tpu.memory_space<hbm>> -> memref<10000x64xf32, #tpu.memory_space<hbm>>
    tpu.enqueue_indirect_dma source(%dma_start3A_32 : memref<10000x64xf32, #tpu.memory_space<hbm>>) target(%arg9 : memref<125x64xf32, #tpu.memory_space<vmem>>) offsets(%dma_start3A_29 : memref<125xi32, #tpu.memory_space<vmem>>) semaphore(%arg14 : memref<!tpu.dma_semaphore, #tpu.memory_space<semaphore_mem>>)
    %dma_start3A_33 = arith.constant 1 : i32
    %dma_start3A_34 = arith.constant 0 : i32
    %dma_start3A_35 = tpu.memref_slice %arg7[%dma_start3A_33, %dma_start3A_34] : memref<80x125xi32, #tpu.memory_space<vmem>> -> memref<1x125xi32, #tpu.memory_space<vmem>>
    %dma_start3A_36 = tpu.memref_squeeze %dma_start3A_35 : memref<1x125xi32, #tpu.memory_space<vmem>> -> memref<125xi32, #tpu.memory_space<vmem>>
    %dma_start3A_37 = arith.constant 0 : i32
    %dma_start3A_38 = arith.constant 0 : i32
    %dma_start3A_39 = tpu.memref_slice %arg2[%dma_start3A_37, %dma_start3A_38] : memref<10000x64xf32, #tpu.memory_space<hbm>> -> memref<10000x64xf32, #tpu.memory_space<hbm>>
    tpu.enqueue_indirect_dma source(%dma_start3A_39 : memref<10000x64xf32, #tpu.memory_space<hbm>>) target(%arg10 : memref<125x64xf32, #tpu.memory_space<vmem>>) offsets(%dma_start3A_36 : memref<125xi32, #tpu.memory_space<vmem>>) semaphore(%arg15 : memref<!tpu.dma_semaphore, #tpu.memory_space<semaphore_mem>>)
    %dma_start3A_40 = arith.constant 2 : i32
    %dma_start3A_41 = arith.constant 0 : i32
    %dma_start3A_42 = tpu.memref_slice %arg7[%dma_start3A_40, %dma_start3A_41] : memref<80x125xi32, #tpu.memory_space<vmem>> -> memref<1x125xi32, #tpu.memory_space<vmem>>
    %dma_start3A_43 = tpu.memref_squeeze %dma_start3A_42 : memref<1x125xi32, #tpu.memory_space<vmem>> -> memref<125xi32, #tpu.memory_space<vmem>>
    %dma_start3A_44 = arith.constant 0 : i32
    %dma_start3A_45 = arith.constant 0 : i32
    %dma_start3A_46 = tpu.memref_slice %arg2[%dma_start3A_44, %dma_start3A_45] : memref<10000x64xf32, #tpu.memory_space<hbm>> -> memref<10000x64xf32, #tpu.memory_space<hbm>>
    tpu.enqueue_indirect_dma source(%dma_start3A_46 : memref<10000x64xf32, #tpu.memory_space<hbm>>) target(%arg11 : memref<125x64xf32, #tpu.memory_space<vmem>>) offsets(%dma_start3A_43 : memref<125xi32, #tpu.memory_space<vmem>>) semaphore(%arg16 : memref<!tpu.dma_semaphore, #tpu.memory_space<semaphore_mem>>)
    %scan3A_47 = arith.constant 0 : i32
    %scan3A_48 = arith.constant 0 : i32
    %scan3A_49 = arith.constant 20 : i32
    %scan3A_50 = arith.addi %scan3A_48, %scan3A_49 : i32
    %scan3A_51 = arith.constant 1 : i32
    %scan3A_52 = scf.for %scan3A_154 = %scan3A_48 to %scan3A_50 step %scan3A_51 iter_args(%scan3A_155 = %scan3A_47) -> (i32)  : i32 {
      %mul3A_156 = arith.constant 4 : i32
      %mul3A_157 = arith.muli %mul3A_156, %scan3A_154 : i32
      %add3A_158 = arith.constant 0 : i32
      %add3A_159 = arith.addi %mul3A_157, %add3A_158 : i32
      %dma_wait3A = arith.constant 0 : i32
      %dma_wait3A_160 = tpu.memref_slice %arg7[%add3A_159, %dma_wait3A] : memref<80x125xi32, #tpu.memory_space<vmem>> -> memref<1x125xi32, #tpu.memory_space<vmem>>
      %dma_wait3A_161 = tpu.memref_squeeze %dma_wait3A_160 : memref<1x125xi32, #tpu.memory_space<vmem>> -> memref<125xi32, #tpu.memory_space<vmem>>
      %dma_wait3A_162 = arith.constant 0 : i32
      %dma_wait3A_163 = arith.constant 0 : i32
      %dma_wait3A_164 = tpu.memref_slice %arg2[%dma_wait3A_162, %dma_wait3A_163] : memref<10000x64xf32, #tpu.memory_space<hbm>> -> memref<10000x64xf32, #tpu.memory_space<hbm>>
      tpu.wait_indirect_dma semaphore(%arg14 : memref<!tpu.dma_semaphore, #tpu.memory_space<semaphore_mem>>) src(%dma_wait3A_164 : memref<10000x64xf32, #tpu.memory_space<hbm>>) dst(%arg9 : memref<125x64xf32, #tpu.memory_space<vmem>>)
      %add3A_165 = arith.constant 4 : i32
      %add3A_166 = arith.addi %add3A_159, %add3A_165 : i32
      %sub3A = arith.constant 1 : i32
      %sub3A_167 = arith.subi %add3A_166, %sub3A : i32
      %lt3A = arith.constant 80 : i32
      %lt3A_168 = arith.cmpi slt, %sub3A_167, %lt3A : i32
      %convert_element_type3A = arith.extui %lt3A_168 : i1 to i32
      %cond3A = arith.constant 0 : i32
      %cond3A_169 = arith.cmpi ne, %convert_element_type3A, %cond3A : i32
      scf.if %cond3A_169 {
        %add3A_228 = arith.constant 4 : i32
        %add3A_229 = arith.addi %add3A_159, %add3A_228 : i32
        %sub3A_230 = arith.constant 1 : i32
        %sub3A_231 = arith.subi %add3A_229, %sub3A_230 : i32
        %dma_start3A_232 = arith.constant 0 : i32
        %dma_start3A_233 = tpu.memref_slice %arg7[%sub3A_231, %dma_start3A_232] : memref<80x125xi32, #tpu.memory_space<vmem>> -> memref<1x125xi32, #tpu.memory_space<vmem>>
        %dma_start3A_234 = tpu.memref_squeeze %dma_start3A_233 : memref<1x125xi32, #tpu.memory_space<vmem>> -> memref<125xi32, #tpu.memory_space<vmem>>
        %dma_start3A_235 = arith.constant 0 : i32
        %dma_start3A_236 = arith.constant 0 : i32
        %dma_start3A_237 = tpu.memref_slice %arg2[%dma_start3A_235, %dma_start3A_236] : memref<10000x64xf32, #tpu.memory_space<hbm>> -> memref<10000x64xf32, #tpu.memory_space<hbm>>
        tpu.enqueue_indirect_dma source(%dma_start3A_237 : memref<10000x64xf32, #tpu.memory_space<hbm>>) target(%arg12 : memref<125x64xf32, #tpu.memory_space<vmem>>) offsets(%dma_start3A_234 : memref<125xi32, #tpu.memory_space<vmem>>) semaphore(%arg17 : memref<!tpu.dma_semaphore, #tpu.memory_space<semaphore_mem>>)
      } else {
      }
      "tpu.region"() ({
        %run_scoped3A_228 = tpu.sem_alloc : memref<!tpu.dma_semaphore, #tpu.memory_space<semaphore_mem>>
        %dma_start3A_229 = arith.constant 0 : i32
        %dma_start3A_230 = tpu.memref_slice %arg8[%add3A_159, %dma_start3A_229] : memref<80x125xi32, #tpu.memory_space<vmem>> -> memref<1x125xi32, #tpu.memory_space<vmem>>
        %dma_start3A_231 = tpu.memref_squeeze %dma_start3A_230 : memref<1x125xi32, #tpu.memory_space<vmem>> -> memref<125xi32, #tpu.memory_space<vmem>>
        %dma_start3A_232 = arith.constant 0 : i32
        %dma_start3A_233 = arith.constant 0 : i32
        %dma_start3A_234 = tpu.memref_slice %arg18[%dma_start3A_232, %dma_start3A_233] : memref<10240x64xf32, #tpu.memory_space<vmem_shared>> -> memref<10240x64xf32, #tpu.memory_space<vmem_shared>>
        tpu.enqueue_indirect_dma source(%arg9 : memref<125x64xf32, #tpu.memory_space<vmem>>) target(%dma_start3A_234 : memref<10240x64xf32, #tpu.memory_space<vmem_shared>>) offsets(%dma_start3A_231 : memref<125xi32, #tpu.memory_space<vmem>>) semaphore(%run_scoped3A_228 : memref<!tpu.dma_semaphore, #tpu.memory_space<semaphore_mem>>) {add = true}
        %dma_wait3A_235 = arith.constant 0 : i32
        %dma_wait3A_236 = tpu.memref_slice %arg8[%add3A_159, %dma_wait3A_235] : memref<80x125xi32, #tpu.memory_space<vmem>> -> memref<1x125xi32, #tpu.memory_space<vmem>>
        %dma_wait3A_237 = tpu.memref_squeeze %dma_wait3A_236 : memref<1x125xi32, #tpu.memory_space<vmem>> -> memref<125xi32, #tpu.memory_space<vmem>>
        %dma_wait3A_238 = arith.constant 0 : i32
        %dma_wait3A_239 = arith.constant 0 : i32
        %dma_wait3A_240 = tpu.memref_slice %arg18[%dma_wait3A_238, %dma_wait3A_239] : memref<10240x64xf32, #tpu.memory_space<vmem_shared>> -> memref<10240x64xf32, #tpu.memory_space<vmem_shared>>
        tpu.wait_indirect_dma semaphore(%run_scoped3A_228 : memref<!tpu.dma_semaphore, #tpu.memory_space<semaphore_mem>>) src(%arg9 : memref<125x64xf32, #tpu.memory_space<vmem>>) dst(%dma_wait3A_240 : memref<10240x64xf32, #tpu.memory_space<vmem_shared>>)
        tpu.yield
      }) : () -> ()
      %mul3A_170 = arith.constant 4 : i32
      %mul3A_171 = arith.muli %mul3A_170, %scan3A_154 : i32
      %add3A_172 = arith.constant 1 : i32
      %add3A_173 = arith.addi %mul3A_171, %add3A_172 : i32
      %dma_wait3A_174 = arith.constant 0 : i32
      %dma_wait3A_175 = tpu.memref_slice %arg7[%add3A_173, %dma_wait3A_174] : memref<80x125xi32, #tpu.memory_space<vmem>> -> memref<1x125xi32, #tpu.memory_space<vmem>>
      %dma_wait3A_176 = tpu.memref_squeeze %dma_wait3A_175 : memref<1x125xi32, #tpu.memory_space<vmem>> -> memref<125xi32, #tpu.memory_space<vmem>>
      %dma_wait3A_177 = arith.constant 0 : i32
      %dma_wait3A_178 = arith.constant 0 : i32
      %dma_wait3A_179 = tpu.memref_slice %arg2[%dma_wait3A_177, %dma_wait3A_178] : memref<10000x64xf32, #tpu.memory_space<hbm>> -> memref<10000x64xf32, #tpu.memory_space<hbm>>
      tpu.wait_indirect_dma semaphore(%arg15 : memref<!tpu.dma_semaphore, #tpu.memory_space<semaphore_mem>>) src(%dma_wait3A_179 : memref<10000x64xf32, #tpu.memory_space<hbm>>) dst(%arg10 : memref<125x64xf32, #tpu.memory_space<vmem>>)
      %add3A_180 = arith.constant 4 : i32
      %add3A_181 = arith.addi %add3A_173, %add3A_180 : i32
      %sub3A_182 = arith.constant 1 : i32
      %sub3A_183 = arith.subi %add3A_181, %sub3A_182 : i32
      %lt3A_184 = arith.constant 80 : i32
      %lt3A_185 = arith.cmpi slt, %sub3A_183, %lt3A_184 : i32
      %convert_element_type3A_186 = arith.extui %lt3A_185 : i1 to i32
      %cond3A_187 = arith.constant 0 : i32
      %cond3A_188 = arith.cmpi ne, %convert_element_type3A_186, %cond3A_187 : i32
      scf.if %cond3A_188 {
        %add3A_228 = arith.constant 4 : i32
        %add3A_229 = arith.addi %add3A_173, %add3A_228 : i32
        %sub3A_230 = arith.constant 1 : i32
        %sub3A_231 = arith.subi %add3A_229, %sub3A_230 : i32
        %dma_start3A_232 = arith.constant 0 : i32
        %dma_start3A_233 = tpu.memref_slice %arg7[%sub3A_231, %dma_start3A_232] : memref<80x125xi32, #tpu.memory_space<vmem>> -> memref<1x125xi32, #tpu.memory_space<vmem>>
        %dma_start3A_234 = tpu.memref_squeeze %dma_start3A_233 : memref<1x125xi32, #tpu.memory_space<vmem>> -> memref<125xi32, #tpu.memory_space<vmem>>
        %dma_start3A_235 = arith.constant 0 : i32
        %dma_start3A_236 = arith.constant 0 : i32
        %dma_start3A_237 = tpu.memref_slice %arg2[%dma_start3A_235, %dma_start3A_236] : memref<10000x64xf32, #tpu.memory_space<hbm>> -> memref<10000x64xf32, #tpu.memory_space<hbm>>
        tpu.enqueue_indirect_dma source(%dma_start3A_237 : memref<10000x64xf32, #tpu.memory_space<hbm>>) target(%arg9 : memref<125x64xf32, #tpu.memory_space<vmem>>) offsets(%dma_start3A_234 : memref<125xi32, #tpu.memory_space<vmem>>) semaphore(%arg14 : memref<!tpu.dma_semaphore, #tpu.memory_space<semaphore_mem>>)
      } else {
      }
      "tpu.region"() ({
        %run_scoped3A_228 = tpu.sem_alloc : memref<!tpu.dma_semaphore, #tpu.memory_space<semaphore_mem>>
        %dma_start3A_229 = arith.constant 0 : i32
        %dma_start3A_230 = tpu.memref_slice %arg8[%add3A_173, %dma_start3A_229] : memref<80x125xi32, #tpu.memory_space<vmem>> -> memref<1x125xi32, #tpu.memory_space<vmem>>
        %dma_start3A_231 = tpu.memref_squeeze %dma_start3A_230 : memref<1x125xi32, #tpu.memory_space<vmem>> -> memref<125xi32, #tpu.memory_space<vmem>>
        %dma_start3A_232 = arith.constant 0 : i32
        %dma_start3A_233 = arith.constant 0 : i32
        %dma_start3A_234 = tpu.memref_slice %arg18[%dma_start3A_232, %dma_start3A_233] : memref<10240x64xf32, #tpu.memory_space<vmem_shared>> -> memref<10240x64xf32, #tpu.memory_space<vmem_shared>>
        tpu.enqueue_indirect_dma source(%arg10 : memref<125x64xf32, #tpu.memory_space<vmem>>) target(%dma_start3A_234 : memref<10240x64xf32, #tpu.memory_space<vmem_shared>>) offsets(%dma_start3A_231 : memref<125xi32, #tpu.memory_space<vmem>>) semaphore(%run_scoped3A_228 : memref<!tpu.dma_semaphore, #tpu.memory_space<semaphore_mem>>) {add = true}
        %dma_wait3A_235 = arith.constant 0 : i32
        %dma_wait3A_236 = tpu.memref_slice %arg8[%add3A_173, %dma_wait3A_235] : memref<80x125xi32, #tpu.memory_space<vmem>> -> memref<1x125xi32, #tpu.memory_space<vmem>>
        %dma_wait3A_237 = tpu.memref_squeeze %dma_wait3A_236 : memref<1x125xi32, #tpu.memory_space<vmem>> -> memref<125xi32, #tpu.memory_space<vmem>>
        %dma_wait3A_238 = arith.constant 0 : i32
        %dma_wait3A_239 = arith.constant 0 : i32
        %dma_wait3A_240 = tpu.memref_slice %arg18[%dma_wait3A_238, %dma_wait3A_239] : memref<10240x64xf32, #tpu.memory_space<vmem_shared>> -> memref<10240x64xf32, #tpu.memory_space<vmem_shared>>
        tpu.wait_indirect_dma semaphore(%run_scoped3A_228 : memref<!tpu.dma_semaphore, #tpu.memory_space<semaphore_mem>>) src(%arg10 : memref<125x64xf32, #tpu.memory_space<vmem>>) dst(%dma_wait3A_240 : memref<10240x64xf32, #tpu.memory_space<vmem_shared>>)
        tpu.yield
      }) : () -> ()
      %mul3A_189 = arith.constant 4 : i32
      %mul3A_190 = arith.muli %mul3A_189, %scan3A_154 : i32
      %add3A_191 = arith.constant 2 : i32
      %add3A_192 = arith.addi %mul3A_190, %add3A_191 : i32
      %dma_wait3A_193 = arith.constant 0 : i32
      %dma_wait3A_194 = tpu.memref_slice %arg7[%add3A_192, %dma_wait3A_193] : memref<80x125xi32, #tpu.memory_space<vmem>> -> memref<1x125xi32, #tpu.memory_space<vmem>>
      %dma_wait3A_195 = tpu.memref_squeeze %dma_wait3A_194 : memref<1x125xi32, #tpu.memory_space<vmem>> -> memref<125xi32, #tpu.memory_space<vmem>>
      %dma_wait3A_196 = arith.constant 0 : i32
      %dma_wait3A_197 = arith.constant 0 : i32
      %dma_wait3A_198 = tpu.memref_slice %arg2[%dma_wait3A_196, %dma_wait3A_197] : memref<10000x64xf32, #tpu.memory_space<hbm>> -> memref<10000x64xf32, #tpu.memory_space<hbm>>
      tpu.wait_indirect_dma semaphore(%arg16 : memref<!tpu.dma_semaphore, #tpu.memory_space<semaphore_mem>>) src(%dma_wait3A_198 : memref<10000x64xf32, #tpu.memory_space<hbm>>) dst(%arg11 : memref<125x64xf32, #tpu.memory_space<vmem>>)
      %add3A_199 = arith.constant 4 : i32
      %add3A_200 = arith.addi %add3A_192, %add3A_199 : i32
      %sub3A_201 = arith.constant 1 : i32
      %sub3A_202 = arith.subi %add3A_200, %sub3A_201 : i32
      %lt3A_203 = arith.constant 80 : i32
      %lt3A_204 = arith.cmpi slt, %sub3A_202, %lt3A_203 : i32
      %convert_element_type3A_205 = arith.extui %lt3A_204 : i1 to i32
      %cond3A_206 = arith.constant 0 : i32
      %cond3A_207 = arith.cmpi ne, %convert_element_type3A_205, %cond3A_206 : i32
      scf.if %cond3A_207 {
        %add3A_228 = arith.constant 4 : i32
        %add3A_229 = arith.addi %add3A_192, %add3A_228 : i32
        %sub3A_230 = arith.constant 1 : i32
        %sub3A_231 = arith.subi %add3A_229, %sub3A_230 : i32
        %dma_start3A_232 = arith.constant 0 : i32
        %dma_start3A_233 = tpu.memref_slice %arg7[%sub3A_231, %dma_start3A_232] : memref<80x125xi32, #tpu.memory_space<vmem>> -> memref<1x125xi32, #tpu.memory_space<vmem>>
        %dma_start3A_234 = tpu.memref_squeeze %dma_start3A_233 : memref<1x125xi32, #tpu.memory_space<vmem>> -> memref<125xi32, #tpu.memory_space<vmem>>
        %dma_start3A_235 = arith.constant 0 : i32
        %dma_start3A_236 = arith.constant 0 : i32
        %dma_start3A_237 = tpu.memref_slice %arg2[%dma_start3A_235, %dma_start3A_236] : memref<10000x64xf32, #tpu.memory_space<hbm>> -> memref<10000x64xf32, #tpu.memory_space<hbm>>
        tpu.enqueue_indirect_dma source(%dma_start3A_237 : memref<10000x64xf32, #tpu.memory_space<hbm>>) target(%arg10 : memref<125x64xf32, #tpu.memory_space<vmem>>) offsets(%dma_start3A_234 : memref<125xi32, #tpu.memory_space<vmem>>) semaphore(%arg15 : memref<!tpu.dma_semaphore, #tpu.memory_space<semaphore_mem>>)
      } else {
      }
      "tpu.region"() ({
        %run_scoped3A_228 = tpu.sem_alloc : memref<!tpu.dma_semaphore, #tpu.memory_space<semaphore_mem>>
        %dma_start3A_229 = arith.constant 0 : i32
        %dma_start3A_230 = tpu.memref_slice %arg8[%add3A_192, %dma_start3A_229] : memref<80x125xi32, #tpu.memory_space<vmem>> -> memref<1x125xi32, #tpu.memory_space<vmem>>
        %dma_start3A_231 = tpu.memref_squeeze %dma_start3A_230 : memref<1x125xi32, #tpu.memory_space<vmem>> -> memref<125xi32, #tpu.memory_space<vmem>>
        %dma_start3A_232 = arith.constant 0 : i32
        %dma_start3A_233 = arith.constant 0 : i32
        %dma_start3A_234 = tpu.memref_slice %arg18[%dma_start3A_232, %dma_start3A_233] : memref<10240x64xf32, #tpu.memory_space<vmem_shared>> -> memref<10240x64xf32, #tpu.memory_space<vmem_shared>>
        tpu.enqueue_indirect_dma source(%arg11 : memref<125x64xf32, #tpu.memory_space<vmem>>) target(%dma_start3A_234 : memref<10240x64xf32, #tpu.memory_space<vmem_shared>>) offsets(%dma_start3A_231 : memref<125xi32, #tpu.memory_space<vmem>>) semaphore(%run_scoped3A_228 : memref<!tpu.dma_semaphore, #tpu.memory_space<semaphore_mem>>) {add = true}
        %dma_wait3A_235 = arith.constant 0 : i32
        %dma_wait3A_236 = tpu.memref_slice %arg8[%add3A_192, %dma_wait3A_235] : memref<80x125xi32, #tpu.memory_space<vmem>> -> memref<1x125xi32, #tpu.memory_space<vmem>>
        %dma_wait3A_237 = tpu.memref_squeeze %dma_wait3A_236 : memref<1x125xi32, #tpu.memory_space<vmem>> -> memref<125xi32, #tpu.memory_space<vmem>>
        %dma_wait3A_238 = arith.constant 0 : i32
        %dma_wait3A_239 = arith.constant 0 : i32
        %dma_wait3A_240 = tpu.memref_slice %arg18[%dma_wait3A_238, %dma_wait3A_239] : memref<10240x64xf32, #tpu.memory_space<vmem_shared>> -> memref<10240x64xf32, #tpu.memory_space<vmem_shared>>
        tpu.wait_indirect_dma semaphore(%run_scoped3A_228 : memref<!tpu.dma_semaphore, #tpu.memory_space<semaphore_mem>>) src(%arg11 : memref<125x64xf32, #tpu.memory_space<vmem>>) dst(%dma_wait3A_240 : memref<10240x64xf32, #tpu.memory_space<vmem_shared>>)
        tpu.yield
      }) : () -> ()
      %mul3A_208 = arith.constant 4 : i32
      %mul3A_209 = arith.muli %mul3A_208, %scan3A_154 : i32
      %add3A_210 = arith.constant 3 : i32
      %add3A_211 = arith.addi %mul3A_209, %add3A_210 : i32
      %dma_wait3A_212 = arith.constant 0 : i32
      %dma_wait3A_213 = tpu.memref_slice %arg7[%add3A_211, %dma_wait3A_212] : memref<80x125xi32, #tpu.memory_space<vmem>> -> memref<1x125xi32, #tpu.memory_space<vmem>>
      %dma_wait3A_214 = tpu.memref_squeeze %dma_wait3A_213 : memref<1x125xi32, #tpu.memory_space<vmem>> -> memref<125xi32, #tpu.memory_space<vmem>>
      %dma_wait3A_215 = arith.constant 0 : i32
      %dma_wait3A_216 = arith.constant 0 : i32
      %dma_wait3A_217 = tpu.memref_slice %arg2[%dma_wait3A_215, %dma_wait3A_216] : memref<10000x64xf32, #tpu.memory_space<hbm>> -> memref<10000x64xf32, #tpu.memory_space<hbm>>
      tpu.wait_indirect_dma semaphore(%arg17 : memref<!tpu.dma_semaphore, #tpu.memory_space<semaphore_mem>>) src(%dma_wait3A_217 : memref<10000x64xf32, #tpu.memory_space<hbm>>) dst(%arg12 : memref<125x64xf32, #tpu.memory_space<vmem>>)
      %add3A_218 = arith.constant 4 : i32
      %add3A_219 = arith.addi %add3A_211, %add3A_218 : i32
      %sub3A_220 = arith.constant 1 : i32
      %sub3A_221 = arith.subi %add3A_219, %sub3A_220 : i32
      %lt3A_222 = arith.constant 80 : i32
      %lt3A_223 = arith.cmpi slt, %sub3A_221, %lt3A_222 : i32
      %convert_element_type3A_224 = arith.extui %lt3A_223 : i1 to i32
      %cond3A_225 = arith.constant 0 : i32
      %cond3A_226 = arith.cmpi ne, %convert_element_type3A_224, %cond3A_225 : i32
      scf.if %cond3A_226 {
        %add3A_228 = arith.constant 4 : i32
        %add3A_229 = arith.addi %add3A_211, %add3A_228 : i32
        %sub3A_230 = arith.constant 1 : i32
        %sub3A_231 = arith.subi %add3A_229, %sub3A_230 : i32
        %dma_start3A_232 = arith.constant 0 : i32
        %dma_start3A_233 = tpu.memref_slice %arg7[%sub3A_231, %dma_start3A_232] : memref<80x125xi32, #tpu.memory_space<vmem>> -> memref<1x125xi32, #tpu.memory_space<vmem>>
        %dma_start3A_234 = tpu.memref_squeeze %dma_start3A_233 : memref<1x125xi32, #tpu.memory_space<vmem>> -> memref<125xi32, #tpu.memory_space<vmem>>
        %dma_start3A_235 = arith.constant 0 : i32
        %dma_start3A_236 = arith.constant 0 : i32
        %dma_start3A_237 = tpu.memref_slice %arg2[%dma_start3A_235, %dma_start3A_236] : memref<10000x64xf32, #tpu.memory_space<hbm>> -> memref<10000x64xf32, #tpu.memory_space<hbm>>
        tpu.enqueue_indirect_dma source(%dma_start3A_237 : memref<10000x64xf32, #tpu.memory_space<hbm>>) target(%arg11 : memref<125x64xf32, #tpu.memory_space<vmem>>) offsets(%dma_start3A_234 : memref<125xi32, #tpu.memory_space<vmem>>) semaphore(%arg16 : memref<!tpu.dma_semaphore, #tpu.memory_space<semaphore_mem>>)
      } else {
      }
      "tpu.region"() ({
        %run_scoped3A_228 = tpu.sem_alloc : memref<!tpu.dma_semaphore, #tpu.memory_space<semaphore_mem>>
        %dma_start3A_229 = arith.constant 0 : i32
        %dma_start3A_230 = tpu.memref_slice %arg8[%add3A_211, %dma_start3A_229] : memref<80x125xi32, #tpu.memory_space<vmem>> -> memref<1x125xi32, #tpu.memory_space<vmem>>
        %dma_start3A_231 = tpu.memref_squeeze %dma_start3A_230 : memref<1x125xi32, #tpu.memory_space<vmem>> -> memref<125xi32, #tpu.memory_space<vmem>>
        %dma_start3A_232 = arith.constant 0 : i32
        %dma_start3A_233 = arith.constant 0 : i32
        %dma_start3A_234 = tpu.memref_slice %arg18[%dma_start3A_232, %dma_start3A_233] : memref<10240x64xf32, #tpu.memory_space<vmem_shared>> -> memref<10240x64xf32, #tpu.memory_space<vmem_shared>>
        tpu.enqueue_indirect_dma source(%arg12 : memref<125x64xf32, #tpu.memory_space<vmem>>) target(%dma_start3A_234 : memref<10240x64xf32, #tpu.memory_space<vmem_shared>>) offsets(%dma_start3A_231 : memref<125xi32, #tpu.memory_space<vmem>>) semaphore(%run_scoped3A_228 : memref<!tpu.dma_semaphore, #tpu.memory_space<semaphore_mem>>) {add = true}
        %dma_wait3A_235 = arith.constant 0 : i32
        %dma_wait3A_236 = tpu.memref_slice %arg8[%add3A_211, %dma_wait3A_235] : memref<80x125xi32, #tpu.memory_space<vmem>> -> memref<1x125xi32, #tpu.memory_space<vmem>>
        %dma_wait3A_237 = tpu.memref_squeeze %dma_wait3A_236 : memref<1x125xi32, #tpu.memory_space<vmem>> -> memref<125xi32, #tpu.memory_space<vmem>>
        %dma_wait3A_238 = arith.constant 0 : i32
        %dma_wait3A_239 = arith.constant 0 : i32
        %dma_wait3A_240 = tpu.memref_slice %arg18[%dma_wait3A_238, %dma_wait3A_239] : memref<10240x64xf32, #tpu.memory_space<vmem_shared>> -> memref<10240x64xf32, #tpu.memory_space<vmem_shared>>
        tpu.wait_indirect_dma semaphore(%run_scoped3A_228 : memref<!tpu.dma_semaphore, #tpu.memory_space<semaphore_mem>>) src(%arg12 : memref<125x64xf32, #tpu.memory_space<vmem>>) dst(%dma_wait3A_240 : memref<10240x64xf32, #tpu.memory_space<vmem_shared>>)
        tpu.yield
      }) : () -> ()
      %scan3A_227 = arith.constant 0 : i32
      scf.yield %scan3A_227 : i32
    }
    %scan3A_53 = arith.constant 20 : i32
    %barrier3A_54 = arith.constant 0 : index
    tpu.barrier barrier_id(%barrier3A_54)
    %mul3A_55 = arith.constant 640 : i32
    %mul3A_56 = arith.muli %arg1, %mul3A_55 : i32
    %add3A_57 = arith.constant 0 : i32
    %add3A_58 = arith.addi %mul3A_56, %add3A_57 : i32
    %run_scoped3A = arith.constant 0 : i32
    "tpu.region"() ({
      %run_scoped3A_154 = tpu.sem_alloc : memref<!tpu.dma_semaphore, #tpu.memory_space<semaphore_mem>>
      %dma_start3A_155 = arith.constant 0 : i32
      %dma_start3A_156 = tpu.memref_slice %arg6[%arg0, %run_scoped3A, %add3A_58, %dma_start3A_155] : memref<2x2x10240x64xf32, #tpu.memory_space<hbm>> -> memref<1x1x128x64xf32, #tpu.memory_space<hbm>>
      %dma_start3A_157 = tpu.memref_squeeze %dma_start3A_156 : memref<1x1x128x64xf32, #tpu.memory_space<hbm>> -> memref<128x64xf32, #tpu.memory_space<hbm>>
      %dma_start3A_158 = arith.constant 0 : i32
      %dma_start3A_159 = tpu.memref_slice %arg18[%add3A_58, %dma_start3A_158] : memref<10240x64xf32, #tpu.memory_space<vmem_shared>> -> memref<128x64xf32, #tpu.memory_space<vmem_shared>>
      tpu.enqueue_dma source(%dma_start3A_159 : memref<128x64xf32, #tpu.memory_space<vmem_shared>>) target(%dma_start3A_157 : memref<128x64xf32, #tpu.memory_space<hbm>>) target_semaphore(%run_scoped3A_154 : memref<!tpu.dma_semaphore, #tpu.memory_space<semaphore_mem>>)
      %dma_wait3A = arith.constant 0 : i32
      %dma_wait3A_160 = tpu.memref_slice %arg6[%arg0, %run_scoped3A, %add3A_58, %dma_wait3A] : memref<2x2x10240x64xf32, #tpu.memory_space<hbm>> -> memref<1x1x128x64xf32, #tpu.memory_space<hbm>>
      %dma_wait3A_161 = tpu.memref_squeeze %dma_wait3A_160 : memref<1x1x128x64xf32, #tpu.memory_space<hbm>> -> memref<128x64xf32, #tpu.memory_space<hbm>>
      %dma_wait3A_162 = arith.constant 0 : i32
      %dma_wait3A_163 = tpu.memref_slice %arg18[%add3A_58, %dma_wait3A_162] : memref<10240x64xf32, #tpu.memory_space<vmem_shared>> -> memref<128x64xf32, #tpu.memory_space<vmem_shared>>
      tpu.wait_dma2 semaphore(%run_scoped3A_154 : memref<!tpu.dma_semaphore, #tpu.memory_space<semaphore_mem>>) src(%dma_wait3A_163 : memref<128x64xf32, #tpu.memory_space<vmem_shared>>) dst(%dma_wait3A_161 : memref<128x64xf32, #tpu.memory_space<hbm>>)
      tpu.yield
    }) : () -> ()
    %mul3A_59 = arith.constant 640 : i32
    %mul3A_60 = arith.muli %arg1, %mul3A_59 : i32
    %add3A_61 = arith.constant 128 : i32
    %add3A_62 = arith.addi %mul3A_60, %add3A_61 : i32
    %run_scoped3A_63 = arith.constant 0 : i32
    "tpu.region"() ({
      %run_scoped3A_154 = tpu.sem_alloc : memref<!tpu.dma_semaphore, #tpu.memory_space<semaphore_mem>>
      %dma_start3A_155 = arith.constant 0 : i32
      %dma_start3A_156 = tpu.memref_slice %arg6[%arg0, %run_scoped3A_63, %add3A_62, %dma_start3A_155] : memref<2x2x10240x64xf32, #tpu.memory_space<hbm>> -> memref<1x1x128x64xf32, #tpu.memory_space<hbm>>
      %dma_start3A_157 = tpu.memref_squeeze %dma_start3A_156 : memref<1x1x128x64xf32, #tpu.memory_space<hbm>> -> memref<128x64xf32, #tpu.memory_space<hbm>>
      %dma_start3A_158 = arith.constant 0 : i32
      %dma_start3A_159 = tpu.memref_slice %arg18[%add3A_62, %dma_start3A_158] : memref<10240x64xf32, #tpu.memory_space<vmem_shared>> -> memref<128x64xf32, #tpu.memory_space<vmem_shared>>
      tpu.enqueue_dma source(%dma_start3A_159 : memref<128x64xf32, #tpu.memory_space<vmem_shared>>) target(%dma_start3A_157 : memref<128x64xf32, #tpu.memory_space<hbm>>) target_semaphore(%run_scoped3A_154 : memref<!tpu.dma_semaphore, #tpu.memory_space<semaphore_mem>>)
      %dma_wait3A = arith.constant 0 : i32
      %dma_wait3A_160 = tpu.memref_slice %arg6[%arg0, %run_scoped3A_63, %add3A_62, %dma_wait3A] : memref<2x2x10240x64xf32, #tpu.memory_space<hbm>> -> memref<1x1x128x64xf32, #tpu.memory_space<hbm>>
      %dma_wait3A_161 = tpu.memref_squeeze %dma_wait3A_160 : memref<1x1x128x64xf32, #tpu.memory_space<hbm>> -> memref<128x64xf32, #tpu.memory_space<hbm>>
      %dma_wait3A_162 = arith.constant 0 : i32
      %dma_wait3A_163 = tpu.memref_slice %arg18[%add3A_62, %dma_wait3A_162] : memref<10240x64xf32, #tpu.memory_space<vmem_shared>> -> memref<128x64xf32, #tpu.memory_space<vmem_shared>>
      tpu.wait_dma2 semaphore(%run_scoped3A_154 : memref<!tpu.dma_semaphore, #tpu.memory_space<semaphore_mem>>) src(%dma_wait3A_163 : memref<128x64xf32, #tpu.memory_space<vmem_shared>>) dst(%dma_wait3A_161 : memref<128x64xf32, #tpu.memory_space<hbm>>)
      tpu.yield
    }) : () -> ()
    %mul3A_64 = arith.constant 640 : i32
    %mul3A_65 = arith.muli %arg1, %mul3A_64 : i32
    %add3A_66 = arith.constant 256 : i32
    %add3A_67 = arith.addi %mul3A_65, %add3A_66 : i32
    %run_scoped3A_68 = arith.constant 0 : i32
    "tpu.region"() ({
      %run_scoped3A_154 = tpu.sem_alloc : memref<!tpu.dma_semaphore, #tpu.memory_space<semaphore_mem>>
      %dma_start3A_155 = arith.constant 0 : i32
      %dma_start3A_156 = tpu.memref_slice %arg6[%arg0, %run_scoped3A_68, %add3A_67, %dma_start3A_155] : memref<2x2x10240x64xf32, #tpu.memory_space<hbm>> -> memref<1x1x128x64xf32, #tpu.memory_space<hbm>>
      %dma_start3A_157 = tpu.memref_squeeze %dma_start3A_156 : memref<1x1x128x64xf32, #tpu.memory_space<hbm>> -> memref<128x64xf32, #tpu.memory_space<hbm>>
      %dma_start3A_158 = arith.constant 0 : i32
      %dma_start3A_159 = tpu.memref_slice %arg18[%add3A_67, %dma_start3A_158] : memref<10240x64xf32, #tpu.memory_space<vmem_shared>> -> memref<128x64xf32, #tpu.memory_space<vmem_shared>>
      tpu.enqueue_dma source(%dma_start3A_159 : memref<128x64xf32, #tpu.memory_space<vmem_shared>>) target(%dma_start3A_157 : memref<128x64xf32, #tpu.memory_space<hbm>>) target_semaphore(%run_scoped3A_154 : memref<!tpu.dma_semaphore, #tpu.memory_space<semaphore_mem>>)
      %dma_wait3A = arith.constant 0 : i32
      %dma_wait3A_160 = tpu.memref_slice %arg6[%arg0, %run_scoped3A_68, %add3A_67, %dma_wait3A] : memref<2x2x10240x64xf32, #tpu.memory_space<hbm>> -> memref<1x1x128x64xf32, #tpu.memory_space<hbm>>
      %dma_wait3A_161 = tpu.memref_squeeze %dma_wait3A_160 : memref<1x1x128x64xf32, #tpu.memory_space<hbm>> -> memref<128x64xf32, #tpu.memory_space<hbm>>
      %dma_wait3A_162 = arith.constant 0 : i32
      %dma_wait3A_163 = tpu.memref_slice %arg18[%add3A_67, %dma_wait3A_162] : memref<10240x64xf32, #tpu.memory_space<vmem_shared>> -> memref<128x64xf32, #tpu.memory_space<vmem_shared>>
      tpu.wait_dma2 semaphore(%run_scoped3A_154 : memref<!tpu.dma_semaphore, #tpu.memory_space<semaphore_mem>>) src(%dma_wait3A_163 : memref<128x64xf32, #tpu.memory_space<vmem_shared>>) dst(%dma_wait3A_161 : memref<128x64xf32, #tpu.memory_space<hbm>>)
      tpu.yield
    }) : () -> ()
    %mul3A_69 = arith.constant 640 : i32
    %mul3A_70 = arith.muli %arg1, %mul3A_69 : i32
    %add3A_71 = arith.constant 384 : i32
    %add3A_72 = arith.addi %mul3A_70, %add3A_71 : i32
    %run_scoped3A_73 = arith.constant 0 : i32
    "tpu.region"() ({
      %run_scoped3A_154 = tpu.sem_alloc : memref<!tpu.dma_semaphore, #tpu.memory_space<semaphore_mem>>
      %dma_start3A_155 = arith.constant 0 : i32
      %dma_start3A_156 = tpu.memref_slice %arg6[%arg0, %run_scoped3A_73, %add3A_72, %dma_start3A_155] : memref<2x2x10240x64xf32, #tpu.memory_space<hbm>> -> memref<1x1x128x64xf32, #tpu.memory_space<hbm>>
      %dma_start3A_157 = tpu.memref_squeeze %dma_start3A_156 : memref<1x1x128x64xf32, #tpu.memory_space<hbm>> -> memref<128x64xf32, #tpu.memory_space<hbm>>
      %dma_start3A_158 = arith.constant 0 : i32
      %dma_start3A_159 = tpu.memref_slice %arg18[%add3A_72, %dma_start3A_158] : memref<10240x64xf32, #tpu.memory_space<vmem_shared>> -> memref<128x64xf32, #tpu.memory_space<vmem_shared>>
      tpu.enqueue_dma source(%dma_start3A_159 : memref<128x64xf32, #tpu.memory_space<vmem_shared>>) target(%dma_start3A_157 : memref<128x64xf32, #tpu.memory_space<hbm>>) target_semaphore(%run_scoped3A_154 : memref<!tpu.dma_semaphore, #tpu.memory_space<semaphore_mem>>)
      %dma_wait3A = arith.constant 0 : i32
      %dma_wait3A_160 = tpu.memref_slice %arg6[%arg0, %run_scoped3A_73, %add3A_72, %dma_wait3A] : memref<2x2x10240x64xf32, #tpu.memory_space<hbm>> -> memref<1x1x128x64xf32, #tpu.memory_space<hbm>>
      %dma_wait3A_161 = tpu.memref_squeeze %dma_wait3A_160 : memref<1x1x128x64xf32, #tpu.memory_space<hbm>> -> memref<128x64xf32, #tpu.memory_space<hbm>>
      %dma_wait3A_162 = arith.constant 0 : i32
      %dma_wait3A_163 = tpu.memref_slice %arg18[%add3A_72, %dma_wait3A_162] : memref<10240x64xf32, #tpu.memory_space<vmem_shared>> -> memref<128x64xf32, #tpu.memory_space<vmem_shared>>
      tpu.wait_dma2 semaphore(%run_scoped3A_154 : memref<!tpu.dma_semaphore, #tpu.memory_space<semaphore_mem>>) src(%dma_wait3A_163 : memref<128x64xf32, #tpu.memory_space<vmem_shared>>) dst(%dma_wait3A_161 : memref<128x64xf32, #tpu.memory_space<hbm>>)
      tpu.yield
    }) : () -> ()
    %mul3A_74 = arith.constant 640 : i32
    %mul3A_75 = arith.muli %arg1, %mul3A_74 : i32
    %add3A_76 = arith.constant 512 : i32
    %add3A_77 = arith.addi %mul3A_75, %add3A_76 : i32
    %run_scoped3A_78 = arith.constant 0 : i32
    "tpu.region"() ({
      %run_scoped3A_154 = tpu.sem_alloc : memref<!tpu.dma_semaphore, #tpu.memory_space<semaphore_mem>>
      %dma_start3A_155 = arith.constant 0 : i32
      %dma_start3A_156 = tpu.memref_slice %arg6[%arg0, %run_scoped3A_78, %add3A_77, %dma_start3A_155] : memref<2x2x10240x64xf32, #tpu.memory_space<hbm>> -> memref<1x1x128x64xf32, #tpu.memory_space<hbm>>
      %dma_start3A_157 = tpu.memref_squeeze %dma_start3A_156 : memref<1x1x128x64xf32, #tpu.memory_space<hbm>> -> memref<128x64xf32, #tpu.memory_space<hbm>>
      %dma_start3A_158 = arith.constant 0 : i32
      %dma_start3A_159 = tpu.memref_slice %arg18[%add3A_77, %dma_start3A_158] : memref<10240x64xf32, #tpu.memory_space<vmem_shared>> -> memref<128x64xf32, #tpu.memory_space<vmem_shared>>
      tpu.enqueue_dma source(%dma_start3A_159 : memref<128x64xf32, #tpu.memory_space<vmem_shared>>) target(%dma_start3A_157 : memref<128x64xf32, #tpu.memory_space<hbm>>) target_semaphore(%run_scoped3A_154 : memref<!tpu.dma_semaphore, #tpu.memory_space<semaphore_mem>>)
      %dma_wait3A = arith.constant 0 : i32
      %dma_wait3A_160 = tpu.memref_slice %arg6[%arg0, %run_scoped3A_78, %add3A_77, %dma_wait3A] : memref<2x2x10240x64xf32, #tpu.memory_space<hbm>> -> memref<1x1x128x64xf32, #tpu.memory_space<hbm>>
      %dma_wait3A_161 = tpu.memref_squeeze %dma_wait3A_160 : memref<1x1x128x64xf32, #tpu.memory_space<hbm>> -> memref<128x64xf32, #tpu.memory_space<hbm>>
      %dma_wait3A_162 = arith.constant 0 : i32
      %dma_wait3A_163 = tpu.memref_slice %arg18[%add3A_77, %dma_wait3A_162] : memref<10240x64xf32, #tpu.memory_space<vmem_shared>> -> memref<128x64xf32, #tpu.memory_space<vmem_shared>>
      tpu.wait_dma2 semaphore(%run_scoped3A_154 : memref<!tpu.dma_semaphore, #tpu.memory_space<semaphore_mem>>) src(%dma_wait3A_163 : memref<128x64xf32, #tpu.memory_space<vmem_shared>>) dst(%dma_wait3A_161 : memref<128x64xf32, #tpu.memory_space<hbm>>)
      tpu.yield
    }) : () -> ()
    %mul3A_79 = arith.constant 640 : i32
    %mul3A_80 = arith.muli %arg1, %mul3A_79 : i32
    %add3A_81 = arith.constant 0 : i32
    %add3A_82 = arith.addi %mul3A_80, %add3A_81 : i32
    "tpu.region"() ({
      %run_scoped3A_154 = tpu.sem_alloc : memref<!tpu.dma_semaphore, #tpu.memory_space<semaphore_mem>>
      %dma_start3A_155 = arith.constant 0 : i32
      %dma_start3A_156 = tpu.memref_slice %arg18[%add3A_82, %dma_start3A_155] : memref<10240x64xf32, #tpu.memory_space<vmem_shared>> -> memref<128x64xf32, #tpu.memory_space<vmem_shared>>
      %dma_start3A_157 = arith.constant 0 : i32
      %dma_start3A_158 = tpu.memref_slice %arg18[%add3A_82, %dma_start3A_157] : memref<10240x64xf32, #tpu.memory_space<vmem_shared>> -> memref<128x64xf32, #tpu.memory_space<vmem_shared>>
      tpu.enqueue_dma source(%arg13 : memref<128x64xf32, #tpu.memory_space<vmem>>) target(%dma_start3A_158 : memref<128x64xf32, #tpu.memory_space<vmem_shared>>) target_semaphore(%run_scoped3A_154 : memref<!tpu.dma_semaphore, #tpu.memory_space<semaphore_mem>>)
      %dma_wait3A = arith.constant 0 : i32
      %dma_wait3A_159 = tpu.memref_slice %arg18[%add3A_82, %dma_wait3A] : memref<10240x64xf32, #tpu.memory_space<vmem_shared>> -> memref<128x64xf32, #tpu.memory_space<vmem_shared>>
      %dma_wait3A_160 = arith.constant 0 : i32
      %dma_wait3A_161 = tpu.memref_slice %arg18[%add3A_82, %dma_wait3A_160] : memref<10240x64xf32, #tpu.memory_space<vmem_shared>> -> memref<128x64xf32, #tpu.memory_space<vmem_shared>>
      tpu.wait_dma2 semaphore(%run_scoped3A_154 : memref<!tpu.dma_semaphore, #tpu.memory_space<semaphore_mem>>) src(%arg13 : memref<128x64xf32, #tpu.memory_space<vmem>>) dst(%dma_wait3A_161 : memref<128x64xf32, #tpu.memory_space<vmem_shared>>)
      tpu.yield
    }) : () -> ()
    %mul3A_83 = arith.constant 640 : i32
    %mul3A_84 = arith.muli %arg1, %mul3A_83 : i32
    %add3A_85 = arith.constant 128 : i32
    %add3A_86 = arith.addi %mul3A_84, %add3A_85 : i32
    "tpu.region"() ({
      %run_scoped3A_154 = tpu.sem_alloc : memref<!tpu.dma_semaphore, #tpu.memory_space<semaphore_mem>>
      %dma_start3A_155 = arith.constant 0 : i32
      %dma_start3A_156 = tpu.memref_slice %arg18[%add3A_86, %dma_start3A_155] : memref<10240x64xf32, #tpu.memory_space<vmem_shared>> -> memref<128x64xf32, #tpu.memory_space<vmem_shared>>
      %dma_start3A_157 = arith.constant 0 : i32
      %dma_start3A_158 = tpu.memref_slice %arg18[%add3A_86, %dma_start3A_157] : memref<10240x64xf32, #tpu.memory_space<vmem_shared>> -> memref<128x64xf32, #tpu.memory_space<vmem_shared>>
      tpu.enqueue_dma source(%arg13 : memref<128x64xf32, #tpu.memory_space<vmem>>) target(%dma_start3A_158 : memref<128x64xf32, #tpu.memory_space<vmem_shared>>) target_semaphore(%run_scoped3A_154 : memref<!tpu.dma_semaphore, #tpu.memory_space<semaphore_mem>>)
      %dma_wait3A = arith.constant 0 : i32
      %dma_wait3A_159 = tpu.memref_slice %arg18[%add3A_86, %dma_wait3A] : memref<10240x64xf32, #tpu.memory_space<vmem_shared>> -> memref<128x64xf32, #tpu.memory_space<vmem_shared>>
      %dma_wait3A_160 = arith.constant 0 : i32
      %dma_wait3A_161 = tpu.memref_slice %arg18[%add3A_86, %dma_wait3A_160] : memref<10240x64xf32, #tpu.memory_space<vmem_shared>> -> memref<128x64xf32, #tpu.memory_space<vmem_shared>>
      tpu.wait_dma2 semaphore(%run_scoped3A_154 : memref<!tpu.dma_semaphore, #tpu.memory_space<semaphore_mem>>) src(%arg13 : memref<128x64xf32, #tpu.memory_space<vmem>>) dst(%dma_wait3A_161 : memref<128x64xf32, #tpu.memory_space<vmem_shared>>)
      tpu.yield
    }) : () -> ()
    %mul3A_87 = arith.constant 640 : i32
    %mul3A_88 = arith.muli %arg1, %mul3A_87 : i32
    %add3A_89 = arith.constant 256 : i32
    %add3A_90 = arith.addi %mul3A_88, %add3A_89 : i32
    "tpu.region"() ({
      %run_scoped3A_154 = tpu.sem_alloc : memref<!tpu.dma_semaphore, #tpu.memory_space<semaphore_mem>>
      %dma_start3A_155 = arith.constant 0 : i32
      %dma_start3A_156 = tpu.memref_slice %arg18[%add3A_90, %dma_start3A_155] : memref<10240x64xf32, #tpu.memory_space<vmem_shared>> -> memref<128x64xf32, #tpu.memory_space<vmem_shared>>
      %dma_start3A_157 = arith.constant 0 : i32
      %dma_start3A_158 = tpu.memref_slice %arg18[%add3A_90, %dma_start3A_157] : memref<10240x64xf32, #tpu.memory_space<vmem_shared>> -> memref<128x64xf32, #tpu.memory_space<vmem_shared>>
      tpu.enqueue_dma source(%arg13 : memref<128x64xf32, #tpu.memory_space<vmem>>) target(%dma_start3A_158 : memref<128x64xf32, #tpu.memory_space<vmem_shared>>) target_semaphore(%run_scoped3A_154 : memref<!tpu.dma_semaphore, #tpu.memory_space<semaphore_mem>>)
      %dma_wait3A = arith.constant 0 : i32
      %dma_wait3A_159 = tpu.memref_slice %arg18[%add3A_90, %dma_wait3A] : memref<10240x64xf32, #tpu.memory_space<vmem_shared>> -> memref<128x64xf32, #tpu.memory_space<vmem_shared>>
      %dma_wait3A_160 = arith.constant 0 : i32
      %dma_wait3A_161 = tpu.memref_slice %arg18[%add3A_90, %dma_wait3A_160] : memref<10240x64xf32, #tpu.memory_space<vmem_shared>> -> memref<128x64xf32, #tpu.memory_space<vmem_shared>>
      tpu.wait_dma2 semaphore(%run_scoped3A_154 : memref<!tpu.dma_semaphore, #tpu.memory_space<semaphore_mem>>) src(%arg13 : memref<128x64xf32, #tpu.memory_space<vmem>>) dst(%dma_wait3A_161 : memref<128x64xf32, #tpu.memory_space<vmem_shared>>)
      tpu.yield
    }) : () -> ()
    %mul3A_91 = arith.constant 640 : i32
    %mul3A_92 = arith.muli %arg1, %mul3A_91 : i32
    %add3A_93 = arith.constant 384 : i32
    %add3A_94 = arith.addi %mul3A_92, %add3A_93 : i32
    "tpu.region"() ({
      %run_scoped3A_154 = tpu.sem_alloc : memref<!tpu.dma_semaphore, #tpu.memory_space<semaphore_mem>>
      %dma_start3A_155 = arith.constant 0 : i32
      %dma_start3A_156 = tpu.memref_slice %arg18[%add3A_94, %dma_start3A_155] : memref<10240x64xf32, #tpu.memory_space<vmem_shared>> -> memref<128x64xf32, #tpu.memory_space<vmem_shared>>
      %dma_start3A_157 = arith.constant 0 : i32
      %dma_start3A_158 = tpu.memref_slice %arg18[%add3A_94, %dma_start3A_157] : memref<10240x64xf32, #tpu.memory_space<vmem_shared>> -> memref<128x64xf32, #tpu.memory_space<vmem_shared>>
      tpu.enqueue_dma source(%arg13 : memref<128x64xf32, #tpu.memory_space<vmem>>) target(%dma_start3A_158 : memref<128x64xf32, #tpu.memory_space<vmem_shared>>) target_semaphore(%run_scoped3A_154 : memref<!tpu.dma_semaphore, #tpu.memory_space<semaphore_mem>>)
      %dma_wait3A = arith.constant 0 : i32
      %dma_wait3A_159 = tpu.memref_slice %arg18[%add3A_94, %dma_wait3A] : memref<10240x64xf32, #tpu.memory_space<vmem_shared>> -> memref<128x64xf32, #tpu.memory_space<vmem_shared>>
      %dma_wait3A_160 = arith.constant 0 : i32
      %dma_wait3A_161 = tpu.memref_slice %arg18[%add3A_94, %dma_wait3A_160] : memref<10240x64xf32, #tpu.memory_space<vmem_shared>> -> memref<128x64xf32, #tpu.memory_space<vmem_shared>>
      tpu.wait_dma2 semaphore(%run_scoped3A_154 : memref<!tpu.dma_semaphore, #tpu.memory_space<semaphore_mem>>) src(%arg13 : memref<128x64xf32, #tpu.memory_space<vmem>>) dst(%dma_wait3A_161 : memref<128x64xf32, #tpu.memory_space<vmem_shared>>)
      tpu.yield
    }) : () -> ()
    %mul3A_95 = arith.constant 640 : i32
    %mul3A_96 = arith.muli %arg1, %mul3A_95 : i32
    %add3A_97 = arith.constant 512 : i32
    %add3A_98 = arith.addi %mul3A_96, %add3A_97 : i32
    "tpu.region"() ({
      %run_scoped3A_154 = tpu.sem_alloc : memref<!tpu.dma_semaphore, #tpu.memory_space<semaphore_mem>>
      %dma_start3A_155 = arith.constant 0 : i32
      %dma_start3A_156 = tpu.memref_slice %arg18[%add3A_98, %dma_start3A_155] : memref<10240x64xf32, #tpu.memory_space<vmem_shared>> -> memref<128x64xf32, #tpu.memory_space<vmem_shared>>
      %dma_start3A_157 = arith.constant 0 : i32
      %dma_start3A_158 = tpu.memref_slice %arg18[%add3A_98, %dma_start3A_157] : memref<10240x64xf32, #tpu.memory_space<vmem_shared>> -> memref<128x64xf32, #tpu.memory_space<vmem_shared>>
      tpu.enqueue_dma source(%arg13 : memref<128x64xf32, #tpu.memory_space<vmem>>) target(%dma_start3A_158 : memref<128x64xf32, #tpu.memory_space<vmem_shared>>) target_semaphore(%run_scoped3A_154 : memref<!tpu.dma_semaphore, #tpu.memory_space<semaphore_mem>>)
      %dma_wait3A = arith.constant 0 : i32
      %dma_wait3A_159 = tpu.memref_slice %arg18[%add3A_98, %dma_wait3A] : memref<10240x64xf32, #tpu.memory_space<vmem_shared>> -> memref<128x64xf32, #tpu.memory_space<vmem_shared>>
      %dma_wait3A_160 = arith.constant 0 : i32
      %dma_wait3A_161 = tpu.memref_slice %arg18[%add3A_98, %dma_wait3A_160] : memref<10240x64xf32, #tpu.memory_space<vmem_shared>> -> memref<128x64xf32, #tpu.memory_space<vmem_shared>>
      tpu.wait_dma2 semaphore(%run_scoped3A_154 : memref<!tpu.dma_semaphore, #tpu.memory_space<semaphore_mem>>) src(%arg13 : memref<128x64xf32, #tpu.memory_space<vmem>>) dst(%dma_wait3A_161 : memref<128x64xf32, #tpu.memory_space<vmem_shared>>)
      tpu.yield
    }) : () -> ()
    %barrier3A_99 = arith.constant 0 : index
    tpu.barrier barrier_id(%barrier3A_99)
    %dma_start3A_100 = arith.constant 0 : i32
    %dma_start3A_101 = arith.constant 0 : i32
    %dma_start3A_102 = tpu.memref_slice %arg7[%dma_start3A_100, %dma_start3A_101] : memref<80x125xi32, #tpu.memory_space<vmem>> -> memref<1x125xi32, #tpu.memory_space<vmem>>
    %dma_start3A_103 = tpu.memref_squeeze %dma_start3A_102 : memref<1x125xi32, #tpu.memory_space<vmem>> -> memref<125xi32, #tpu.memory_space<vmem>>
    %dma_start3A_104 = arith.constant 0 : i32
    %dma_start3A_105 = arith.constant 0 : i32
    %dma_start3A_106 = tpu.memref_slice %arg3[%dma_start3A_104, %dma_start3A_105] : memref<10000x64xf32, #tpu.memory_space<hbm>> -> memref<10000x64xf32, #tpu.memory_space<hbm>>
    tpu.enqueue_indirect_dma source(%dma_start3A_106 : memref<10000x64xf32, #tpu.memory_space<hbm>>) target(%arg9 : memref<125x64xf32, #tpu.memory_space<vmem>>) offsets(%dma_start3A_103 : memref<125xi32, #tpu.memory_space<vmem>>) semaphore(%arg14 : memref<!tpu.dma_semaphore, #tpu.memory_space<semaphore_mem>>)
    %dma_start3A_107 = arith.constant 1 : i32
    %dma_start3A_108 = arith.constant 0 : i32
    %dma_start3A_109 = tpu.memref_slice %arg7[%dma_start3A_107, %dma_start3A_108] : memref<80x125xi32, #tpu.memory_space<vmem>> -> memref<1x125xi32, #tpu.memory_space<vmem>>
    %dma_start3A_110 = tpu.memref_squeeze %dma_start3A_109 : memref<1x125xi32, #tpu.memory_space<vmem>> -> memref<125xi32, #tpu.memory_space<vmem>>
    %dma_start3A_111 = arith.constant 0 : i32
    %dma_start3A_112 = arith.constant 0 : i32
    %dma_start3A_113 = tpu.memref_slice %arg3[%dma_start3A_111, %dma_start3A_112] : memref<10000x64xf32, #tpu.memory_space<hbm>> -> memref<10000x64xf32, #tpu.memory_space<hbm>>
    tpu.enqueue_indirect_dma source(%dma_start3A_113 : memref<10000x64xf32, #tpu.memory_space<hbm>>) target(%arg10 : memref<125x64xf32, #tpu.memory_space<vmem>>) offsets(%dma_start3A_110 : memref<125xi32, #tpu.memory_space<vmem>>) semaphore(%arg15 : memref<!tpu.dma_semaphore, #tpu.memory_space<semaphore_mem>>)
    %dma_start3A_114 = arith.constant 2 : i32
    %dma_start3A_115 = arith.constant 0 : i32
    %dma_start3A_116 = tpu.memref_slice %arg7[%dma_start3A_114, %dma_start3A_115] : memref<80x125xi32, #tpu.memory_space<vmem>> -> memref<1x125xi32, #tpu.memory_space<vmem>>
    %dma_start3A_117 = tpu.memref_squeeze %dma_start3A_116 : memref<1x125xi32, #tpu.memory_space<vmem>> -> memref<125xi32, #tpu.memory_space<vmem>>
    %dma_start3A_118 = arith.constant 0 : i32
    %dma_start3A_119 = arith.constant 0 : i32
    %dma_start3A_120 = tpu.memref_slice %arg3[%dma_start3A_118, %dma_start3A_119] : memref<10000x64xf32, #tpu.memory_space<hbm>> -> memref<10000x64xf32, #tpu.memory_space<hbm>>
    tpu.enqueue_indirect_dma source(%dma_start3A_120 : memref<10000x64xf32, #tpu.memory_space<hbm>>) target(%arg11 : memref<125x64xf32, #tpu.memory_space<vmem>>) offsets(%dma_start3A_117 : memref<125xi32, #tpu.memory_space<vmem>>) semaphore(%arg16 : memref<!tpu.dma_semaphore, #tpu.memory_space<semaphore_mem>>)
    %scan3A_121 = arith.constant 0 : i32
    %scan3A_122 = arith.constant 0 : i32
    %scan3A_123 = arith.constant 20 : i32
    %scan3A_124 = arith.addi %scan3A_122, %scan3A_123 : i32
    %scan3A_125 = arith.constant 1 : i32
    %scan3A_126 = scf.for %scan3A_154 = %scan3A_122 to %scan3A_124 step %scan3A_125 iter_args(%scan3A_155 = %scan3A_121) -> (i32)  : i32 {
      %mul3A_156 = arith.constant 4 : i32
      %mul3A_157 = arith.muli %mul3A_156, %scan3A_154 : i32
      %add3A_158 = arith.constant 0 : i32
      %add3A_159 = arith.addi %mul3A_157, %add3A_158 : i32
      %dma_wait3A = arith.constant 0 : i32
      %dma_wait3A_160 = tpu.memref_slice %arg7[%add3A_159, %dma_wait3A] : memref<80x125xi32, #tpu.memory_space<vmem>> -> memref<1x125xi32, #tpu.memory_space<vmem>>
      %dma_wait3A_161 = tpu.memref_squeeze %dma_wait3A_160 : memref<1x125xi32, #tpu.memory_space<vmem>> -> memref<125xi32, #tpu.memory_space<vmem>>
      %dma_wait3A_162 = arith.constant 0 : i32
      %dma_wait3A_163 = arith.constant 0 : i32
      %dma_wait3A_164 = tpu.memref_slice %arg3[%dma_wait3A_162, %dma_wait3A_163] : memref<10000x64xf32, #tpu.memory_space<hbm>> -> memref<10000x64xf32, #tpu.memory_space<hbm>>
      tpu.wait_indirect_dma semaphore(%arg14 : memref<!tpu.dma_semaphore, #tpu.memory_space<semaphore_mem>>) src(%dma_wait3A_164 : memref<10000x64xf32, #tpu.memory_space<hbm>>) dst(%arg9 : memref<125x64xf32, #tpu.memory_space<vmem>>)
      %add3A_165 = arith.constant 4 : i32
      %add3A_166 = arith.addi %add3A_159, %add3A_165 : i32
      %sub3A = arith.constant 1 : i32
      %sub3A_167 = arith.subi %add3A_166, %sub3A : i32
      %lt3A = arith.constant 80 : i32
      %lt3A_168 = arith.cmpi slt, %sub3A_167, %lt3A : i32
      %convert_element_type3A = arith.extui %lt3A_168 : i1 to i32
      %cond3A = arith.constant 0 : i32
      %cond3A_169 = arith.cmpi ne, %convert_element_type3A, %cond3A : i32
      scf.if %cond3A_169 {
        %add3A_228 = arith.constant 4 : i32
        %add3A_229 = arith.addi %add3A_159, %add3A_228 : i32
        %sub3A_230 = arith.constant 1 : i32
        %sub3A_231 = arith.subi %add3A_229, %sub3A_230 : i32
        %dma_start3A_232 = arith.constant 0 : i32
        %dma_start3A_233 = tpu.memref_slice %arg7[%sub3A_231, %dma_start3A_232] : memref<80x125xi32, #tpu.memory_space<vmem>> -> memref<1x125xi32, #tpu.memory_space<vmem>>
        %dma_start3A_234 = tpu.memref_squeeze %dma_start3A_233 : memref<1x125xi32, #tpu.memory_space<vmem>> -> memref<125xi32, #tpu.memory_space<vmem>>
        %dma_start3A_235 = arith.constant 0 : i32
        %dma_start3A_236 = arith.constant 0 : i32
        %dma_start3A_237 = tpu.memref_slice %arg3[%dma_start3A_235, %dma_start3A_236] : memref<10000x64xf32, #tpu.memory_space<hbm>> -> memref<10000x64xf32, #tpu.memory_space<hbm>>
        tpu.enqueue_indirect_dma source(%dma_start3A_237 : memref<10000x64xf32, #tpu.memory_space<hbm>>) target(%arg12 : memref<125x64xf32, #tpu.memory_space<vmem>>) offsets(%dma_start3A_234 : memref<125xi32, #tpu.memory_space<vmem>>) semaphore(%arg17 : memref<!tpu.dma_semaphore, #tpu.memory_space<semaphore_mem>>)
      } else {
      }
      "tpu.region"() ({
        %run_scoped3A_228 = tpu.sem_alloc : memref<!tpu.dma_semaphore, #tpu.memory_space<semaphore_mem>>
        %dma_start3A_229 = arith.constant 0 : i32
        %dma_start3A_230 = tpu.memref_slice %arg8[%add3A_159, %dma_start3A_229] : memref<80x125xi32, #tpu.memory_space<vmem>> -> memref<1x125xi32, #tpu.memory_space<vmem>>
        %dma_start3A_231 = tpu.memref_squeeze %dma_start3A_230 : memref<1x125xi32, #tpu.memory_space<vmem>> -> memref<125xi32, #tpu.memory_space<vmem>>
        %dma_start3A_232 = arith.constant 0 : i32
        %dma_start3A_233 = arith.constant 0 : i32
        %dma_start3A_234 = tpu.memref_slice %arg18[%dma_start3A_232, %dma_start3A_233] : memref<10240x64xf32, #tpu.memory_space<vmem_shared>> -> memref<10240x64xf32, #tpu.memory_space<vmem_shared>>
        tpu.enqueue_indirect_dma source(%arg9 : memref<125x64xf32, #tpu.memory_space<vmem>>) target(%dma_start3A_234 : memref<10240x64xf32, #tpu.memory_space<vmem_shared>>) offsets(%dma_start3A_231 : memref<125xi32, #tpu.memory_space<vmem>>) semaphore(%run_scoped3A_228 : memref<!tpu.dma_semaphore, #tpu.memory_space<semaphore_mem>>) {add = true}
        %dma_wait3A_235 = arith.constant 0 : i32
        %dma_wait3A_236 = tpu.memref_slice %arg8[%add3A_159, %dma_wait3A_235] : memref<80x125xi32, #tpu.memory_space<vmem>> -> memref<1x125xi32, #tpu.memory_space<vmem>>
        %dma_wait3A_237 = tpu.memref_squeeze %dma_wait3A_236 : memref<1x125xi32, #tpu.memory_space<vmem>> -> memref<125xi32, #tpu.memory_space<vmem>>
        %dma_wait3A_238 = arith.constant 0 : i32
        %dma_wait3A_239 = arith.constant 0 : i32
        %dma_wait3A_240 = tpu.memref_slice %arg18[%dma_wait3A_238, %dma_wait3A_239] : memref<10240x64xf32, #tpu.memory_space<vmem_shared>> -> memref<10240x64xf32, #tpu.memory_space<vmem_shared>>
        tpu.wait_indirect_dma semaphore(%run_scoped3A_228 : memref<!tpu.dma_semaphore, #tpu.memory_space<semaphore_mem>>) src(%arg9 : memref<125x64xf32, #tpu.memory_space<vmem>>) dst(%dma_wait3A_240 : memref<10240x64xf32, #tpu.memory_space<vmem_shared>>)
        tpu.yield
      }) : () -> ()
      %mul3A_170 = arith.constant 4 : i32
      %mul3A_171 = arith.muli %mul3A_170, %scan3A_154 : i32
      %add3A_172 = arith.constant 1 : i32
      %add3A_173 = arith.addi %mul3A_171, %add3A_172 : i32
      %dma_wait3A_174 = arith.constant 0 : i32
      %dma_wait3A_175 = tpu.memref_slice %arg7[%add3A_173, %dma_wait3A_174] : memref<80x125xi32, #tpu.memory_space<vmem>> -> memref<1x125xi32, #tpu.memory_space<vmem>>
      %dma_wait3A_176 = tpu.memref_squeeze %dma_wait3A_175 : memref<1x125xi32, #tpu.memory_space<vmem>> -> memref<125xi32, #tpu.memory_space<vmem>>
      %dma_wait3A_177 = arith.constant 0 : i32
      %dma_wait3A_178 = arith.constant 0 : i32
      %dma_wait3A_179 = tpu.memref_slice %arg3[%dma_wait3A_177, %dma_wait3A_178] : memref<10000x64xf32, #tpu.memory_space<hbm>> -> memref<10000x64xf32, #tpu.memory_space<hbm>>
      tpu.wait_indirect_dma semaphore(%arg15 : memref<!tpu.dma_semaphore, #tpu.memory_space<semaphore_mem>>) src(%dma_wait3A_179 : memref<10000x64xf32, #tpu.memory_space<hbm>>) dst(%arg10 : memref<125x64xf32, #tpu.memory_space<vmem>>)
      %add3A_180 = arith.constant 4 : i32
      %add3A_181 = arith.addi %add3A_173, %add3A_180 : i32
      %sub3A_182 = arith.constant 1 : i32
      %sub3A_183 = arith.subi %add3A_181, %sub3A_182 : i32
      %lt3A_184 = arith.constant 80 : i32
      %lt3A_185 = arith.cmpi slt, %sub3A_183, %lt3A_184 : i32
      %convert_element_type3A_186 = arith.extui %lt3A_185 : i1 to i32
      %cond3A_187 = arith.constant 0 : i32
      %cond3A_188 = arith.cmpi ne, %convert_element_type3A_186, %cond3A_187 : i32
      scf.if %cond3A_188 {
        %add3A_228 = arith.constant 4 : i32
        %add3A_229 = arith.addi %add3A_173, %add3A_228 : i32
        %sub3A_230 = arith.constant 1 : i32
        %sub3A_231 = arith.subi %add3A_229, %sub3A_230 : i32
        %dma_start3A_232 = arith.constant 0 : i32
        %dma_start3A_233 = tpu.memref_slice %arg7[%sub3A_231, %dma_start3A_232] : memref<80x125xi32, #tpu.memory_space<vmem>> -> memref<1x125xi32, #tpu.memory_space<vmem>>
        %dma_start3A_234 = tpu.memref_squeeze %dma_start3A_233 : memref<1x125xi32, #tpu.memory_space<vmem>> -> memref<125xi32, #tpu.memory_space<vmem>>
        %dma_start3A_235 = arith.constant 0 : i32
        %dma_start3A_236 = arith.constant 0 : i32
        %dma_start3A_237 = tpu.memref_slice %arg3[%dma_start3A_235, %dma_start3A_236] : memref<10000x64xf32, #tpu.memory_space<hbm>> -> memref<10000x64xf32, #tpu.memory_space<hbm>>
        tpu.enqueue_indirect_dma source(%dma_start3A_237 : memref<10000x64xf32, #tpu.memory_space<hbm>>) target(%arg9 : memref<125x64xf32, #tpu.memory_space<vmem>>) offsets(%dma_start3A_234 : memref<125xi32, #tpu.memory_space<vmem>>) semaphore(%arg14 : memref<!tpu.dma_semaphore, #tpu.memory_space<semaphore_mem>>)
      } else {
      }
      "tpu.region"() ({
        %run_scoped3A_228 = tpu.sem_alloc : memref<!tpu.dma_semaphore, #tpu.memory_space<semaphore_mem>>
        %dma_start3A_229 = arith.constant 0 : i32
        %dma_start3A_230 = tpu.memref_slice %arg8[%add3A_173, %dma_start3A_229] : memref<80x125xi32, #tpu.memory_space<vmem>> -> memref<1x125xi32, #tpu.memory_space<vmem>>
        %dma_start3A_231 = tpu.memref_squeeze %dma_start3A_230 : memref<1x125xi32, #tpu.memory_space<vmem>> -> memref<125xi32, #tpu.memory_space<vmem>>
        %dma_start3A_232 = arith.constant 0 : i32
        %dma_start3A_233 = arith.constant 0 : i32
        %dma_start3A_234 = tpu.memref_slice %arg18[%dma_start3A_232, %dma_start3A_233] : memref<10240x64xf32, #tpu.memory_space<vmem_shared>> -> memref<10240x64xf32, #tpu.memory_space<vmem_shared>>
        tpu.enqueue_indirect_dma source(%arg10 : memref<125x64xf32, #tpu.memory_space<vmem>>) target(%dma_start3A_234 : memref<10240x64xf32, #tpu.memory_space<vmem_shared>>) offsets(%dma_start3A_231 : memref<125xi32, #tpu.memory_space<vmem>>) semaphore(%run_scoped3A_228 : memref<!tpu.dma_semaphore, #tpu.memory_space<semaphore_mem>>) {add = true}
        %dma_wait3A_235 = arith.constant 0 : i32
        %dma_wait3A_236 = tpu.memref_slice %arg8[%add3A_173, %dma_wait3A_235] : memref<80x125xi32, #tpu.memory_space<vmem>> -> memref<1x125xi32, #tpu.memory_space<vmem>>
        %dma_wait3A_237 = tpu.memref_squeeze %dma_wait3A_236 : memref<1x125xi32, #tpu.memory_space<vmem>> -> memref<125xi32, #tpu.memory_space<vmem>>
        %dma_wait3A_238 = arith.constant 0 : i32
        %dma_wait3A_239 = arith.constant 0 : i32
        %dma_wait3A_240 = tpu.memref_slice %arg18[%dma_wait3A_238, %dma_wait3A_239] : memref<10240x64xf32, #tpu.memory_space<vmem_shared>> -> memref<10240x64xf32, #tpu.memory_space<vmem_shared>>
        tpu.wait_indirect_dma semaphore(%run_scoped3A_228 : memref<!tpu.dma_semaphore, #tpu.memory_space<semaphore_mem>>) src(%arg10 : memref<125x64xf32, #tpu.memory_space<vmem>>) dst(%dma_wait3A_240 : memref<10240x64xf32, #tpu.memory_space<vmem_shared>>)
        tpu.yield
      }) : () -> ()
      %mul3A_189 = arith.constant 4 : i32
      %mul3A_190 = arith.muli %mul3A_189, %scan3A_154 : i32
      %add3A_191 = arith.constant 2 : i32
      %add3A_192 = arith.addi %mul3A_190, %add3A_191 : i32
      %dma_wait3A_193 = arith.constant 0 : i32
      %dma_wait3A_194 = tpu.memref_slice %arg7[%add3A_192, %dma_wait3A_193] : memref<80x125xi32, #tpu.memory_space<vmem>> -> memref<1x125xi32, #tpu.memory_space<vmem>>
      %dma_wait3A_195 = tpu.memref_squeeze %dma_wait3A_194 : memref<1x125xi32, #tpu.memory_space<vmem>> -> memref<125xi32, #tpu.memory_space<vmem>>
      %dma_wait3A_196 = arith.constant 0 : i32
      %dma_wait3A_197 = arith.constant 0 : i32
      %dma_wait3A_198 = tpu.memref_slice %arg3[%dma_wait3A_196, %dma_wait3A_197] : memref<10000x64xf32, #tpu.memory_space<hbm>> -> memref<10000x64xf32, #tpu.memory_space<hbm>>
      tpu.wait_indirect_dma semaphore(%arg16 : memref<!tpu.dma_semaphore, #tpu.memory_space<semaphore_mem>>) src(%dma_wait3A_198 : memref<10000x64xf32, #tpu.memory_space<hbm>>) dst(%arg11 : memref<125x64xf32, #tpu.memory_space<vmem>>)
      %add3A_199 = arith.constant 4 : i32
      %add3A_200 = arith.addi %add3A_192, %add3A_199 : i32
      %sub3A_201 = arith.constant 1 : i32
      %sub3A_202 = arith.subi %add3A_200, %sub3A_201 : i32
      %lt3A_203 = arith.constant 80 : i32
      %lt3A_204 = arith.cmpi slt, %sub3A_202, %lt3A_203 : i32
      %convert_element_type3A_205 = arith.extui %lt3A_204 : i1 to i32
      %cond3A_206 = arith.constant 0 : i32
      %cond3A_207 = arith.cmpi ne, %convert_element_type3A_205, %cond3A_206 : i32
      scf.if %cond3A_207 {
        %add3A_228 = arith.constant 4 : i32
        %add3A_229 = arith.addi %add3A_192, %add3A_228 : i32
        %sub3A_230 = arith.constant 1 : i32
        %sub3A_231 = arith.subi %add3A_229, %sub3A_230 : i32
        %dma_start3A_232 = arith.constant 0 : i32
        %dma_start3A_233 = tpu.memref_slice %arg7[%sub3A_231, %dma_start3A_232] : memref<80x125xi32, #tpu.memory_space<vmem>> -> memref<1x125xi32, #tpu.memory_space<vmem>>
        %dma_start3A_234 = tpu.memref_squeeze %dma_start3A_233 : memref<1x125xi32, #tpu.memory_space<vmem>> -> memref<125xi32, #tpu.memory_space<vmem>>
        %dma_start3A_235 = arith.constant 0 : i32
        %dma_start3A_236 = arith.constant 0 : i32
        %dma_start3A_237 = tpu.memref_slice %arg3[%dma_start3A_235, %dma_start3A_236] : memref<10000x64xf32, #tpu.memory_space<hbm>> -> memref<10000x64xf32, #tpu.memory_space<hbm>>
        tpu.enqueue_indirect_dma source(%dma_start3A_237 : memref<10000x64xf32, #tpu.memory_space<hbm>>) target(%arg10 : memref<125x64xf32, #tpu.memory_space<vmem>>) offsets(%dma_start3A_234 : memref<125xi32, #tpu.memory_space<vmem>>) semaphore(%arg15 : memref<!tpu.dma_semaphore, #tpu.memory_space<semaphore_mem>>)
      } else {
      }
      "tpu.region"() ({
        %run_scoped3A_228 = tpu.sem_alloc : memref<!tpu.dma_semaphore, #tpu.memory_space<semaphore_mem>>
        %dma_start3A_229 = arith.constant 0 : i32
        %dma_start3A_230 = tpu.memref_slice %arg8[%add3A_192, %dma_start3A_229] : memref<80x125xi32, #tpu.memory_space<vmem>> -> memref<1x125xi32, #tpu.memory_space<vmem>>
        %dma_start3A_231 = tpu.memref_squeeze %dma_start3A_230 : memref<1x125xi32, #tpu.memory_space<vmem>> -> memref<125xi32, #tpu.memory_space<vmem>>
        %dma_start3A_232 = arith.constant 0 : i32
        %dma_start3A_233 = arith.constant 0 : i32
        %dma_start3A_234 = tpu.memref_slice %arg18[%dma_start3A_232, %dma_start3A_233] : memref<10240x64xf32, #tpu.memory_space<vmem_shared>> -> memref<10240x64xf32, #tpu.memory_space<vmem_shared>>
        tpu.enqueue_indirect_dma source(%arg11 : memref<125x64xf32, #tpu.memory_space<vmem>>) target(%dma_start3A_234 : memref<10240x64xf32, #tpu.memory_space<vmem_shared>>) offsets(%dma_start3A_231 : memref<125xi32, #tpu.memory_space<vmem>>) semaphore(%run_scoped3A_228 : memref<!tpu.dma_semaphore, #tpu.memory_space<semaphore_mem>>) {add = true}
        %dma_wait3A_235 = arith.constant 0 : i32
        %dma_wait3A_236 = tpu.memref_slice %arg8[%add3A_192, %dma_wait3A_235] : memref<80x125xi32, #tpu.memory_space<vmem>> -> memref<1x125xi32, #tpu.memory_space<vmem>>
        %dma_wait3A_237 = tpu.memref_squeeze %dma_wait3A_236 : memref<1x125xi32, #tpu.memory_space<vmem>> -> memref<125xi32, #tpu.memory_space<vmem>>
        %dma_wait3A_238 = arith.constant 0 : i32
        %dma_wait3A_239 = arith.constant 0 : i32
        %dma_wait3A_240 = tpu.memref_slice %arg18[%dma_wait3A_238, %dma_wait3A_239] : memref<10240x64xf32, #tpu.memory_space<vmem_shared>> -> memref<10240x64xf32, #tpu.memory_space<vmem_shared>>
        tpu.wait_indirect_dma semaphore(%run_scoped3A_228 : memref<!tpu.dma_semaphore, #tpu.memory_space<semaphore_mem>>) src(%arg11 : memref<125x64xf32, #tpu.memory_space<vmem>>) dst(%dma_wait3A_240 : memref<10240x64xf32, #tpu.memory_space<vmem_shared>>)
        tpu.yield
      }) : () -> ()
      %mul3A_208 = arith.constant 4 : i32
      %mul3A_209 = arith.muli %mul3A_208, %scan3A_154 : i32
      %add3A_210 = arith.constant 3 : i32
      %add3A_211 = arith.addi %mul3A_209, %add3A_210 : i32
      %dma_wait3A_212 = arith.constant 0 : i32
      %dma_wait3A_213 = tpu.memref_slice %arg7[%add3A_211, %dma_wait3A_212] : memref<80x125xi32, #tpu.memory_space<vmem>> -> memref<1x125xi32, #tpu.memory_space<vmem>>
      %dma_wait3A_214 = tpu.memref_squeeze %dma_wait3A_213 : memref<1x125xi32, #tpu.memory_space<vmem>> -> memref<125xi32, #tpu.memory_space<vmem>>
      %dma_wait3A_215 = arith.constant 0 : i32
      %dma_wait3A_216 = arith.constant 0 : i32
      %dma_wait3A_217 = tpu.memref_slice %arg3[%dma_wait3A_215, %dma_wait3A_216] : memref<10000x64xf32, #tpu.memory_space<hbm>> -> memref<10000x64xf32, #tpu.memory_space<hbm>>
      tpu.wait_indirect_dma semaphore(%arg17 : memref<!tpu.dma_semaphore, #tpu.memory_space<semaphore_mem>>) src(%dma_wait3A_217 : memref<10000x64xf32, #tpu.memory_space<hbm>>) dst(%arg12 : memref<125x64xf32, #tpu.memory_space<vmem>>)
      %add3A_218 = arith.constant 4 : i32
      %add3A_219 = arith.addi %add3A_211, %add3A_218 : i32
      %sub3A_220 = arith.constant 1 : i32
      %sub3A_221 = arith.subi %add3A_219, %sub3A_220 : i32
      %lt3A_222 = arith.constant 80 : i32
      %lt3A_223 = arith.cmpi slt, %sub3A_221, %lt3A_222 : i32
      %convert_element_type3A_224 = arith.extui %lt3A_223 : i1 to i32
      %cond3A_225 = arith.constant 0 : i32
      %cond3A_226 = arith.cmpi ne, %convert_element_type3A_224, %cond3A_225 : i32
      scf.if %cond3A_226 {
        %add3A_228 = arith.constant 4 : i32
        %add3A_229 = arith.addi %add3A_211, %add3A_228 : i32
        %sub3A_230 = arith.constant 1 : i32
        %sub3A_231 = arith.subi %add3A_229, %sub3A_230 : i32
        %dma_start3A_232 = arith.constant 0 : i32
        %dma_start3A_233 = tpu.memref_slice %arg7[%sub3A_231, %dma_start3A_232] : memref<80x125xi32, #tpu.memory_space<vmem>> -> memref<1x125xi32, #tpu.memory_space<vmem>>
        %dma_start3A_234 = tpu.memref_squeeze %dma_start3A_233 : memref<1x125xi32, #tpu.memory_space<vmem>> -> memref<125xi32, #tpu.memory_space<vmem>>
        %dma_start3A_235 = arith.constant 0 : i32
        %dma_start3A_236 = arith.constant 0 : i32
        %dma_start3A_237 = tpu.memref_slice %arg3[%dma_start3A_235, %dma_start3A_236] : memref<10000x64xf32, #tpu.memory_space<hbm>> -> memref<10000x64xf32, #tpu.memory_space<hbm>>
        tpu.enqueue_indirect_dma source(%dma_start3A_237 : memref<10000x64xf32, #tpu.memory_space<hbm>>) target(%arg11 : memref<125x64xf32, #tpu.memory_space<vmem>>) offsets(%dma_start3A_234 : memref<125xi32, #tpu.memory_space<vmem>>) semaphore(%arg16 : memref<!tpu.dma_semaphore, #tpu.memory_space<semaphore_mem>>)
      } else {
      }
      "tpu.region"() ({
        %run_scoped3A_228 = tpu.sem_alloc : memref<!tpu.dma_semaphore, #tpu.memory_space<semaphore_mem>>
        %dma_start3A_229 = arith.constant 0 : i32
        %dma_start3A_230 = tpu.memref_slice %arg8[%add3A_211, %dma_start3A_229] : memref<80x125xi32, #tpu.memory_space<vmem>> -> memref<1x125xi32, #tpu.memory_space<vmem>>
        %dma_start3A_231 = tpu.memref_squeeze %dma_start3A_230 : memref<1x125xi32, #tpu.memory_space<vmem>> -> memref<125xi32, #tpu.memory_space<vmem>>
        %dma_start3A_232 = arith.constant 0 : i32
        %dma_start3A_233 = arith.constant 0 : i32
        %dma_start3A_234 = tpu.memref_slice %arg18[%dma_start3A_232, %dma_start3A_233] : memref<10240x64xf32, #tpu.memory_space<vmem_shared>> -> memref<10240x64xf32, #tpu.memory_space<vmem_shared>>
        tpu.enqueue_indirect_dma source(%arg12 : memref<125x64xf32, #tpu.memory_space<vmem>>) target(%dma_start3A_234 : memref<10240x64xf32, #tpu.memory_space<vmem_shared>>) offsets(%dma_start3A_231 : memref<125xi32, #tpu.memory_space<vmem>>) semaphore(%run_scoped3A_228 : memref<!tpu.dma_semaphore, #tpu.memory_space<semaphore_mem>>) {add = true}
        %dma_wait3A_235 = arith.constant 0 : i32
        %dma_wait3A_236 = tpu.memref_slice %arg8[%add3A_211, %dma_wait3A_235] : memref<80x125xi32, #tpu.memory_space<vmem>> -> memref<1x125xi32, #tpu.memory_space<vmem>>
        %dma_wait3A_237 = tpu.memref_squeeze %dma_wait3A_236 : memref<1x125xi32, #tpu.memory_space<vmem>> -> memref<125xi32, #tpu.memory_space<vmem>>
        %dma_wait3A_238 = arith.constant 0 : i32
        %dma_wait3A_239 = arith.constant 0 : i32
        %dma_wait3A_240 = tpu.memref_slice %arg18[%dma_wait3A_238, %dma_wait3A_239] : memref<10240x64xf32, #tpu.memory_space<vmem_shared>> -> memref<10240x64xf32, #tpu.memory_space<vmem_shared>>
        tpu.wait_indirect_dma semaphore(%run_scoped3A_228 : memref<!tpu.dma_semaphore, #tpu.memory_space<semaphore_mem>>) src(%arg12 : memref<125x64xf32, #tpu.memory_space<vmem>>) dst(%dma_wait3A_240 : memref<10240x64xf32, #tpu.memory_space<vmem_shared>>)
        tpu.yield
      }) : () -> ()
      %scan3A_227 = arith.constant 0 : i32
      scf.yield %scan3A_227 : i32
    }
    %scan3A_127 = arith.constant 20 : i32
    %barrier3A_128 = arith.constant 0 : index
    tpu.barrier barrier_id(%barrier3A_128)
    %mul3A_129 = arith.constant 640 : i32
    %mul3A_130 = arith.muli %arg1, %mul3A_129 : i32
    %add3A_131 = arith.constant 0 : i32
    %add3A_132 = arith.addi %mul3A_130, %add3A_131 : i32
    %run_scoped3A_133 = arith.constant 1 : i32
    "tpu.region"() ({
      %run_scoped3A_154 = tpu.sem_alloc : memref<!tpu.dma_semaphore, #tpu.memory_space<semaphore_mem>>
      %dma_start3A_155 = arith.constant 0 : i32
      %dma_start3A_156 = tpu.memref_slice %arg6[%arg0, %run_scoped3A_133, %add3A_132, %dma_start3A_155] : memref<2x2x10240x64xf32, #tpu.memory_space<hbm>> -> memref<1x1x128x64xf32, #tpu.memory_space<hbm>>
      %dma_start3A_157 = tpu.memref_squeeze %dma_start3A_156 : memref<1x1x128x64xf32, #tpu.memory_space<hbm>> -> memref<128x64xf32, #tpu.memory_space<hbm>>
      %dma_start3A_158 = arith.constant 0 : i32
      %dma_start3A_159 = tpu.memref_slice %arg18[%add3A_132, %dma_start3A_158] : memref<10240x64xf32, #tpu.memory_space<vmem_shared>> -> memref<128x64xf32, #tpu.memory_space<vmem_shared>>
      tpu.enqueue_dma source(%dma_start3A_159 : memref<128x64xf32, #tpu.memory_space<vmem_shared>>) target(%dma_start3A_157 : memref<128x64xf32, #tpu.memory_space<hbm>>) target_semaphore(%run_scoped3A_154 : memref<!tpu.dma_semaphore, #tpu.memory_space<semaphore_mem>>)
      %dma_wait3A = arith.constant 0 : i32
      %dma_wait3A_160 = tpu.memref_slice %arg6[%arg0, %run_scoped3A_133, %add3A_132, %dma_wait3A] : memref<2x2x10240x64xf32, #tpu.memory_space<hbm>> -> memref<1x1x128x64xf32, #tpu.memory_space<hbm>>
      %dma_wait3A_161 = tpu.memref_squeeze %dma_wait3A_160 : memref<1x1x128x64xf32, #tpu.memory_space<hbm>> -> memref<128x64xf32, #tpu.memory_space<hbm>>
      %dma_wait3A_162 = arith.constant 0 : i32
      %dma_wait3A_163 = tpu.memref_slice %arg18[%add3A_132, %dma_wait3A_162] : memref<10240x64xf32, #tpu.memory_space<vmem_shared>> -> memref<128x64xf32, #tpu.memory_space<vmem_shared>>
      tpu.wait_dma2 semaphore(%run_scoped3A_154 : memref<!tpu.dma_semaphore, #tpu.memory_space<semaphore_mem>>) src(%dma_wait3A_163 : memref<128x64xf32, #tpu.memory_space<vmem_shared>>) dst(%dma_wait3A_161 : memref<128x64xf32, #tpu.memory_space<hbm>>)
      tpu.yield
    }) : () -> ()
    %mul3A_134 = arith.constant 640 : i32
    %mul3A_135 = arith.muli %arg1, %mul3A_134 : i32
    %add3A_136 = arith.constant 128 : i32
    %add3A_137 = arith.addi %mul3A_135, %add3A_136 : i32
    %run_scoped3A_138 = arith.constant 1 : i32
    "tpu.region"() ({
      %run_scoped3A_154 = tpu.sem_alloc : memref<!tpu.dma_semaphore, #tpu.memory_space<semaphore_mem>>
      %dma_start3A_155 = arith.constant 0 : i32
      %dma_start3A_156 = tpu.memref_slice %arg6[%arg0, %run_scoped3A_138, %add3A_137, %dma_start3A_155] : memref<2x2x10240x64xf32, #tpu.memory_space<hbm>> -> memref<1x1x128x64xf32, #tpu.memory_space<hbm>>
      %dma_start3A_157 = tpu.memref_squeeze %dma_start3A_156 : memref<1x1x128x64xf32, #tpu.memory_space<hbm>> -> memref<128x64xf32, #tpu.memory_space<hbm>>
      %dma_start3A_158 = arith.constant 0 : i32
      %dma_start3A_159 = tpu.memref_slice %arg18[%add3A_137, %dma_start3A_158] : memref<10240x64xf32, #tpu.memory_space<vmem_shared>> -> memref<128x64xf32, #tpu.memory_space<vmem_shared>>
      tpu.enqueue_dma source(%dma_start3A_159 : memref<128x64xf32, #tpu.memory_space<vmem_shared>>) target(%dma_start3A_157 : memref<128x64xf32, #tpu.memory_space<hbm>>) target_semaphore(%run_scoped3A_154 : memref<!tpu.dma_semaphore, #tpu.memory_space<semaphore_mem>>)
      %dma_wait3A = arith.constant 0 : i32
      %dma_wait3A_160 = tpu.memref_slice %arg6[%arg0, %run_scoped3A_138, %add3A_137, %dma_wait3A] : memref<2x2x10240x64xf32, #tpu.memory_space<hbm>> -> memref<1x1x128x64xf32, #tpu.memory_space<hbm>>
      %dma_wait3A_161 = tpu.memref_squeeze %dma_wait3A_160 : memref<1x1x128x64xf32, #tpu.memory_space<hbm>> -> memref<128x64xf32, #tpu.memory_space<hbm>>
      %dma_wait3A_162 = arith.constant 0 : i32
      %dma_wait3A_163 = tpu.memref_slice %arg18[%add3A_137, %dma_wait3A_162] : memref<10240x64xf32, #tpu.memory_space<vmem_shared>> -> memref<128x64xf32, #tpu.memory_space<vmem_shared>>
      tpu.wait_dma2 semaphore(%run_scoped3A_154 : memref<!tpu.dma_semaphore, #tpu.memory_space<semaphore_mem>>) src(%dma_wait3A_163 : memref<128x64xf32, #tpu.memory_space<vmem_shared>>) dst(%dma_wait3A_161 : memref<128x64xf32, #tpu.memory_space<hbm>>)
      tpu.yield
    }) : () -> ()
    %mul3A_139 = arith.constant 640 : i32
    %mul3A_140 = arith.muli %arg1, %mul3A_139 : i32
    %add3A_141 = arith.constant 256 : i32
    %add3A_142 = arith.addi %mul3A_140, %add3A_141 : i32
    %run_scoped3A_143 = arith.constant 1 : i32
    "tpu.region"() ({
      %run_scoped3A_154 = tpu.sem_alloc : memref<!tpu.dma_semaphore, #tpu.memory_space<semaphore_mem>>
      %dma_start3A_155 = arith.constant 0 : i32
      %dma_start3A_156 = tpu.memref_slice %arg6[%arg0, %run_scoped3A_143, %add3A_142, %dma_start3A_155] : memref<2x2x10240x64xf32, #tpu.memory_space<hbm>> -> memref<1x1x128x64xf32, #tpu.memory_space<hbm>>
      %dma_start3A_157 = tpu.memref_squeeze %dma_start3A_156 : memref<1x1x128x64xf32, #tpu.memory_space<hbm>> -> memref<128x64xf32, #tpu.memory_space<hbm>>
      %dma_start3A_158 = arith.constant 0 : i32
      %dma_start3A_159 = tpu.memref_slice %arg18[%add3A_142, %dma_start3A_158] : memref<10240x64xf32, #tpu.memory_space<vmem_shared>> -> memref<128x64xf32, #tpu.memory_space<vmem_shared>>
      tpu.enqueue_dma source(%dma_start3A_159 : memref<128x64xf32, #tpu.memory_space<vmem_shared>>) target(%dma_start3A_157 : memref<128x64xf32, #tpu.memory_space<hbm>>) target_semaphore(%run_scoped3A_154 : memref<!tpu.dma_semaphore, #tpu.memory_space<semaphore_mem>>)
      %dma_wait3A = arith.constant 0 : i32
      %dma_wait3A_160 = tpu.memref_slice %arg6[%arg0, %run_scoped3A_143, %add3A_142, %dma_wait3A] : memref<2x2x10240x64xf32, #tpu.memory_space<hbm>> -> memref<1x1x128x64xf32, #tpu.memory_space<hbm>>
      %dma_wait3A_161 = tpu.memref_squeeze %dma_wait3A_160 : memref<1x1x128x64xf32, #tpu.memory_space<hbm>> -> memref<128x64xf32, #tpu.memory_space<hbm>>
      %dma_wait3A_162 = arith.constant 0 : i32
      %dma_wait3A_163 = tpu.memref_slice %arg18[%add3A_142, %dma_wait3A_162] : memref<10240x64xf32, #tpu.memory_space<vmem_shared>> -> memref<128x64xf32, #tpu.memory_space<vmem_shared>>
      tpu.wait_dma2 semaphore(%run_scoped3A_154 : memref<!tpu.dma_semaphore, #tpu.memory_space<semaphore_mem>>) src(%dma_wait3A_163 : memref<128x64xf32, #tpu.memory_space<vmem_shared>>) dst(%dma_wait3A_161 : memref<128x64xf32, #tpu.memory_space<hbm>>)
      tpu.yield
    }) : () -> ()
    %mul3A_144 = arith.constant 640 : i32
    %mul3A_145 = arith.muli %arg1, %mul3A_144 : i32
    %add3A_146 = arith.constant 384 : i32
    %add3A_147 = arith.addi %mul3A_145, %add3A_146 : i32
    %run_scoped3A_148 = arith.constant 1 : i32
    "tpu.region"() ({
      %run_scoped3A_154 = tpu.sem_alloc : memref<!tpu.dma_semaphore, #tpu.memory_space<semaphore_mem>>
      %dma_start3A_155 = arith.constant 0 : i32
      %dma_start3A_156 = tpu.memref_slice %arg6[%arg0, %run_scoped3A_148, %add3A_147, %dma_start3A_155] : memref<2x2x10240x64xf32, #tpu.memory_space<hbm>> -> memref<1x1x128x64xf32, #tpu.memory_space<hbm>>
      %dma_start3A_157 = tpu.memref_squeeze %dma_start3A_156 : memref<1x1x128x64xf32, #tpu.memory_space<hbm>> -> memref<128x64xf32, #tpu.memory_space<hbm>>
      %dma_start3A_158 = arith.constant 0 : i32
      %dma_start3A_159 = tpu.memref_slice %arg18[%add3A_147, %dma_start3A_158] : memref<10240x64xf32, #tpu.memory_space<vmem_shared>> -> memref<128x64xf32, #tpu.memory_space<vmem_shared>>
      tpu.enqueue_dma source(%dma_start3A_159 : memref<128x64xf32, #tpu.memory_space<vmem_shared>>) target(%dma_start3A_157 : memref<128x64xf32, #tpu.memory_space<hbm>>) target_semaphore(%run_scoped3A_154 : memref<!tpu.dma_semaphore, #tpu.memory_space<semaphore_mem>>)
      %dma_wait3A = arith.constant 0 : i32
      %dma_wait3A_160 = tpu.memref_slice %arg6[%arg0, %run_scoped3A_148, %add3A_147, %dma_wait3A] : memref<2x2x10240x64xf32, #tpu.memory_space<hbm>> -> memref<1x1x128x64xf32, #tpu.memory_space<hbm>>
      %dma_wait3A_161 = tpu.memref_squeeze %dma_wait3A_160 : memref<1x1x128x64xf32, #tpu.memory_space<hbm>> -> memref<128x64xf32, #tpu.memory_space<hbm>>
      %dma_wait3A_162 = arith.constant 0 : i32
      %dma_wait3A_163 = tpu.memref_slice %arg18[%add3A_147, %dma_wait3A_162] : memref<10240x64xf32, #tpu.memory_space<vmem_shared>> -> memref<128x64xf32, #tpu.memory_space<vmem_shared>>
      tpu.wait_dma2 semaphore(%run_scoped3A_154 : memref<!tpu.dma_semaphore, #tpu.memory_space<semaphore_mem>>) src(%dma_wait3A_163 : memref<128x64xf32, #tpu.memory_space<vmem_shared>>) dst(%dma_wait3A_161 : memref<128x64xf32, #tpu.memory_space<hbm>>)
      tpu.yield
    }) : () -> ()
    %mul3A_149 = arith.constant 640 : i32
    %mul3A_150 = arith.muli %arg1, %mul3A_149 : i32
    %add3A_151 = arith.constant 512 : i32
    %add3A_152 = arith.addi %mul3A_150, %add3A_151 : i32
    %run_scoped3A_153 = arith.constant 1 : i32
    "tpu.region"() ({
      %run_scoped3A_154 = tpu.sem_alloc : memref<!tpu.dma_semaphore, #tpu.memory_space<semaphore_mem>>
      %dma_start3A_155 = arith.constant 0 : i32
      %dma_start3A_156 = tpu.memref_slice %arg6[%arg0, %run_scoped3A_153, %add3A_152, %dma_start3A_155] : memref<2x2x10240x64xf32, #tpu.memory_space<hbm>> -> memref<1x1x128x64xf32, #tpu.memory_space<hbm>>
      %dma_start3A_157 = tpu.memref_squeeze %dma_start3A_156 : memref<1x1x128x64xf32, #tpu.memory_space<hbm>> -> memref<128x64xf32, #tpu.memory_space<hbm>>
      %dma_start3A_158 = arith.constant 0 : i32
      %dma_start3A_159 = tpu.memref_slice %arg18[%add3A_152, %dma_start3A_158] : memref<10240x64xf32, #tpu.memory_space<vmem_shared>> -> memref<128x64xf32, #tpu.memory_space<vmem_shared>>
      tpu.enqueue_dma source(%dma_start3A_159 : memref<128x64xf32, #tpu.memory_space<vmem_shared>>) target(%dma_start3A_157 : memref<128x64xf32, #tpu.memory_space<hbm>>) target_semaphore(%run_scoped3A_154 : memref<!tpu.dma_semaphore, #tpu.memory_space<semaphore_mem>>)
      %dma_wait3A = arith.constant 0 : i32
      %dma_wait3A_160 = tpu.memref_slice %arg6[%arg0, %run_scoped3A_153, %add3A_152, %dma_wait3A] : memref<2x2x10240x64xf32, #tpu.memory_space<hbm>> -> memref<1x1x128x64xf32, #tpu.memory_space<hbm>>
      %dma_wait3A_161 = tpu.memref_squeeze %dma_wait3A_160 : memref<1x1x128x64xf32, #tpu.memory_space<hbm>> -> memref<128x64xf32, #tpu.memory_space<hbm>>
      %dma_wait3A_162 = arith.constant 0 : i32
      %dma_wait3A_163 = tpu.memref_slice %arg18[%add3A_152, %dma_wait3A_162] : memref<10240x64xf32, #tpu.memory_space<vmem_shared>> -> memref<128x64xf32, #tpu.memory_space<vmem_shared>>
      tpu.wait_dma2 semaphore(%run_scoped3A_154 : memref<!tpu.dma_semaphore, #tpu.memory_space<semaphore_mem>>) src(%dma_wait3A_163 : memref<128x64xf32, #tpu.memory_space<vmem_shared>>) dst(%dma_wait3A_161 : memref<128x64xf32, #tpu.memory_space<hbm>>)
      tpu.yield
    }) : () -> ()
    return
  }
}

module attributes {stable_mosaic.version = 14 : i64} {
  func.func @_stage_a_body(%arg0: i32, %arg1: memref<2x2000x8xf32, #tpu.memory_space<vmem>>, %arg2: memref<2000x128xf32, #tpu.memory_space<vmem>>, %arg3: memref<128x128xf32, #tpu.memory_space<vmem>>, %arg4: memref<2000x64xf32, #tpu.memory_space<vmem>>, %arg5: memref<2000x64xf32, #tpu.memory_space<vmem>>, %arg6: memref<2000x8xf32, #tpu.memory_space<vmem>>) attributes {dimension_semantics = [#tpu.dimension_semantics<arbitrary>], iteration_bounds = array<i64: 5>, scalar_prefetch = 0 : i64, scratch_operands = 0 : i64, tpu.core_type = #tpu.core_type<tc>, window_params = [{transform_indices = @transform_0, window_bounds = array<i64: 2, 2000, 8>}, {transform_indices = @transform_1, window_bounds = array<i64: 2000, 128>}, {pipeline_mode = #tpu.pipeline_mode<synchronous>, transform_indices = @transform_2, window_bounds = array<i64: 128, 128>}, {transform_indices = @transform_3, window_bounds = array<i64: 2000, 64>}, {transform_indices = @transform_4, window_bounds = array<i64: 2000, 64>}, {transform_indices = @transform_5, window_bounds = array<i64: 2000, 8>}]} {
    %get3A = arith.constant 0 : index
    %get3A_0 = arith.constant 0 : index
    %get3A_1 = arith.constant 0 : index
    %get3A_2 = vector.load %arg1[%get3A, %get3A_0, %get3A_1] : memref<2x2000x8xf32, #tpu.memory_space<vmem>>, vector<1x2000x8xf32>
    %get3A_3 = vector.shape_cast %get3A_2 : vector<1x2000x8xf32> to vector<2000x8xf32>
    %add3A = arith.constant 1.000000e+00 : f32
    %add3A_4 = vector.broadcast %add3A : f32 to vector<2000x8xf32>
    %add3A_5 = arith.addf %add3A_4, %get3A_3 : vector<2000x8xf32>
    %get3A_6 = arith.constant 1 : index
    %get3A_7 = arith.constant 0 : index
    %get3A_8 = arith.constant 0 : index
    %get3A_9 = vector.load %arg1[%get3A_6, %get3A_7, %get3A_8] : memref<2x2000x8xf32, #tpu.memory_space<vmem>>, vector<1x2000x8xf32>
    %get3A_10 = vector.shape_cast %get3A_9 : vector<1x2000x8xf32> to vector<2000x8xf32>
    %add3A_11 = arith.addf %add3A_5, %get3A_10 : vector<2000x8xf32>
    %rsqrt3A = math.rsqrt %add3A_11 : vector<2000x8xf32>
    %swap3A = arith.constant 0 : index
    %swap3A_12 = arith.constant 0 : index
    %swap3A_13 = vector.load %arg6[%swap3A, %swap3A_12] : memref<2000x8xf32, #tpu.memory_space<vmem>>, vector<2000x8xf32>
    tpu.vector_store %arg6[%swap3A, %swap3A_12], %rsqrt3A {strides = array<i32>} : memref<2000x8xf32, #tpu.memory_space<vmem>>, vector<2000x8xf32>,
    %get3A_14 = arith.constant 0 : index
    %get3A_15 = arith.constant 0 : index
    %get3A_16 = vector.load %arg2[%get3A_14, %get3A_15] : memref<2000x128xf32, #tpu.memory_space<vmem>>, vector<2000x128xf32>
    %get3A_17 = arith.constant 0 : index
    %get3A_18 = arith.constant 0 : index
    %get3A_19 = vector.load %arg3[%get3A_17, %get3A_18] : memref<128x128xf32, #tpu.memory_space<vmem>>, vector<128x128xf32>
    %dot_general3A = arith.constant dense<0.000000e+00> : vector<2000x128xf32>
    %dot_general3A_20 = tpu.matmul %get3A_16, %get3A_19, %dot_general3A {dimension_numbers = #tpu.dot_dimension_numbers<[1], [0], [0], [1], [0, 0, 1, 1], [], []>, transpose_lhs_hint = false} : vector<2000x128xf32>, vector<128x128xf32>, vector<2000x128xf32> -> vector<2000x128xf32>
    %slice3A = vector.extract_strided_slice %rsqrt3A {offsets = [0, 0], sizes = [2000, 1], strides = [1, 1]} : vector<2000x8xf32> to vector<2000x1xf32>
    %mul3A = vector.broadcast %slice3A : vector<2000x1xf32> to vector<2000x128xf32>
    %mul3A_21 = arith.mulf %dot_general3A_20, %mul3A : vector<2000x128xf32>
    %slice3A_22 = vector.extract_strided_slice %mul3A_21 {offsets = [0, 0], sizes = [2000, 64], strides = [1, 1]} : vector<2000x128xf32> to vector<2000x64xf32>
    %swap3A_23 = arith.constant 0 : index
    %swap3A_24 = arith.constant 0 : index
    %swap3A_25 = vector.load %arg4[%swap3A_23, %swap3A_24] : memref<2000x64xf32, #tpu.memory_space<vmem>>, vector<2000x64xf32>
    tpu.vector_store %arg4[%swap3A_23, %swap3A_24], %slice3A_22 {strides = array<i32>} : memref<2000x64xf32, #tpu.memory_space<vmem>>, vector<2000x64xf32>,
    %slice3A_26 = vector.extract_strided_slice %mul3A_21 {offsets = [0, 64], sizes = [2000, 64], strides = [1, 1]} : vector<2000x128xf32> to vector<2000x64xf32>
    %swap3A_27 = arith.constant 0 : index
    %swap3A_28 = arith.constant 0 : index
    %swap3A_29 = vector.load %arg5[%swap3A_27, %swap3A_28] : memref<2000x64xf32, #tpu.memory_space<vmem>>, vector<2000x64xf32>
    tpu.vector_store %arg5[%swap3A_27, %swap3A_28], %slice3A_26 {strides = array<i32>} : memref<2000x64xf32, #tpu.memory_space<vmem>>, vector<2000x64xf32>,
    return
  }
  func.func @transform_0(%arg0: i32) -> (i32, i32, i32) {
    %c0_i32 = arith.constant 0 : i32
    %c0_i32_0 = arith.constant 0 : i32
    %c0_i32_1 = arith.constant 0 : i32
    return %c0_i32, %arg0, %c0_i32_0 : i32, i32, i32
  }
  func.func @transform_1(%arg0: i32) -> (i32, i32) {
    %c0_i32 = arith.constant 0 : i32
    %c0_i32_0 = arith.constant 0 : i32
    return %arg0, %c0_i32 : i32, i32
  }
  func.func @transform_2(%arg0: i32) -> (i32, i32) {
    %c0_i32 = arith.constant 0 : i32
    %c0_i32_0 = arith.constant 0 : i32
    %c0_i32_1 = arith.constant 0 : i32
    return %c0_i32, %c0_i32_0 : i32, i32
  }
  func.func @transform_3(%arg0: i32) -> (i32, i32) {
    %c0_i32 = arith.constant 0 : i32
    %c0_i32_0 = arith.constant 0 : i32
    return %arg0, %c0_i32 : i32, i32
  }
  func.func @transform_4(%arg0: i32) -> (i32, i32) {
    %c0_i32 = arith.constant 0 : i32
    %c0_i32_0 = arith.constant 0 : i32
    return %arg0, %c0_i32 : i32, i32
  }
  func.func @transform_5(%arg0: i32) -> (i32, i32) {
    %c0_i32 = arith.constant 0 : i32
    %c0_i32_0 = arith.constant 0 : i32
    return %arg0, %c0_i32 : i32, i32
  }
}

module attributes {stable_mosaic.version = 14 : i64} {
  func.func @_stage_b_body(%arg0: i32, %arg1: memref<2x2x2000x64xf32, #tpu.memory_space<vmem>>, %arg2: memref<2000x64xf32, #tpu.memory_space<vmem>>, %arg3: memref<2000x64xf32, #tpu.memory_space<vmem>>, %arg4: memref<2000x8xf32, #tpu.memory_space<vmem>>, %arg5: memref<128x128xf32, #tpu.memory_space<vmem>>, %arg6: memref<1x128xf32, #tpu.memory_space<vmem>>, %arg7: memref<2000x64xf32, #tpu.memory_space<vmem>>, %arg8: memref<2000x64xf32, #tpu.memory_space<vmem>>) attributes {dimension_semantics = [#tpu.dimension_semantics<arbitrary>], iteration_bounds = array<i64: 5>, scalar_prefetch = 0 : i64, scratch_operands = 0 : i64, tpu.core_type = #tpu.core_type<tc>, window_params = [{transform_indices = @transform_0, window_bounds = array<i64: 2, 2, 2000, 64>}, {transform_indices = @transform_1, window_bounds = array<i64: 2000, 64>}, {transform_indices = @transform_2, window_bounds = array<i64: 2000, 64>}, {transform_indices = @transform_3, window_bounds = array<i64: 2000, 8>}, {pipeline_mode = #tpu.pipeline_mode<synchronous>, transform_indices = @transform_4, window_bounds = array<i64: 128, 128>}, {pipeline_mode = #tpu.pipeline_mode<synchronous>, transform_indices = @transform_5, window_bounds = array<i64: 1, 128>}, {transform_indices = @transform_6, window_bounds = array<i64: 2000, 64>}, {transform_indices = @transform_7, window_bounds = array<i64: 2000, 64>}]} {
    %get3A = arith.constant 0 : index
    %get3A_0 = arith.constant 0 : index
    %get3A_1 = vector.load %arg4[%get3A, %get3A_0] : memref<2000x8xf32, #tpu.memory_space<vmem>>, vector<2000x8xf32>
    %slice3A = vector.extract_strided_slice %get3A_1 {offsets = [0, 0], sizes = [2000, 1], strides = [1, 1]} : vector<2000x8xf32> to vector<2000x1xf32>
    %get3A_2 = arith.constant 0 : index
    %get3A_3 = arith.constant 0 : index
    %get3A_4 = arith.constant 0 : index
    %get3A_5 = arith.constant 0 : index
    %get3A_6 = vector.load %arg1[%get3A_2, %get3A_3, %get3A_4, %get3A_5] : memref<2x2x2000x64xf32, #tpu.memory_space<vmem>>, vector<1x1x2000x64xf32>
    %get3A_7 = vector.shape_cast %get3A_6 : vector<1x1x2000x64xf32> to vector<2000x64xf32>
    %get3A_8 = arith.constant 1 : index
    %get3A_9 = arith.constant 0 : index
    %get3A_10 = arith.constant 0 : index
    %get3A_11 = arith.constant 0 : index
    %get3A_12 = vector.load %arg1[%get3A_8, %get3A_9, %get3A_10, %get3A_11] : memref<2x2x2000x64xf32, #tpu.memory_space<vmem>>, vector<1x1x2000x64xf32>
    %get3A_13 = vector.shape_cast %get3A_12 : vector<1x1x2000x64xf32> to vector<2000x64xf32>
    %add3A = arith.addf %get3A_7, %get3A_13 : vector<2000x64xf32>
    %get3A_14 = arith.constant 0 : index
    %get3A_15 = arith.constant 0 : index
    %get3A_16 = vector.load %arg2[%get3A_14, %get3A_15] : memref<2000x64xf32, #tpu.memory_space<vmem>>, vector<2000x64xf32>
    %add3A_17 = arith.addf %add3A, %get3A_16 : vector<2000x64xf32>
    %mul3A = vector.broadcast %slice3A : vector<2000x1xf32> to vector<2000x64xf32>
    %mul3A_18 = arith.mulf %add3A_17, %mul3A : vector<2000x64xf32>
    %get3A_19 = arith.constant 0 : index
    %get3A_20 = arith.constant 0 : index
    %get3A_21 = vector.load %arg6[%get3A_19, %get3A_20] : memref<1x128xf32, #tpu.memory_space<vmem>>, vector<1x64xf32>
    %add3A_22 = vector.broadcast %get3A_21 : vector<1x64xf32> to vector<2000x64xf32>
    %add3A_23 = arith.addf %mul3A_18, %add3A_22 : vector<2000x64xf32>
    %get3A_24 = arith.constant 0 : index
    %get3A_25 = arith.constant 1 : index
    %get3A_26 = arith.constant 0 : index
    %get3A_27 = arith.constant 0 : index
    %get3A_28 = vector.load %arg1[%get3A_24, %get3A_25, %get3A_26, %get3A_27] : memref<2x2x2000x64xf32, #tpu.memory_space<vmem>>, vector<1x1x2000x64xf32>
    %get3A_29 = vector.shape_cast %get3A_28 : vector<1x1x2000x64xf32> to vector<2000x64xf32>
    %get3A_30 = arith.constant 1 : index
    %get3A_31 = arith.constant 1 : index
    %get3A_32 = arith.constant 0 : index
    %get3A_33 = arith.constant 0 : index
    %get3A_34 = vector.load %arg1[%get3A_30, %get3A_31, %get3A_32, %get3A_33] : memref<2x2x2000x64xf32, #tpu.memory_space<vmem>>, vector<1x1x2000x64xf32>
    %get3A_35 = vector.shape_cast %get3A_34 : vector<1x1x2000x64xf32> to vector<2000x64xf32>
    %add3A_36 = arith.addf %get3A_29, %get3A_35 : vector<2000x64xf32>
    %get3A_37 = arith.constant 0 : index
    %get3A_38 = arith.constant 0 : index
    %get3A_39 = vector.load %arg3[%get3A_37, %get3A_38] : memref<2000x64xf32, #tpu.memory_space<vmem>>, vector<2000x64xf32>
    %add3A_40 = arith.addf %add3A_36, %get3A_39 : vector<2000x64xf32>
    %mul3A_41 = vector.broadcast %slice3A : vector<2000x1xf32> to vector<2000x64xf32>
    %mul3A_42 = arith.mulf %add3A_40, %mul3A_41 : vector<2000x64xf32>
    %get3A_43 = arith.constant 0 : index
    %get3A_44 = arith.constant 64 : index
    %get3A_45 = vector.load %arg6[%get3A_43, %get3A_44] : memref<1x128xf32, #tpu.memory_space<vmem>>, vector<1x64xf32>
    %add3A_46 = vector.broadcast %get3A_45 : vector<1x64xf32> to vector<2000x64xf32>
    %add3A_47 = arith.addf %mul3A_42, %add3A_46 : vector<2000x64xf32>
    %max3A = arith.constant 0.000000e+00 : f32
    %max3A_48 = vector.broadcast %max3A : f32 to vector<2000x64xf32>
    %max3A_49 = arith.maximumf %add3A_23, %max3A_48 : vector<2000x64xf32>
    %max3A_50 = arith.constant 0.000000e+00 : f32
    %max3A_51 = vector.broadcast %max3A_50 : f32 to vector<2000x64xf32>
    %max3A_52 = arith.maximumf %add3A_47, %max3A_51 : vector<2000x64xf32>
    %get3A_53 = arith.constant 0 : index
    %get3A_54 = arith.constant 0 : index
    %get3A_55 = vector.load %arg5[%get3A_53, %get3A_54] : memref<128x128xf32, #tpu.memory_space<vmem>>, vector<64x128xf32>
    %dot_general3A = arith.constant dense<0.000000e+00> : vector<2000x128xf32>
    %dot_general3A_56 = tpu.matmul %max3A_49, %get3A_55, %dot_general3A {dimension_numbers = #tpu.dot_dimension_numbers<[1], [0], [0], [1], [0, 0, 1, 1], [], []>, transpose_lhs_hint = false} : vector<2000x64xf32>, vector<64x128xf32>, vector<2000x128xf32> -> vector<2000x128xf32>
    %get3A_57 = arith.constant 64 : index
    %get3A_58 = arith.constant 0 : index
    %get3A_59 = vector.load %arg5[%get3A_57, %get3A_58] : memref<128x128xf32, #tpu.memory_space<vmem>>, vector<64x128xf32>
    %dot_general3A_60 = arith.constant dense<0.000000e+00> : vector<2000x128xf32>
    %dot_general3A_61 = tpu.matmul %max3A_52, %get3A_59, %dot_general3A_60 {dimension_numbers = #tpu.dot_dimension_numbers<[1], [0], [0], [1], [0, 0, 1, 1], [], []>, transpose_lhs_hint = false} : vector<2000x64xf32>, vector<64x128xf32>, vector<2000x128xf32> -> vector<2000x128xf32>
    %add3A_62 = arith.addf %dot_general3A_56, %dot_general3A_61 : vector<2000x128xf32>
    %mul3A_63 = vector.broadcast %slice3A : vector<2000x1xf32> to vector<2000x128xf32>
    %mul3A_64 = arith.mulf %add3A_62, %mul3A_63 : vector<2000x128xf32>
    %slice3A_65 = vector.extract_strided_slice %mul3A_64 {offsets = [0, 0], sizes = [2000, 64], strides = [1, 1]} : vector<2000x128xf32> to vector<2000x64xf32>
    %swap3A = arith.constant 0 : index
    %swap3A_66 = arith.constant 0 : index
    %swap3A_67 = vector.load %arg7[%swap3A, %swap3A_66] : memref<2000x64xf32, #tpu.memory_space<vmem>>, vector<2000x64xf32>
    tpu.vector_store %arg7[%swap3A, %swap3A_66], %slice3A_65 {strides = array<i32>} : memref<2000x64xf32, #tpu.memory_space<vmem>>, vector<2000x64xf32>,
    %slice3A_68 = vector.extract_strided_slice %mul3A_64 {offsets = [0, 64], sizes = [2000, 64], strides = [1, 1]} : vector<2000x128xf32> to vector<2000x64xf32>
    %swap3A_69 = arith.constant 0 : index
    %swap3A_70 = arith.constant 0 : index
    %swap3A_71 = vector.load %arg8[%swap3A_69, %swap3A_70] : memref<2000x64xf32, #tpu.memory_space<vmem>>, vector<2000x64xf32>
    tpu.vector_store %arg8[%swap3A_69, %swap3A_70], %slice3A_68 {strides = array<i32>} : memref<2000x64xf32, #tpu.memory_space<vmem>>, vector<2000x64xf32>,
    return
  }
  func.func @transform_0(%arg0: i32) -> (i32, i32, i32, i32) {
    %c0_i32 = arith.constant 0 : i32
    %c0_i32_0 = arith.constant 0 : i32
    %c0_i32_1 = arith.constant 0 : i32
    %c0_i32_2 = arith.constant 0 : i32
    return %c0_i32, %c0_i32_0, %arg0, %c0_i32_1 : i32, i32, i32, i32
  }
  func.func @transform_1(%arg0: i32) -> (i32, i32) {
    %c0_i32 = arith.constant 0 : i32
    %c0_i32_0 = arith.constant 0 : i32
    return %arg0, %c0_i32 : i32, i32
  }
  func.func @transform_2(%arg0: i32) -> (i32, i32) {
    %c0_i32 = arith.constant 0 : i32
    %c0_i32_0 = arith.constant 0 : i32
    return %arg0, %c0_i32 : i32, i32
  }
  func.func @transform_3(%arg0: i32) -> (i32, i32) {
    %c0_i32 = arith.constant 0 : i32
    %c0_i32_0 = arith.constant 0 : i32
    return %arg0, %c0_i32 : i32, i32
  }
  func.func @transform_4(%arg0: i32) -> (i32, i32) {
    %c0_i32 = arith.constant 0 : i32
    %c0_i32_0 = arith.constant 0 : i32
    %c0_i32_1 = arith.constant 0 : i32
    return %c0_i32, %c0_i32_0 : i32, i32
  }
  func.func @transform_5(%arg0: i32) -> (i32, i32) {
    %c0_i32 = arith.constant 0 : i32
    %c0_i32_0 = arith.constant 0 : i32
    %c0_i32_1 = arith.constant 0 : i32
    return %c0_i32, %c0_i32_0 : i32, i32
  }
  func.func @transform_6(%arg0: i32) -> (i32, i32) {
    %c0_i32 = arith.constant 0 : i32
    %c0_i32_0 = arith.constant 0 : i32
    return %arg0, %c0_i32 : i32, i32
  }
  func.func @transform_7(%arg0: i32) -> (i32, i32) {
    %c0_i32 = arith.constant 0 : i32
    %c0_i32_0 = arith.constant 0 : i32
    return %arg0, %c0_i32 : i32, i32
  }
}

module attributes {stable_mosaic.version = 14 : i64} {
  func.func @_stage_c_body(%arg0: i32, %arg1: memref<2x2x2000x64xf32, #tpu.memory_space<vmem>>, %arg2: memref<2000x64xf32, #tpu.memory_space<vmem>>, %arg3: memref<2000x64xf32, #tpu.memory_space<vmem>>, %arg4: memref<2000x8xf32, #tpu.memory_space<vmem>>, %arg5: memref<128x40xf32, #tpu.memory_space<vmem>>, %arg6: memref<1x128xf32, #tpu.memory_space<vmem>>, %arg7: memref<1x40xf32, #tpu.memory_space<vmem>>, %arg8: memref<2000x40xf32, #tpu.memory_space<vmem>>) attributes {dimension_semantics = [#tpu.dimension_semantics<arbitrary>], iteration_bounds = array<i64: 5>, scalar_prefetch = 0 : i64, scratch_operands = 0 : i64, tpu.core_type = #tpu.core_type<tc>, window_params = [{transform_indices = @transform_0, window_bounds = array<i64: 2, 2, 2000, 64>}, {transform_indices = @transform_1, window_bounds = array<i64: 2000, 64>}, {transform_indices = @transform_2, window_bounds = array<i64: 2000, 64>}, {transform_indices = @transform_3, window_bounds = array<i64: 2000, 8>}, {pipeline_mode = #tpu.pipeline_mode<synchronous>, transform_indices = @transform_4, window_bounds = array<i64: 128, 40>}, {pipeline_mode = #tpu.pipeline_mode<synchronous>, transform_indices = @transform_5, window_bounds = array<i64: 1, 128>}, {pipeline_mode = #tpu.pipeline_mode<synchronous>, transform_indices = @transform_6, window_bounds = array<i64: 1, 40>}, {transform_indices = @transform_7, window_bounds = array<i64: 2000, 40>}]} {
    %get3A = arith.constant 0 : index
    %get3A_0 = arith.constant 0 : index
    %get3A_1 = vector.load %arg4[%get3A, %get3A_0] : memref<2000x8xf32, #tpu.memory_space<vmem>>, vector<2000x8xf32>
    %slice3A = vector.extract_strided_slice %get3A_1 {offsets = [0, 0], sizes = [2000, 1], strides = [1, 1]} : vector<2000x8xf32> to vector<2000x1xf32>
    %get3A_2 = arith.constant 0 : index
    %get3A_3 = arith.constant 0 : index
    %get3A_4 = arith.constant 0 : index
    %get3A_5 = arith.constant 0 : index
    %get3A_6 = vector.load %arg1[%get3A_2, %get3A_3, %get3A_4, %get3A_5] : memref<2x2x2000x64xf32, #tpu.memory_space<vmem>>, vector<1x1x2000x64xf32>
    %get3A_7 = vector.shape_cast %get3A_6 : vector<1x1x2000x64xf32> to vector<2000x64xf32>
    %get3A_8 = arith.constant 1 : index
    %get3A_9 = arith.constant 0 : index
    %get3A_10 = arith.constant 0 : index
    %get3A_11 = arith.constant 0 : index
    %get3A_12 = vector.load %arg1[%get3A_8, %get3A_9, %get3A_10, %get3A_11] : memref<2x2x2000x64xf32, #tpu.memory_space<vmem>>, vector<1x1x2000x64xf32>
    %get3A_13 = vector.shape_cast %get3A_12 : vector<1x1x2000x64xf32> to vector<2000x64xf32>
    %add3A = arith.addf %get3A_7, %get3A_13 : vector<2000x64xf32>
    %get3A_14 = arith.constant 0 : index
    %get3A_15 = arith.constant 0 : index
    %get3A_16 = vector.load %arg2[%get3A_14, %get3A_15] : memref<2000x64xf32, #tpu.memory_space<vmem>>, vector<2000x64xf32>
    %add3A_17 = arith.addf %add3A, %get3A_16 : vector<2000x64xf32>
    %mul3A = vector.broadcast %slice3A : vector<2000x1xf32> to vector<2000x64xf32>
    %mul3A_18 = arith.mulf %add3A_17, %mul3A : vector<2000x64xf32>
    %get3A_19 = arith.constant 0 : index
    %get3A_20 = arith.constant 0 : index
    %get3A_21 = vector.load %arg6[%get3A_19, %get3A_20] : memref<1x128xf32, #tpu.memory_space<vmem>>, vector<1x64xf32>
    %add3A_22 = vector.broadcast %get3A_21 : vector<1x64xf32> to vector<2000x64xf32>
    %add3A_23 = arith.addf %mul3A_18, %add3A_22 : vector<2000x64xf32>
    %get3A_24 = arith.constant 0 : index
    %get3A_25 = arith.constant 1 : index
    %get3A_26 = arith.constant 0 : index
    %get3A_27 = arith.constant 0 : index
    %get3A_28 = vector.load %arg1[%get3A_24, %get3A_25, %get3A_26, %get3A_27] : memref<2x2x2000x64xf32, #tpu.memory_space<vmem>>, vector<1x1x2000x64xf32>
    %get3A_29 = vector.shape_cast %get3A_28 : vector<1x1x2000x64xf32> to vector<2000x64xf32>
    %get3A_30 = arith.constant 1 : index
    %get3A_31 = arith.constant 1 : index
    %get3A_32 = arith.constant 0 : index
    %get3A_33 = arith.constant 0 : index
    %get3A_34 = vector.load %arg1[%get3A_30, %get3A_31, %get3A_32, %get3A_33] : memref<2x2x2000x64xf32, #tpu.memory_space<vmem>>, vector<1x1x2000x64xf32>
    %get3A_35 = vector.shape_cast %get3A_34 : vector<1x1x2000x64xf32> to vector<2000x64xf32>
    %add3A_36 = arith.addf %get3A_29, %get3A_35 : vector<2000x64xf32>
    %get3A_37 = arith.constant 0 : index
    %get3A_38 = arith.constant 0 : index
    %get3A_39 = vector.load %arg3[%get3A_37, %get3A_38] : memref<2000x64xf32, #tpu.memory_space<vmem>>, vector<2000x64xf32>
    %add3A_40 = arith.addf %add3A_36, %get3A_39 : vector<2000x64xf32>
    %mul3A_41 = vector.broadcast %slice3A : vector<2000x1xf32> to vector<2000x64xf32>
    %mul3A_42 = arith.mulf %add3A_40, %mul3A_41 : vector<2000x64xf32>
    %get3A_43 = arith.constant 0 : index
    %get3A_44 = arith.constant 64 : index
    %get3A_45 = vector.load %arg6[%get3A_43, %get3A_44] : memref<1x128xf32, #tpu.memory_space<vmem>>, vector<1x64xf32>
    %add3A_46 = vector.broadcast %get3A_45 : vector<1x64xf32> to vector<2000x64xf32>
    %add3A_47 = arith.addf %mul3A_42, %add3A_46 : vector<2000x64xf32>
    %get3A_48 = arith.constant 0 : index
    %get3A_49 = arith.constant 0 : index
    %get3A_50 = vector.load %arg5[%get3A_48, %get3A_49] : memref<128x40xf32, #tpu.memory_space<vmem>>, vector<64x40xf32>
    %dot_general3A = arith.constant dense<0.000000e+00> : vector<2000x40xf32>
    %dot_general3A_51 = tpu.matmul %add3A_23, %get3A_50, %dot_general3A {dimension_numbers = #tpu.dot_dimension_numbers<[1], [0], [0], [1], [0, 0, 1, 1], [], []>, transpose_lhs_hint = false} : vector<2000x64xf32>, vector<64x40xf32>, vector<2000x40xf32> -> vector<2000x40xf32>
    %get3A_52 = arith.constant 64 : index
    %get3A_53 = arith.constant 0 : index
    %get3A_54 = vector.load %arg5[%get3A_52, %get3A_53] : memref<128x40xf32, #tpu.memory_space<vmem>>, vector<64x40xf32>
    %dot_general3A_55 = arith.constant dense<0.000000e+00> : vector<2000x40xf32>
    %dot_general3A_56 = tpu.matmul %add3A_47, %get3A_54, %dot_general3A_55 {dimension_numbers = #tpu.dot_dimension_numbers<[1], [0], [0], [1], [0, 0, 1, 1], [], []>, transpose_lhs_hint = false} : vector<2000x64xf32>, vector<64x40xf32>, vector<2000x40xf32> -> vector<2000x40xf32>
    %add3A_57 = arith.addf %dot_general3A_51, %dot_general3A_56 : vector<2000x40xf32>
    %get3A_58 = arith.constant 0 : index
    %get3A_59 = arith.constant 0 : index
    %get3A_60 = vector.load %arg7[%get3A_58, %get3A_59] : memref<1x40xf32, #tpu.memory_space<vmem>>, vector<1x40xf32>
    %add3A_61 = vector.broadcast %get3A_60 : vector<1x40xf32> to vector<2000x40xf32>
    %add3A_62 = arith.addf %add3A_57, %add3A_61 : vector<2000x40xf32>
    %reduce_max3A = arith.constant dense<0xFF800000> : vector<2000xf32>
    %reduce_max3A_63 = vector.multi_reduction <maximumf>, %add3A_62, %reduce_max3A [1] : vector<2000x40xf32> to vector<2000xf32>
    %broadcast_in_dim3A = vector.shape_cast %reduce_max3A_63 : vector<2000xf32> to vector<2000x1xf32>
    %sub3A = vector.broadcast %broadcast_in_dim3A : vector<2000x1xf32> to vector<2000x40xf32>
    %sub3A_64 = arith.subf %add3A_62, %sub3A : vector<2000x40xf32>
    %exp3A = math.exp %sub3A_64 : vector<2000x40xf32>
    %reduce_sum3A = arith.constant dense<0.000000e+00> : vector<2000xf32>
    %reduce_sum3A_65 = vector.multi_reduction <add>, %exp3A, %reduce_sum3A [1] : vector<2000x40xf32> to vector<2000xf32>
    %broadcast_in_dim3A_66 = vector.shape_cast %reduce_sum3A_65 : vector<2000xf32> to vector<2000x1xf32>
    %log3A = math.log %broadcast_in_dim3A_66 : vector<2000x1xf32>
    %add3A_67 = arith.addf %broadcast_in_dim3A, %log3A : vector<2000x1xf32>
    %sub3A_68 = vector.broadcast %add3A_67 : vector<2000x1xf32> to vector<2000x40xf32>
    %sub3A_69 = arith.subf %add3A_62, %sub3A_68 : vector<2000x40xf32>
    %swap3A = arith.constant 0 : index
    %swap3A_70 = arith.constant 0 : index
    %swap3A_71 = vector.load %arg8[%swap3A, %swap3A_70] : memref<2000x40xf32, #tpu.memory_space<vmem>>, vector<2000x40xf32>
    tpu.vector_store %arg8[%swap3A, %swap3A_70], %sub3A_69 {strides = array<i32>} : memref<2000x40xf32, #tpu.memory_space<vmem>>, vector<2000x40xf32>,
    return
  }
  func.func @transform_0(%arg0: i32) -> (i32, i32, i32, i32) {
    %c0_i32 = arith.constant 0 : i32
    %c0_i32_0 = arith.constant 0 : i32
    %c0_i32_1 = arith.constant 0 : i32
    %c0_i32_2 = arith.constant 0 : i32
    return %c0_i32, %c0_i32_0, %arg0, %c0_i32_1 : i32, i32, i32, i32
  }
  func.func @transform_1(%arg0: i32) -> (i32, i32) {
    %c0_i32 = arith.constant 0 : i32
    %c0_i32_0 = arith.constant 0 : i32
    return %arg0, %c0_i32 : i32, i32
  }
  func.func @transform_2(%arg0: i32) -> (i32, i32) {
    %c0_i32 = arith.constant 0 : i32
    %c0_i32_0 = arith.constant 0 : i32
    return %arg0, %c0_i32 : i32, i32
  }
  func.func @transform_3(%arg0: i32) -> (i32, i32) {
    %c0_i32 = arith.constant 0 : i32
    %c0_i32_0 = arith.constant 0 : i32
    return %arg0, %c0_i32 : i32, i32
  }
  func.func @transform_4(%arg0: i32) -> (i32, i32) {
    %c0_i32 = arith.constant 0 : i32
    %c0_i32_0 = arith.constant 0 : i32
    %c0_i32_1 = arith.constant 0 : i32
    return %c0_i32, %c0_i32_0 : i32, i32
  }
  func.func @transform_5(%arg0: i32) -> (i32, i32) {
    %c0_i32 = arith.constant 0 : i32
    %c0_i32_0 = arith.constant 0 : i32
    %c0_i32_1 = arith.constant 0 : i32
    return %c0_i32, %c0_i32_0 : i32, i32
  }
  func.func @transform_6(%arg0: i32) -> (i32, i32) {
    %c0_i32 = arith.constant 0 : i32
    %c0_i32_0 = arith.constant 0 : i32
    %c0_i32_1 = arith.constant 0 : i32
    return %c0_i32, %c0_i32_0 : i32, i32
  }
  func.func @transform_7(%arg0: i32) -> (i32, i32) {
    %c0_i32 = arith.constant 0 : i32
    %c0_i32_0 = arith.constant 0 : i32
    return %arg0, %c0_i32 : i32, i32
  }
}

</mosaic_0001>

<sc_bundles>
// kernel: kernel.11.cloned.1.call-start
scs
__scs_entry_jumppad:
0x0: {  	(pc) =	sbr.rel $0x88, $3  }
0x1: {  	(tag) =	ssettag $0x0;
	lr =	simm.s32 $0x1  }
0x2: {  	[smem:$0x3F99] =	sst lr;
	_ =	strace $0xD0000000  }
0x3: {  	_ = 	snop  }
0x4: {  	_ = 	snop  }
0x5: {  	_ = 	snop  }
0x6: {  	_ = 	snop  }
0x7: {  	_ = 	snop  }
__scs_overlays_trampoline_lowered:
0x8: {  	[smem:$0x3FA8] =	sst s0  }
0x9: {  	[smem:$0x3FA9] =	sst s1  }
0xa: {  	[smem:$0x3FAA] =	sst s2  }
0xb: {  	[smem:$0x3FAB] =	sst s3  }
0xc: {  	[smem:$0x3FAC] =	sst s4  }
0xd: {  	[smem:$0x3FAD] =	sst s5  }
0xe: {  	[smem:$0x3FAE] =	sst s6  }
0xf: {  	[smem:$0x3FAF] =	sst s7  }
0x10: {  	[smem:$0x3FB0] =	sst s8  }
0x11: {  	[smem:$0x3FB1] =	sst s9;
	s0 =	simm.s32 @!p0 $0x0  }
0x12: {  	s1 =	sld [smem:$0x3F97];
	s0 =	simm.s32 @p0 $0x1  }
0x13: {  	[smem:$0x3FB2] =	sst s0;
	s0 =	simm.s32 @!p1 $0x0  }
0x14: {  	s2 =	sld [smem:$0x3F96];
	s0 =	simm.s32 @p1 $0x1  }
0x15: {  	[smem:$0x3FB3] =	sst s0;
	s0 =	simm.s32 @!p2 $0x0  }
0x16: {  	s3 =	sld [smem:$0x3FDB];
	s0 =	simm.s32 @p2 $0x1  }
0x17: {  	s4 =	simm.s32 $0x1BF5;
	[smem:$0x3FB5] =	sst s0  }
0x18: {  	s0 =	sld [smem:$0x3F98];
	_ =	swait.ge [sflag:s4], $0x0  }
0x19: {  	s7 =	sld [smem:$0x3F99]  }
0x1a: {  	s8 =	sadd.s32 $0xFFFFE003, lr  }
0x1b: {  	s9 =	sadd.s32 $0xFFFFFEF7, lr;
	s5 =	simm.s32 $0xFFFFFFFF;
	p2 =	slt.u32 s8, $0xFFFFF086  }
0x1c: {  	p1 =	slt.u32 s9, $0xF7A;
	s5 =	simm.s32 @!p2 $0x0  }
0x1d: {  	s5 =	simm.s32 @p1 $0x1;
	p0 =	seq.s32 s7, s2  }
0x1e: {  	s7 =	smul.u32 @!p0 $0xF7A, s2;
	p2 =	seq.s32 @!p0 s5, $0x0  }
0x1f: {  	s9 =	smul.u32 $0xF7A, s1;
	s8 =	simm.s32 @!p0 $0x1BF5;
	p2 =	por !p2, p0  }
0x20: {  	[sflag:s8] =	ssyncset.s32 @!p0 $0xFFFFF086;
	s6 =	sadd.s32 @!p0 s3, s7;
	s7 =	simm.s32 @!p0 $0x108  }
0x21: {  	s3 =	sadd.s32 s3, s9;
	s6 =	sadd.s32 @!p0 $0x88, s6;
	s7 =	simm.s32 @p2 $0x1082  }
0x22: {  	[simem:s7], [sflag:s8] =	dma.local @!p0 [hbm:s6], $0xF7A  }
0x23: {  	s9 =	sor.u32 $0xD0000000, s2;
	s6 =	simm.s32 $0x108;
	_ =	swait.ge @!p0 [sflag:s8], $0x0  }
0x24: {  	s3 =	sadd.s32 $0x88, s3;
	s6 =	simm.s32 @!p1 $0x1082;
	[sflag:s4] =	ssyncset.s32 $0xFFFFF086  }
0x25: {  	[simem:s6], [sflag:s4] =	dma.local [hbm:s3], $0xF7A  }
0x26: {  	[smem:$0x3F99] =	sst s1;
	(tag) =	ssettag s2;
	_ =	strace s9  }
0x27: {  	s1 =	sld [smem:$0x3FA9]  }
0x28: {  	s2 =	sld [smem:$0x3FAA]  }
0x29: {  	s4 =	sld [smem:$0x3FAC]  }
0x2a: {  	p0 =	seq.s32 s5, $0x0;
	s5 =	sld [smem:$0x3FAD]  }
0x2b: {  	s6 =	sld [smem:$0x3FAE]  }
0x2c: {  	s7 =	sld [smem:$0x3FAF]  }
0x2d: {  	s3 =	simm.s32 $0x108;
	s8 =	sld [smem:$0x3FB0]  }
0x2e: {  	s3 =	simm.s32 @!p0 $0x1082;
	s9 =	sld [smem:$0x3FB1]  }
0x2f: {  	lr =	sadd.s32 s0, s3;
	s0 =	sld [smem:$0x3FA8]  }
0x30: {  	s3 =	sld [smem:$0x3FAB]  }
0x31: {  	[smem:$0x3FB4] =	sst s10  }
0x32: {  	s10 =	sld [smem:$0x3FB2];
	_ =	sdelay $0x3  }
0x33: {  	p0 =	seq.s32 s10, $0x1;
	s10 =	sld [smem:$0x3FB4];
	_ =	sdelay $0x3  }
0x34: {  	[smem:$0x3FB4] =	sst s10  }
0x35: {  	s10 =	sld [smem:$0x3FB3];
	_ =	sdelay $0x3  }
0x36: {  	p1 =	seq.s32 s10, $0x1;
	s10 =	sld [smem:$0x3FB4];
	_ =	sdelay $0x3  }
0x37: {  	[smem:$0x3FB4] =	sst s10  }
0x38: {  	s10 =	sld [smem:$0x3FB5]  }
0x39: {  	_ = 	snop;
	(pc) =	sbr.ind lr, $3  }
0x3a: {  	_ = 	snop  }
0x3b: {  	_ = 	snop  }
0x3c: {  	p2 =	seq.s32 s10, $0x1;
	s10 =	sld [smem:$0x3FB4]  }
0x3d: {  	_ =	shalt  }
0x3e: {  	_ =	shalt  }
0x3f: {  	_ =	shalt  }
0x40: {  	_ =	shalt  }
0x41: {  	_ =	shalt  }
0x42: {  	_ =	shalt  }
0x43: {  	_ =	shalt  }
0x44: {  	_ =	shalt  }
0x45: {  	_ =	shalt  }
0x46: {  	_ =	shalt  }
0x47: {  	_ =	shalt  }
0x48: {  	_ =	shalt  }
0x49: {  	_ =	shalt  }
0x4a: {  	_ =	shalt  }
0x4b: {  	_ =	shalt  }
0x4c: {  	_ =	shalt  }
0x4d: {  	_ =	shalt  }
0x4e: {  	_ =	shalt  }
0x4f: {  	_ =	shalt  }
0x50: {  	_ =	shalt  }
0x51: {  	_ =	shalt  }
0x52: {  	_ =	shalt  }
0x53: {  	_ =	shalt  }
0x54: {  	_ =	shalt  }
0x55: {  	_ =	shalt  }
0x56: {  	_ =	shalt  }
0x57: {  	_ =	shalt  }
0x58: {  	_ =	shalt  }
0x59: {  	_ =	shalt  }
0x5a: {  	_ =	shalt  }
0x5b: {  	_ =	shalt  }
0x5c: {  	_ =	shalt  }
0x5d: {  	_ =	shalt  }
0x5e: {  	_ =	shalt  }
0x5f: {  	_ =	shalt  }
0x60: {  	_ =	shalt  }
0x61: {  	_ =	shalt  }
0x62: {  	_ =	shalt  }
0x63: {  	_ =	shalt  }
0x64: {  	_ =	shalt  }
0x65: {  	_ =	shalt  }
0x66: {  	_ =	shalt  }
0x67: {  	_ =	shalt  }
0x68: {  	_ =	shalt  }
0x69: {  	_ =	shalt  }
0x6a: {  	_ =	shalt  }
0x6b: {  	_ =	shalt  }
0x6c: {  	_ =	shalt  }
0x6d: {  	_ =	shalt  }
0x6e: {  	_ =	shalt  }
0x6f: {  	_ =	shalt  }
0x70: {  	_ =	shalt  }
0x71: {  	_ =	shalt  }
0x72: {  	_ =	shalt  }
0x73: {  	_ =	shalt  }
0x74: {  	_ =	shalt  }
0x75: {  	_ =	shalt  }
0x76: {  	_ =	shalt  }
0x77: {  	_ =	shalt  }
0x78: {  	_ =	shalt  }
0x79: {  	_ =	shalt  }
0x7a: {  	_ =	shalt  }
0x7b: {  	_ =	shalt  }
0x7c: {  	_ =	shalt  }
0x7d: {  	_ =	shalt  }
0x7e: {  	_ =	shalt  }
0x7f: {  	_ =	shalt  }
0x80: {  	_ =	shalt  }
0x81: {  	_ =	shalt  }
0x82: {  	_ =	shalt  }
0x83: {  	_ =	shalt  }
0x84: {  	_ =	shalt  }
0x85: {  	_ =	shalt  }
0x86: {  	_ =	shalt  }
0x87: {  	_ =	shalt  }
.Lfunc_end0:
.L_simem_size_0:
called_computation.1_lowered:
.L_overlay_start_0:
0x88: {  	s2 =	sld [smem:$0x3FD9]  }
0x89: {  	s3 =	sld [smem:$0x3FFE];
	_ =	sdelay $0x1  }
0x8a: {  	s1 =	srdreg.scid  }
0x8b: {  	s0 =	sand.u32 $0x1, s1  }
0x8c: {  	s17 =	sshll.u32 s0, $0xA;
	s2 =	sadd.s32 s3, s2  }
0x8d: {  	s2 =	sadd.s32 s2, s17  }
0x8e: {  	[smem:$0x3FC0] =	sst s2  }
0x8f: {  	_ = 	snop  }
0x90: {  	s2 =	sld [smem:$0x3FD0];
	(tm) =	ssettm $0x1  }
0x91: {  	s18 =	sld [smem:$0x3FFB];
	_ =	sdelay $0x3  }
0x92: {  	_ =	strace s18  }
0x93: {  	s3 =	sld [smem:$0x3FFC];
	_ =	sdelay $0x3  }
0x94: {  	_ =	strace s3  }
0x95: {  	s3 =	sld [smem:$0x3FFD];
	_ =	sdelay $0x3  }
0x96: {  	_ =	strace s3  }
0x97: {  	_ =	strace $0x8FFFFFFF  }
0x98: {  	s19 =	sld [smem:$0x3FDB];
	_ =	sdelay $0x1  }
0x99: {  	s4 =	simm.s32 $_scs_section_size  }
0x9a: {  	s5 =	simm.s32 $_size__tile_overlayer_lowered;
	s6 =	simm.s32 $_tile_overlayer_lowered  }
0x9b: {  	s22 =	simm.s32 $0x1BFF;
	s21 =	sshll.u32 s6, $0x1;
	s3 =	sadd.s32 s4, s19  }
0x9c: {  	s7 =	simm.s32 $0x0;
	s20 =	sshll.u32 s5, $0x1;
	s5 =	sadd.s32 s21, s3  }
0x9d: {  	[timem:s7], [sflag:s22] =	dma.local [hbm:s5], s20  }
0x9e: {  	_ =	swait.ge [sflag:s22], s20  }
0x9f: {  	s4 =	ssub.s32 $0x0, s20;
	[sflag:s22] =	ssyncset.done $0x0  }
0xa0: {  	[sflag:s22] =	ssyncadd.s32 s4;
	_ =	sdelay $0x1  }
0xa1: {  	s23 =	simm.s32 $0x1B8B  }
0xa2: {  	_ =	swait.ge [sflag:s23], $0x1  }
0xa3: {  	[sflag:s23] =	ssyncset.done $0x0  }
0xa4: {  	s25 =	simm.s32 $0x1B8E;
	s24 =	sld [smem:$0x3FFE];
	[sflag:s23] =	ssyncadd.s32 $0xFFFFFFFF  }
0xa5: {  	s26 =	simm.s32 $execute0_lowered;
	[smem:$0x3FD2] =	sst s25  }
0xa6: {  	s5 =	sshll.u32 s26, $0x1;
	_ =	strace $0x80000049;
	[dreg:$0x1] =	wrdreg $0xFFFFFFFF  }
0xa7: {  	s28 =	simm.s32 $_size_execute0_lowered;
	s3 =	sadd.s32 s3, s5;
	[dreg:$0x0] =	wrdreg $0x0  }
0xa8: {  	s5 =	sshll.u32 s28, $0x1;
	[dreg:$0x2] =	wrdreg s3  }
0xa9: {  	[dreg:$0x3] =	wrdreg s5  }
0xaa: {  	[dreg:$0x4] =	wrdreg $0xC0  }
0xab: {  	_ =	task [dreg:s7], $0x5FFFF  }
0xac: {  	[dreg:$0x1] =	wrdreg $0xFFFFFFFF  }
0xad: {  	[dreg:$0x0] =	wrdreg $0x60  }
0xae: {  	[dreg:$0x2] =	wrdreg s24  }
0xaf: {  	[dreg:$0x3] =	wrdreg s2  }
0xb0: {  	[dreg:$0x4] =	wrdreg $0xED000  }
0xb1: {  	[dreg:$0x5] =	wrdreg $0x9  }
0xb2: {  	_ =	task.clear_ibuf [dreg:s7], $0x6FFFF;
	_ =	strace $0x90000049  }
0xb3: {  	s29 =	simm.s32 $0x9;
	_ =	strace $0x8000004B  }
0xb4: {  	_ =	swait.ge [sflag:s29], $0x1  }
0xb5: {  	[sflag:s29] =	ssyncadd.s32 $0xFFFFFFFF  }
0xb6: {  	_ =	strace $0x9000004B  }
0xb7: {  	_ =	sfence  }
0xb8: {  	s30 =	sld [smem:$0x0];
	_ =	sdelay $0x2  }
0xb9: {  	s31 =	sshll.u32 s1, $0xD;
	s1 =	sshrl.u32 s1, $0x2  }
0xba: {  	s3 =	sand.u32 $0x4000, s31;
	s1 =	sadd.s32 s1, s30  }
0xbb: {  	s0 =	sor.u32 s3, s0;
	s1 =	sshll.u32 s1, $0x11  }
0xbc: {  	s0 =	sor.u32 s1, s0  }
0xbd: {  	s0 =	sadd.s32 $0x8F2B, s0  }
0xbe: {  	[sflag:s0] =	ssyncadd.remote.s32 $0x1  }
0xbf: {  	_ =	sfence.sel $0xFFFF  }
0xc0: {  	[dreg:$0x0] =	wrdreg $0xFFFFFFFF;
	(pc) =	sbr.abs _section_cstart, $3  }
0xc1: {  	[dreg:$0x1] =	wrdreg $0xFFFFFFFF  }
0xc2: {  	_ =	task.clear_ibuf [dreg:s7], $0x2FFFF;
	_ =	strace $0x9FFFFFFF  }
0xc3: {  	(tm) =	ssettm $0x7FFFFFFF  }
tec
execute0_lowered:
.L_overlay_start_1:
0x0: {  	(tag) =	ssettag $0x1  }
0x1: {  	s0 =	rddreg [dreg:$0x0]  }
0x2: {  	s3 =	rddreg [dreg:$0x1]  }
0x3: {  	s1 =	srdreg.scid;
	s2 =	rddreg [dreg:$0x2]  }
0x4: {  	s10 =	stileid.u32;
	s5 =	simm.s32 $0x0;
	s28 =	simm.s32 $0x7D  }
0x5: {  	s29 =	simm.s32 $0x5000;
	s31 =	simm.s32 $0x6F40;
	s30 =	simm.s32 $0x4F80  }
0x6: {  	s1 =	sand.u32 $0x1, s1;
	[smem:$0x7FF] =	sst s5;
	s5 =	sadd.s32 $0x3A000, s0  }
0x7: {  	s12 =	smul.u32 $0xA000, s10;
	s4 =	sshll.u32 s1, $0x4;
	_ =	strace $0x8000004A  }
0x8: {  	s8 =	ssub.s32 $0x2, s1;
	s1 =	smul.u32 $0x140000, s1;
	s4 =	sor.u32 s10, s4  }
0x9: {  	s9 =	sshrl.u32 s8, $0x1;
	s17 =	sadd.s32 $0x2000, s12;
	s18 =	sadd.s32 $0x4000, s12  }
0xa: {  	s19 =	sadd.s32 $0x6000, s12;
	s15 =	sadd.s32 $0x8000, s12;
	s6 =	smul.u32 $0x500, s4  }
0xb: {  	s4 =	sadd.s32 $0x74C00, s0;
	s13 =	ssub.s32 s8, s9;
	s8 =	sadd.s32 s12, s2  }
0xc: {  	s9 =	sadd.s32 s17, s2;
	s10 =	sadd.s32 s18, s2;
	s11 =	sadd.s32 s19, s2  }
0xd: {  	s14 =	sadd.s32 s12, s1;
	s12 =	sadd.s32 s15, s2;
	s20 =	sadd.s32 s1, s18  }
0xe: {  	s21 =	sadd.s32 s1, s19;
	s18 =	simm.s32 $0x4;
	s14 =	sshrl.u32 s14, $0x3  }
0xf: {  	s26 =	smax.u32 s13, $0x1;
	s13 =	simm.s32 $0x4F00;
	s7 =	sadd.s32 s6, s0  }
0x10: {  	s0 =	sadd.s32 $0xAF800, s0;
	s3 =	sadd.s32 s3, s6;
	s6 =	sshrl.u32 s21, $0x3  }
0x11: {  	[dreg:$0x10] =	wrdreg s26;
	s26 =	simm.s32 $0xCD00;
	s21 =	simm.s32 $0x100  }
0x12: {  	s7 =	sadd.s32 $0x8E00, s7;
	[dreg:$0x5] =	wrdreg s3;
	s3 =	sadd.s32 s1, s17  }
0x13: {  	s14 =	sadd.s32 s0, s14;
	s1 =	sadd.s32 s1, s15;
	[dreg:$0x4] =	wrdreg s7  }
0x14: {  	s6 =	sadd.s32 s0, s6;
	s3 =	sshrl.u32 s3, $0x3;
	[dreg:$0x6] =	wrdreg s14  }
0x15: {  	s1 =	sshrl.u32 s1, $0x3;
	s22 =	sadd.s32 $0x14000, s14;
	[dreg:$0x9] =	wrdreg s6  }
0x16: {  	s25 =	sadd.s32 $0x14000, s6;
	s6 =	simm.s32 $0x2;
	[dreg:$0xb] =	wrdreg s22  }
0x17: {  	s7 =	simm.s32 $0x3;
	s16 =	sadd.s32 s0, s3;
	[dreg:$0xe] =	wrdreg s25  }
0x18: {  	s3 =	sshrl.u32 s20, $0x3;
	[dreg:$0x7] =	wrdreg s16;
	s23 =	sadd.s32 $0x14000, s16  }
0x19: {  	s20 =	simm.s32 $0x80;
	s3 =	sadd.s32 s0, s3;
	[dreg:$0xc] =	wrdreg s23  }
0x1a: {  	s25 =	simm.s32 $0x1;
	s0 =	sadd.s32 s0, s1;
	[dreg:$0x8] =	wrdreg s3  }
0x1b: {  	s22 =	simm.s32 $0x0;
	s24 =	sadd.s32 $0x14000, s3;
	[dreg:$0xa] =	wrdreg s0  }
0x1c: {  	s1 =	simm.s32 $0x8E80;
	s0 =	sadd.s32 $0x14000, s0;
	[dreg:$0xd] =	wrdreg s24  }
0x1d: {  	v0 =	vimm.f32 $0.0e+00;
	s3 =	simm.s32 $0xADC0;
	[dreg:$0xf] =	wrdreg s0;
	s24 =	simm.s32 $0x5  }
.LBB2_1:
0x1e: {  	s14 =	simm.s32 $0x0  }
0x1f: {  	s0 =	sand.u32 $0x7F00, s14  }
0x20: {  	s14 =	sand.u32 $0x30, s14;
	s15 =	sshrl.u32 s0, $0x2  }
0x21: {  	s0 =	simm.s32 $0x40;
	s15 =	sor.u32 s14, s15;
	s14 =	simm.s32 $0x0  }
.LBB2_2:
0x22: {  	p0 =	sne.s32 s0, $0x7FC0  }
0x23: {  	[tilespmem:s15+$0xCD00] =	vst v0;
	s14 =	sadd.s32 $0x10, s14;
	s15 =	smov.u32 s0;
	s0 =	sadd.s32 $0x40, s0  }
.Ltmp0:
0x24: {  	(pc) =	sbr.rel @p0 .LBB2_2-.Ltmp0, $4  }
0x25: {  	_ = 	snop  }
0x26: {  	s15 =	sand.u32 $0x7F00, s15  }
0x27: {  	s16 =	sand.u32 $0x30, s14;
	s15 =	sshrl.u32 s15, $0x2  }
0x28: {  	s15 =	sor.u32 s16, s15  }
0x29: {  	[tilespmem:s15+$0xCD00] =	vst v0;
	s0 =	simm.s32 $0x0;
	s14 =	rddreg [dreg:$0x4]  }
0x2a: {  	[tilespmem:s0], [sflag:$0x5] =	stream.linear.gather [hbm4b:s14+s0], $0x2800, $0x38;
	[tilespmem:$0x18D00] =	vst v63  }
0x2b: {  	_ =	swait.ge [sflag:s24], $0x2800  }
0x2c: {  	[sflag:s24] =	ssyncset.done $0x0  }
0x2d: {  	s17 =	simm.s32 $0x2800;
	s16 =	rddreg [dreg:$0x5];
	[sflag:s24] =	ssyncadd.s32 $0xFFFFD800  }
0x2e: {  	[tilespmem:s17], [sflag:$0x5] =	stream.linear.gather [hbm4b:s16+s0], $0x2800, $0x38;
	[tilespmem:$0x18D00] =	vst v63  }
0x2f: {  	_ =	swait.ge [sflag:s24], $0x2800  }
0x30: {  	[sflag:s24] =	ssyncset.done $0x0  }
0x31: {  	[sflag:s24] =	ssyncadd.s32 $0xFFFFD800  }
0x32: {  	[spmem:s8] =	stream.linear.scatter [tilespmem:s26], [sflag:$0x5], $0x2000, $0x38;
	[tilespmem:$0x18D00] =	vst v63  }
0x33: {  	_ =	swait.ge [sflag:s24], $0x2000  }
0x34: {  	[sflag:s24] =	ssyncset.done $0x0  }
0x35: {  	[sflag:s24] =	ssyncadd.s32 $0xFFFFE000  }
0x36: {  	[spmem:s9] =	stream.linear.scatter [tilespmem:s26], [sflag:$0x5], $0x2000, $0x38;
	[tilespmem:$0x18D00] =	vst v63  }
0x37: {  	_ =	swait.ge [sflag:s24], $0x2000  }
0x38: {  	[sflag:s24] =	ssyncset.done $0x0  }
0x39: {  	[sflag:s24] =	ssyncadd.s32 $0xFFFFE000  }
0x3a: {  	[spmem:s10] =	stream.linear.scatter [tilespmem:s26], [sflag:$0x5], $0x2000, $0x38;
	[tilespmem:$0x18D00] =	vst v63  }
0x3b: {  	_ =	swait.ge [sflag:s24], $0x2000  }
0x3c: {  	[sflag:s24] =	ssyncset.done $0x0  }
0x3d: {  	[sflag:s24] =	ssyncadd.s32 $0xFFFFE000  }
0x3e: {  	[spmem:s11] =	stream.linear.scatter [tilespmem:s26], [sflag:$0x5], $0x2000, $0x38;
	[tilespmem:$0x18D00] =	vst v63  }
0x3f: {  	_ =	swait.ge [sflag:s24], $0x2000  }
0x40: {  	[sflag:s24] =	ssyncset.done $0x0  }
0x41: {  	[sflag:s24] =	ssyncadd.s32 $0xFFFFE000  }
0x42: {  	[spmem:s12] =	stream.linear.scatter [tilespmem:s26], [sflag:$0x5], $0x2000, $0x38;
	[tilespmem:$0x18D00] =	vst v63  }
0x43: {  	_ =	swait.ge [sflag:s24], $0x2000  }
0x44: {  	[sflag:s24] =	ssyncset.done $0x0  }
0x45: {  	[sflag:s24] =	ssyncadd.s32 $0xFFFFE000  }
0x46: {  	[bflag:$0x0] =	sbarrier.arrive $0xFFFF  }
0x47: {  	[tilespmem:s29], [sflag:$0x1] =	stream.indirect.gather [hbm4b:s4+s28], $0x40, s0, s28, $0xb8;
	[tilespmem:$0x18D00] =	vst v63  }
0x48: {  	_ = 	snop  }
0x49: {  	[tilespmem:s31], [sflag:$0x2] =	stream.indirect.gather [hbm4b:s4+s28], $0x40, s20, s28, $0xb8;
	[tilespmem:$0x18D00] =	vst v63  }
0x4a: {  	_ = 	snop  }
0x4b: {  	[tilespmem:s1], [sflag:$0x3] =	stream.indirect.gather [hbm4b:s4+s28], $0x40, s21, s28, $0xb8;
	[tilespmem:$0x18D00] =	vst v63  }
0x4c: {  	_ =	swait.ge [sflag:s25], $0x1F40  }
0x4d: {  	[sflag:s25] =	ssyncset.done $0x0  }
0x4e: {  	s19 =	simm.s32 $0x180;
	[sflag:s25] =	ssyncadd.s32 $0xFFFFE0C0  }
0x4f: {  	[tilespmem:s3], [sflag:$0x4] =	stream.indirect.gather [hbm4b:s4+s28], $0x40, s19, s28, $0xb8;
	[tilespmem:$0x18D00] =	vst v63  }
0x50: {  	s23 =	simm.s32 $0x2800  }
0x51: {  	[spmem:s2] =	stream.indirect.scatter.add.f32 [tilespmem:s29], [sflag:$0x5], $0x40, s23, s28, $0xb8;
	[tilespmem:$0x18D00] =	vst v63  }
0x52: {  	_ =	swait.ge [sflag:s24], $0x1F40  }
0x53: {  	[sflag:s24] =	ssyncset.done $0x0  }
0x54: {  	[sflag:s24] =	ssyncadd.s32 $0xFFFFE0C0  }
0x55: {  	_ =	swait.ge [sflag:s6], $0x1F40  }
0x56: {  	[sflag:s6] =	ssyncset.done $0x0  }
0x57: {  	s14 =	simm.s32 $0x200;
	[sflag:s6] =	ssyncadd.s32 $0xFFFFE0C0  }
0x58: {  	[tilespmem:s29], [sflag:$0x1] =	stream.indirect.gather [hbm4b:s4+s28], $0x40, s14, s28, $0xb8;
	[tilespmem:$0x18D00] =	vst v63  }
0x59: {  	s15 =	simm.s32 $0x2880  }
0x5a: {  	[spmem:s2] =	stream.indirect.scatter.add.f32 [tilespmem:s31], [sflag:$0x5], $0x40, s15, s28, $0xb8;
	[tilespmem:$0x18D00] =	vst v63  }
0x5b: {  	_ =	swait.ge [sflag:s24], $0x1F40  }
0x5c: {  	[sflag:s24] =	ssyncset.done $0x0  }
0x5d: {  	[sflag:s24] =	ssyncadd.s32 $0xFFFFE0C0  }
0x5e: {  	_ =	swait.ge [sflag:s7], $0x1F40  }
0x5f: {  	[sflag:s7] =	ssyncset.done $0x0  }
0x60: {  	s16 =	simm.s32 $0x280;
	[sflag:s7] =	ssyncadd.s32 $0xFFFFE0C0  }
0x61: {  	[tilespmem:s31], [sflag:$0x2] =	stream.indirect.gather [hbm4b:s4+s28], $0x40, s16, s28, $0xb8;
	[tilespmem:$0x18D00] =	vst v63  }
0x62: {  	s17 =	simm.s32 $0x2900  }
0x63: {  	[spmem:s2] =	stream.indirect.scatter.add.f32 [tilespmem:s1], [sflag:$0x5], $0x40, s17, s28, $0xb8;
	[tilespmem:$0x18D00] =	vst v63  }
0x64: {  	_ =	swait.ge [sflag:s24], $0x1F40  }
0x65: {  	[sflag:s24] =	ssyncset.done $0x0  }
0x66: {  	[sflag:s24] =	ssyncadd.s32 $0xFFFFE0C0  }
0x67: {  	_ =	swait.ge [sflag:s18], $0x1F40  }
0x68: {  	[sflag:s18] =	ssyncset.done $0x0  }
0x69: {  	s19 =	simm.s32 $0x300;
	[sflag:s18] =	ssyncadd.s32 $0xFFFFE0C0  }
0x6a: {  	[tilespmem:s1], [sflag:$0x3] =	stream.indirect.gather [hbm4b:s4+s28], $0x40, s19, s28, $0xb8;
	[tilespmem:$0x18D00] =	vst v63  }
0x6b: {  	s23 =	simm.s32 $0x2980  }
0x6c: {  	[spmem:s2] =	stream.indirect.scatter.add.f32 [tilespmem:s3], [sflag:$0x5], $0x40, s23, s28, $0xb8;
	[tilespmem:$0x18D00] =	vst v63  }
0x6d: {  	_ =	swait.ge [sflag:s24], $0x1F40  }
0x6e: {  	s0 =	simm.s32 $0x800;
	[sflag:s24] =	ssyncset.done $0x0  }
.LBB2_4:
0x6f: {  	p0 =	sne.s32 s0, $0x9000  }
0x70: {  	[sflag:s24] =	ssyncadd.s32 $0xFFFFE0C0;
	s14 =	smov.u32 s0;
	s0 =	sadd.s32 $0x800, s0  }
0x71: {  	_ = 	snop  }
0x72: {  	_ =	swait.ge [sflag:s25], $0x1F40  }
0x73: {  	s14 =	sshra.s32 s14, $0x2;
	[sflag:s25] =	ssyncset.done $0x0  }
0x74: {  	s15 =	sadd.s32 $0x180, s14;
	[sflag:s25] =	ssyncadd.s32 $0xFFFFE0C0  }
0x75: {  	[tilespmem:s3], [sflag:$0x4] =	stream.indirect.gather [hbm4b:s4+s28], $0x40, s15, s28, $0xb8;
	[tilespmem:$0x18D00] =	vst v63  }
0x76: {  	s15 =	sadd.s32 $0x2800, s14  }
0x77: {  	[spmem:s2] =	stream.indirect.scatter.add.f32 [tilespmem:s29], [sflag:$0x5], $0x40, s15, s28, $0xb8;
	[tilespmem:$0x18D00] =	vst v63  }
0x78: {  	_ =	swait.ge [sflag:s24], $0x1F40  }
0x79: {  	[sflag:s24] =	ssyncset.done $0x0  }
0x7a: {  	[sflag:s24] =	ssyncadd.s32 $0xFFFFE0C0  }
0x7b: {  	_ =	swait.ge [sflag:s6], $0x1F40  }
0x7c: {  	[sflag:s6] =	ssyncset.done $0x0  }
0x7d: {  	s15 =	sadd.s32 $0x200, s14;
	[sflag:s6] =	ssyncadd.s32 $0xFFFFE0C0  }
0x7e: {  	[tilespmem:s29], [sflag:$0x1] =	stream.indirect.gather [hbm4b:s4+s28], $0x40, s15, s28, $0xb8;
	[tilespmem:$0x18D00] =	vst v63  }
0x7f: {  	s15 =	sadd.s32 $0x2880, s14  }
0x80: {  	[spmem:s2] =	stream.indirect.scatter.add.f32 [tilespmem:s31], [sflag:$0x5], $0x40, s15, s28, $0xb8;
	[tilespmem:$0x18D00] =	vst v63  }
0x81: {  	_ =	swait.ge [sflag:s24], $0x1F40  }
0x82: {  	[sflag:s24] =	ssyncset.done $0x0  }
0x83: {  	[sflag:s24] =	ssyncadd.s32 $0xFFFFE0C0  }
0x84: {  	_ =	swait.ge [sflag:s7], $0x1F40  }
0x85: {  	[sflag:s7] =	ssyncset.done $0x0  }
0x86: {  	s15 =	sadd.s32 $0x280, s14;
	[sflag:s7] =	ssyncadd.s32 $0xFFFFE0C0  }
0x87: {  	[tilespmem:s31], [sflag:$0x2] =	stream.indirect.gather [hbm4b:s4+s28], $0x40, s15, s28, $0xb8;
	[tilespmem:$0x18D00] =	vst v63  }
0x88: {  	s15 =	sadd.s32 $0x2900, s14  }
0x89: {  	[spmem:s2] =	stream.indirect.scatter.add.f32 [tilespmem:s1], [sflag:$0x5], $0x40, s15, s28, $0xb8;
	[tilespmem:$0x18D00] =	vst v63  }
0x8a: {  	_ =	swait.ge [sflag:s24], $0x1F40  }
0x8b: {  	[sflag:s24] =	ssyncset.done $0x0  }
0x8c: {  	[sflag:s24] =	ssyncadd.s32 $0xFFFFE0C0  }
0x8d: {  	_ =	swait.ge [sflag:s18], $0x1F40  }
0x8e: {  	[sflag:s18] =	ssyncset.done $0x0  }
0x8f: {  	s15 =	sadd.s32 $0x300, s14;
	[sflag:s18] =	ssyncadd.s32 $0xFFFFE0C0  }
0x90: {  	[tilespmem:s1], [sflag:$0x3] =	stream.indirect.gather [hbm4b:s4+s28], $0x40, s15, s28, $0xb8;
	[tilespmem:$0x18D00] =	vst v63  }
.Ltmp1:
0x91: {  	_ = 	snop;
	(pc) =	sbr.rel @p0 .LBB2_4-.Ltmp1, $4  }
0x92: {  	s14 =	sadd.s32 $0x2980, s14  }
0x93: {  	[spmem:s2] =	stream.indirect.scatter.add.f32 [tilespmem:s3], [sflag:$0x5], $0x40, s14, s28, $0xb8;
	[tilespmem:$0x18D00] =	vst v63  }
0x94: {  	_ =	swait.ge [sflag:s24], $0x1F40  }
0x95: {  	[sflag:s24] =	ssyncset.done $0x0  }
0x96: {  	[sflag:s24] =	ssyncadd.s32 $0xFFFFE0C0  }
0x97: {  	_ =	swait.ge [sflag:s25], $0x1F40  }
0x98: {  	[sflag:s25] =	ssyncset.done $0x0  }
0x99: {  	s0 =	simm.s32 $0x2780;
	[sflag:s25] =	ssyncadd.s32 $0xFFFFE0C0  }
0x9a: {  	[tilespmem:s3], [sflag:$0x4] =	stream.indirect.gather [hbm4b:s4+s28], $0x40, s0, s28, $0xb8;
	[tilespmem:$0x18D00] =	vst v63  }
0x9b: {  	s15 =	simm.s32 $0x4E00  }
0x9c: {  	[spmem:s2] =	stream.indirect.scatter.add.f32 [tilespmem:s29], [sflag:$0x5], $0x40, s15, s28, $0xb8;
	[tilespmem:$0x18D00] =	vst v63  }
0x9d: {  	_ =	swait.ge [sflag:s24], $0x1F40  }
0x9e: {  	[sflag:s24] =	ssyncset.done $0x0  }
0x9f: {  	[sflag:s24] =	ssyncadd.s32 $0xFFFFE0C0  }
0xa0: {  	_ =	swait.ge [sflag:s6], $0x1F40  }
0xa1: {  	[sflag:s6] =	ssyncset.done $0x0  }
0xa2: {  	s16 =	simm.s32 $0x4E80;
	[sflag:s6] =	ssyncadd.s32 $0xFFFFE0C0  }
0xa3: {  	[spmem:s2] =	stream.indirect.scatter.add.f32 [tilespmem:s31], [sflag:$0x5], $0x40, s16, s28, $0xb8;
	[tilespmem:$0x18D00] =	vst v63  }
0xa4: {  	_ =	swait.ge [sflag:s24], $0x1F40  }
0xa5: {  	[sflag:s24] =	ssyncset.done $0x0  }
0xa6: {  	[sflag:s24] =	ssyncadd.s32 $0xFFFFE0C0  }
0xa7: {  	_ =	swait.ge [sflag:s7], $0x1F40  }
0xa8: {  	[sflag:s7] =	ssyncset.done $0x0  }
0xa9: {  	[sflag:s7] =	ssyncadd.s32 $0xFFFFE0C0  }
0xaa: {  	[spmem:s2] =	stream.indirect.scatter.add.f32 [tilespmem:s1], [sflag:$0x5], $0x40, s13, s28, $0xb8;
	[tilespmem:$0x18D00] =	vst v63  }
0xab: {  	_ =	swait.ge [sflag:s24], $0x1F40  }
0xac: {  	[sflag:s24] =	ssyncset.done $0x0  }
0xad: {  	[sflag:s24] =	ssyncadd.s32 $0xFFFFE0C0  }
0xae: {  	_ =	swait.ge [sflag:s18], $0x1F40  }
0xaf: {  	[sflag:s18] =	ssyncset.done $0x0  }
0xb0: {  	[sflag:s18] =	ssyncadd.s32 $0xFFFFE0C0  }
0xb1: {  	[spmem:s2] =	stream.indirect.scatter.add.f32 [tilespmem:s3], [sflag:$0x5], $0x40, s30, s28, $0xb8;
	[tilespmem:$0x18D00] =	vst v63  }
0xb2: {  	_ =	swait.ge [sflag:s24], $0x1F40  }
0xb3: {  	[sflag:s24] =	ssyncset.done $0x0  }
0xb4: {  	s17 =	stileid.u32;
	[sflag:s24] =	ssyncadd.s32 $0xFFFFE0C0  }
0xb5: {  	s0 =	sshll.u32 s17, $0x6;
	[bflag:$0x0] =	sbarrier.arrive $0xFFFF  }
0xb6: {  	s23 =	sshrl.u32 s8, $0x3;
	s14 =	sor.u32 $0x1C05, s0;
	s19 =	rddreg [dreg:$0x6]  }
0xb7: {  	[hbm:s19], [sflag:s14] =	dma.local [spmem:s23], $0x400  }
0xb8: {  	_ =	swait.ge [sflag:s24], $0x400  }
0xb9: {  	[sflag:s24] =	ssyncset.done $0x0  }
0xba: {  	s0 =	sshrl.u32 s9, $0x3;
	s15 =	rddreg [dreg:$0x7];
	[sflag:s24] =	ssyncadd.s32 $0xFFFFFC00  }
0xbb: {  	[hbm:s15], [sflag:s14] =	dma.local [spmem:s0], $0x400  }
0xbc: {  	_ =	swait.ge [sflag:s24], $0x400  }
0xbd: {  	[sflag:s24] =	ssyncset.done $0x0  }
0xbe: {  	s15 =	sshrl.u32 s10, $0x3;
	s16 =	rddreg [dreg:$0x8];
	[sflag:s24] =	ssyncadd.s32 $0xFFFFFC00  }
0xbf: {  	[hbm:s16], [sflag:s14] =	dma.local [spmem:s15], $0x400  }
0xc0: {  	_ =	swait.ge [sflag:s24], $0x400  }
0xc1: {  	[sflag:s24] =	ssyncset.done $0x0  }
0xc2: {  	s16 =	sshrl.u32 s11, $0x3;
	s17 =	rddreg [dreg:$0x9];
	[sflag:s24] =	ssyncadd.s32 $0xFFFFFC00  }
0xc3: {  	[hbm:s17], [sflag:s14] =	dma.local [spmem:s16], $0x400  }
0xc4: {  	_ =	swait.ge [sflag:s24], $0x400  }
0xc5: {  	[sflag:s24] =	ssyncset.done $0x0  }
0xc6: {  	s19 =	sshrl.u32 s12, $0x3;
	s17 =	rddreg [dreg:$0xa];
	[sflag:s24] =	ssyncadd.s32 $0xFFFFFC00  }
0xc7: {  	[hbm:s17], [sflag:s14] =	dma.local [spmem:s19], $0x400  }
0xc8: {  	_ =	swait.ge [sflag:s24], $0x400  }
0xc9: {  	[sflag:s24] =	ssyncset.done $0x0  }
0xca: {  	[sflag:s24] =	ssyncadd.s32 $0xFFFFFC00  }
0xcb: {  	[spmem:s8] =	stream.linear.scatter [tilespmem:s26], [sflag:$0x5], $0x2000, $0x38;
	[tilespmem:$0x18D00] =	vst v63  }
0xcc: {  	_ =	swait.ge [sflag:s24], $0x2000  }
0xcd: {  	[sflag:s24] =	ssyncset.done $0x0  }
0xce: {  	[sflag:s24] =	ssyncadd.s32 $0xFFFFE000  }
0xcf: {  	[spmem:s9] =	stream.linear.scatter [tilespmem:s26], [sflag:$0x5], $0x2000, $0x38;
	[tilespmem:$0x18D00] =	vst v63  }
0xd0: {  	_ =	swait.ge [sflag:s24], $0x2000  }
0xd1: {  	[sflag:s24] =	ssyncset.done $0x0  }
0xd2: {  	[sflag:s24] =	ssyncadd.s32 $0xFFFFE000  }
0xd3: {  	[spmem:s10] =	stream.linear.scatter [tilespmem:s26], [sflag:$0x5], $0x2000, $0x38;
	[tilespmem:$0x18D00] =	vst v63  }
0xd4: {  	_ =	swait.ge [sflag:s24], $0x2000  }
0xd5: {  	[sflag:s24] =	ssyncset.done $0x0  }
0xd6: {  	[sflag:s24] =	ssyncadd.s32 $0xFFFFE000  }
0xd7: {  	[spmem:s11] =	stream.linear.scatter [tilespmem:s26], [sflag:$0x5], $0x2000, $0x38;
	[tilespmem:$0x18D00] =	vst v63  }
0xd8: {  	_ =	swait.ge [sflag:s24], $0x2000  }
0xd9: {  	[sflag:s24] =	ssyncset.done $0x0  }
0xda: {  	[sflag:s24] =	ssyncadd.s32 $0xFFFFE000  }
0xdb: {  	[spmem:s12] =	stream.linear.scatter [tilespmem:s26], [sflag:$0x5], $0x2000, $0x38;
	[tilespmem:$0x18D00] =	vst v63  }
0xdc: {  	_ =	swait.ge [sflag:s24], $0x2000  }
0xdd: {  	[sflag:s24] =	ssyncset.done $0x0  }
0xde: {  	[sflag:s24] =	ssyncadd.s32 $0xFFFFE000  }
0xdf: {  	s17 =	simm.s32 $0x0;
	[bflag:$0x0] =	sbarrier.arrive $0xFFFF  }
0xe0: {  	[tilespmem:s29], [sflag:$0x1] =	stream.indirect.gather [hbm4b:s5+s28], $0x40, s17, s28, $0xb8;
	[tilespmem:$0x18D00] =	vst v63  }
0xe1: {  	_ = 	snop  }
0xe2: {  	[tilespmem:s31], [sflag:$0x2] =	stream.indirect.gather [hbm4b:s5+s28], $0x40, s20, s28, $0xb8;
	[tilespmem:$0x18D00] =	vst v63  }
0xe3: {  	_ = 	snop  }
0xe4: {  	[tilespmem:s1], [sflag:$0x3] =	stream.indirect.gather [hbm4b:s5+s28], $0x40, s21, s28, $0xb8;
	[tilespmem:$0x18D00] =	vst v63  }
0xe5: {  	_ =	swait.ge [sflag:s25], $0x1F40  }
0xe6: {  	[sflag:s25] =	ssyncset.done $0x0  }
0xe7: {  	s20 =	simm.s32 $0x180;
	[sflag:s25] =	ssyncadd.s32 $0xFFFFE0C0  }
0xe8: {  	[tilespmem:s3], [sflag:$0x4] =	stream.indirect.gather [hbm4b:s5+s28], $0x40, s20, s28, $0xb8;
	[tilespmem:$0x18D00] =	vst v63  }
0xe9: {  	s21 =	simm.s32 $0x2800  }
0xea: {  	[spmem:s2] =	stream.indirect.scatter.add.f32 [tilespmem:s29], [sflag:$0x5], $0x40, s21, s28, $0xb8;
	[tilespmem:$0x18D00] =	vst v63  }
0xeb: {  	_ =	swait.ge [sflag:s24], $0x1F40  }
0xec: {  	[sflag:s24] =	ssyncset.done $0x0  }
0xed: {  	[sflag:s24] =	ssyncadd.s32 $0xFFFFE0C0  }
0xee: {  	_ =	swait.ge [sflag:s6], $0x1F40  }
0xef: {  	[sflag:s6] =	ssyncset.done $0x0  }
0xf0: {  	s20 =	simm.s32 $0x200;
	[sflag:s6] =	ssyncadd.s32 $0xFFFFE0C0  }
0xf1: {  	[tilespmem:s29], [sflag:$0x1] =	stream.indirect.gather [hbm4b:s5+s28], $0x40, s20, s28, $0xb8;
	[tilespmem:$0x18D00] =	vst v63  }
0xf2: {  	s21 =	simm.s32 $0x2880  }
0xf3: {  	[spmem:s2] =	stream.indirect.scatter.add.f32 [tilespmem:s31], [sflag:$0x5], $0x40, s21, s28, $0xb8;
	[tilespmem:$0x18D00] =	vst v63  }
0xf4: {  	_ =	swait.ge [sflag:s24], $0x1F40  }
0xf5: {  	[sflag:s24] =	ssyncset.done $0x0  }
0xf6: {  	[sflag:s24] =	ssyncadd.s32 $0xFFFFE0C0  }
0xf7: {  	_ =	swait.ge [sflag:s7], $0x1F40  }
0xf8: {  	[sflag:s7] =	ssyncset.done $0x0  }
0xf9: {  	s20 =	simm.s32 $0x280;
	[sflag:s7] =	ssyncadd.s32 $0xFFFFE0C0  }
0xfa: {  	[tilespmem:s31], [sflag:$0x2] =	stream.indirect.gather [hbm4b:s5+s28], $0x40, s20, s28, $0xb8;
	[tilespmem:$0x18D00] =	vst v63  }
0xfb: {  	s21 =	simm.s32 $0x2900  }
0xfc: {  	[spmem:s2] =	stream.indirect.scatter.add.f32 [tilespmem:s1], [sflag:$0x5], $0x40, s21, s28, $0xb8;
	[tilespmem:$0x18D00] =	vst v63  }
0xfd: {  	_ =	swait.ge [sflag:s24], $0x1F40  }
0xfe: {  	[sflag:s24] =	ssyncset.done $0x0  }
0xff: {  	[sflag:s24] =	ssyncadd.s32 $0xFFFFE0C0  }
0x100: {  	_ =	swait.ge [sflag:s18], $0x1F40  }
0x101: {  	[sflag:s18] =	ssyncset.done $0x0  }
0x102: {  	s20 =	simm.s32 $0x300;
	[sflag:s18] =	ssyncadd.s32 $0xFFFFE0C0  }
0x103: {  	[tilespmem:s1], [sflag:$0x3] =	stream.indirect.gather [hbm4b:s5+s28], $0x40, s20, s28, $0xb8;
	[tilespmem:$0x18D00] =	vst v63  }
0x104: {  	s21 =	simm.s32 $0x2980  }
0x105: {  	[spmem:s2] =	stream.indirect.scatter.add.f32 [tilespmem:s3], [sflag:$0x5], $0x40, s21, s28, $0xb8;
	[tilespmem:$0x18D00] =	vst v63  }
0x106: {  	_ =	swait.ge [sflag:s24], $0x1F40  }
0x107: {  	s20 =	simm.s32 $0x800;
	[sflag:s24] =	ssyncset.done $0x0  }
.LBB2_6:
0x108: {  	p0 =	sne.s32 s20, $0x9000  }
0x109: {  	[sflag:s24] =	ssyncadd.s32 $0xFFFFE0C0;
	s17 =	smov.u32 s20;
	s20 =	sadd.s32 $0x800, s20  }
0x10a: {  	_ = 	snop  }
0x10b: {  	_ =	swait.ge [sflag:s25], $0x1F40  }
0x10c: {  	s17 =	sshra.s32 s17, $0x2;
	[sflag:s25] =	ssyncset.done $0x0  }
0x10d: {  	s21 =	sadd.s32 $0x180, s17;
	[sflag:s25] =	ssyncadd.s32 $0xFFFFE0C0  }
0x10e: {  	[tilespmem:s3], [sflag:$0x4] =	stream.indirect.gather [hbm4b:s5+s28], $0x40, s21, s28, $0xb8;
	[tilespmem:$0x18D00] =	vst v63  }
0x10f: {  	s21 =	sadd.s32 $0x2800, s17  }
0x110: {  	[spmem:s2] =	stream.indirect.scatter.add.f32 [tilespmem:s29], [sflag:$0x5], $0x40, s21, s28, $0xb8;
	[tilespmem:$0x18D00] =	vst v63  }
0x111: {  	_ =	swait.ge [sflag:s24], $0x1F40  }
0x112: {  	[sflag:s24] =	ssyncset.done $0x0  }
0x113: {  	[sflag:s24] =	ssyncadd.s32 $0xFFFFE0C0  }
0x114: {  	_ =	swait.ge [sflag:s6], $0x1F40  }
0x115: {  	[sflag:s6] =	ssyncset.done $0x0  }
0x116: {  	s21 =	sadd.s32 $0x200, s17;
	[sflag:s6] =	ssyncadd.s32 $0xFFFFE0C0  }
0x117: {  	[tilespmem:s29], [sflag:$0x1] =	stream.indirect.gather [hbm4b:s5+s28], $0x40, s21, s28, $0xb8;
	[tilespmem:$0x18D00] =	vst v63  }
0x118: {  	s21 =	sadd.s32 $0x2880, s17  }
0x119: {  	[spmem:s2] =	stream.indirect.scatter.add.f32 [tilespmem:s31], [sflag:$0x5], $0x40, s21, s28, $0xb8;
	[tilespmem:$0x18D00] =	vst v63  }
0x11a: {  	_ =	swait.ge [sflag:s24], $0x1F40  }
0x11b: {  	[sflag:s24] =	ssyncset.done $0x0  }
0x11c: {  	[sflag:s24] =	ssyncadd.s32 $0xFFFFE0C0  }
0x11d: {  	_ =	swait.ge [sflag:s7], $0x1F40  }
0x11e: {  	[sflag:s7] =	ssyncset.done $0x0  }
0x11f: {  	s21 =	sadd.s32 $0x280, s17;
	[sflag:s7] =	ssyncadd.s32 $0xFFFFE0C0  }
0x120: {  	[tilespmem:s31], [sflag:$0x2] =	stream.indirect.gather [hbm4b:s5+s28], $0x40, s21, s28, $0xb8;
	[tilespmem:$0x18D00] =	vst v63  }
0x121: {  	s21 =	sadd.s32 $0x2900, s17  }
0x122: {  	[spmem:s2] =	stream.indirect.scatter.add.f32 [tilespmem:s1], [sflag:$0x5], $0x40, s21, s28, $0xb8;
	[tilespmem:$0x18D00] =	vst v63  }
0x123: {  	_ =	swait.ge [sflag:s24], $0x1F40  }
0x124: {  	[sflag:s24] =	ssyncset.done $0x0  }
0x125: {  	[sflag:s24] =	ssyncadd.s32 $0xFFFFE0C0  }
0x126: {  	_ =	swait.ge [sflag:s18], $0x1F40  }
0x127: {  	[sflag:s18] =	ssyncset.done $0x0  }
0x128: {  	s21 =	sadd.s32 $0x300, s17;
	[sflag:s18] =	ssyncadd.s32 $0xFFFFE0C0  }
0x129: {  	[tilespmem:s1], [sflag:$0x3] =	stream.indirect.gather [hbm4b:s5+s28], $0x40, s21, s28, $0xb8;
	[tilespmem:$0x18D00] =	vst v63  }
.Ltmp2:
0x12a: {  	_ = 	snop;
	(pc) =	sbr.rel @p0 .LBB2_6-.Ltmp2, $4  }
0x12b: {  	s17 =	sadd.s32 $0x2980, s17  }
0x12c: {  	[spmem:s2] =	stream.indirect.scatter.add.f32 [tilespmem:s3], [sflag:$0x5], $0x40, s17, s28, $0xb8;
	[tilespmem:$0x18D00] =	vst v63  }
0x12d: {  	_ =	swait.ge [sflag:s24], $0x1F40  }
0x12e: {  	[sflag:s24] =	ssyncset.done $0x0  }
0x12f: {  	[sflag:s24] =	ssyncadd.s32 $0xFFFFE0C0  }
0x130: {  	_ =	swait.ge [sflag:s25], $0x1F40  }
0x131: {  	[sflag:s25] =	ssyncset.done $0x0  }
0x132: {  	s17 =	simm.s32 $0x2780;
	[sflag:s25] =	ssyncadd.s32 $0xFFFFE0C0  }
0x133: {  	[tilespmem:s3], [sflag:$0x4] =	stream.indirect.gather [hbm4b:s5+s28], $0x40, s17, s28, $0xb8;
	[tilespmem:$0x18D00] =	vst v63  }
0x134: {  	s21 =	simm.s32 $0x4E00  }
0x135: {  	[spmem:s2] =	stream.indirect.scatter.add.f32 [tilespmem:s29], [sflag:$0x5], $0x40, s21, s28, $0xb8;
	[tilespmem:$0x18D00] =	vst v63  }
0x136: {  	_ =	swait.ge [sflag:s24], $0x1F40  }
0x137: {  	[sflag:s24] =	ssyncset.done $0x0  }
0x138: {  	[sflag:s24] =	ssyncadd.s32 $0xFFFFE0C0  }
0x139: {  	_ =	swait.ge [sflag:s6], $0x1F40  }
0x13a: {  	[sflag:s6] =	ssyncset.done $0x0  }
0x13b: {  	s20 =	simm.s32 $0x4E80;
	[sflag:s6] =	ssyncadd.s32 $0xFFFFE0C0  }
0x13c: {  	[spmem:s2] =	stream.indirect.scatter.add.f32 [tilespmem:s31], [sflag:$0x5], $0x40, s20, s28, $0xb8;
	[tilespmem:$0x18D00] =	vst v63  }
0x13d: {  	_ =	swait.ge [sflag:s24], $0x1F40  }
0x13e: {  	[sflag:s24] =	ssyncset.done $0x0  }
0x13f: {  	[sflag:s24] =	ssyncadd.s32 $0xFFFFE0C0  }
0x140: {  	_ =	swait.ge [sflag:s7], $0x1F40  }
0x141: {  	[sflag:s7] =	ssyncset.done $0x0  }
0x142: {  	[sflag:s7] =	ssyncadd.s32 $0xFFFFE0C0  }
0x143: {  	[spmem:s2] =	stream.indirect.scatter.add.f32 [tilespmem:s1], [sflag:$0x5], $0x40, s13, s28, $0xb8;
	[tilespmem:$0x18D00] =	vst v63  }
0x144: {  	_ =	swait.ge [sflag:s24], $0x1F40  }
0x145: {  	[sflag:s24] =	ssyncset.done $0x0  }
0x146: {  	[sflag:s24] =	ssyncadd.s32 $0xFFFFE0C0  }
0x147: {  	_ =	swait.ge [sflag:s18], $0x1F40  }
0x148: {  	[sflag:s18] =	ssyncset.done $0x0  }
0x149: {  	[sflag:s18] =	ssyncadd.s32 $0xFFFFE0C0  }
0x14a: {  	[spmem:s2] =	stream.indirect.scatter.add.f32 [tilespmem:s3], [sflag:$0x5], $0x40, s30, s28, $0xb8;
	[tilespmem:$0x18D00] =	vst v63  }
0x14b: {  	_ =	swait.ge [sflag:s24], $0x1F40  }
0x14c: {  	[sflag:s24] =	ssyncset.done $0x0  }
0x14d: {  	[sflag:s24] =	ssyncadd.s32 $0xFFFFE0C0  }
0x14e: {  	[bflag:$0x0] =	sbarrier.arrive $0xFFFF  }
0x14f: {  	s21 =	rddreg [dreg:$0xb]  }
0x150: {  	[hbm:s21], [sflag:s14] =	dma.local [spmem:s23], $0x400  }
0x151: {  	_ =	swait.ge [sflag:s24], $0x400  }
0x152: {  	[sflag:s24] =	ssyncset.done $0x0  }
0x153: {  	s23 =	rddreg [dreg:$0xc];
	[sflag:s24] =	ssyncadd.s32 $0xFFFFFC00  }
0x154: {  	[hbm:s23], [sflag:s14] =	dma.local [spmem:s0], $0x400  }
0x155: {  	_ =	swait.ge [sflag:s24], $0x400  }
0x156: {  	[sflag:s24] =	ssyncset.done $0x0  }
0x157: {  	s17 =	rddreg [dreg:$0xd];
	[sflag:s24] =	ssyncadd.s32 $0xFFFFFC00  }
0x158: {  	[hbm:s17], [sflag:s14] =	dma.local [spmem:s15], $0x400  }
0x159: {  	_ =	swait.ge [sflag:s24], $0x400  }
0x15a: {  	[sflag:s24] =	ssyncset.done $0x0  }
0x15b: {  	s20 =	rddreg [dreg:$0xe];
	[sflag:s24] =	ssyncadd.s32 $0xFFFFFC00  }
0x15c: {  	[hbm:s20], [sflag:s14] =	dma.local [spmem:s16], $0x400  }
0x15d: {  	_ =	swait.ge [sflag:s24], $0x400  }
0x15e: {  	[sflag:s24] =	ssyncset.done $0x0  }
0x15f: {  	s21 =	rddreg [dreg:$0xf];
	[sflag:s24] =	ssyncadd.s32 $0xFFFFFC00  }
0x160: {  	[hbm:s21], [sflag:s14] =	dma.local [spmem:s19], $0x400  }
0x161: {  	_ =	swait.ge [sflag:s24], $0x400  }
0x162: {  	s22 =	sadd.s32 $0x1, s22;
	s23 =	rddreg [dreg:$0x10]  }
0x163: {  	p0 =	sne.s32 s22, s23  }
.Ltmp3:
0x164: {  	_ = 	snop;
	(pc) =	sbr.rel @p0 .LBB2_1-.Ltmp3, $3  }
0x165: {  	_ =	sdelay $0x1  }
0x166: {  	[sflag:s24] =	ssyncset.done $0x0  }
0x167: {  	s20 =	simm.s32 $0x80;
	s21 =	simm.s32 $0x100;
	[sflag:s24] =	ssyncadd.s32 $0xFFFFFC00  }
0x168: {  	_ =	sfence.sel $0x180000  }
0x169: {  	[bflag:$0x0] =	sbarrier.arrive $0xFFFF  }
0x16a: {  	_ =	strace $0x9000004A  }
0x16b: {  	s0 =	stileid.u32;
	[bflag:$0x2] =	sbarrier.arrive $0xFFFF  }
0x16c: {  	p0 =	sne.s32 s0, $0x0;
	s0 =	rddreg [dreg:$0x3]  }
0x16d: {  	s0 =	sadd.s32 @!p0 $0x100000, s0  }
0x16e: {  	[sflag:s0] =	ssyncadd.tile.s32 @!p0 $0x1;
	_ =	shalt  }
.Lfunc_end2:
_tile_overlayer_lowered:
.L_overlay_start_2:
0x16f: {  	(tag) =	ssettag $0x2  }
0x170: {  	s0 =	rddreg [dreg:$0x0];
	s2 =	stileid.u32  }
0x171: {  	s1 =	rddreg [dreg:$0x1];
	p0 =	sne.s32 s2, $0x0  }
0x172: {  	s3 =	rddreg [dreg:$0x2];
	[bflag:$0x3] =	sbarrier.arrive $0xFFFF;
	s2 =	simm.s32 @!p0 $0x1C05  }
0x173: {  	[timem:s3], [sflag:s2] =	dma.local @!p0 [hbm:s0], s1  }
0x174: {  	s0 =	simm.s32 @!p0 $0x5  }
0x175: {  	_ =	swait.ge @!p0 [sflag:s0], s1  }
0x176: {  	s1 =	ssub.s32 @!p0 $0x0, s1;
	[sflag:s0] =	ssyncset.done @!p0 $0x0  }
0x177: {  	[sflag:s0] =	ssyncadd.s32 @!p0 s1  }
0x178: {  	[bflag:$0x3] =	sbarrier.arrive $0xFFFF  }
0x179: {  	_ =	shalt  }

// kernel: kernel.14.cloned.1.call-start
scs
__scs_entry_jumppad:
0x0: {  	(pc) =	sbr.rel $0x88, $3  }
0x1: {  	(tag) =	ssettag $0x0;
	lr =	simm.s32 $0x1  }
0x2: {  	[smem:$0x3F99] =	sst lr;
	_ =	strace $0xD0000000  }
0x3: {  	_ = 	snop  }
0x4: {  	_ = 	snop  }
0x5: {  	_ = 	snop  }
0x6: {  	_ = 	snop  }
0x7: {  	_ = 	snop  }
__scs_overlays_trampoline_lowered:
0x8: {  	[smem:$0x3FA8] =	sst s0  }
0x9: {  	[smem:$0x3FA9] =	sst s1  }
0xa: {  	[smem:$0x3FAA] =	sst s2  }
0xb: {  	[smem:$0x3FAB] =	sst s3  }
0xc: {  	[smem:$0x3FAC] =	sst s4  }
0xd: {  	[smem:$0x3FAD] =	sst s5  }
0xe: {  	[smem:$0x3FAE] =	sst s6  }
0xf: {  	[smem:$0x3FAF] =	sst s7  }
0x10: {  	[smem:$0x3FB0] =	sst s8  }
0x11: {  	[smem:$0x3FB1] =	sst s9;
	s0 =	simm.s32 @!p0 $0x0  }
0x12: {  	s1 =	sld [smem:$0x3F97];
	s0 =	simm.s32 @p0 $0x1  }
0x13: {  	[smem:$0x3FB2] =	sst s0;
	s0 =	simm.s32 @!p1 $0x0  }
0x14: {  	s2 =	sld [smem:$0x3F96];
	s0 =	simm.s32 @p1 $0x1  }
0x15: {  	[smem:$0x3FB3] =	sst s0;
	s0 =	simm.s32 @!p2 $0x0  }
0x16: {  	s3 =	sld [smem:$0x3FDB];
	s0 =	simm.s32 @p2 $0x1  }
0x17: {  	s4 =	simm.s32 $0x1BF5;
	[smem:$0x3FB5] =	sst s0  }
0x18: {  	s0 =	sld [smem:$0x3F98];
	_ =	swait.ge [sflag:s4], $0x0  }
0x19: {  	s7 =	sld [smem:$0x3F99]  }
0x1a: {  	s8 =	sadd.s32 $0xFFFFE003, lr  }
0x1b: {  	s9 =	sadd.s32 $0xFFFFFEF7, lr;
	s5 =	simm.s32 $0xFFFFFFFF;
	p2 =	slt.u32 s8, $0xFFFFF086  }
0x1c: {  	p1 =	slt.u32 s9, $0xF7A;
	s5 =	simm.s32 @!p2 $0x0  }
0x1d: {  	s5 =	simm.s32 @p1 $0x1;
	p0 =	seq.s32 s7, s2  }
0x1e: {  	s7 =	smul.u32 @!p0 $0xF7A, s2;
	p2 =	seq.s32 @!p0 s5, $0x0  }
0x1f: {  	s9 =	smul.u32 $0xF7A, s1;
	s8 =	simm.s32 @!p0 $0x1BF5;
	p2 =	por !p2, p0  }
0x20: {  	[sflag:s8] =	ssyncset.s32 @!p0 $0xFFFFF086;
	s6 =	sadd.s32 @!p0 s3, s7;
	s7 =	simm.s32 @!p0 $0x108  }
0x21: {  	s3 =	sadd.s32 s3, s9;
	s6 =	sadd.s32 @!p0 $0x88, s6;
	s7 =	simm.s32 @p2 $0x1082  }
0x22: {  	[simem:s7], [sflag:s8] =	dma.local @!p0 [hbm:s6], $0xF7A  }
0x23: {  	s9 =	sor.u32 $0xD0000000, s2;
	s6 =	simm.s32 $0x108;
	_ =	swait.ge @!p0 [sflag:s8], $0x0  }
0x24: {  	s3 =	sadd.s32 $0x88, s3;
	s6 =	simm.s32 @!p1 $0x1082;
	[sflag:s4] =	ssyncset.s32 $0xFFFFF086  }
0x25: {  	[simem:s6], [sflag:s4] =	dma.local [hbm:s3], $0xF7A  }
0x26: {  	[smem:$0x3F99] =	sst s1;
	(tag) =	ssettag s2;
	_ =	strace s9  }
0x27: {  	s1 =	sld [smem:$0x3FA9]  }
0x28: {  	s2 =	sld [smem:$0x3FAA]  }
0x29: {  	s4 =	sld [smem:$0x3FAC]  }
0x2a: {  	p0 =	seq.s32 s5, $0x0;
	s5 =	sld [smem:$0x3FAD]  }
0x2b: {  	s6 =	sld [smem:$0x3FAE]  }
0x2c: {  	s7 =	sld [smem:$0x3FAF]  }
0x2d: {  	s3 =	simm.s32 $0x108;
	s8 =	sld [smem:$0x3FB0]  }
0x2e: {  	s3 =	simm.s32 @!p0 $0x1082;
	s9 =	sld [smem:$0x3FB1]  }
0x2f: {  	lr =	sadd.s32 s0, s3;
	s0 =	sld [smem:$0x3FA8]  }
0x30: {  	s3 =	sld [smem:$0x3FAB]  }
0x31: {  	[smem:$0x3FB4] =	sst s10  }
0x32: {  	s10 =	sld [smem:$0x3FB2];
	_ =	sdelay $0x3  }
0x33: {  	p0 =	seq.s32 s10, $0x1;
	s10 =	sld [smem:$0x3FB4];
	_ =	sdelay $0x3  }
0x34: {  	[smem:$0x3FB4] =	sst s10  }
0x35: {  	s10 =	sld [smem:$0x3FB3];
	_ =	sdelay $0x3  }
0x36: {  	p1 =	seq.s32 s10, $0x1;
	s10 =	sld [smem:$0x3FB4];
	_ =	sdelay $0x3  }
0x37: {  	[smem:$0x3FB4] =	sst s10  }
0x38: {  	s10 =	sld [smem:$0x3FB5]  }
0x39: {  	_ = 	snop;
	(pc) =	sbr.ind lr, $3  }
0x3a: {  	_ = 	snop  }
0x3b: {  	_ = 	snop  }
0x3c: {  	p2 =	seq.s32 s10, $0x1;
	s10 =	sld [smem:$0x3FB4]  }
0x3d: {  	_ =	shalt  }
0x3e: {  	_ =	shalt  }
0x3f: {  	_ =	shalt  }
0x40: {  	_ =	shalt  }
0x41: {  	_ =	shalt  }
0x42: {  	_ =	shalt  }
0x43: {  	_ =	shalt  }
0x44: {  	_ =	shalt  }
0x45: {  	_ =	shalt  }
0x46: {  	_ =	shalt  }
0x47: {  	_ =	shalt  }
0x48: {  	_ =	shalt  }
0x49: {  	_ =	shalt  }
0x4a: {  	_ =	shalt  }
0x4b: {  	_ =	shalt  }
0x4c: {  	_ =	shalt  }
0x4d: {  	_ =	shalt  }
0x4e: {  	_ =	shalt  }
0x4f: {  	_ =	shalt  }
0x50: {  	_ =	shalt  }
0x51: {  	_ =	shalt  }
0x52: {  	_ =	shalt  }
0x53: {  	_ =	shalt  }
0x54: {  	_ =	shalt  }
0x55: {  	_ =	shalt  }
0x56: {  	_ =	shalt  }
0x57: {  	_ =	shalt  }
0x58: {  	_ =	shalt  }
0x59: {  	_ =	shalt  }
0x5a: {  	_ =	shalt  }
0x5b: {  	_ =	shalt  }
0x5c: {  	_ =	shalt  }
0x5d: {  	_ =	shalt  }
0x5e: {  	_ =	shalt  }
0x5f: {  	_ =	shalt  }
0x60: {  	_ =	shalt  }
0x61: {  	_ =	shalt  }
0x62: {  	_ =	shalt  }
0x63: {  	_ =	shalt  }
0x64: {  	_ =	shalt  }
0x65: {  	_ =	shalt  }
0x66: {  	_ =	shalt  }
0x67: {  	_ =	shalt  }
0x68: {  	_ =	shalt  }
0x69: {  	_ =	shalt  }
0x6a: {  	_ =	shalt  }
0x6b: {  	_ =	shalt  }
0x6c: {  	_ =	shalt  }
0x6d: {  	_ =	shalt  }
0x6e: {  	_ =	shalt  }
0x6f: {  	_ =	shalt  }
0x70: {  	_ =	shalt  }
0x71: {  	_ =	shalt  }
0x72: {  	_ =	shalt  }
0x73: {  	_ =	shalt  }
0x74: {  	_ =	shalt  }
0x75: {  	_ =	shalt  }
0x76: {  	_ =	shalt  }
0x77: {  	_ =	shalt  }
0x78: {  	_ =	shalt  }
0x79: {  	_ =	shalt  }
0x7a: {  	_ =	shalt  }
0x7b: {  	_ =	shalt  }
0x7c: {  	_ =	shalt  }
0x7d: {  	_ =	shalt  }
0x7e: {  	_ =	shalt  }
0x7f: {  	_ =	shalt  }
0x80: {  	_ =	shalt  }
0x81: {  	_ =	shalt  }
0x82: {  	_ =	shalt  }
0x83: {  	_ =	shalt  }
0x84: {  	_ =	shalt  }
0x85: {  	_ =	shalt  }
0x86: {  	_ =	shalt  }
0x87: {  	_ =	shalt  }
.Lfunc_end0:
.L_simem_size_0:
called_computation.2_lowered:
.L_overlay_start_0:
0x88: {  	s2 =	sld [smem:$0x3FD9]  }
0x89: {  	s3 =	sld [smem:$0x3FFE];
	_ =	sdelay $0x1  }
0x8a: {  	s1 =	srdreg.scid  }
0x8b: {  	s0 =	sand.u32 $0x1, s1  }
0x8c: {  	s17 =	sshll.u32 s0, $0xA;
	s2 =	sadd.s32 s3, s2  }
0x8d: {  	s2 =	sadd.s32 s2, s17  }
0x8e: {  	[smem:$0x3FC0] =	sst s2  }
0x8f: {  	_ = 	snop  }
0x90: {  	s2 =	sld [smem:$0x3FD0];
	(tm) =	ssettm $0x1  }
0x91: {  	s18 =	sld [smem:$0x3FFB];
	_ =	sdelay $0x3  }
0x92: {  	_ =	strace s18  }
0x93: {  	s3 =	sld [smem:$0x3FFC];
	_ =	sdelay $0x3  }
0x94: {  	_ =	strace s3  }
0x95: {  	s3 =	sld [smem:$0x3FFD];
	_ =	sdelay $0x3  }
0x96: {  	_ =	strace s3  }
0x97: {  	_ =	strace $0x8FFFFFFF  }
0x98: {  	s19 =	sld [smem:$0x3FDB];
	_ =	sdelay $0x1  }
0x99: {  	s4 =	simm.s32 $_scs_section_size  }
0x9a: {  	s5 =	simm.s32 $_size__tile_overlayer_lowered;
	s6 =	simm.s32 $_tile_overlayer_lowered  }
0x9b: {  	s22 =	simm.s32 $0x1BFF;
	s21 =	sshll.u32 s6, $0x1;
	s3 =	sadd.s32 s4, s19  }
0x9c: {  	s7 =	simm.s32 $0x0;
	s20 =	sshll.u32 s5, $0x1;
	s5 =	sadd.s32 s21, s3  }
0x9d: {  	[timem:s7], [sflag:s22] =	dma.local [hbm:s5], s20  }
0x9e: {  	_ =	swait.ge [sflag:s22], s20  }
0x9f: {  	s4 =	ssub.s32 $0x0, s20;
	[sflag:s22] =	ssyncset.done $0x0  }
0xa0: {  	[sflag:s22] =	ssyncadd.s32 s4;
	_ =	sdelay $0x1  }
0xa1: {  	s23 =	simm.s32 $0x1B8B  }
0xa2: {  	_ =	swait.ge [sflag:s23], $0x1  }
0xa3: {  	[sflag:s23] =	ssyncset.done $0x0  }
0xa4: {  	s25 =	simm.s32 $0x1B8E;
	s24 =	sld [smem:$0x3FFE];
	[sflag:s23] =	ssyncadd.s32 $0xFFFFFFFF  }
0xa5: {  	s26 =	simm.s32 $execute0_lowered;
	[smem:$0x3FD2] =	sst s25  }
0xa6: {  	s5 =	sshll.u32 s26, $0x1;
	_ =	strace $0x8000004C;
	[dreg:$0x1] =	wrdreg $0xFFFFFFFF  }
0xa7: {  	s28 =	simm.s32 $_size_execute0_lowered;
	s3 =	sadd.s32 s3, s5;
	[dreg:$0x0] =	wrdreg $0x0  }
0xa8: {  	s5 =	sshll.u32 s28, $0x1;
	[dreg:$0x2] =	wrdreg s3  }
0xa9: {  	[dreg:$0x3] =	wrdreg s5  }
0xaa: {  	[dreg:$0x4] =	wrdreg $0xC0  }
0xab: {  	_ =	task [dreg:s7], $0x5FFFF  }
0xac: {  	[dreg:$0x1] =	wrdreg $0xFFFFFFFF  }
0xad: {  	[dreg:$0x0] =	wrdreg $0x60  }
0xae: {  	[dreg:$0x2] =	wrdreg s24  }
0xaf: {  	[dreg:$0x3] =	wrdreg s2  }
0xb0: {  	[dreg:$0x4] =	wrdreg $0xED000  }
0xb1: {  	[dreg:$0x5] =	wrdreg $0x9  }
0xb2: {  	_ =	task.clear_ibuf [dreg:s7], $0x6FFFF;
	_ =	strace $0x9000004C  }
0xb3: {  	s29 =	simm.s32 $0x9;
	_ =	strace $0x8000004E  }
0xb4: {  	_ =	swait.ge [sflag:s29], $0x1  }
0xb5: {  	[sflag:s29] =	ssyncadd.s32 $0xFFFFFFFF  }
0xb6: {  	_ =	strace $0x9000004E  }
0xb7: {  	_ =	sfence  }
0xb8: {  	s30 =	sld [smem:$0x0];
	_ =	sdelay $0x2  }
0xb9: {  	s31 =	sshll.u32 s1, $0xD;
	s1 =	sshrl.u32 s1, $0x2  }
0xba: {  	s3 =	sand.u32 $0x4000, s31;
	s1 =	sadd.s32 s1, s30  }
0xbb: {  	s0 =	sor.u32 s3, s0;
	s1 =	sshll.u32 s1, $0x11  }
0xbc: {  	s0 =	sor.u32 s1, s0  }
0xbd: {  	s0 =	sadd.s32 $0x8F2B, s0  }
0xbe: {  	[sflag:s0] =	ssyncadd.remote.s32 $0x1  }
0xbf: {  	_ =	sfence.sel $0xFFFF  }
0xc0: {  	[dreg:$0x0] =	wrdreg $0xFFFFFFFF;
	(pc) =	sbr.abs _section_cstart, $3  }
0xc1: {  	[dreg:$0x1] =	wrdreg $0xFFFFFFFF  }
0xc2: {  	_ =	task.clear_ibuf [dreg:s7], $0x2FFFF;
	_ =	strace $0x9FFFFFFF  }
0xc3: {  	(tm) =	ssettm $0x7FFFFFFF  }
tec
execute0_lowered:
.L_overlay_start_1:
0x0: {  	(tag) =	ssettag $0x1  }
0x1: {  	s0 =	rddreg [dreg:$0x0]  }
0x2: {  	s3 =	rddreg [dreg:$0x1]  }
0x3: {  	s1 =	srdreg.scid;
	s2 =	rddreg [dreg:$0x2]  }
0x4: {  	s10 =	stileid.u32;
	s5 =	simm.s32 $0x0;
	s28 =	simm.s32 $0x7D  }
0x5: {  	s29 =	simm.s32 $0x5000;
	s31 =	simm.s32 $0x6F40;
	s30 =	simm.s32 $0x4F80  }
0x6: {  	s1 =	sand.u32 $0x1, s1;
	[smem:$0x7FF] =	sst s5;
	s5 =	sadd.s32 $0x3A000, s0  }
0x7: {  	s12 =	smul.u32 $0xA000, s10;
	s4 =	sshll.u32 s1, $0x4;
	_ =	strace $0x8000004D  }
0x8: {  	s8 =	ssub.s32 $0x2, s1;
	s1 =	smul.u32 $0x140000, s1;
	s4 =	sor.u32 s10, s4  }
0x9: {  	s9 =	sshrl.u32 s8, $0x1;
	s17 =	sadd.s32 $0x2000, s12;
	s18 =	sadd.s32 $0x4000, s12  }
0xa: {  	s19 =	sadd.s32 $0x6000, s12;
	s15 =	sadd.s32 $0x8000, s12;
	s6 =	smul.u32 $0x500, s4  }
0xb: {  	s4 =	sadd.s32 $0x4DA00, s0;
	s13 =	ssub.s32 s8, s9;
	s8 =	sadd.s32 s12, s2  }
0xc: {  	s9 =	sadd.s32 s17, s2;
	s10 =	sadd.s32 s18, s2;
	s11 =	sadd.s32 s19, s2  }
0xd: {  	s14 =	sadd.s32 s12, s1;
	s12 =	sadd.s32 s15, s2;
	s20 =	sadd.s32 s1, s18  }
0xe: {  	s21 =	sadd.s32 s1, s19;
	s18 =	simm.s32 $0x4;
	s14 =	sshrl.u32 s14, $0x3  }
0xf: {  	s26 =	smax.u32 s13, $0x1;
	s13 =	simm.s32 $0x4F00;
	s7 =	sadd.s32 s6, s0  }
0x10: {  	s0 =	sadd.s32 $0x61400, s0;
	s3 =	sadd.s32 s3, s6;
	s6 =	sshrl.u32 s21, $0x3  }
0x11: {  	[dreg:$0x10] =	wrdreg s26;
	s26 =	simm.s32 $0xCD00;
	s21 =	simm.s32 $0x100  }
0x12: {  	s7 =	sadd.s32 $0x8E00, s7;
	[dreg:$0x5] =	wrdreg s3;
	s3 =	sadd.s32 s1, s17  }
0x13: {  	s14 =	sadd.s32 s0, s14;
	s1 =	sadd.s32 s1, s15;
	[dreg:$0x4] =	wrdreg s7  }
0x14: {  	s6 =	sadd.s32 s0, s6;
	s3 =	sshrl.u32 s3, $0x3;
	[dreg:$0x6] =	wrdreg s14  }
0x15: {  	s1 =	sshrl.u32 s1, $0x3;
	s22 =	sadd.s32 $0x14000, s14;
	[dreg:$0x9] =	wrdreg s6  }
0x16: {  	s25 =	sadd.s32 $0x14000, s6;
	s6 =	simm.s32 $0x2;
	[dreg:$0xb] =	wrdreg s22  }
0x17: {  	s7 =	simm.s32 $0x3;
	s16 =	sadd.s32 s0, s3;
	[dreg:$0xe] =	wrdreg s25  }
0x18: {  	s3 =	sshrl.u32 s20, $0x3;
	[dreg:$0x7] =	wrdreg s16;
	s23 =	sadd.s32 $0x14000, s16  }
0x19: {  	s20 =	simm.s32 $0x80;
	s3 =	sadd.s32 s0, s3;
	[dreg:$0xc] =	wrdreg s23  }
0x1a: {  	s25 =	simm.s32 $0x1;
	s0 =	sadd.s32 s0, s1;
	[dreg:$0x8] =	wrdreg s3  }
0x1b: {  	s22 =	simm.s32 $0x0;
	s24 =	sadd.s32 $0x14000, s3;
	[dreg:$0xa] =	wrdreg s0  }
0x1c: {  	s1 =	simm.s32 $0x8E80;
	s0 =	sadd.s32 $0x14000, s0;
	[dreg:$0xd] =	wrdreg s24  }
0x1d: {  	v0 =	vimm.f32 $0.0e+00;
	s3 =	simm.s32 $0xADC0;
	[dreg:$0xf] =	wrdreg s0;
	s24 =	simm.s32 $0x5  }
.LBB2_1:
0x1e: {  	s14 =	simm.s32 $0x0  }
0x1f: {  	s0 =	sand.u32 $0x7F00, s14  }
0x20: {  	s14 =	sand.u32 $0x30, s14;
	s15 =	sshrl.u32 s0, $0x2  }
0x21: {  	s0 =	simm.s32 $0x40;
	s15 =	sor.u32 s14, s15;
	s14 =	simm.s32 $0x0  }
.LBB2_2:
0x22: {  	p0 =	sne.s32 s0, $0x7FC0  }
0x23: {  	[tilespmem:s15+$0xCD00] =	vst v0;
	s14 =	sadd.s32 $0x10, s14;
	s15 =	smov.u32 s0;
	s0 =	sadd.s32 $0x40, s0  }
.Ltmp0:
0x24: {  	(pc) =	sbr.rel @p0 .LBB2_2-.Ltmp0, $4  }
0x25: {  	_ = 	snop  }
0x26: {  	s15 =	sand.u32 $0x7F00, s15  }
0x27: {  	s16 =	sand.u32 $0x30, s14;
	s15 =	sshrl.u32 s15, $0x2  }
0x28: {  	s15 =	sor.u32 s16, s15  }
0x29: {  	[tilespmem:s15+$0xCD00] =	vst v0;
	s0 =	simm.s32 $0x0;
	s14 =	rddreg [dreg:$0x4]  }
0x2a: {  	[tilespmem:s0], [sflag:$0x5] =	stream.linear.gather [hbm4b:s14+s0], $0x2800, $0x38;
	[tilespmem:$0x18D00] =	vst v63  }
0x2b: {  	_ =	swait.ge [sflag:s24], $0x2800  }
0x2c: {  	[sflag:s24] =	ssyncset.done $0x0  }
0x2d: {  	s17 =	simm.s32 $0x2800;
	s16 =	rddreg [dreg:$0x5];
	[sflag:s24] =	ssyncadd.s32 $0xFFFFD800  }
0x2e: {  	[tilespmem:s17], [sflag:$0x5] =	stream.linear.gather [hbm4b:s16+s0], $0x2800, $0x38;
	[tilespmem:$0x18D00] =	vst v63  }
0x2f: {  	_ =	swait.ge [sflag:s24], $0x2800  }
0x30: {  	[sflag:s24] =	ssyncset.done $0x0  }
0x31: {  	[sflag:s24] =	ssyncadd.s32 $0xFFFFD800  }
0x32: {  	[spmem:s8] =	stream.linear.scatter [tilespmem:s26], [sflag:$0x5], $0x2000, $0x38;
	[tilespmem:$0x18D00] =	vst v63  }
0x33: {  	_ =	swait.ge [sflag:s24], $0x2000  }
0x34: {  	[sflag:s24] =	ssyncset.done $0x0  }
0x35: {  	[sflag:s24] =	ssyncadd.s32 $0xFFFFE000  }
0x36: {  	[spmem:s9] =	stream.linear.scatter [tilespmem:s26], [sflag:$0x5], $0x2000, $0x38;
	[tilespmem:$0x18D00] =	vst v63  }
0x37: {  	_ =	swait.ge [sflag:s24], $0x2000  }
0x38: {  	[sflag:s24] =	ssyncset.done $0x0  }
0x39: {  	[sflag:s24] =	ssyncadd.s32 $0xFFFFE000  }
0x3a: {  	[spmem:s10] =	stream.linear.scatter [tilespmem:s26], [sflag:$0x5], $0x2000, $0x38;
	[tilespmem:$0x18D00] =	vst v63  }
0x3b: {  	_ =	swait.ge [sflag:s24], $0x2000  }
0x3c: {  	[sflag:s24] =	ssyncset.done $0x0  }
0x3d: {  	[sflag:s24] =	ssyncadd.s32 $0xFFFFE000  }
0x3e: {  	[spmem:s11] =	stream.linear.scatter [tilespmem:s26], [sflag:$0x5], $0x2000, $0x38;
	[tilespmem:$0x18D00] =	vst v63  }
0x3f: {  	_ =	swait.ge [sflag:s24], $0x2000  }
0x40: {  	[sflag:s24] =	ssyncset.done $0x0  }
0x41: {  	[sflag:s24] =	ssyncadd.s32 $0xFFFFE000  }
0x42: {  	[spmem:s12] =	stream.linear.scatter [tilespmem:s26], [sflag:$0x5], $0x2000, $0x38;
	[tilespmem:$0x18D00] =	vst v63  }
0x43: {  	_ =	swait.ge [sflag:s24], $0x2000  }
0x44: {  	[sflag:s24] =	ssyncset.done $0x0  }
0x45: {  	[sflag:s24] =	ssyncadd.s32 $0xFFFFE000  }
0x46: {  	[bflag:$0x0] =	sbarrier.arrive $0xFFFF  }
0x47: {  	[tilespmem:s29], [sflag:$0x1] =	stream.indirect.gather [hbm4b:s4+s28], $0x40, s0, s28, $0xb8;
	[tilespmem:$0x18D00] =	vst v63  }
0x48: {  	_ = 	snop  }
0x49: {  	[tilespmem:s31], [sflag:$0x2] =	stream.indirect.gather [hbm4b:s4+s28], $0x40, s20, s28, $0xb8;
	[tilespmem:$0x18D00] =	vst v63  }
0x4a: {  	_ = 	snop  }
0x4b: {  	[tilespmem:s1], [sflag:$0x3] =	stream.indirect.gather [hbm4b:s4+s28], $0x40, s21, s28, $0xb8;
	[tilespmem:$0x18D00] =	vst v63  }
0x4c: {  	_ =	swait.ge [sflag:s25], $0x1F40  }
0x4d: {  	[sflag:s25] =	ssyncset.done $0x0  }
0x4e: {  	s19 =	simm.s32 $0x180;
	[sflag:s25] =	ssyncadd.s32 $0xFFFFE0C0  }
0x4f: {  	[tilespmem:s3], [sflag:$0x4] =	stream.indirect.gather [hbm4b:s4+s28], $0x40, s19, s28, $0xb8;
	[tilespmem:$0x18D00] =	vst v63  }
0x50: {  	s23 =	simm.s32 $0x2800  }
0x51: {  	[spmem:s2] =	stream.indirect.scatter.add.f32 [tilespmem:s29], [sflag:$0x5], $0x40, s23, s28, $0xb8;
	[tilespmem:$0x18D00] =	vst v63  }
0x52: {  	_ =	swait.ge [sflag:s24], $0x1F40  }
0x53: {  	[sflag:s24] =	ssyncset.done $0x0  }
0x54: {  	[sflag:s24] =	ssyncadd.s32 $0xFFFFE0C0  }
0x55: {  	_ =	swait.ge [sflag:s6], $0x1F40  }
0x56: {  	[sflag:s6] =	ssyncset.done $0x0  }
0x57: {  	s14 =	simm.s32 $0x200;
	[sflag:s6] =	ssyncadd.s32 $0xFFFFE0C0  }
0x58: {  	[tilespmem:s29], [sflag:$0x1] =	stream.indirect.gather [hbm4b:s4+s28], $0x40, s14, s28, $0xb8;
	[tilespmem:$0x18D00] =	vst v63  }
0x59: {  	s15 =	simm.s32 $0x2880  }
0x5a: {  	[spmem:s2] =	stream.indirect.scatter.add.f32 [tilespmem:s31], [sflag:$0x5], $0x40, s15, s28, $0xb8;
	[tilespmem:$0x18D00] =	vst v63  }
0x5b: {  	_ =	swait.ge [sflag:s24], $0x1F40  }
0x5c: {  	[sflag:s24] =	ssyncset.done $0x0  }
0x5d: {  	[sflag:s24] =	ssyncadd.s32 $0xFFFFE0C0  }
0x5e: {  	_ =	swait.ge [sflag:s7], $0x1F40  }
0x5f: {  	[sflag:s7] =	ssyncset.done $0x0  }
0x60: {  	s16 =	simm.s32 $0x280;
	[sflag:s7] =	ssyncadd.s32 $0xFFFFE0C0  }
0x61: {  	[tilespmem:s31], [sflag:$0x2] =	stream.indirect.gather [hbm4b:s4+s28], $0x40, s16, s28, $0xb8;
	[tilespmem:$0x18D00] =	vst v63  }
0x62: {  	s17 =	simm.s32 $0x2900  }
0x63: {  	[spmem:s2] =	stream.indirect.scatter.add.f32 [tilespmem:s1], [sflag:$0x5], $0x40, s17, s28, $0xb8;
	[tilespmem:$0x18D00] =	vst v63  }
0x64: {  	_ =	swait.ge [sflag:s24], $0x1F40  }
0x65: {  	[sflag:s24] =	ssyncset.done $0x0  }
0x66: {  	[sflag:s24] =	ssyncadd.s32 $0xFFFFE0C0  }
0x67: {  	_ =	swait.ge [sflag:s18], $0x1F40  }
0x68: {  	[sflag:s18] =	ssyncset.done $0x0  }
0x69: {  	s19 =	simm.s32 $0x300;
	[sflag:s18] =	ssyncadd.s32 $0xFFFFE0C0  }
0x6a: {  	[tilespmem:s1], [sflag:$0x3] =	stream.indirect.gather [hbm4b:s4+s28], $0x40, s19, s28, $0xb8;
	[tilespmem:$0x18D00] =	vst v63  }
0x6b: {  	s23 =	simm.s32 $0x2980  }
0x6c: {  	[spmem:s2] =	stream.indirect.scatter.add.f32 [tilespmem:s3], [sflag:$0x5], $0x40, s23, s28, $0xb8;
	[tilespmem:$0x18D00] =	vst v63  }
0x6d: {  	_ =	swait.ge [sflag:s24], $0x1F40  }
0x6e: {  	s0 =	simm.s32 $0x800;
	[sflag:s24] =	ssyncset.done $0x0  }
.LBB2_4:
0x6f: {  	p0 =	sne.s32 s0, $0x9000  }
0x70: {  	[sflag:s24] =	ssyncadd.s32 $0xFFFFE0C0;
	s14 =	smov.u32 s0;
	s0 =	sadd.s32 $0x800, s0  }
0x71: {  	_ = 	snop  }
0x72: {  	_ =	swait.ge [sflag:s25], $0x1F40  }
0x73: {  	s14 =	sshra.s32 s14, $0x2;
	[sflag:s25] =	ssyncset.done $0x0  }
0x74: {  	s15 =	sadd.s32 $0x180, s14;
	[sflag:s25] =	ssyncadd.s32 $0xFFFFE0C0  }
0x75: {  	[tilespmem:s3], [sflag:$0x4] =	stream.indirect.gather [hbm4b:s4+s28], $0x40, s15, s28, $0xb8;
	[tilespmem:$0x18D00] =	vst v63  }
0x76: {  	s15 =	sadd.s32 $0x2800, s14  }
0x77: {  	[spmem:s2] =	stream.indirect.scatter.add.f32 [tilespmem:s29], [sflag:$0x5], $0x40, s15, s28, $0xb8;
	[tilespmem:$0x18D00] =	vst v63  }
0x78: {  	_ =	swait.ge [sflag:s24], $0x1F40  }
0x79: {  	[sflag:s24] =	ssyncset.done $0x0  }
0x7a: {  	[sflag:s24] =	ssyncadd.s32 $0xFFFFE0C0  }
0x7b: {  	_ =	swait.ge [sflag:s6], $0x1F40  }
0x7c: {  	[sflag:s6] =	ssyncset.done $0x0  }
0x7d: {  	s15 =	sadd.s32 $0x200, s14;
	[sflag:s6] =	ssyncadd.s32 $0xFFFFE0C0  }
0x7e: {  	[tilespmem:s29], [sflag:$0x1] =	stream.indirect.gather [hbm4b:s4+s28], $0x40, s15, s28, $0xb8;
	[tilespmem:$0x18D00] =	vst v63  }
0x7f: {  	s15 =	sadd.s32 $0x2880, s14  }
0x80: {  	[spmem:s2] =	stream.indirect.scatter.add.f32 [tilespmem:s31], [sflag:$0x5], $0x40, s15, s28, $0xb8;
	[tilespmem:$0x18D00] =	vst v63  }
0x81: {  	_ =	swait.ge [sflag:s24], $0x1F40  }
0x82: {  	[sflag:s24] =	ssyncset.done $0x0  }
0x83: {  	[sflag:s24] =	ssyncadd.s32 $0xFFFFE0C0  }
0x84: {  	_ =	swait.ge [sflag:s7], $0x1F40  }
0x85: {  	[sflag:s7] =	ssyncset.done $0x0  }
0x86: {  	s15 =	sadd.s32 $0x280, s14;
	[sflag:s7] =	ssyncadd.s32 $0xFFFFE0C0  }
0x87: {  	[tilespmem:s31], [sflag:$0x2] =	stream.indirect.gather [hbm4b:s4+s28], $0x40, s15, s28, $0xb8;
	[tilespmem:$0x18D00] =	vst v63  }
0x88: {  	s15 =	sadd.s32 $0x2900, s14  }
0x89: {  	[spmem:s2] =	stream.indirect.scatter.add.f32 [tilespmem:s1], [sflag:$0x5], $0x40, s15, s28, $0xb8;
	[tilespmem:$0x18D00] =	vst v63  }
0x8a: {  	_ =	swait.ge [sflag:s24], $0x1F40  }
0x8b: {  	[sflag:s24] =	ssyncset.done $0x0  }
0x8c: {  	[sflag:s24] =	ssyncadd.s32 $0xFFFFE0C0  }
0x8d: {  	_ =	swait.ge [sflag:s18], $0x1F40  }
0x8e: {  	[sflag:s18] =	ssyncset.done $0x0  }
0x8f: {  	s15 =	sadd.s32 $0x300, s14;
	[sflag:s18] =	ssyncadd.s32 $0xFFFFE0C0  }
0x90: {  	[tilespmem:s1], [sflag:$0x3] =	stream.indirect.gather [hbm4b:s4+s28], $0x40, s15, s28, $0xb8;
	[tilespmem:$0x18D00] =	vst v63  }
.Ltmp1:
0x91: {  	_ = 	snop;
	(pc) =	sbr.rel @p0 .LBB2_4-.Ltmp1, $4  }
0x92: {  	s14 =	sadd.s32 $0x2980, s14  }
0x93: {  	[spmem:s2] =	stream.indirect.scatter.add.f32 [tilespmem:s3], [sflag:$0x5], $0x40, s14, s28, $0xb8;
	[tilespmem:$0x18D00] =	vst v63  }
0x94: {  	_ =	swait.ge [sflag:s24], $0x1F40  }
0x95: {  	[sflag:s24] =	ssyncset.done $0x0  }
0x96: {  	[sflag:s24] =	ssyncadd.s32 $0xFFFFE0C0  }
0x97: {  	_ =	swait.ge [sflag:s25], $0x1F40  }
0x98: {  	[sflag:s25] =	ssyncset.done $0x0  }
0x99: {  	s0 =	simm.s32 $0x2780;
	[sflag:s25] =	ssyncadd.s32 $0xFFFFE0C0  }
0x9a: {  	[tilespmem:s3], [sflag:$0x4] =	stream.indirect.gather [hbm4b:s4+s28], $0x40, s0, s28, $0xb8;
	[tilespmem:$0x18D00] =	vst v63  }
0x9b: {  	s15 =	simm.s32 $0x4E00  }
0x9c: {  	[spmem:s2] =	stream.indirect.scatter.add.f32 [tilespmem:s29], [sflag:$0x5], $0x40, s15, s28, $0xb8;
	[tilespmem:$0x18D00] =	vst v63  }
0x9d: {  	_ =	swait.ge [sflag:s24], $0x1F40  }
0x9e: {  	[sflag:s24] =	ssyncset.done $0x0  }
0x9f: {  	[sflag:s24] =	ssyncadd.s32 $0xFFFFE0C0  }
0xa0: {  	_ =	swait.ge [sflag:s6], $0x1F40  }
0xa1: {  	[sflag:s6] =	ssyncset.done $0x0  }
0xa2: {  	s16 =	simm.s32 $0x4E80;
	[sflag:s6] =	ssyncadd.s32 $0xFFFFE0C0  }
0xa3: {  	[spmem:s2] =	stream.indirect.scatter.add.f32 [tilespmem:s31], [sflag:$0x5], $0x40, s16, s28, $0xb8;
	[tilespmem:$0x18D00] =	vst v63  }
0xa4: {  	_ =	swait.ge [sflag:s24], $0x1F40  }
0xa5: {  	[sflag:s24] =	ssyncset.done $0x0  }
0xa6: {  	[sflag:s24] =	ssyncadd.s32 $0xFFFFE0C0  }
0xa7: {  	_ =	swait.ge [sflag:s7], $0x1F40  }
0xa8: {  	[sflag:s7] =	ssyncset.done $0x0  }
0xa9: {  	[sflag:s7] =	ssyncadd.s32 $0xFFFFE0C0  }
0xaa: {  	[spmem:s2] =	stream.indirect.scatter.add.f32 [tilespmem:s1], [sflag:$0x5], $0x40, s13, s28, $0xb8;
	[tilespmem:$0x18D00] =	vst v63  }
0xab: {  	_ =	swait.ge [sflag:s24], $0x1F40  }
0xac: {  	[sflag:s24] =	ssyncset.done $0x0  }
0xad: {  	[sflag:s24] =	ssyncadd.s32 $0xFFFFE0C0  }
0xae: {  	_ =	swait.ge [sflag:s18], $0x1F40  }
0xaf: {  	[sflag:s18] =	ssyncset.done $0x0  }
0xb0: {  	[sflag:s18] =	ssyncadd.s32 $0xFFFFE0C0  }
0xb1: {  	[spmem:s2] =	stream.indirect.scatter.add.f32 [tilespmem:s3], [sflag:$0x5], $0x40, s30, s28, $0xb8;
	[tilespmem:$0x18D00] =	vst v63  }
0xb2: {  	_ =	swait.ge [sflag:s24], $0x1F40  }
0xb3: {  	[sflag:s24] =	ssyncset.done $0x0  }
0xb4: {  	s17 =	stileid.u32;
	[sflag:s24] =	ssyncadd.s32 $0xFFFFE0C0  }
0xb5: {  	s0 =	sshll.u32 s17, $0x6;
	[bflag:$0x0] =	sbarrier.arrive $0xFFFF  }
0xb6: {  	s23 =	sshrl.u32 s8, $0x3;
	s14 =	sor.u32 $0x1C05, s0;
	s19 =	rddreg [dreg:$0x6]  }
0xb7: {  	[hbm:s19], [sflag:s14] =	dma.local [spmem:s23], $0x400  }
0xb8: {  	_ =	swait.ge [sflag:s24], $0x400  }
0xb9: {  	[sflag:s24] =	ssyncset.done $0x0  }
0xba: {  	s0 =	sshrl.u32 s9, $0x3;
	s15 =	rddreg [dreg:$0x7];
	[sflag:s24] =	ssyncadd.s32 $0xFFFFFC00  }
0xbb: {  	[hbm:s15], [sflag:s14] =	dma.local [spmem:s0], $0x400  }
0xbc: {  	_ =	swait.ge [sflag:s24], $0x400  }
0xbd: {  	[sflag:s24] =	ssyncset.done $0x0  }
0xbe: {  	s15 =	sshrl.u32 s10, $0x3;
	s16 =	rddreg [dreg:$0x8];
	[sflag:s24] =	ssyncadd.s32 $0xFFFFFC00  }
0xbf: {  	[hbm:s16], [sflag:s14] =	dma.local [spmem:s15], $0x400  }
0xc0: {  	_ =	swait.ge [sflag:s24], $0x400  }
0xc1: {  	[sflag:s24] =	ssyncset.done $0x0  }
0xc2: {  	s16 =	sshrl.u32 s11, $0x3;
	s17 =	rddreg [dreg:$0x9];
	[sflag:s24] =	ssyncadd.s32 $0xFFFFFC00  }
0xc3: {  	[hbm:s17], [sflag:s14] =	dma.local [spmem:s16], $0x400  }
0xc4: {  	_ =	swait.ge [sflag:s24], $0x400  }
0xc5: {  	[sflag:s24] =	ssyncset.done $0x0  }
0xc6: {  	s19 =	sshrl.u32 s12, $0x3;
	s17 =	rddreg [dreg:$0xa];
	[sflag:s24] =	ssyncadd.s32 $0xFFFFFC00  }
0xc7: {  	[hbm:s17], [sflag:s14] =	dma.local [spmem:s19], $0x400  }
0xc8: {  	_ =	swait.ge [sflag:s24], $0x400  }
0xc9: {  	[sflag:s24] =	ssyncset.done $0x0  }
0xca: {  	[sflag:s24] =	ssyncadd.s32 $0xFFFFFC00  }
0xcb: {  	[spmem:s8] =	stream.linear.scatter [tilespmem:s26], [sflag:$0x5], $0x2000, $0x38;
	[tilespmem:$0x18D00] =	vst v63  }
0xcc: {  	_ =	swait.ge [sflag:s24], $0x2000  }
0xcd: {  	[sflag:s24] =	ssyncset.done $0x0  }
0xce: {  	[sflag:s24] =	ssyncadd.s32 $0xFFFFE000  }
0xcf: {  	[spmem:s9] =	stream.linear.scatter [tilespmem:s26], [sflag:$0x5], $0x2000, $0x38;
	[tilespmem:$0x18D00] =	vst v63  }
0xd0: {  	_ =	swait.ge [sflag:s24], $0x2000  }
0xd1: {  	[sflag:s24] =	ssyncset.done $0x0  }
0xd2: {  	[sflag:s24] =	ssyncadd.s32 $0xFFFFE000  }
0xd3: {  	[spmem:s10] =	stream.linear.scatter [tilespmem:s26], [sflag:$0x5], $0x2000, $0x38;
	[tilespmem:$0x18D00] =	vst v63  }
0xd4: {  	_ =	swait.ge [sflag:s24], $0x2000  }
0xd5: {  	[sflag:s24] =	ssyncset.done $0x0  }
0xd6: {  	[sflag:s24] =	ssyncadd.s32 $0xFFFFE000  }
0xd7: {  	[spmem:s11] =	stream.linear.scatter [tilespmem:s26], [sflag:$0x5], $0x2000, $0x38;
	[tilespmem:$0x18D00] =	vst v63  }
0xd8: {  	_ =	swait.ge [sflag:s24], $0x2000  }
0xd9: {  	[sflag:s24] =	ssyncset.done $0x0  }
0xda: {  	[sflag:s24] =	ssyncadd.s32 $0xFFFFE000  }
0xdb: {  	[spmem:s12] =	stream.linear.scatter [tilespmem:s26], [sflag:$0x5], $0x2000, $0x38;
	[tilespmem:$0x18D00] =	vst v63  }
0xdc: {  	_ =	swait.ge [sflag:s24], $0x2000  }
0xdd: {  	[sflag:s24] =	ssyncset.done $0x0  }
0xde: {  	[sflag:s24] =	ssyncadd.s32 $0xFFFFE000  }
0xdf: {  	s17 =	simm.s32 $0x0;
	[bflag:$0x0] =	sbarrier.arrive $0xFFFF  }
0xe0: {  	[tilespmem:s29], [sflag:$0x1] =	stream.indirect.gather [hbm4b:s5+s28], $0x40, s17, s28, $0xb8;
	[tilespmem:$0x18D00] =	vst v63  }
0xe1: {  	_ = 	snop  }
0xe2: {  	[tilespmem:s31], [sflag:$0x2] =	stream.indirect.gather [hbm4b:s5+s28], $0x40, s20, s28, $0xb8;
	[tilespmem:$0x18D00] =	vst v63  }
0xe3: {  	_ = 	snop  }
0xe4: {  	[tilespmem:s1], [sflag:$0x3] =	stream.indirect.gather [hbm4b:s5+s28], $0x40, s21, s28, $0xb8;
	[tilespmem:$0x18D00] =	vst v63  }
0xe5: {  	_ =	swait.ge [sflag:s25], $0x1F40  }
0xe6: {  	[sflag:s25] =	ssyncset.done $0x0  }
0xe7: {  	s20 =	simm.s32 $0x180;
	[sflag:s25] =	ssyncadd.s32 $0xFFFFE0C0  }
0xe8: {  	[tilespmem:s3], [sflag:$0x4] =	stream.indirect.gather [hbm4b:s5+s28], $0x40, s20, s28, $0xb8;
	[tilespmem:$0x18D00] =	vst v63  }
0xe9: {  	s21 =	simm.s32 $0x2800  }
0xea: {  	[spmem:s2] =	stream.indirect.scatter.add.f32 [tilespmem:s29], [sflag:$0x5], $0x40, s21, s28, $0xb8;
	[tilespmem:$0x18D00] =	vst v63  }
0xeb: {  	_ =	swait.ge [sflag:s24], $0x1F40  }
0xec: {  	[sflag:s24] =	ssyncset.done $0x0  }
0xed: {  	[sflag:s24] =	ssyncadd.s32 $0xFFFFE0C0  }
0xee: {  	_ =	swait.ge [sflag:s6], $0x1F40  }
0xef: {  	[sflag:s6] =	ssyncset.done $0x0  }
0xf0: {  	s20 =	simm.s32 $0x200;
	[sflag:s6] =	ssyncadd.s32 $0xFFFFE0C0  }
0xf1: {  	[tilespmem:s29], [sflag:$0x1] =	stream.indirect.gather [hbm4b:s5+s28], $0x40, s20, s28, $0xb8;
	[tilespmem:$0x18D00] =	vst v63  }
0xf2: {  	s21 =	simm.s32 $0x2880  }
0xf3: {  	[spmem:s2] =	stream.indirect.scatter.add.f32 [tilespmem:s31], [sflag:$0x5], $0x40, s21, s28, $0xb8;
	[tilespmem:$0x18D00] =	vst v63  }
0xf4: {  	_ =	swait.ge [sflag:s24], $0x1F40  }
0xf5: {  	[sflag:s24] =	ssyncset.done $0x0  }
0xf6: {  	[sflag:s24] =	ssyncadd.s32 $0xFFFFE0C0  }
0xf7: {  	_ =	swait.ge [sflag:s7], $0x1F40  }
0xf8: {  	[sflag:s7] =	ssyncset.done $0x0  }
0xf9: {  	s20 =	simm.s32 $0x280;
	[sflag:s7] =	ssyncadd.s32 $0xFFFFE0C0  }
0xfa: {  	[tilespmem:s31], [sflag:$0x2] =	stream.indirect.gather [hbm4b:s5+s28], $0x40, s20, s28, $0xb8;
	[tilespmem:$0x18D00] =	vst v63  }
0xfb: {  	s21 =	simm.s32 $0x2900  }
0xfc: {  	[spmem:s2] =	stream.indirect.scatter.add.f32 [tilespmem:s1], [sflag:$0x5], $0x40, s21, s28, $0xb8;
	[tilespmem:$0x18D00] =	vst v63  }
0xfd: {  	_ =	swait.ge [sflag:s24], $0x1F40  }
0xfe: {  	[sflag:s24] =	ssyncset.done $0x0  }
0xff: {  	[sflag:s24] =	ssyncadd.s32 $0xFFFFE0C0  }
0x100: {  	_ =	swait.ge [sflag:s18], $0x1F40  }
0x101: {  	[sflag:s18] =	ssyncset.done $0x0  }
0x102: {  	s20 =	simm.s32 $0x300;
	[sflag:s18] =	ssyncadd.s32 $0xFFFFE0C0  }
0x103: {  	[tilespmem:s1], [sflag:$0x3] =	stream.indirect.gather [hbm4b:s5+s28], $0x40, s20, s28, $0xb8;
	[tilespmem:$0x18D00] =	vst v63  }
0x104: {  	s21 =	simm.s32 $0x2980  }
0x105: {  	[spmem:s2] =	stream.indirect.scatter.add.f32 [tilespmem:s3], [sflag:$0x5], $0x40, s21, s28, $0xb8;
	[tilespmem:$0x18D00] =	vst v63  }
0x106: {  	_ =	swait.ge [sflag:s24], $0x1F40  }
0x107: {  	s20 =	simm.s32 $0x800;
	[sflag:s24] =	ssyncset.done $0x0  }
.LBB2_6:
0x108: {  	p0 =	sne.s32 s20, $0x9000  }
0x109: {  	[sflag:s24] =	ssyncadd.s32 $0xFFFFE0C0;
	s17 =	smov.u32 s20;
	s20 =	sadd.s32 $0x800, s20  }
0x10a: {  	_ = 	snop  }
0x10b: {  	_ =	swait.ge [sflag:s25], $0x1F40  }
0x10c: {  	s17 =	sshra.s32 s17, $0x2;
	[sflag:s25] =	ssyncset.done $0x0  }
0x10d: {  	s21 =	sadd.s32 $0x180, s17;
	[sflag:s25] =	ssyncadd.s32 $0xFFFFE0C0  }
0x10e: {  	[tilespmem:s3], [sflag:$0x4] =	stream.indirect.gather [hbm4b:s5+s28], $0x40, s21, s28, $0xb8;
	[tilespmem:$0x18D00] =	vst v63  }
0x10f: {  	s21 =	sadd.s32 $0x2800, s17  }
0x110: {  	[spmem:s2] =	stream.indirect.scatter.add.f32 [tilespmem:s29], [sflag:$0x5], $0x40, s21, s28, $0xb8;
	[tilespmem:$0x18D00] =	vst v63  }
0x111: {  	_ =	swait.ge [sflag:s24], $0x1F40  }
0x112: {  	[sflag:s24] =	ssyncset.done $0x0  }
0x113: {  	[sflag:s24] =	ssyncadd.s32 $0xFFFFE0C0  }
0x114: {  	_ =	swait.ge [sflag:s6], $0x1F40  }
0x115: {  	[sflag:s6] =	ssyncset.done $0x0  }
0x116: {  	s21 =	sadd.s32 $0x200, s17;
	[sflag:s6] =	ssyncadd.s32 $0xFFFFE0C0  }
0x117: {  	[tilespmem:s29], [sflag:$0x1] =	stream.indirect.gather [hbm4b:s5+s28], $0x40, s21, s28, $0xb8;
	[tilespmem:$0x18D00] =	vst v63  }
0x118: {  	s21 =	sadd.s32 $0x2880, s17  }
0x119: {  	[spmem:s2] =	stream.indirect.scatter.add.f32 [tilespmem:s31], [sflag:$0x5], $0x40, s21, s28, $0xb8;
	[tilespmem:$0x18D00] =	vst v63  }
0x11a: {  	_ =	swait.ge [sflag:s24], $0x1F40  }
0x11b: {  	[sflag:s24] =	ssyncset.done $0x0  }
0x11c: {  	[sflag:s24] =	ssyncadd.s32 $0xFFFFE0C0  }
0x11d: {  	_ =	swait.ge [sflag:s7], $0x1F40  }
0x11e: {  	[sflag:s7] =	ssyncset.done $0x0  }
0x11f: {  	s21 =	sadd.s32 $0x280, s17;
	[sflag:s7] =	ssyncadd.s32 $0xFFFFE0C0  }
0x120: {  	[tilespmem:s31], [sflag:$0x2] =	stream.indirect.gather [hbm4b:s5+s28], $0x40, s21, s28, $0xb8;
	[tilespmem:$0x18D00] =	vst v63  }
0x121: {  	s21 =	sadd.s32 $0x2900, s17  }
0x122: {  	[spmem:s2] =	stream.indirect.scatter.add.f32 [tilespmem:s1], [sflag:$0x5], $0x40, s21, s28, $0xb8;
	[tilespmem:$0x18D00] =	vst v63  }
0x123: {  	_ =	swait.ge [sflag:s24], $0x1F40  }
0x124: {  	[sflag:s24] =	ssyncset.done $0x0  }
0x125: {  	[sflag:s24] =	ssyncadd.s32 $0xFFFFE0C0  }
0x126: {  	_ =	swait.ge [sflag:s18], $0x1F40  }
0x127: {  	[sflag:s18] =	ssyncset.done $0x0  }
0x128: {  	s21 =	sadd.s32 $0x300, s17;
	[sflag:s18] =	ssyncadd.s32 $0xFFFFE0C0  }
0x129: {  	[tilespmem:s1], [sflag:$0x3] =	stream.indirect.gather [hbm4b:s5+s28], $0x40, s21, s28, $0xb8;
	[tilespmem:$0x18D00] =	vst v63  }
.Ltmp2:
0x12a: {  	_ = 	snop;
	(pc) =	sbr.rel @p0 .LBB2_6-.Ltmp2, $4  }
0x12b: {  	s17 =	sadd.s32 $0x2980, s17  }
0x12c: {  	[spmem:s2] =	stream.indirect.scatter.add.f32 [tilespmem:s3], [sflag:$0x5], $0x40, s17, s28, $0xb8;
	[tilespmem:$0x18D00] =	vst v63  }
0x12d: {  	_ =	swait.ge [sflag:s24], $0x1F40  }
0x12e: {  	[sflag:s24] =	ssyncset.done $0x0  }
0x12f: {  	[sflag:s24] =	ssyncadd.s32 $0xFFFFE0C0  }
0x130: {  	_ =	swait.ge [sflag:s25], $0x1F40  }
0x131: {  	[sflag:s25] =	ssyncset.done $0x0  }
0x132: {  	s17 =	simm.s32 $0x2780;
	[sflag:s25] =	ssyncadd.s32 $0xFFFFE0C0  }
0x133: {  	[tilespmem:s3], [sflag:$0x4] =	stream.indirect.gather [hbm4b:s5+s28], $0x40, s17, s28, $0xb8;
	[tilespmem:$0x18D00] =	vst v63  }
0x134: {  	s21 =	simm.s32 $0x4E00  }
0x135: {  	[spmem:s2] =	stream.indirect.scatter.add.f32 [tilespmem:s29], [sflag:$0x5], $0x40, s21, s28, $0xb8;
	[tilespmem:$0x18D00] =	vst v63  }
0x136: {  	_ =	swait.ge [sflag:s24], $0x1F40  }
0x137: {  	[sflag:s24] =	ssyncset.done $0x0  }
0x138: {  	[sflag:s24] =	ssyncadd.s32 $0xFFFFE0C0  }
0x139: {  	_ =	swait.ge [sflag:s6], $0x1F40  }
0x13a: {  	[sflag:s6] =	ssyncset.done $0x0  }
0x13b: {  	s20 =	simm.s32 $0x4E80;
	[sflag:s6] =	ssyncadd.s32 $0xFFFFE0C0  }
0x13c: {  	[spmem:s2] =	stream.indirect.scatter.add.f32 [tilespmem:s31], [sflag:$0x5], $0x40, s20, s28, $0xb8;
	[tilespmem:$0x18D00] =	vst v63  }
0x13d: {  	_ =	swait.ge [sflag:s24], $0x1F40  }
0x13e: {  	[sflag:s24] =	ssyncset.done $0x0  }
0x13f: {  	[sflag:s24] =	ssyncadd.s32 $0xFFFFE0C0  }
0x140: {  	_ =	swait.ge [sflag:s7], $0x1F40  }
0x141: {  	[sflag:s7] =	ssyncset.done $0x0  }
0x142: {  	[sflag:s7] =	ssyncadd.s32 $0xFFFFE0C0  }
0x143: {  	[spmem:s2] =	stream.indirect.scatter.add.f32 [tilespmem:s1], [sflag:$0x5], $0x40, s13, s28, $0xb8;
	[tilespmem:$0x18D00] =	vst v63  }
0x144: {  	_ =	swait.ge [sflag:s24], $0x1F40  }
0x145: {  	[sflag:s24] =	ssyncset.done $0x0  }
0x146: {  	[sflag:s24] =	ssyncadd.s32 $0xFFFFE0C0  }
0x147: {  	_ =	swait.ge [sflag:s18], $0x1F40  }
0x148: {  	[sflag:s18] =	ssyncset.done $0x0  }
0x149: {  	[sflag:s18] =	ssyncadd.s32 $0xFFFFE0C0  }
0x14a: {  	[spmem:s2] =	stream.indirect.scatter.add.f32 [tilespmem:s3], [sflag:$0x5], $0x40, s30, s28, $0xb8;
	[tilespmem:$0x18D00] =	vst v63  }
0x14b: {  	_ =	swait.ge [sflag:s24], $0x1F40  }
0x14c: {  	[sflag:s24] =	ssyncset.done $0x0  }
0x14d: {  	[sflag:s24] =	ssyncadd.s32 $0xFFFFE0C0  }
0x14e: {  	[bflag:$0x0] =	sbarrier.arrive $0xFFFF  }
0x14f: {  	s21 =	rddreg [dreg:$0xb]  }
0x150: {  	[hbm:s21], [sflag:s14] =	dma.local [spmem:s23], $0x400  }
0x151: {  	_ =	swait.ge [sflag:s24], $0x400  }
0x152: {  	[sflag:s24] =	ssyncset.done $0x0  }
0x153: {  	s23 =	rddreg [dreg:$0xc];
	[sflag:s24] =	ssyncadd.s32 $0xFFFFFC00  }
0x154: {  	[hbm:s23], [sflag:s14] =	dma.local [spmem:s0], $0x400  }
0x155: {  	_ =	swait.ge [sflag:s24], $0x400  }
0x156: {  	[sflag:s24] =	ssyncset.done $0x0  }
0x157: {  	s17 =	rddreg [dreg:$0xd];
	[sflag:s24] =	ssyncadd.s32 $0xFFFFFC00  }
0x158: {  	[hbm:s17], [sflag:s14] =	dma.local [spmem:s15], $0x400  }
0x159: {  	_ =	swait.ge [sflag:s24], $0x400  }
0x15a: {  	[sflag:s24] =	ssyncset.done $0x0  }
0x15b: {  	s20 =	rddreg [dreg:$0xe];
	[sflag:s24] =	ssyncadd.s32 $0xFFFFFC00  }
0x15c: {  	[hbm:s20], [sflag:s14] =	dma.local [spmem:s16], $0x400  }
0x15d: {  	_ =	swait.ge [sflag:s24], $0x400  }
0x15e: {  	[sflag:s24] =	ssyncset.done $0x0  }
0x15f: {  	s21 =	rddreg [dreg:$0xf];
	[sflag:s24] =	ssyncadd.s32 $0xFFFFFC00  }
0x160: {  	[hbm:s21], [sflag:s14] =	dma.local [spmem:s19], $0x400  }
0x161: {  	_ =	swait.ge [sflag:s24], $0x400  }
0x162: {  	s22 =	sadd.s32 $0x1, s22;
	s23 =	rddreg [dreg:$0x10]  }
0x163: {  	p0 =	sne.s32 s22, s23  }
.Ltmp3:
0x164: {  	_ = 	snop;
	(pc) =	sbr.rel @p0 .LBB2_1-.Ltmp3, $3  }
0x165: {  	_ =	sdelay $0x1  }
0x166: {  	[sflag:s24] =	ssyncset.done $0x0  }
0x167: {  	s20 =	simm.s32 $0x80;
	s21 =	simm.s32 $0x100;
	[sflag:s24] =	ssyncadd.s32 $0xFFFFFC00  }
0x168: {  	_ =	sfence.sel $0x180000  }
0x169: {  	[bflag:$0x0] =	sbarrier.arrive $0xFFFF  }
0x16a: {  	_ =	strace $0x9000004D  }
0x16b: {  	s0 =	stileid.u32;
	[bflag:$0x2] =	sbarrier.arrive $0xFFFF  }
0x16c: {  	p0 =	sne.s32 s0, $0x0;
	s0 =	rddreg [dreg:$0x3]  }
0x16d: {  	s0 =	sadd.s32 @!p0 $0x100000, s0  }
0x16e: {  	[sflag:s0] =	ssyncadd.tile.s32 @!p0 $0x1;
	_ =	shalt  }
.Lfunc_end2:
_tile_overlayer_lowered:
.L_overlay_start_2:
0x16f: {  	(tag) =	ssettag $0x2  }
0x170: {  	s0 =	rddreg [dreg:$0x0];
	s2 =	stileid.u32  }
0x171: {  	s1 =	rddreg [dreg:$0x1];
	p0 =	sne.s32 s2, $0x0  }
0x172: {  	s3 =	rddreg [dreg:$0x2];
	[bflag:$0x3] =	sbarrier.arrive $0xFFFF;
	s2 =	simm.s32 @!p0 $0x1C05  }
0x173: {  	[timem:s3], [sflag:s2] =	dma.local @!p0 [hbm:s0], s1  }
0x174: {  	s0 =	simm.s32 @!p0 $0x5  }
0x175: {  	_ =	swait.ge @!p0 [sflag:s0], s1  }
0x176: {  	s1 =	ssub.s32 @!p0 $0x0, s1;
	[sflag:s0] =	ssyncset.done @!p0 $0x0  }
0x177: {  	[sflag:s0] =	ssyncadd.s32 @!p0 s1  }
0x178: {  	[bflag:$0x3] =	sbarrier.arrive $0xFFFF  }
0x179: {  	_ =	shalt  }

// kernel: kernel.8.cloned.1.call-start
scs
__scs_entry_jumppad:
0x0: {  	(pc) =	sbr.rel $0x88, $3  }
0x1: {  	(tag) =	ssettag $0x0;
	lr =	simm.s32 $0x1  }
0x2: {  	[smem:$0x3F99] =	sst lr;
	_ =	strace $0xD0000000  }
0x3: {  	_ = 	snop  }
0x4: {  	_ = 	snop  }
0x5: {  	_ = 	snop  }
0x6: {  	_ = 	snop  }
0x7: {  	_ = 	snop  }
__scs_overlays_trampoline_lowered:
0x8: {  	[smem:$0x3FA8] =	sst s0  }
0x9: {  	[smem:$0x3FA9] =	sst s1  }
0xa: {  	[smem:$0x3FAA] =	sst s2  }
0xb: {  	[smem:$0x3FAB] =	sst s3  }
0xc: {  	[smem:$0x3FAC] =	sst s4  }
0xd: {  	[smem:$0x3FAD] =	sst s5  }
0xe: {  	[smem:$0x3FAE] =	sst s6  }
0xf: {  	[smem:$0x3FAF] =	sst s7  }
0x10: {  	[smem:$0x3FB0] =	sst s8  }
0x11: {  	[smem:$0x3FB1] =	sst s9;
	s0 =	simm.s32 @!p0 $0x0  }
0x12: {  	s1 =	sld [smem:$0x3F97];
	s0 =	simm.s32 @p0 $0x1  }
0x13: {  	[smem:$0x3FB2] =	sst s0;
	s0 =	simm.s32 @!p1 $0x0  }
0x14: {  	s2 =	sld [smem:$0x3F96];
	s0 =	simm.s32 @p1 $0x1  }
0x15: {  	[smem:$0x3FB3] =	sst s0;
	s0 =	simm.s32 @!p2 $0x0  }
0x16: {  	s3 =	sld [smem:$0x3FDB];
	s0 =	simm.s32 @p2 $0x1  }
0x17: {  	s4 =	simm.s32 $0x1BF5;
	[smem:$0x3FB5] =	sst s0  }
0x18: {  	s0 =	sld [smem:$0x3F98];
	_ =	swait.ge [sflag:s4], $0x0  }
0x19: {  	s7 =	sld [smem:$0x3F99]  }
0x1a: {  	s8 =	sadd.s32 $0xFFFFE003, lr  }
0x1b: {  	s9 =	sadd.s32 $0xFFFFFEF7, lr;
	s5 =	simm.s32 $0xFFFFFFFF;
	p2 =	slt.u32 s8, $0xFFFFF086  }
0x1c: {  	p1 =	slt.u32 s9, $0xF7A;
	s5 =	simm.s32 @!p2 $0x0  }
0x1d: {  	s5 =	simm.s32 @p1 $0x1;
	p0 =	seq.s32 s7, s2  }
0x1e: {  	s7 =	smul.u32 @!p0 $0xF7A, s2;
	p2 =	seq.s32 @!p0 s5, $0x0  }
0x1f: {  	s9 =	smul.u32 $0xF7A, s1;
	s8 =	simm.s32 @!p0 $0x1BF5;
	p2 =	por !p2, p0  }
0x20: {  	[sflag:s8] =	ssyncset.s32 @!p0 $0xFFFFF086;
	s6 =	sadd.s32 @!p0 s3, s7;
	s7 =	simm.s32 @!p0 $0x108  }
0x21: {  	s3 =	sadd.s32 s3, s9;
	s6 =	sadd.s32 @!p0 $0x88, s6;
	s7 =	simm.s32 @p2 $0x1082  }
0x22: {  	[simem:s7], [sflag:s8] =	dma.local @!p0 [hbm:s6], $0xF7A  }
0x23: {  	s9 =	sor.u32 $0xD0000000, s2;
	s6 =	simm.s32 $0x108;
	_ =	swait.ge @!p0 [sflag:s8], $0x0  }
0x24: {  	s3 =	sadd.s32 $0x88, s3;
	s6 =	simm.s32 @!p1 $0x1082;
	[sflag:s4] =	ssyncset.s32 $0xFFFFF086  }
0x25: {  	[simem:s6], [sflag:s4] =	dma.local [hbm:s3], $0xF7A  }
0x26: {  	[smem:$0x3F99] =	sst s1;
	(tag) =	ssettag s2;
	_ =	strace s9  }
0x27: {  	s1 =	sld [smem:$0x3FA9]  }
0x28: {  	s2 =	sld [smem:$0x3FAA]  }
0x29: {  	s4 =	sld [smem:$0x3FAC]  }
0x2a: {  	p0 =	seq.s32 s5, $0x0;
	s5 =	sld [smem:$0x3FAD]  }
0x2b: {  	s6 =	sld [smem:$0x3FAE]  }
0x2c: {  	s7 =	sld [smem:$0x3FAF]  }
0x2d: {  	s3 =	simm.s32 $0x108;
	s8 =	sld [smem:$0x3FB0]  }
0x2e: {  	s3 =	simm.s32 @!p0 $0x1082;
	s9 =	sld [smem:$0x3FB1]  }
0x2f: {  	lr =	sadd.s32 s0, s3;
	s0 =	sld [smem:$0x3FA8]  }
0x30: {  	s3 =	sld [smem:$0x3FAB]  }
0x31: {  	[smem:$0x3FB4] =	sst s10  }
0x32: {  	s10 =	sld [smem:$0x3FB2];
	_ =	sdelay $0x3  }
0x33: {  	p0 =	seq.s32 s10, $0x1;
	s10 =	sld [smem:$0x3FB4];
	_ =	sdelay $0x3  }
0x34: {  	[smem:$0x3FB4] =	sst s10  }
0x35: {  	s10 =	sld [smem:$0x3FB3];
	_ =	sdelay $0x3  }
0x36: {  	p1 =	seq.s32 s10, $0x1;
	s10 =	sld [smem:$0x3FB4];
	_ =	sdelay $0x3  }
0x37: {  	[smem:$0x3FB4] =	sst s10  }
0x38: {  	s10 =	sld [smem:$0x3FB5]  }
0x39: {  	_ = 	snop;
	(pc) =	sbr.ind lr, $3  }
0x3a: {  	_ = 	snop  }
0x3b: {  	_ = 	snop  }
0x3c: {  	p2 =	seq.s32 s10, $0x1;
	s10 =	sld [smem:$0x3FB4]  }
0x3d: {  	_ =	shalt  }
0x3e: {  	_ =	shalt  }
0x3f: {  	_ =	shalt  }
0x40: {  	_ =	shalt  }
0x41: {  	_ =	shalt  }
0x42: {  	_ =	shalt  }
0x43: {  	_ =	shalt  }
0x44: {  	_ =	shalt  }
0x45: {  	_ =	shalt  }
0x46: {  	_ =	shalt  }
0x47: {  	_ =	shalt  }
0x48: {  	_ =	shalt  }
0x49: {  	_ =	shalt  }
0x4a: {  	_ =	shalt  }
0x4b: {  	_ =	shalt  }
0x4c: {  	_ =	shalt  }
0x4d: {  	_ =	shalt  }
0x4e: {  	_ =	shalt  }
0x4f: {  	_ =	shalt  }
0x50: {  	_ =	shalt  }
0x51: {  	_ =	shalt  }
0x52: {  	_ =	shalt  }
0x53: {  	_ =	shalt  }
0x54: {  	_ =	shalt  }
0x55: {  	_ =	shalt  }
0x56: {  	_ =	shalt  }
0x57: {  	_ =	shalt  }
0x58: {  	_ =	shalt  }
0x59: {  	_ =	shalt  }
0x5a: {  	_ =	shalt  }
0x5b: {  	_ =	shalt  }
0x5c: {  	_ =	shalt  }
0x5d: {  	_ =	shalt  }
0x5e: {  	_ =	shalt  }
0x5f: {  	_ =	shalt  }
0x60: {  	_ =	shalt  }
0x61: {  	_ =	shalt  }
0x62: {  	_ =	shalt  }
0x63: {  	_ =	shalt  }
0x64: {  	_ =	shalt  }
0x65: {  	_ =	shalt  }
0x66: {  	_ =	shalt  }
0x67: {  	_ =	shalt  }
0x68: {  	_ =	shalt  }
0x69: {  	_ =	shalt  }
0x6a: {  	_ =	shalt  }
0x6b: {  	_ =	shalt  }
0x6c: {  	_ =	shalt  }
0x6d: {  	_ =	shalt  }
0x6e: {  	_ =	shalt  }
0x6f: {  	_ =	shalt  }
0x70: {  	_ =	shalt  }
0x71: {  	_ =	shalt  }
0x72: {  	_ =	shalt  }
0x73: {  	_ =	shalt  }
0x74: {  	_ =	shalt  }
0x75: {  	_ =	shalt  }
0x76: {  	_ =	shalt  }
0x77: {  	_ =	shalt  }
0x78: {  	_ =	shalt  }
0x79: {  	_ =	shalt  }
0x7a: {  	_ =	shalt  }
0x7b: {  	_ =	shalt  }
0x7c: {  	_ =	shalt  }
0x7d: {  	_ =	shalt  }
0x7e: {  	_ =	shalt  }
0x7f: {  	_ =	shalt  }
0x80: {  	_ =	shalt  }
0x81: {  	_ =	shalt  }
0x82: {  	_ =	shalt  }
0x83: {  	_ =	shalt  }
0x84: {  	_ =	shalt  }
0x85: {  	_ =	shalt  }
0x86: {  	_ =	shalt  }
0x87: {  	_ =	shalt  }
.Lfunc_end0:
.L_simem_size_0:
called_computation_lowered:
.L_overlay_start_0:
0x88: {  	s2 =	sld [smem:$0x3FD9]  }
0x89: {  	s3 =	sld [smem:$0x3FFE];
	_ =	sdelay $0x1  }
0x8a: {  	s1 =	srdreg.scid  }
0x8b: {  	s0 =	sand.u32 $0x1, s1  }
0x8c: {  	s17 =	sshll.u32 s0, $0xA;
	s2 =	sadd.s32 s3, s2  }
0x8d: {  	s2 =	sadd.s32 s2, s17  }
0x8e: {  	[smem:$0x3FC0] =	sst s2  }
0x8f: {  	_ = 	snop  }
0x90: {  	s2 =	sld [smem:$0x3FD0];
	(tm) =	ssettm $0x1  }
0x91: {  	s18 =	sld [smem:$0x3FFB];
	_ =	sdelay $0x3  }
0x92: {  	_ =	strace s18  }
0x93: {  	s3 =	sld [smem:$0x3FFC];
	_ =	sdelay $0x3  }
0x94: {  	_ =	strace s3  }
0x95: {  	s3 =	sld [smem:$0x3FFD];
	_ =	sdelay $0x3  }
0x96: {  	_ =	strace s3  }
0x97: {  	_ =	strace $0x8FFFFFFF  }
0x98: {  	s19 =	sld [smem:$0x3FDB];
	_ =	sdelay $0x1  }
0x99: {  	s4 =	simm.s32 $_scs_section_size  }
0x9a: {  	s5 =	simm.s32 $_size__tile_overlayer_lowered;
	s6 =	simm.s32 $_tile_overlayer_lowered  }
0x9b: {  	s22 =	simm.s32 $0x1BFF;
	s21 =	sshll.u32 s6, $0x1;
	s3 =	sadd.s32 s4, s19  }
0x9c: {  	s7 =	simm.s32 $0x0;
	s20 =	sshll.u32 s5, $0x1;
	s5 =	sadd.s32 s21, s3  }
0x9d: {  	[timem:s7], [sflag:s22] =	dma.local [hbm:s5], s20  }
0x9e: {  	_ =	swait.ge [sflag:s22], s20  }
0x9f: {  	s4 =	ssub.s32 $0x0, s20;
	[sflag:s22] =	ssyncset.done $0x0  }
0xa0: {  	[sflag:s22] =	ssyncadd.s32 s4;
	_ =	sdelay $0x1  }
0xa1: {  	s23 =	simm.s32 $0x1B8B  }
0xa2: {  	_ =	swait.ge [sflag:s23], $0x1  }
0xa3: {  	[sflag:s23] =	ssyncset.done $0x0  }
0xa4: {  	s25 =	simm.s32 $0x1B8E;
	s24 =	sld [smem:$0x3FFE];
	[sflag:s23] =	ssyncadd.s32 $0xFFFFFFFF  }
0xa5: {  	s26 =	simm.s32 $execute0_lowered;
	[smem:$0x3FD2] =	sst s25  }
0xa6: {  	s5 =	sshll.u32 s26, $0x1;
	_ =	strace $0x80000046;
	[dreg:$0x1] =	wrdreg $0xFFFFFFFF  }
0xa7: {  	s28 =	simm.s32 $_size_execute0_lowered;
	s3 =	sadd.s32 s3, s5;
	[dreg:$0x0] =	wrdreg $0x0  }
0xa8: {  	s5 =	sshll.u32 s28, $0x1;
	[dreg:$0x2] =	wrdreg s3  }
0xa9: {  	[dreg:$0x3] =	wrdreg s5  }
0xaa: {  	[dreg:$0x4] =	wrdreg $0xC0  }
0xab: {  	_ =	task [dreg:s7], $0x5FFFF  }
0xac: {  	[dreg:$0x1] =	wrdreg $0xFFFFFFFF  }
0xad: {  	[dreg:$0x0] =	wrdreg $0x60  }
0xae: {  	[dreg:$0x2] =	wrdreg s2  }
0xaf: {  	[dreg:$0x3] =	wrdreg s24  }
0xb0: {  	[dreg:$0x4] =	wrdreg $0x2FE80  }
0xb1: {  	[dreg:$0x5] =	wrdreg $0x9  }
0xb2: {  	_ =	task.clear_ibuf [dreg:s7], $0x6FFFF;
	_ =	strace $0x90000046  }
0xb3: {  	s29 =	simm.s32 $0x9;
	_ =	strace $0x80000048  }
0xb4: {  	_ =	swait.ge [sflag:s29], $0x1  }
0xb5: {  	[sflag:s29] =	ssyncadd.s32 $0xFFFFFFFF  }
0xb6: {  	_ =	strace $0x90000048  }
0xb7: {  	_ =	sfence  }
0xb8: {  	s30 =	sld [smem:$0x0];
	_ =	sdelay $0x2  }
0xb9: {  	s31 =	sshll.u32 s1, $0xD;
	s1 =	sshrl.u32 s1, $0x2  }
0xba: {  	s3 =	sand.u32 $0x4000, s31;
	s1 =	sadd.s32 s1, s30  }
0xbb: {  	s0 =	sor.u32 s3, s0;
	s1 =	sshll.u32 s1, $0x11  }
0xbc: {  	s0 =	sor.u32 s1, s0  }
0xbd: {  	s0 =	sadd.s32 $0x8F2B, s0  }
0xbe: {  	[sflag:s0] =	ssyncadd.remote.s32 $0x1  }
0xbf: {  	_ =	sfence.sel $0xFFFF  }
0xc0: {  	[dreg:$0x0] =	wrdreg $0xFFFFFFFF;
	(pc) =	sbr.abs _section_cstart, $3  }
0xc1: {  	[dreg:$0x1] =	wrdreg $0xFFFFFFFF  }
0xc2: {  	_ =	task.clear_ibuf [dreg:s7], $0x2FFFF;
	_ =	strace $0x9FFFFFFF  }
0xc3: {  	(tm) =	ssettm $0x7FFFFFFF  }
tec
execute0_lowered:
.L_overlay_start_1:
0x0: {  	(tag) =	ssettag $0x1  }
0x1: {  	s11 =	rddreg [dreg:$0x0]  }
0x2: {  	s6 =	rddreg [dreg:$0x1]  }
0x3: {  	s1 =	rddreg [dreg:$0x2]  }
0x4: {  	s0 =	rddreg [dreg:$0x3]  }
0x5: {  	s3 =	simm.s32 $0x0;
	s4 =	srdreg.scid;
	s2 =	stileid.u32  }
0x6: {  	s22 =	simm.s32 $0x0;
	[smem:$0x7FF] =	sst s3;
	s9 =	sand.u32 $0x1, s4  }
0x7: {  	s4 =	sadd.s32 $0x3C00, s6;
	s10 =	smul.u32 $0x1400, s2;
	s5 =	sadd.s32 $0x3A00, s6  }
0x8: {  	s16 =	sadd.s32 $0x3E00, s6;
	_ =	strace $0x80000047;
	s7 =	ssub.s32 $0x2, s9  }
0x9: {  	s13 =	sshll.u32 s9, $0x4;
	s18 =	smul.u32 $0x14000, s9;
	s31 =	sshrl.u32 s7, $0x1  }
0xa: {  	s12 =	sadd.s32 $0x400, s10;
	s14 =	sadd.s32 $0x800, s10;
	s6 =	sadd.s32 s10, s1  }
0xb: {  	s15 =	sadd.s32 $0xC00, s10;
	s19 =	sadd.s32 $0x1000, s10;
	s13 =	sor.u32 s2, s13  }
0xc: {  	s17 =	ssub.s32 s7, s31;
	s7 =	sadd.s32 s12, s1;
	s8 =	sadd.s32 s14, s1  }
0xd: {  	s9 =	sadd.s32 s15, s1;
	s13 =	smul.u32 $0x500, s13;
	s20 =	sadd.s32 s10, s18  }
0xe: {  	s12 =	sadd.s32 s18, s12;
	s10 =	sadd.s32 s19, s1;
	s14 =	sadd.s32 s18, s14  }
0xf: {  	s15 =	sadd.s32 s18, s15;
	s18 =	sadd.s32 s18, s19;
	s19 =	simm.s32 $0x1  }
0x10: {  	s20 =	sshrl.u32 s20, $0x3;
	s21 =	sshrl.u32 s12, $0x3;
	s14 =	sshrl.u32 s14, $0x3  }
0x11: {  	s15 =	sshrl.u32 s15, $0x3;
	s18 =	sshrl.u32 s18, $0x3;
	s17 =	smax.u32 s17, $0x1  }
0x12: {  	s11 =	sadd.s32 s11, s13;
	s12 =	sadd.s32 s16, s20;
	s13 =	sadd.s32 s16, s21  }
0x13: {  	s14 =	sadd.s32 s16, s14;
	s15 =	sadd.s32 s16, s15;
	s16 =	sadd.s32 s16, s18  }
0x14: {  	s18 =	simm.s32 $0x2800;
	s20 =	simm.s32 $0x2BE8;
	s21 =	simm.s32 $0x7D  }
.LBB2_1:
0x15: {  	[tilespmem:s18], [sflag:$0x1] =	stream.linear.gather [hbm4b:s4+s3], $0x3E8, $0x38;
	[tilespmem:$0x43E8] =	vst v63  }
0x16: {  	_ =	swait.ge [sflag:s19], $0x3E8  }
0x17: {  	[sflag:s19] =	ssyncset.done $0x0  }
0x18: {  	[sflag:s19] =	ssyncadd.s32 $0xFFFFFC18  }
0x19: {  	[tilespmem:s20], [sflag:$0x1] =	stream.linear.gather [hbm4b:s5+s3], $0x400, $0x38;
	[tilespmem:$0x43E8] =	vst v63  }
0x1a: {  	_ =	swait.ge [sflag:s19], $0x400  }
0x1b: {  	[sflag:s19] =	ssyncset.done $0x0  }
0x1c: {  	[sflag:s19] =	ssyncadd.s32 $0xFFFFFC00  }
0x1d: {  	[spmem:s6] =	stream.linear.scatter [tilespmem:s20], [sflag:$0x1], $0x400, $0x38;
	[tilespmem:$0x43E8] =	vst v63  }
0x1e: {  	_ =	swait.ge [sflag:s19], $0x400  }
0x1f: {  	[sflag:s19] =	ssyncset.done $0x0  }
0x20: {  	[sflag:s19] =	ssyncadd.s32 $0xFFFFFC00  }
0x21: {  	[spmem:s7] =	stream.linear.scatter [tilespmem:s20], [sflag:$0x1], $0x400, $0x38;
	[tilespmem:$0x43E8] =	vst v63  }
0x22: {  	_ =	swait.ge [sflag:s19], $0x400  }
0x23: {  	[sflag:s19] =	ssyncset.done $0x0  }
0x24: {  	[sflag:s19] =	ssyncadd.s32 $0xFFFFFC00  }
0x25: {  	[spmem:s8] =	stream.linear.scatter [tilespmem:s20], [sflag:$0x1], $0x400, $0x38;
	[tilespmem:$0x43E8] =	vst v63  }
0x26: {  	_ =	swait.ge [sflag:s19], $0x400  }
0x27: {  	[sflag:s19] =	ssyncset.done $0x0  }
0x28: {  	[sflag:s19] =	ssyncadd.s32 $0xFFFFFC00  }
0x29: {  	[spmem:s9] =	stream.linear.scatter [tilespmem:s20], [sflag:$0x1], $0x400, $0x38;
	[tilespmem:$0x43E8] =	vst v63  }
0x2a: {  	_ =	swait.ge [sflag:s19], $0x400  }
0x2b: {  	[sflag:s19] =	ssyncset.done $0x0  }
0x2c: {  	[sflag:s19] =	ssyncadd.s32 $0xFFFFFC00  }
0x2d: {  	[spmem:s10] =	stream.linear.scatter [tilespmem:s20], [sflag:$0x1], $0x400, $0x38;
	[tilespmem:$0x43E8] =	vst v63  }
0x2e: {  	_ =	swait.ge [sflag:s19], $0x400  }
0x2f: {  	[sflag:s19] =	ssyncset.done $0x0  }
0x30: {  	[sflag:s19] =	ssyncadd.s32 $0xFFFFFC00  }
0x31: {  	[bflag:$0x0] =	sbarrier.arrive $0xFFFF  }
0x32: {  	[tilespmem:s3], [sflag:$0x1] =	stream.linear.gather [hbm4b:s11+s3], $0x2800, $0x38;
	[tilespmem:$0x43E8] =	vst v63  }
0x33: {  	_ =	swait.ge [sflag:s19], $0x2800  }
0x34: {  	[sflag:s19] =	ssyncset.done $0x0  }
0x35: {  	s23 =	simm.s32 $0x0;
	[sflag:s19] =	ssyncadd.s32 $0xFFFFD800  }
0x36: {  	[spmem:s1] =	stream.indirect.scatter.add.f32 [tilespmem:s18], [sflag:$0x1], $0x8, s23, s21, $0xb8;
	[tilespmem:$0x43E8] =	vst v63  }
0x37: {  	_ =	swait.ge [sflag:s19], $0x3E8  }
0x38: {  	s23 =	simm.s32 $0x200;
	[sflag:s19] =	ssyncset.done $0x0  }
.LBB2_2:
0x39: {  	s24 =	sshra.s32 s23, $0x2;
	[sflag:s19] =	ssyncadd.s32 $0xFFFFFC18;
	p0 =	sne.s32 s23, $0x9E00  }
0x3a: {  	[spmem:s1] =	stream.indirect.scatter.add.f32 [tilespmem:s18], [sflag:$0x1], $0x8, s24, s21, $0xb8;
	[tilespmem:$0x43E8] =	vst v63  }
.Ltmp0:
0x3b: {  	_ = 	snop;
	(pc) =	sbr.rel @p0 .LBB2_2-.Ltmp0, $4  }
0x3c: {  	_ = 	snop  }
0x3d: {  	s23 =	sadd.s32 $0x200, s23  }
0x3e: {  	_ =	swait.ge [sflag:s19], $0x3E8  }
0x3f: {  	[sflag:s19] =	ssyncset.done $0x0  }
0x40: {  	[sflag:s19] =	ssyncadd.s32 $0xFFFFFC18;
	s23 =	sshll.u32 s2, $0x6  }
0x41: {  	s24 =	sshrl.u32 s6, $0x3;
	[bflag:$0x0] =	sbarrier.arrive $0xFFFF;
	s23 =	sor.u32 $0x1C01, s23  }
0x42: {  	[hbm:s12], [sflag:s23] =	dma.local [spmem:s24], $0x80  }
0x43: {  	_ =	swait.ge [sflag:s19], $0x80  }
0x44: {  	[sflag:s19] =	ssyncset.done $0x0  }
0x45: {  	s28 =	sshrl.u32 s7, $0x3;
	[sflag:s19] =	ssyncadd.s32 $0xFFFFFF80  }
0x46: {  	[hbm:s13], [sflag:s23] =	dma.local [spmem:s28], $0x80  }
0x47: {  	_ =	swait.ge [sflag:s19], $0x80  }
0x48: {  	[sflag:s19] =	ssyncset.done $0x0  }
0x49: {  	s29 =	sshrl.u32 s8, $0x3;
	[sflag:s19] =	ssyncadd.s32 $0xFFFFFF80  }
0x4a: {  	[hbm:s14], [sflag:s23] =	dma.local [spmem:s29], $0x80  }
0x4b: {  	_ =	swait.ge [sflag:s19], $0x80  }
0x4c: {  	[sflag:s19] =	ssyncset.done $0x0  }
0x4d: {  	s30 =	sshrl.u32 s9, $0x3;
	[sflag:s19] =	ssyncadd.s32 $0xFFFFFF80  }
0x4e: {  	[hbm:s15], [sflag:s23] =	dma.local [spmem:s30], $0x80  }
0x4f: {  	s22 =	sadd.s32 $0x1, s22;
	_ =	swait.ge [sflag:s19], $0x80  }
0x50: {  	p0 =	sne.s32 s22, s17;
	[sflag:s19] =	ssyncset.done $0x0  }
.Ltmp1:
0x51: {  	s31 =	sshrl.u32 s10, $0x3;
	[sflag:s19] =	ssyncadd.s32 $0xFFFFFF80;
	(pc) =	sbr.rel @p0 .LBB2_1-.Ltmp1, $4  }
0x52: {  	[hbm:s16], [sflag:s23] =	dma.local [spmem:s31], $0x80  }
0x53: {  	_ =	swait.ge [sflag:s19], $0x80  }
0x54: {  	[sflag:s19] =	ssyncset.done $0x0  }
0x55: {  	[sflag:s19] =	ssyncadd.s32 $0xFFFFFF80  }
0x56: {  	_ =	sfence.sel $0x180000  }
0x57: {  	[bflag:$0x0] =	sbarrier.arrive $0xFFFF  }
0x58: {  	p0 =	sne.s32 s2, $0x0;
	_ =	strace $0x90000047  }
0x59: {  	s0 =	sadd.s32 @!p0 $0x100000, s0;
	[bflag:$0x2] =	sbarrier.arrive $0xFFFF  }
0x5a: {  	[sflag:s0] =	ssyncadd.tile.s32 @!p0 $0x1;
	_ =	shalt  }
.Lfunc_end2:
_tile_overlayer_lowered:
.L_overlay_start_2:
0x5b: {  	(tag) =	ssettag $0x2  }
0x5c: {  	s0 =	rddreg [dreg:$0x0];
	s2 =	stileid.u32  }
0x5d: {  	s1 =	rddreg [dreg:$0x1];
	p0 =	sne.s32 s2, $0x0  }
0x5e: {  	s3 =	rddreg [dreg:$0x2];
	[bflag:$0x3] =	sbarrier.arrive $0xFFFF;
	s2 =	simm.s32 @!p0 $0x1C01  }
0x5f: {  	[timem:s3], [sflag:s2] =	dma.local @!p0 [hbm:s0], s1  }
0x60: {  	s0 =	simm.s32 @!p0 $0x1  }
0x61: {  	_ =	swait.ge @!p0 [sflag:s0], s1  }
0x62: {  	s1 =	ssub.s32 @!p0 $0x0, s1;
	[sflag:s0] =	ssyncset.done @!p0 $0x0  }
0x63: {  	[sflag:s0] =	ssyncadd.s32 @!p0 s1  }
0x64: {  	[bflag:$0x3] =	sbarrier.arrive $0xFFFF  }
0x65: {  	_ =	shalt  }

</sc_bundles>
